<compile_context>
chip_gen: v7x
topology: tpu7x:2x2x1
jax: 0.10.2.dev20260603
libtpu: 0.0.44.dev20260713+nightly
codegen_flags: <defaults>
</compile_context>

<pallas_src>
import functools

import jax
import jax.numpy as jnp
from jax import lax
from jax.experimental import pallas as pl
from jax.experimental.pallas import tpu as pltpu
from jax.experimental.pallas import tpu_sc as plsc

N = 200000
B = 4
C = 64
G = 32
K = 27
NB = 50000
T = 1000
NTB = NB // T
TM = 2000
NTM = NB // TM
NPADB = NB + TM
WR = 400
NWINB = NB // WR
NWORK = 32
SENT = N

_f32 = jnp.float32
_VEC8 = pl.BlockSpec((8, C), lambda t: (0, 0))


def _emb_body(emb_ref, we_ref, bevec_ref, eo_ref):
    e = emb_ref[...]
    he = e * jax.nn.sigmoid(e)
    eo_ref[...] = (
        lax.dot_general(he, we_ref[...], (((1,), (0,)), ((), ())),
                        preferred_element_type=_f32)
        + bevec_ref[...]
    )


def _emb_mlp(emb8, We, bevec):
    return pl.pallas_call(
        _emb_body,
        grid=(1,),
        in_specs=[
            pl.BlockSpec((8, 512), lambda t: (0, 0)),
            pl.BlockSpec((512, C), lambda t: (0, 0)),
            _VEC8,
        ],
        out_specs=_VEC8,
        out_shape=jax.ShapeDtypeStruct((8, C), _f32),
    )(emb8, We, bevec)


def _stats_body(x_ref, eo_ref, s_ref, ss_ref):
    t = pl.program_id(0)
    x = x_ref[...] + eo_ref[0:1, :]

    @pl.when(t == 0)
    def _():
        s_ref[...] = jnp.zeros_like(s_ref)
        ss_ref[...] = jnp.zeros_like(ss_ref)

    s_ref[0:1, :] += jnp.sum(x, axis=0)[None, :]
    ss_ref[0:1, :] += jnp.sum(x * x, axis=0)[None, :]


def _stats(xb, eob):
    return pl.pallas_call(
        _stats_body,
        grid=(NTB,),
        in_specs=[pl.BlockSpec((T, C), lambda t: (t, 0)), _VEC8],
        out_specs=[_VEC8, _VEC8],
        out_shape=[jax.ShapeDtypeStruct((8, C), _f32)] * 2,
    )(xb, eob)


def _mm_body(x_ref, eo_ref, a_ref, b_ref, w_ref, cb_ref, y_ref):
    t = pl.program_id(0)
    x = x_ref[...] + eo_ref[0:1, :]
    hp = x * a_ref[0:1, :] + b_ref[0:1, :]
    h = hp * jax.nn.sigmoid(hp)
    live = (t < NTM).astype(_f32)
    h = h * live
    y_ref[...] = (
        lax.dot_general(h, w_ref[...], (((1,), (0,)), ((), ())),
                        preferred_element_type=_f32)
        + cb_ref[0:1, :] * live
    )


def _mm27(xb, eob, a, b, Wcat, cbvec):
    y = pl.pallas_call(
        _mm_body,
        grid=(NTM + 1,),
        in_specs=[
            pl.BlockSpec((TM, C), lambda t: (jnp.minimum(t, NTM - 1), 0)),
            _VEC8, _VEC8, _VEC8,
            pl.BlockSpec((C, K * C), lambda t: (0, 0)),
            pl.BlockSpec((8, K * C), lambda t: (0, 0)),
        ],
        out_specs=pl.BlockSpec((TM, K * C), lambda t: (t, 0)),
        out_shape=jax.ShapeDtypeStruct((NPADB, K * C), _f32),
    )(xb, eob, a, b, Wcat, cbvec)
    return y.reshape(NPADB * K, C)


def _sc_gather_sum(yflat, idxw, resid):
    mesh = plsc.VectorSubcoreMesh(core_axis_name="c", subcore_axis_name="s")
    with_resid = resid is not None
    _, nwin, wr = idxw.shape
    n = nwin * wr
    iters = (nwin + NWORK - 1) // NWORK

    @functools.partial(
        pl.kernel,
        out_type=jax.ShapeDtypeStruct((n, C), _f32),
        mesh=mesh,
        compiler_params=pltpu.CompilerParams(use_tc_tiling_on_sc=False),
        scratch_types=[
            pltpu.VMEM((K, wr), jnp.int32),
            pltpu.VMEM((wr,), jnp.int32),
            pltpu.VMEM((wr, C), _f32),
            pltpu.VMEM((wr, C), _f32),
            pltpu.VMEM((wr, C), _f32),
            pltpu.VMEM_SHARED((16 * wr, C), _f32),
            pltpu.SemaphoreType.DMA,
            pltpu.SemaphoreType.DMA,
            pltpu.SemaphoreType.DMA,
        ],
    )
    def k(*refs):
        if with_resid:
            y_hbm, i_hbm, r_hbm, o_hbm = refs[:4]
        else:
            y_hbm, i_hbm, o_hbm = refs[:3]
        idxw_v, idv_v, z_v, ga_v, gb_v, acc_sh, sem_a, sem_b, sem_m = refs[-9:]
        cid = lax.axis_index("c")
        sid = lax.axis_index("s")
        wid = sid * 2 + cid

        @pl.loop(0, wr // 16)
        def _(j):
            sl = pl.ds(j * 16, 16)
            idv_v[sl] = jnp.arange(16, dtype=jnp.int32) + (j * 16 + sid * wr)

        @pl.loop(0, wr)
        def _(r):
            for cc in range(C // 16):
                z_v[r, pl.ds(cc * 16, 16)] = jnp.zeros((16,), _f32)

        def gather(kk, buf, sem):
            return pltpu.async_copy(y_hbm.at[idxw_v.at[kk]], buf, sem)

        def scat_add(buf):
            pltpu.sync_copy(buf, acc_sh.at[idv_v], add=True)

        @pl.loop(0, iters)
        def _(it):
            w = wid + NWORK * it

            @pl.when(w < nwin)
            def _():
                base = w * wr
                pltpu.async_copy(i_hbm.at[:, w, :], idxw_v, sem_m).wait()
                if with_resid:
                    pltpu.async_copy(
                        r_hbm.at[pl.ds(base, wr)],
                        acc_sh.at[pl.ds(sid * wr, wr)], sem_m).wait()
                else:
                    pltpu.async_copy(
                        z_v, acc_sh.at[pl.ds(sid * wr, wr)], sem_m).wait()
                gather(0, ga_v, sem_a)

                @pl.loop(0, (K - 1) // 2)
                def _(j):
                    gather(2 * j + 1, gb_v, sem_b)
                    pltpu.make_async_copy(y_hbm.at[idxw_v.at[0]], ga_v,
                                          sem_a).wait()
                    scat_add(ga_v)
                    gather(2 * j + 2, ga_v, sem_a)
                    pltpu.make_async_copy(y_hbm.at[idxw_v.at[0]], gb_v,
                                          sem_b).wait()
                    scat_add(gb_v)

                pltpu.make_async_copy(y_hbm.at[idxw_v.at[0]], ga_v,
                                      sem_a).wait()
                scat_add(ga_v)
                pltpu.async_copy(acc_sh.at[pl.ds(sid * wr, wr)],
                                 o_hbm.at[pl.ds(base, wr)], sem_m).wait()

    args = (yflat, idxw, resid) if with_resid else (yflat, idxw)
    return k(*args)


def _affine(s, ss, gamma, beta):
    cnt = float(NB * (C // G))
    sg = s[0].reshape(G, C // G).sum(-1)
    ssg = ss[0].reshape(G, C // G).sum(-1)
    mean = sg / cnt
    var = ssg / cnt - mean * mean
    rstd = lax.rsqrt(var + 1e-5)
    meanc = jnp.repeat(mean, C // G)
    rstdc = jnp.repeat(rstd, C // G)
    a = rstdc * gamma
    b = beta - meanc * a
    pad = jnp.zeros((7, C), _f32)
    return (jnp.concatenate([a[None, :], pad], 0),
            jnp.concatenate([b[None, :], pad], 0))


def kernel(feats, emb, gamma1, beta1, W1, b1c, We, be, gamma2, beta2, W2, b2c,
           batch_idx, nbrs):
    emb8 = jnp.concatenate([emb, jnp.zeros((8 - B, emb.shape[1]), _f32)], 0)
    bevec = jnp.broadcast_to(be[None, :], (8, C))
    z8 = jnp.zeros((8, C), _f32)
    zrow = jnp.zeros((7, C), _f32)
    b1vec = jnp.concatenate(
        [jnp.broadcast_to(b1c[None, :], (8, C)) if k == 13 else z8
         for k in range(K)], axis=1)
    b2vec = jnp.concatenate(
        [jnp.broadcast_to(b2c[None, :], (8, C)) if k == 13 else z8
         for k in range(K)], axis=1)
    W1cat = W1.transpose(1, 0, 2).reshape(C, K * C)
    W2cat = W2.transpose(1, 0, 2).reshape(C, K * C)

    eo = _emb_mlp(emb8, We, bevec)
    kvec = jnp.arange(K, dtype=jnp.int32)[:, None]
    spread = NB + (jnp.arange(NB, dtype=jnp.int32) % TM)[None, :]

    outs = []
    for b in range(B):
        fb = feats[b * NB:(b + 1) * NB]
        vb = nbrs[:, b * NB:(b + 1) * NB]
        idxwb = (jnp.where(vb < SENT, vb - b * NB, spread) * K + kvec)
        idxwb = idxwb.reshape(K, NWINB, WR)
        eob = jnp.concatenate([eo[b:b + 1], zrow], 0)

        s1, ss1 = _stats(fb, z8)
        a1, b1 = _affine(s1, ss1, gamma1, beta1)
        y1 = _mm27(fb, z8, a1, b1, W1cat, b1vec)
        h1 = _sc_gather_sum(y1, idxwb, None)

        s2, ss2 = _stats(h1, eob)
        a2, b2 = _affine(s2, ss2, gamma2, beta2)
        y2 = _mm27(h1, eob, a2, b2, W2cat, b2vec)
        outs.append(_sc_gather_sum(y2, idxwb, fb))

    return jnp.concatenate(outs, 0)

# --- scband reference (transcript-rebuilt; emitter-appended) ---
"""Pipeline reference for scband-sparse-res-block-6880537608517 (READ-ONLY COPY).

The authoritative reference and input builder live on the scoring server;
editing this copy changes nothing except your own understanding.
"""

import jax, jax.numpy as jnp
import numpy as np

GRID = 64
B = 4
N_PER = 50000
N = B * N_PER
C = 64
EMB = 512
G = 32
OFFSETS = [(dx, dy, dz) for dx in (-1, 0, 1) for dy in (-1, 0, 1) for dz in (-1, 0, 1)]


def _build_coords_and_nbrs():
    rng = np.random.default_rng(0)
    coords_list = []
    for b in range(B):
        lin = rng.choice(GRID ** 3, size=N_PER, replace=False)
        x = lin // (GRID * GRID)
        y = (lin // GRID) % GRID
        z = lin % GRID
        bb = np.full(N_PER, b)
        coords_list.append(np.stack([bb, x, y, z], axis=1))
    coords = np.concatenate(coords_list, 0).astype(np.int64)
    lookup = np.full(B * GRID ** 3, N, dtype=np.int32)
    lin_all = coords[:, 0] * GRID ** 3 + coords[:, 1] * GRID * GRID + coords[:, 2] * GRID + coords[:, 3]
    lookup[lin_all] = np.arange(N, dtype=np.int32)
    nbrs = np.full((27, N), N, dtype=np.int32)
    for k, (dx, dy, dz) in enumerate(OFFSETS):
        nx = coords[:, 1] + dx
        ny = coords[:, 2] + dy
        nz = coords[:, 3] + dz
        valid = (nx >= 0) & (nx < GRID) & (ny >= 0) & (ny < GRID) & (nz >= 0) & (nz < GRID)
        lin = coords[:, 0] * GRID ** 3 + np.clip(nx, 0, GRID - 1) * GRID * GRID + np.clip(ny, 0, GRID - 1) * GRID + np.clip(nz, 0, GRID - 1)
        nbrs[k] = np.where(valid, lookup[lin], N)
    return coords.astype(np.int32), nbrs


def setup_inputs(seed: int = 0) -> dict:
    key = jax.random.key(seed)
    ks = jax.random.split(key, 8)
    coords, nbrs = _build_coords_and_nbrs()
    feats = jax.random.normal(ks[0], (N, C), dtype=jnp.float32)
    emb = jax.random.normal(ks[1], (B, EMB), dtype=jnp.float32)
    W1 = jax.random.normal(ks[2], (27, C, C), dtype=jnp.float32) / np.sqrt(27.0 * C)
    b1c = jnp.zeros((C,), jnp.float32)
    W2 = jax.random.normal(ks[3], (27, C, C), dtype=jnp.float32) / np.sqrt(27.0 * C)
    b2c = jnp.zeros((C,), jnp.float32)
    We = jax.random.normal(ks[4], (EMB, C), dtype=jnp.float32) * 0.02
    be = jnp.zeros((C,), jnp.float32)
    return {
        'feats': feats,
        'emb': emb,
        'gamma1': jnp.ones((C,), jnp.float32),
        'beta1': jnp.zeros((C,), jnp.float32),
        'W1': W1,
        'b1c': b1c,
        'We': We,
        'be': be,
        'gamma2': jnp.ones((C,), jnp.float32),
        'beta2': jnp.zeros((C,), jnp.float32),
        'W2': W2,
        'b2c': b2c,
        'batch_idx': jnp.asarray(coords[:, 0], jnp.int32),
        'nbrs': jnp.asarray(nbrs, jnp.int32),
    }


def _silu(x):
    return x * jax.nn.sigmoid(x)


def _sparse_group_norm(feats, batch_idx, gamma, beta):
    Cg = C // G
    g = feats.reshape(N, G, Cg)
    cnt = jax.ops.segment_sum(jnp.ones((N,), feats.dtype), batch_idx, num_segments=B)
    denom = cnt[:, None] * Cg
    s = jax.ops.segment_sum(g.sum(-1), batch_idx, num_segments=B)
    ss = jax.ops.segment_sum((g * g).sum(-1), batch_idx, num_segments=B)
    mean = s / denom
    var = ss / denom - mean * mean
    m = mean[batch_idx][:, :, None]
    v = var[batch_idx][:, :, None]
    out = (g - m) * jax.lax.rsqrt(v + 1e-5)
    return out.reshape(N, C) * gamma[None, :] + beta[None, :]


def _sparse_conv(feats, nbrs, W, b):
    padded = jnp.concatenate([feats, jnp.zeros((1, feats.shape[1]), feats.dtype)], axis=0)
    out = jnp.zeros((feats.shape[0], W.shape[2]), feats.dtype) + b[None, :]
    for k in range(27):
        out = out + padded[nbrs[k]] @ W[k]
    return out


def reference(feats, emb, gamma1, beta1, W1, b1c, We, be, gamma2, beta2, W2, b2c, batch_idx, nbrs):
    h = _sparse_group_norm(feats, batch_idx, gamma1, beta1)
    h = _silu(h)
    h = _sparse_conv(h, nbrs, W1, b1c)
    emb_out = _silu(emb) @ We + be[None, :]
    h = h + emb_out[batch_idx]
    h = _sparse_group_norm(h, batch_idx, gamma2, beta2)
    h = _silu(h)
    h = _sparse_conv(h, nbrs, W2, b2c)
    return feats + h

if __name__ == "__main__":
    import jax
    _d = setup_inputs()
    print(jax.jit(kernel)(*tuple(_d.values())))

</pallas_src>

<mosaic_0001>
#map = affine_map<(d0, d1) -> (0, 0)>
#map1 = affine_map<(d0, d1) -> (0, 0, 0)>
module attributes {stable_mosaic.version = 14 : i64} {
  func.func @k(%arg0: i32, %arg1: i32, %arg2: memref<1404000x64xf32, #tpu.memory_space<hbm>>, %arg3: memref<27x125x400xi32, #tpu.memory_space<hbm>>, %arg4: memref<50000x64xf32, #tpu.memory_space<hbm>>, %arg5: memref<27x400xi32, #tpu.memory_space<vmem>>, %arg6: memref<400xi32, #tpu.memory_space<vmem>>, %arg7: memref<400x64xf32, #tpu.memory_space<vmem>>, %arg8: memref<400x64xf32, #tpu.memory_space<vmem>>, %arg9: memref<400x64xf32, #tpu.memory_space<vmem>>, %arg10: memref<6400x64xf32, #tpu.memory_space<vmem_shared>>, %arg11: memref<!tpu.dma_semaphore, #tpu.memory_space<semaphore_mem>>, %arg12: memref<!tpu.dma_semaphore, #tpu.memory_space<semaphore_mem>>, %arg13: memref<!tpu.dma_semaphore, #tpu.memory_space<semaphore_mem>>) attributes {dimension_semantics = [#tpu.dimension_semantics<core_parallel>, #tpu.dimension_semantics<subcore_parallel>], iteration_bounds = array<i64: 2, 16>, scalar_prefetch = 0 : i64, scratch_operands = 9 : i64, tpu.core_type = #tpu.core_type<sc_vector_subcore>, window_params = [{transform_indices = #map}, {transform_indices = #map1}, {transform_indices = #map}]} {
    %mul3A = arith.constant 2 : i32
    %mul3A_0 = arith.muli %arg1, %mul3A : i32
    %add3A = arith.addi %mul3A_0, %arg0 : i32
    %scan3A = arith.constant 0 : i32
    %scan3A_1 = arith.constant 25 : i32
    %scan3A_2 = arith.addi %scan3A, %scan3A_1 : i32
    %scan3A_3 = arith.constant 1 : i32
    scf.for %scan3A_15 = %scan3A to %scan3A_2 step %scan3A_3  : i32 {
      %mul3A_16 = arith.constant 1 : i32
      %mul3A_17 = arith.muli %scan3A_15, %mul3A_16 : i32
      %add3A_18 = arith.constant 0 : i32
      %add3A_19 = arith.addi %add3A_18, %mul3A_17 : i32
      %mul3A_20 = arith.constant 16 : i32
      %mul3A_21 = arith.muli %add3A_19, %mul3A_20 : i32
      %iota3A = tpu.iota {dimensions = array<i32: 0>} : vector<16xi32>
      %mul3A_22 = arith.constant 16 : i32
      %mul3A_23 = arith.muli %add3A_19, %mul3A_22 : i32
      %mul3A_24 = arith.constant 400 : i32
      %mul3A_25 = arith.muli %arg1, %mul3A_24 : i32
      %add3A_26 = arith.addi %mul3A_23, %mul3A_25 : i32
      %add3A_27 = vector.broadcast %add3A_26 : i32 to vector<16xi32>
      %add3A_28 = arith.addi %iota3A, %add3A_27 : vector<16xi32>
      %swap3A = arith.index_cast %mul3A_21 : i32 to index
      %swap3A_29 = tpu.vector_load %arg6[%swap3A] {strides = array<i32>} : memref<400xi32, #tpu.memory_space<vmem>>, vector<16xi32>,
      %swap3A_30 = vector.shape_cast %swap3A_29 : vector<16xi32> to vector<16xi32>
      %swap3A_31 = vector.shape_cast %add3A_28 : vector<16xi32> to vector<16xi32>
      tpu.vector_store %arg6[%swap3A], %swap3A_31 {strides = array<i32>} : memref<400xi32, #tpu.memory_space<vmem>>, vector<16xi32>,
    }
    %scan3A_4 = arith.constant 25 : i32
    %scan3A_5 = arith.constant 0 : i32
    %scan3A_6 = arith.constant 400 : i32
    %scan3A_7 = arith.addi %scan3A_5, %scan3A_6 : i32
    %scan3A_8 = arith.constant 1 : i32
    scf.for %scan3A_15 = %scan3A_5 to %scan3A_7 step %scan3A_8  : i32 {
      %mul3A_16 = arith.constant 1 : i32
      %mul3A_17 = arith.muli %scan3A_15, %mul3A_16 : i32
      %add3A_18 = arith.constant 0 : i32
      %add3A_19 = arith.addi %add3A_18, %mul3A_17 : i32
      %broadcast_in_dim3A = arith.constant 0.000000e+00 : f32
      %broadcast_in_dim3A_20 = vector.broadcast %broadcast_in_dim3A : f32 to vector<16xf32>
      %swap3A = arith.index_cast %add3A_19 : i32 to index
      %swap3A_21 = arith.constant 0 : index
      %swap3A_22 = tpu.vector_load %arg7[%swap3A, %swap3A_21] {strides = array<i32>} : memref<400x64xf32, #tpu.memory_space<vmem>>, vector<1x16xf32>,
      %swap3A_23 = vector.shape_cast %swap3A_22 : vector<1x16xf32> to vector<16xf32>
      %swap3A_24 = vector.shape_cast %broadcast_in_dim3A_20 : vector<16xf32> to vector<1x16xf32>
      tpu.vector_store %arg7[%swap3A, %swap3A_21], %swap3A_24 {strides = array<i32>} : memref<400x64xf32, #tpu.memory_space<vmem>>, vector<1x16xf32>,
      %broadcast_in_dim3A_25 = arith.constant 0.000000e+00 : f32
      %broadcast_in_dim3A_26 = vector.broadcast %broadcast_in_dim3A_25 : f32 to vector<16xf32>
      %swap3A_27 = arith.index_cast %add3A_19 : i32 to index
      %swap3A_28 = arith.constant 16 : index
      %swap3A_29 = tpu.vector_load %arg7[%swap3A_27, %swap3A_28] {strides = array<i32>} : memref<400x64xf32, #tpu.memory_space<vmem>>, vector<1x16xf32>,
      %swap3A_30 = vector.shape_cast %swap3A_29 : vector<1x16xf32> to vector<16xf32>
      %swap3A_31 = vector.shape_cast %broadcast_in_dim3A_26 : vector<16xf32> to vector<1x16xf32>
      tpu.vector_store %arg7[%swap3A_27, %swap3A_28], %swap3A_31 {strides = array<i32>} : memref<400x64xf32, #tpu.memory_space<vmem>>, vector<1x16xf32>,
      %broadcast_in_dim3A_32 = arith.constant 0.000000e+00 : f32
      %broadcast_in_dim3A_33 = vector.broadcast %broadcast_in_dim3A_32 : f32 to vector<16xf32>
      %swap3A_34 = arith.index_cast %add3A_19 : i32 to index
      %swap3A_35 = arith.constant 32 : index
      %swap3A_36 = tpu.vector_load %arg7[%swap3A_34, %swap3A_35] {strides = array<i32>} : memref<400x64xf32, #tpu.memory_space<vmem>>, vector<1x16xf32>,
      %swap3A_37 = vector.shape_cast %swap3A_36 : vector<1x16xf32> to vector<16xf32>
      %swap3A_38 = vector.shape_cast %broadcast_in_dim3A_33 : vector<16xf32> to vector<1x16xf32>
      tpu.vector_store %arg7[%swap3A_34, %swap3A_35], %swap3A_38 {strides = array<i32>} : memref<400x64xf32, #tpu.memory_space<vmem>>, vector<1x16xf32>,
      %broadcast_in_dim3A_39 = arith.constant 0.000000e+00 : f32
      %broadcast_in_dim3A_40 = vector.broadcast %broadcast_in_dim3A_39 : f32 to vector<16xf32>
      %swap3A_41 = arith.index_cast %add3A_19 : i32 to index
      %swap3A_42 = arith.constant 48 : index
      %swap3A_43 = tpu.vector_load %arg7[%swap3A_41, %swap3A_42] {strides = array<i32>} : memref<400x64xf32, #tpu.memory_space<vmem>>, vector<1x16xf32>,
      %swap3A_44 = vector.shape_cast %swap3A_43 : vector<1x16xf32> to vector<16xf32>
      %swap3A_45 = vector.shape_cast %broadcast_in_dim3A_40 : vector<16xf32> to vector<1x16xf32>
      tpu.vector_store %arg7[%swap3A_41, %swap3A_42], %swap3A_45 {strides = array<i32>} : memref<400x64xf32, #tpu.memory_space<vmem>>, vector<1x16xf32>,
    }
    %scan3A_9 = arith.constant 400 : i32
    %scan3A_10 = arith.constant 0 : i32
    %scan3A_11 = arith.constant 4 : i32
    %scan3A_12 = arith.addi %scan3A_10, %scan3A_11 : i32
    %scan3A_13 = arith.constant 1 : i32
    scf.for %scan3A_15 = %scan3A_10 to %scan3A_12 step %scan3A_13  : i32 {
      %mul3A_16 = arith.constant 1 : i32
      %mul3A_17 = arith.muli %scan3A_15, %mul3A_16 : i32
      %add3A_18 = arith.constant 0 : i32
      %add3A_19 = arith.addi %add3A_18, %mul3A_17 : i32
      %mul3A_20 = arith.constant 32 : i32
      %mul3A_21 = arith.muli %mul3A_20, %add3A_19 : i32
      %add3A_22 = arith.addi %add3A, %mul3A_21 : i32
      %lt3A = arith.constant 125 : i32
      %lt3A_23 = arith.cmpi slt, %add3A_22, %lt3A : i32
      %convert_element_type3A = arith.extui %lt3A_23 : i1 to i32
      %cond3A = arith.constant 0 : i32
      %cond3A_24 = arith.cmpi ne, %convert_element_type3A, %cond3A : i32
      scf.if %cond3A_24 {
        %mul3A_25 = arith.constant 400 : i32
        %mul3A_26 = arith.muli %add3A_22, %mul3A_25 : i32
        %dma_start3A = arith.constant 0 : i32
        %dma_start3A_27 = arith.constant 0 : i32
        %dma_start3A_28 = tpu.memref_slice %arg3[%dma_start3A, %add3A_22, %dma_start3A_27] : memref<27x125x400xi32, #tpu.memory_space<hbm>> -> memref<27x1x400xi32, #tpu.memory_space<hbm>>
        %dma_start3A_29 = tpu.memref_squeeze %dma_start3A_28 : memref<27x1x400xi32, #tpu.memory_space<hbm>> -> memref<27x400xi32, #tpu.memory_space<hbm>>
        %dma_start3A_30 = arith.constant 0 : i32
        %dma_start3A_31 = arith.constant 0 : i32
        %dma_start3A_32 = tpu.memref_slice %arg3[%dma_start3A_30, %add3A_22, %dma_start3A_31] : memref<27x125x400xi32, #tpu.memory_space<hbm>> -> memref<27x1x400xi32, #tpu.memory_space<hbm>>
        %dma_start3A_33 = tpu.memref_squeeze %dma_start3A_32 : memref<27x1x400xi32, #tpu.memory_space<hbm>> -> memref<27x400xi32, #tpu.memory_space<hbm>>
        tpu.enqueue_dma source(%dma_start3A_33 : memref<27x400xi32, #tpu.memory_space<hbm>>) target(%arg5 : memref<27x400xi32, #tpu.memory_space<vmem>>) target_semaphore(%arg13 : memref<!tpu.dma_semaphore, #tpu.memory_space<semaphore_mem>>)
        %dma_wait3A = arith.constant 0 : i32
        %dma_wait3A_34 = arith.constant 0 : i32
        %dma_wait3A_35 = tpu.memref_slice %arg3[%dma_wait3A, %add3A_22, %dma_wait3A_34] : memref<27x125x400xi32, #tpu.memory_space<hbm>> -> memref<27x1x400xi32, #tpu.memory_space<hbm>>
        %dma_wait3A_36 = tpu.memref_squeeze %dma_wait3A_35 : memref<27x1x400xi32, #tpu.memory_space<hbm>> -> memref<27x400xi32, #tpu.memory_space<hbm>>
        %dma_wait3A_37 = arith.constant 0 : i32
        %dma_wait3A_38 = arith.constant 0 : i32
        %dma_wait3A_39 = tpu.memref_slice %arg3[%dma_wait3A_37, %add3A_22, %dma_wait3A_38] : memref<27x125x400xi32, #tpu.memory_space<hbm>> -> memref<27x1x400xi32, #tpu.memory_space<hbm>>
        %dma_wait3A_40 = tpu.memref_squeeze %dma_wait3A_39 : memref<27x1x400xi32, #tpu.memory_space<hbm>> -> memref<27x400xi32, #tpu.memory_space<hbm>>
        tpu.wait_dma2 semaphore(%arg13 : memref<!tpu.dma_semaphore, #tpu.memory_space<semaphore_mem>>) src(%dma_wait3A_40 : memref<27x400xi32, #tpu.memory_space<hbm>>) dst(%arg5 : memref<27x400xi32, #tpu.memory_space<vmem>>)
        %mul3A_41 = arith.constant 400 : i32
        %mul3A_42 = arith.muli %arg1, %mul3A_41 : i32
        %dma_start3A_43 = arith.constant 0 : i32
        %dma_start3A_44 = tpu.memref_slice %arg10[%mul3A_42, %dma_start3A_43] : memref<6400x64xf32, #tpu.memory_space<vmem_shared>> -> memref<400x64xf32, #tpu.memory_space<vmem_shared>>
        %dma_start3A_45 = arith.constant 0 : i32
        %dma_start3A_46 = tpu.memref_slice %arg10[%mul3A_42, %dma_start3A_45] : memref<6400x64xf32, #tpu.memory_space<vmem_shared>> -> memref<400x64xf32, #tpu.memory_space<vmem_shared>>
        tpu.enqueue_dma source(%arg7 : memref<400x64xf32, #tpu.memory_space<vmem>>) target(%dma_start3A_46 : memref<400x64xf32, #tpu.memory_space<vmem_shared>>) target_semaphore(%arg13 : memref<!tpu.dma_semaphore, #tpu.memory_space<semaphore_mem>>)
        %dma_wait3A_47 = arith.constant 0 : i32
        %dma_wait3A_48 = tpu.memref_slice %arg10[%mul3A_42, %dma_wait3A_47] : memref<6400x64xf32, #tpu.memory_space<vmem_shared>> -> memref<400x64xf32, #tpu.memory_space<vmem_shared>>
        %dma_wait3A_49 = arith.constant 0 : i32
        %dma_wait3A_50 = tpu.memref_slice %arg10[%mul3A_42, %dma_wait3A_49] : memref<6400x64xf32, #tpu.memory_space<vmem_shared>> -> memref<400x64xf32, #tpu.memory_space<vmem_shared>>
        tpu.wait_dma2 semaphore(%arg13 : memref<!tpu.dma_semaphore, #tpu.memory_space<semaphore_mem>>) src(%arg7 : memref<400x64xf32, #tpu.memory_space<vmem>>) dst(%dma_wait3A_50 : memref<400x64xf32, #tpu.memory_space<vmem_shared>>)
        %dma_start3A_51 = arith.constant 0 : i32
        %dma_start3A_52 = arith.constant 0 : i32
        %dma_start3A_53 = tpu.memref_slice %arg5[%dma_start3A_51, %dma_start3A_52] : memref<27x400xi32, #tpu.memory_space<vmem>> -> memref<1x400xi32, #tpu.memory_space<vmem>>
        %dma_start3A_54 = tpu.memref_squeeze %dma_start3A_53 : memref<1x400xi32, #tpu.memory_space<vmem>> -> memref<400xi32, #tpu.memory_space<vmem>>
        %dma_start3A_55 = arith.constant 0 : i32
        %dma_start3A_56 = arith.constant 0 : i32
        %dma_start3A_57 = tpu.memref_slice %arg2[%dma_start3A_55, %dma_start3A_56] : memref<1404000x64xf32, #tpu.memory_space<hbm>> -> memref<1404000x64xf32, #tpu.memory_space<hbm>>
        tpu.enqueue_indirect_dma source(%dma_start3A_57 : memref<1404000x64xf32, #tpu.memory_space<hbm>>) target(%arg8 : memref<400x64xf32, #tpu.memory_space<vmem>>) offsets(%dma_start3A_54 : memref<400xi32, #tpu.memory_space<vmem>>) semaphore(%arg11 : memref<!tpu.dma_semaphore, #tpu.memory_space<semaphore_mem>>)
        %scan3A_58 = arith.constant 0 : i32
        %scan3A_59 = arith.constant 13 : i32
        %scan3A_60 = arith.addi %scan3A_58, %scan3A_59 : i32
        %scan3A_61 = arith.constant 1 : i32
        scf.for %scan3A_80 = %scan3A_58 to %scan3A_60 step %scan3A_61  : i32 {
          %mul3A_81 = arith.constant 1 : i32
          %mul3A_82 = arith.muli %scan3A_80, %mul3A_81 : i32
          %add3A_83 = arith.constant 0 : i32
          %add3A_84 = arith.addi %add3A_83, %mul3A_82 : i32
          %mul3A_85 = arith.constant 2 : i32
          %mul3A_86 = arith.muli %mul3A_85, %add3A_84 : i32
          %add3A_87 = arith.constant 1 : i32
          %add3A_88 = arith.addi %mul3A_86, %add3A_87 : i32
          %dma_start3A_89 = arith.constant 0 : i32
          %dma_start3A_90 = tpu.memref_slice %arg5[%add3A_88, %dma_start3A_89] : memref<27x400xi32, #tpu.memory_space<vmem>> -> memref<1x400xi32, #tpu.memory_space<vmem>>
          %dma_start3A_91 = tpu.memref_squeeze %dma_start3A_90 : memref<1x400xi32, #tpu.memory_space<vmem>> -> memref<400xi32, #tpu.memory_space<vmem>>
          %dma_start3A_92 = arith.constant 0 : i32
          %dma_start3A_93 = arith.constant 0 : i32
          %dma_start3A_94 = tpu.memref_slice %arg2[%dma_start3A_92, %dma_start3A_93] : memref<1404000x64xf32, #tpu.memory_space<hbm>> -> memref<1404000x64xf32, #tpu.memory_space<hbm>>
          tpu.enqueue_indirect_dma source(%dma_start3A_94 : memref<1404000x64xf32, #tpu.memory_space<hbm>>) target(%arg9 : memref<400x64xf32, #tpu.memory_space<vmem>>) offsets(%dma_start3A_91 : memref<400xi32, #tpu.memory_space<vmem>>) semaphore(%arg12 : memref<!tpu.dma_semaphore, #tpu.memory_space<semaphore_mem>>)
          %dma_wait3A_95 = arith.constant 0 : i32
          %dma_wait3A_96 = arith.constant 0 : i32
          %dma_wait3A_97 = tpu.memref_slice %arg5[%dma_wait3A_95, %dma_wait3A_96] : memref<27x400xi32, #tpu.memory_space<vmem>> -> memref<1x400xi32, #tpu.memory_space<vmem>>
          %dma_wait3A_98 = tpu.memref_squeeze %dma_wait3A_97 : memref<1x400xi32, #tpu.memory_space<vmem>> -> memref<400xi32, #tpu.memory_space<vmem>>
          %dma_wait3A_99 = arith.constant 0 : i32
          %dma_wait3A_100 = arith.constant 0 : i32
          %dma_wait3A_101 = tpu.memref_slice %arg2[%dma_wait3A_99, %dma_wait3A_100] : memref<1404000x64xf32, #tpu.memory_space<hbm>> -> memref<1404000x64xf32, #tpu.memory_space<hbm>>
          tpu.wait_indirect_dma semaphore(%arg11 : memref<!tpu.dma_semaphore, #tpu.memory_space<semaphore_mem>>) src(%dma_wait3A_101 : memref<1404000x64xf32, #tpu.memory_space<hbm>>) dst(%arg8 : memref<400x64xf32, #tpu.memory_space<vmem>>)
          "tpu.region"() ({
            %run_scoped3A = tpu.sem_alloc : memref<!tpu.dma_semaphore, #tpu.memory_space<semaphore_mem>>
            %dma_start3A_119 = arith.constant 0 : i32
            %dma_start3A_120 = arith.constant 0 : i32
            %dma_start3A_121 = tpu.memref_slice %arg10[%dma_start3A_119, %dma_start3A_120] : memref<6400x64xf32, #tpu.memory_space<vmem_shared>> -> memref<6400x64xf32, #tpu.memory_space<vmem_shared>>
            tpu.enqueue_indirect_dma source(%arg8 : memref<400x64xf32, #tpu.memory_space<vmem>>) target(%dma_start3A_121 : memref<6400x64xf32, #tpu.memory_space<vmem_shared>>) offsets(%arg6 : memref<400xi32, #tpu.memory_space<vmem>>) semaphore(%run_scoped3A : memref<!tpu.dma_semaphore, #tpu.memory_space<semaphore_mem>>) {add = true}
            %dma_wait3A_122 = arith.constant 0 : i32
            %dma_wait3A_123 = arith.constant 0 : i32
            %dma_wait3A_124 = tpu.memref_slice %arg10[%dma_wait3A_122, %dma_wait3A_123] : memref<6400x64xf32, #tpu.memory_space<vmem_shared>> -> memref<6400x64xf32, #tpu.memory_space<vmem_shared>>
            tpu.wait_indirect_dma semaphore(%run_scoped3A : memref<!tpu.dma_semaphore, #tpu.memory_space<semaphore_mem>>) src(%arg8 : memref<400x64xf32, #tpu.memory_space<vmem>>) dst(%dma_wait3A_124 : memref<6400x64xf32, #tpu.memory_space<vmem_shared>>)
            tpu.yield
          }) : () -> ()
          %mul3A_102 = arith.constant 2 : i32
          %mul3A_103 = arith.muli %mul3A_102, %add3A_84 : i32
          %add3A_104 = arith.constant 2 : i32
          %add3A_105 = arith.addi %mul3A_103, %add3A_104 : i32
          %dma_start3A_106 = arith.constant 0 : i32
          %dma_start3A_107 = tpu.memref_slice %arg5[%add3A_105, %dma_start3A_106] : memref<27x400xi32, #tpu.memory_space<vmem>> -> memref<1x400xi32, #tpu.memory_space<vmem>>
          %dma_start3A_108 = tpu.memref_squeeze %dma_start3A_107 : memref<1x400xi32, #tpu.memory_space<vmem>> -> memref<400xi32, #tpu.memory_space<vmem>>
          %dma_start3A_109 = arith.constant 0 : i32
          %dma_start3A_110 = arith.constant 0 : i32
          %dma_start3A_111 = tpu.memref_slice %arg2[%dma_start3A_109, %dma_start3A_110] : memref<1404000x64xf32, #tpu.memory_space<hbm>> -> memref<1404000x64xf32, #tpu.memory_space<hbm>>
          tpu.enqueue_indirect_dma source(%dma_start3A_111 : memref<1404000x64xf32, #tpu.memory_space<hbm>>) target(%arg8 : memref<400x64xf32, #tpu.memory_space<vmem>>) offsets(%dma_start3A_108 : memref<400xi32, #tpu.memory_space<vmem>>) semaphore(%arg11 : memref<!tpu.dma_semaphore, #tpu.memory_space<semaphore_mem>>)
          %dma_wait3A_112 = arith.constant 0 : i32
          %dma_wait3A_113 = arith.constant 0 : i32
          %dma_wait3A_114 = tpu.memref_slice %arg5[%dma_wait3A_112, %dma_wait3A_113] : memref<27x400xi32, #tpu.memory_space<vmem>> -> memref<1x400xi32, #tpu.memory_space<vmem>>
          %dma_wait3A_115 = tpu.memref_squeeze %dma_wait3A_114 : memref<1x400xi32, #tpu.memory_space<vmem>> -> memref<400xi32, #tpu.memory_space<vmem>>
          %dma_wait3A_116 = arith.constant 0 : i32
          %dma_wait3A_117 = arith.constant 0 : i32
          %dma_wait3A_118 = tpu.memref_slice %arg2[%dma_wait3A_116, %dma_wait3A_117] : memref<1404000x64xf32, #tpu.memory_space<hbm>> -> memref<1404000x64xf32, #tpu.memory_space<hbm>>
          tpu.wait_indirect_dma semaphore(%arg12 : memref<!tpu.dma_semaphore, #tpu.memory_space<semaphore_mem>>) src(%dma_wait3A_118 : memref<1404000x64xf32, #tpu.memory_space<hbm>>) dst(%arg9 : memref<400x64xf32, #tpu.memory_space<vmem>>)
          "tpu.region"() ({
            %run_scoped3A = tpu.sem_alloc : memref<!tpu.dma_semaphore, #tpu.memory_space<semaphore_mem>>
            %dma_start3A_119 = arith.constant 0 : i32
            %dma_start3A_120 = arith.constant 0 : i32
            %dma_start3A_121 = tpu.memref_slice %arg10[%dma_start3A_119, %dma_start3A_120] : memref<6400x64xf32, #tpu.memory_space<vmem_shared>> -> memref<6400x64xf32, #tpu.memory_space<vmem_shared>>
            tpu.enqueue_indirect_dma source(%arg9 : memref<400x64xf32, #tpu.memory_space<vmem>>) target(%dma_start3A_121 : memref<6400x64xf32, #tpu.memory_space<vmem_shared>>) offsets(%arg6 : memref<400xi32, #tpu.memory_space<vmem>>) semaphore(%run_scoped3A : memref<!tpu.dma_semaphore, #tpu.memory_space<semaphore_mem>>) {add = true}
            %dma_wait3A_122 = arith.constant 0 : i32
            %dma_wait3A_123 = arith.constant 0 : i32
            %dma_wait3A_124 = tpu.memref_slice %arg10[%dma_wait3A_122, %dma_wait3A_123] : memref<6400x64xf32, #tpu.memory_space<vmem_shared>> -> memref<6400x64xf32, #tpu.memory_space<vmem_shared>>
            tpu.wait_indirect_dma semaphore(%run_scoped3A : memref<!tpu.dma_semaphore, #tpu.memory_space<semaphore_mem>>) src(%arg9 : memref<400x64xf32, #tpu.memory_space<vmem>>) dst(%dma_wait3A_124 : memref<6400x64xf32, #tpu.memory_space<vmem_shared>>)
            tpu.yield
          }) : () -> ()
        }
        %scan3A_62 = arith.constant 13 : i32
        %dma_wait3A_63 = arith.constant 0 : i32
        %dma_wait3A_64 = arith.constant 0 : i32
        %dma_wait3A_65 = tpu.memref_slice %arg5[%dma_wait3A_63, %dma_wait3A_64] : memref<27x400xi32, #tpu.memory_space<vmem>> -> memref<1x400xi32, #tpu.memory_space<vmem>>
        %dma_wait3A_66 = tpu.memref_squeeze %dma_wait3A_65 : memref<1x400xi32, #tpu.memory_space<vmem>> -> memref<400xi32, #tpu.memory_space<vmem>>
        %dma_wait3A_67 = arith.constant 0 : i32
        %dma_wait3A_68 = arith.constant 0 : i32
        %dma_wait3A_69 = tpu.memref_slice %arg2[%dma_wait3A_67, %dma_wait3A_68] : memref<1404000x64xf32, #tpu.memory_space<hbm>> -> memref<1404000x64xf32, #tpu.memory_space<hbm>>
        tpu.wait_indirect_dma semaphore(%arg11 : memref<!tpu.dma_semaphore, #tpu.memory_space<semaphore_mem>>) src(%dma_wait3A_69 : memref<1404000x64xf32, #tpu.memory_space<hbm>>) dst(%arg8 : memref<400x64xf32, #tpu.memory_space<vmem>>)
        "tpu.region"() ({
          %run_scoped3A = tpu.sem_alloc : memref<!tpu.dma_semaphore, #tpu.memory_space<semaphore_mem>>
          %dma_start3A_80 = arith.constant 0 : i32
          %dma_start3A_81 = arith.constant 0 : i32
          %dma_start3A_82 = tpu.memref_slice %arg10[%dma_start3A_80, %dma_start3A_81] : memref<6400x64xf32, #tpu.memory_space<vmem_shared>> -> memref<6400x64xf32, #tpu.memory_space<vmem_shared>>
          tpu.enqueue_indirect_dma source(%arg8 : memref<400x64xf32, #tpu.memory_space<vmem>>) target(%dma_start3A_82 : memref<6400x64xf32, #tpu.memory_space<vmem_shared>>) offsets(%arg6 : memref<400xi32, #tpu.memory_space<vmem>>) semaphore(%run_scoped3A : memref<!tpu.dma_semaphore, #tpu.memory_space<semaphore_mem>>) {add = true}
          %dma_wait3A_83 = arith.constant 0 : i32
          %dma_wait3A_84 = arith.constant 0 : i32
          %dma_wait3A_85 = tpu.memref_slice %arg10[%dma_wait3A_83, %dma_wait3A_84] : memref<6400x64xf32, #tpu.memory_space<vmem_shared>> -> memref<6400x64xf32, #tpu.memory_space<vmem_shared>>
          tpu.wait_indirect_dma semaphore(%run_scoped3A : memref<!tpu.dma_semaphore, #tpu.memory_space<semaphore_mem>>) src(%arg8 : memref<400x64xf32, #tpu.memory_space<vmem>>) dst(%dma_wait3A_85 : memref<6400x64xf32, #tpu.memory_space<vmem_shared>>)
          tpu.yield
        }) : () -> ()
        %mul3A_70 = arith.constant 400 : i32
        %mul3A_71 = arith.muli %arg1, %mul3A_70 : i32
        %dma_start3A_72 = arith.constant 0 : i32
        %dma_start3A_73 = tpu.memref_slice %arg4[%mul3A_26, %dma_start3A_72] : memref<50000x64xf32, #tpu.memory_space<hbm>> -> memref<400x64xf32, #tpu.memory_space<hbm>>
        %dma_start3A_74 = arith.constant 0 : i32
        %dma_start3A_75 = tpu.memref_slice %arg10[%mul3A_71, %dma_start3A_74] : memref<6400x64xf32, #tpu.memory_space<vmem_shared>> -> memref<400x64xf32, #tpu.memory_space<vmem_shared>>
        tpu.enqueue_dma source(%dma_start3A_75 : memref<400x64xf32, #tpu.memory_space<vmem_shared>>) target(%dma_start3A_73 : memref<400x64xf32, #tpu.memory_space<hbm>>) target_semaphore(%arg13 : memref<!tpu.dma_semaphore, #tpu.memory_space<semaphore_mem>>)
        %dma_wait3A_76 = arith.constant 0 : i32
        %dma_wait3A_77 = tpu.memref_slice %arg4[%mul3A_26, %dma_wait3A_76] : memref<50000x64xf32, #tpu.memory_space<hbm>> -> memref<400x64xf32, #tpu.memory_space<hbm>>
        %dma_wait3A_78 = arith.constant 0 : i32
        %dma_wait3A_79 = tpu.memref_slice %arg10[%mul3A_71, %dma_wait3A_78] : memref<6400x64xf32, #tpu.memory_space<vmem_shared>> -> memref<400x64xf32, #tpu.memory_space<vmem_shared>>
        tpu.wait_dma2 semaphore(%arg13 : memref<!tpu.dma_semaphore, #tpu.memory_space<semaphore_mem>>) src(%dma_wait3A_79 : memref<400x64xf32, #tpu.memory_space<vmem_shared>>) dst(%dma_wait3A_77 : memref<400x64xf32, #tpu.memory_space<hbm>>)
      } else {
      }
    }
    %scan3A_14 = arith.constant 4 : i32
    return
  }
}

#map = affine_map<(d0, d1) -> (0, 0)>
#map1 = affine_map<(d0, d1) -> (0, 0, 0)>
module attributes {stable_mosaic.version = 14 : i64} {
  func.func @k(%arg0: i32, %arg1: i32, %arg2: memref<1404000x64xf32, #tpu.memory_space<hbm>>, %arg3: memref<27x125x400xi32, #tpu.memory_space<hbm>>, %arg4: memref<50000x64xf32, #tpu.memory_space<hbm>>, %arg5: memref<27x400xi32, #tpu.memory_space<vmem>>, %arg6: memref<400xi32, #tpu.memory_space<vmem>>, %arg7: memref<400x64xf32, #tpu.memory_space<vmem>>, %arg8: memref<400x64xf32, #tpu.memory_space<vmem>>, %arg9: memref<400x64xf32, #tpu.memory_space<vmem>>, %arg10: memref<6400x64xf32, #tpu.memory_space<vmem_shared>>, %arg11: memref<!tpu.dma_semaphore, #tpu.memory_space<semaphore_mem>>, %arg12: memref<!tpu.dma_semaphore, #tpu.memory_space<semaphore_mem>>, %arg13: memref<!tpu.dma_semaphore, #tpu.memory_space<semaphore_mem>>) attributes {dimension_semantics = [#tpu.dimension_semantics<core_parallel>, #tpu.dimension_semantics<subcore_parallel>], iteration_bounds = array<i64: 2, 16>, scalar_prefetch = 0 : i64, scratch_operands = 9 : i64, tpu.core_type = #tpu.core_type<sc_vector_subcore>, window_params = [{transform_indices = #map}, {transform_indices = #map1}, {transform_indices = #map}]} {
    %mul3A = arith.constant 2 : i32
    %mul3A_0 = arith.muli %arg1, %mul3A : i32
    %add3A = arith.addi %mul3A_0, %arg0 : i32
    %scan3A = arith.constant 0 : i32
    %scan3A_1 = arith.constant 25 : i32
    %scan3A_2 = arith.addi %scan3A, %scan3A_1 : i32
    %scan3A_3 = arith.constant 1 : i32
    scf.for %scan3A_15 = %scan3A to %scan3A_2 step %scan3A_3  : i32 {
      %mul3A_16 = arith.constant 1 : i32
      %mul3A_17 = arith.muli %scan3A_15, %mul3A_16 : i32
      %add3A_18 = arith.constant 0 : i32
      %add3A_19 = arith.addi %add3A_18, %mul3A_17 : i32
      %mul3A_20 = arith.constant 16 : i32
      %mul3A_21 = arith.muli %add3A_19, %mul3A_20 : i32
      %iota3A = tpu.iota {dimensions = array<i32: 0>} : vector<16xi32>
      %mul3A_22 = arith.constant 16 : i32
      %mul3A_23 = arith.muli %add3A_19, %mul3A_22 : i32
      %mul3A_24 = arith.constant 400 : i32
      %mul3A_25 = arith.muli %arg1, %mul3A_24 : i32
      %add3A_26 = arith.addi %mul3A_23, %mul3A_25 : i32
      %add3A_27 = vector.broadcast %add3A_26 : i32 to vector<16xi32>
      %add3A_28 = arith.addi %iota3A, %add3A_27 : vector<16xi32>
      %swap3A = arith.index_cast %mul3A_21 : i32 to index
      %swap3A_29 = tpu.vector_load %arg6[%swap3A] {strides = array<i32>} : memref<400xi32, #tpu.memory_space<vmem>>, vector<16xi32>,
      %swap3A_30 = vector.shape_cast %swap3A_29 : vector<16xi32> to vector<16xi32>
      %swap3A_31 = vector.shape_cast %add3A_28 : vector<16xi32> to vector<16xi32>
      tpu.vector_store %arg6[%swap3A], %swap3A_31 {strides = array<i32>} : memref<400xi32, #tpu.memory_space<vmem>>, vector<16xi32>,
    }
    %scan3A_4 = arith.constant 25 : i32
    %scan3A_5 = arith.constant 0 : i32
    %scan3A_6 = arith.constant 400 : i32
    %scan3A_7 = arith.addi %scan3A_5, %scan3A_6 : i32
    %scan3A_8 = arith.constant 1 : i32
    scf.for %scan3A_15 = %scan3A_5 to %scan3A_7 step %scan3A_8  : i32 {
      %mul3A_16 = arith.constant 1 : i32
      %mul3A_17 = arith.muli %scan3A_15, %mul3A_16 : i32
      %add3A_18 = arith.constant 0 : i32
      %add3A_19 = arith.addi %add3A_18, %mul3A_17 : i32
      %broadcast_in_dim3A = arith.constant 0.000000e+00 : f32
      %broadcast_in_dim3A_20 = vector.broadcast %broadcast_in_dim3A : f32 to vector<16xf32>
      %swap3A = arith.index_cast %add3A_19 : i32 to index
      %swap3A_21 = arith.constant 0 : index
      %swap3A_22 = tpu.vector_load %arg7[%swap3A, %swap3A_21] {strides = array<i32>} : memref<400x64xf32, #tpu.memory_space<vmem>>, vector<1x16xf32>,
      %swap3A_23 = vector.shape_cast %swap3A_22 : vector<1x16xf32> to vector<16xf32>
      %swap3A_24 = vector.shape_cast %broadcast_in_dim3A_20 : vector<16xf32> to vector<1x16xf32>
      tpu.vector_store %arg7[%swap3A, %swap3A_21], %swap3A_24 {strides = array<i32>} : memref<400x64xf32, #tpu.memory_space<vmem>>, vector<1x16xf32>,
      %broadcast_in_dim3A_25 = arith.constant 0.000000e+00 : f32
      %broadcast_in_dim3A_26 = vector.broadcast %broadcast_in_dim3A_25 : f32 to vector<16xf32>
      %swap3A_27 = arith.index_cast %add3A_19 : i32 to index
      %swap3A_28 = arith.constant 16 : index
      %swap3A_29 = tpu.vector_load %arg7[%swap3A_27, %swap3A_28] {strides = array<i32>} : memref<400x64xf32, #tpu.memory_space<vmem>>, vector<1x16xf32>,
      %swap3A_30 = vector.shape_cast %swap3A_29 : vector<1x16xf32> to vector<16xf32>
      %swap3A_31 = vector.shape_cast %broadcast_in_dim3A_26 : vector<16xf32> to vector<1x16xf32>
      tpu.vector_store %arg7[%swap3A_27, %swap3A_28], %swap3A_31 {strides = array<i32>} : memref<400x64xf32, #tpu.memory_space<vmem>>, vector<1x16xf32>,
      %broadcast_in_dim3A_32 = arith.constant 0.000000e+00 : f32
      %broadcast_in_dim3A_33 = vector.broadcast %broadcast_in_dim3A_32 : f32 to vector<16xf32>
      %swap3A_34 = arith.index_cast %add3A_19 : i32 to index
      %swap3A_35 = arith.constant 32 : index
      %swap3A_36 = tpu.vector_load %arg7[%swap3A_34, %swap3A_35] {strides = array<i32>} : memref<400x64xf32, #tpu.memory_space<vmem>>, vector<1x16xf32>,
      %swap3A_37 = vector.shape_cast %swap3A_36 : vector<1x16xf32> to vector<16xf32>
      %swap3A_38 = vector.shape_cast %broadcast_in_dim3A_33 : vector<16xf32> to vector<1x16xf32>
      tpu.vector_store %arg7[%swap3A_34, %swap3A_35], %swap3A_38 {strides = array<i32>} : memref<400x64xf32, #tpu.memory_space<vmem>>, vector<1x16xf32>,
      %broadcast_in_dim3A_39 = arith.constant 0.000000e+00 : f32
      %broadcast_in_dim3A_40 = vector.broadcast %broadcast_in_dim3A_39 : f32 to vector<16xf32>
      %swap3A_41 = arith.index_cast %add3A_19 : i32 to index
      %swap3A_42 = arith.constant 48 : index
      %swap3A_43 = tpu.vector_load %arg7[%swap3A_41, %swap3A_42] {strides = array<i32>} : memref<400x64xf32, #tpu.memory_space<vmem>>, vector<1x16xf32>,
      %swap3A_44 = vector.shape_cast %swap3A_43 : vector<1x16xf32> to vector<16xf32>
      %swap3A_45 = vector.shape_cast %broadcast_in_dim3A_40 : vector<16xf32> to vector<1x16xf32>
      tpu.vector_store %arg7[%swap3A_41, %swap3A_42], %swap3A_45 {strides = array<i32>} : memref<400x64xf32, #tpu.memory_space<vmem>>, vector<1x16xf32>,
    }
    %scan3A_9 = arith.constant 400 : i32
    %scan3A_10 = arith.constant 0 : i32
    %scan3A_11 = arith.constant 4 : i32
    %scan3A_12 = arith.addi %scan3A_10, %scan3A_11 : i32
    %scan3A_13 = arith.constant 1 : i32
    scf.for %scan3A_15 = %scan3A_10 to %scan3A_12 step %scan3A_13  : i32 {
      %mul3A_16 = arith.constant 1 : i32
      %mul3A_17 = arith.muli %scan3A_15, %mul3A_16 : i32
      %add3A_18 = arith.constant 0 : i32
      %add3A_19 = arith.addi %add3A_18, %mul3A_17 : i32
      %mul3A_20 = arith.constant 32 : i32
      %mul3A_21 = arith.muli %mul3A_20, %add3A_19 : i32
      %add3A_22 = arith.addi %add3A, %mul3A_21 : i32
      %lt3A = arith.constant 125 : i32
      %lt3A_23 = arith.cmpi slt, %add3A_22, %lt3A : i32
      %convert_element_type3A = arith.extui %lt3A_23 : i1 to i32
      %cond3A = arith.constant 0 : i32
      %cond3A_24 = arith.cmpi ne, %convert_element_type3A, %cond3A : i32
      scf.if %cond3A_24 {
        %mul3A_25 = arith.constant 400 : i32
        %mul3A_26 = arith.muli %add3A_22, %mul3A_25 : i32
        %dma_start3A = arith.constant 0 : i32
        %dma_start3A_27 = arith.constant 0 : i32
        %dma_start3A_28 = tpu.memref_slice %arg3[%dma_start3A, %add3A_22, %dma_start3A_27] : memref<27x125x400xi32, #tpu.memory_space<hbm>> -> memref<27x1x400xi32, #tpu.memory_space<hbm>>
        %dma_start3A_29 = tpu.memref_squeeze %dma_start3A_28 : memref<27x1x400xi32, #tpu.memory_space<hbm>> -> memref<27x400xi32, #tpu.memory_space<hbm>>
        %dma_start3A_30 = arith.constant 0 : i32
        %dma_start3A_31 = arith.constant 0 : i32
        %dma_start3A_32 = tpu.memref_slice %arg3[%dma_start3A_30, %add3A_22, %dma_start3A_31] : memref<27x125x400xi32, #tpu.memory_space<hbm>> -> memref<27x1x400xi32, #tpu.memory_space<hbm>>
        %dma_start3A_33 = tpu.memref_squeeze %dma_start3A_32 : memref<27x1x400xi32, #tpu.memory_space<hbm>> -> memref<27x400xi32, #tpu.memory_space<hbm>>
        tpu.enqueue_dma source(%dma_start3A_33 : memref<27x400xi32, #tpu.memory_space<hbm>>) target(%arg5 : memref<27x400xi32, #tpu.memory_space<vmem>>) target_semaphore(%arg13 : memref<!tpu.dma_semaphore, #tpu.memory_space<semaphore_mem>>)
        %dma_wait3A = arith.constant 0 : i32
        %dma_wait3A_34 = arith.constant 0 : i32
        %dma_wait3A_35 = tpu.memref_slice %arg3[%dma_wait3A, %add3A_22, %dma_wait3A_34] : memref<27x125x400xi32, #tpu.memory_space<hbm>> -> memref<27x1x400xi32, #tpu.memory_space<hbm>>
        %dma_wait3A_36 = tpu.memref_squeeze %dma_wait3A_35 : memref<27x1x400xi32, #tpu.memory_space<hbm>> -> memref<27x400xi32, #tpu.memory_space<hbm>>
        %dma_wait3A_37 = arith.constant 0 : i32
        %dma_wait3A_38 = arith.constant 0 : i32
        %dma_wait3A_39 = tpu.memref_slice %arg3[%dma_wait3A_37, %add3A_22, %dma_wait3A_38] : memref<27x125x400xi32, #tpu.memory_space<hbm>> -> memref<27x1x400xi32, #tpu.memory_space<hbm>>
        %dma_wait3A_40 = tpu.memref_squeeze %dma_wait3A_39 : memref<27x1x400xi32, #tpu.memory_space<hbm>> -> memref<27x400xi32, #tpu.memory_space<hbm>>
        tpu.wait_dma2 semaphore(%arg13 : memref<!tpu.dma_semaphore, #tpu.memory_space<semaphore_mem>>) src(%dma_wait3A_40 : memref<27x400xi32, #tpu.memory_space<hbm>>) dst(%arg5 : memref<27x400xi32, #tpu.memory_space<vmem>>)
        %mul3A_41 = arith.constant 400 : i32
        %mul3A_42 = arith.muli %arg1, %mul3A_41 : i32
        %dma_start3A_43 = arith.constant 0 : i32
        %dma_start3A_44 = tpu.memref_slice %arg10[%mul3A_42, %dma_start3A_43] : memref<6400x64xf32, #tpu.memory_space<vmem_shared>> -> memref<400x64xf32, #tpu.memory_space<vmem_shared>>
        %dma_start3A_45 = arith.constant 0 : i32
        %dma_start3A_46 = tpu.memref_slice %arg10[%mul3A_42, %dma_start3A_45] : memref<6400x64xf32, #tpu.memory_space<vmem_shared>> -> memref<400x64xf32, #tpu.memory_space<vmem_shared>>
        tpu.enqueue_dma source(%arg7 : memref<400x64xf32, #tpu.memory_space<vmem>>) target(%dma_start3A_46 : memref<400x64xf32, #tpu.memory_space<vmem_shared>>) target_semaphore(%arg13 : memref<!tpu.dma_semaphore, #tpu.memory_space<semaphore_mem>>)
        %dma_wait3A_47 = arith.constant 0 : i32
        %dma_wait3A_48 = tpu.memref_slice %arg10[%mul3A_42, %dma_wait3A_47] : memref<6400x64xf32, #tpu.memory_space<vmem_shared>> -> memref<400x64xf32, #tpu.memory_space<vmem_shared>>
        %dma_wait3A_49 = arith.constant 0 : i32
        %dma_wait3A_50 = tpu.memref_slice %arg10[%mul3A_42, %dma_wait3A_49] : memref<6400x64xf32, #tpu.memory_space<vmem_shared>> -> memref<400x64xf32, #tpu.memory_space<vmem_shared>>
        tpu.wait_dma2 semaphore(%arg13 : memref<!tpu.dma_semaphore, #tpu.memory_space<semaphore_mem>>) src(%arg7 : memref<400x64xf32, #tpu.memory_space<vmem>>) dst(%dma_wait3A_50 : memref<400x64xf32, #tpu.memory_space<vmem_shared>>)
        %dma_start3A_51 = arith.constant 0 : i32
        %dma_start3A_52 = arith.constant 0 : i32
        %dma_start3A_53 = tpu.memref_slice %arg5[%dma_start3A_51, %dma_start3A_52] : memref<27x400xi32, #tpu.memory_space<vmem>> -> memref<1x400xi32, #tpu.memory_space<vmem>>
        %dma_start3A_54 = tpu.memref_squeeze %dma_start3A_53 : memref<1x400xi32, #tpu.memory_space<vmem>> -> memref<400xi32, #tpu.memory_space<vmem>>
        %dma_start3A_55 = arith.constant 0 : i32
        %dma_start3A_56 = arith.constant 0 : i32
        %dma_start3A_57 = tpu.memref_slice %arg2[%dma_start3A_55, %dma_start3A_56] : memref<1404000x64xf32, #tpu.memory_space<hbm>> -> memref<1404000x64xf32, #tpu.memory_space<hbm>>
        tpu.enqueue_indirect_dma source(%dma_start3A_57 : memref<1404000x64xf32, #tpu.memory_space<hbm>>) target(%arg8 : memref<400x64xf32, #tpu.memory_space<vmem>>) offsets(%dma_start3A_54 : memref<400xi32, #tpu.memory_space<vmem>>) semaphore(%arg11 : memref<!tpu.dma_semaphore, #tpu.memory_space<semaphore_mem>>)
        %scan3A_58 = arith.constant 0 : i32
        %scan3A_59 = arith.constant 13 : i32
        %scan3A_60 = arith.addi %scan3A_58, %scan3A_59 : i32
        %scan3A_61 = arith.constant 1 : i32
        scf.for %scan3A_80 = %scan3A_58 to %scan3A_60 step %scan3A_61  : i32 {
          %mul3A_81 = arith.constant 1 : i32
          %mul3A_82 = arith.muli %scan3A_80, %mul3A_81 : i32
          %add3A_83 = arith.constant 0 : i32
          %add3A_84 = arith.addi %add3A_83, %mul3A_82 : i32
          %mul3A_85 = arith.constant 2 : i32
          %mul3A_86 = arith.muli %mul3A_85, %add3A_84 : i32
          %add3A_87 = arith.constant 1 : i32
          %add3A_88 = arith.addi %mul3A_86, %add3A_87 : i32
          %dma_start3A_89 = arith.constant 0 : i32
          %dma_start3A_90 = tpu.memref_slice %arg5[%add3A_88, %dma_start3A_89] : memref<27x400xi32, #tpu.memory_space<vmem>> -> memref<1x400xi32, #tpu.memory_space<vmem>>
          %dma_start3A_91 = tpu.memref_squeeze %dma_start3A_90 : memref<1x400xi32, #tpu.memory_space<vmem>> -> memref<400xi32, #tpu.memory_space<vmem>>
          %dma_start3A_92 = arith.constant 0 : i32
          %dma_start3A_93 = arith.constant 0 : i32
          %dma_start3A_94 = tpu.memref_slice %arg2[%dma_start3A_92, %dma_start3A_93] : memref<1404000x64xf32, #tpu.memory_space<hbm>> -> memref<1404000x64xf32, #tpu.memory_space<hbm>>
          tpu.enqueue_indirect_dma source(%dma_start3A_94 : memref<1404000x64xf32, #tpu.memory_space<hbm>>) target(%arg9 : memref<400x64xf32, #tpu.memory_space<vmem>>) offsets(%dma_start3A_91 : memref<400xi32, #tpu.memory_space<vmem>>) semaphore(%arg12 : memref<!tpu.dma_semaphore, #tpu.memory_space<semaphore_mem>>)
          %dma_wait3A_95 = arith.constant 0 : i32
          %dma_wait3A_96 = arith.constant 0 : i32
          %dma_wait3A_97 = tpu.memref_slice %arg5[%dma_wait3A_95, %dma_wait3A_96] : memref<27x400xi32, #tpu.memory_space<vmem>> -> memref<1x400xi32, #tpu.memory_space<vmem>>
          %dma_wait3A_98 = tpu.memref_squeeze %dma_wait3A_97 : memref<1x400xi32, #tpu.memory_space<vmem>> -> memref<400xi32, #tpu.memory_space<vmem>>
          %dma_wait3A_99 = arith.constant 0 : i32
          %dma_wait3A_100 = arith.constant 0 : i32
          %dma_wait3A_101 = tpu.memref_slice %arg2[%dma_wait3A_99, %dma_wait3A_100] : memref<1404000x64xf32, #tpu.memory_space<hbm>> -> memref<1404000x64xf32, #tpu.memory_space<hbm>>
          tpu.wait_indirect_dma semaphore(%arg11 : memref<!tpu.dma_semaphore, #tpu.memory_space<semaphore_mem>>) src(%dma_wait3A_101 : memref<1404000x64xf32, #tpu.memory_space<hbm>>) dst(%arg8 : memref<400x64xf32, #tpu.memory_space<vmem>>)
          "tpu.region"() ({
            %run_scoped3A = tpu.sem_alloc : memref<!tpu.dma_semaphore, #tpu.memory_space<semaphore_mem>>
            %dma_start3A_119 = arith.constant 0 : i32
            %dma_start3A_120 = arith.constant 0 : i32
            %dma_start3A_121 = tpu.memref_slice %arg10[%dma_start3A_119, %dma_start3A_120] : memref<6400x64xf32, #tpu.memory_space<vmem_shared>> -> memref<6400x64xf32, #tpu.memory_space<vmem_shared>>
            tpu.enqueue_indirect_dma source(%arg8 : memref<400x64xf32, #tpu.memory_space<vmem>>) target(%dma_start3A_121 : memref<6400x64xf32, #tpu.memory_space<vmem_shared>>) offsets(%arg6 : memref<400xi32, #tpu.memory_space<vmem>>) semaphore(%run_scoped3A : memref<!tpu.dma_semaphore, #tpu.memory_space<semaphore_mem>>) {add = true}
            %dma_wait3A_122 = arith.constant 0 : i32
            %dma_wait3A_123 = arith.constant 0 : i32
            %dma_wait3A_124 = tpu.memref_slice %arg10[%dma_wait3A_122, %dma_wait3A_123] : memref<6400x64xf32, #tpu.memory_space<vmem_shared>> -> memref<6400x64xf32, #tpu.memory_space<vmem_shared>>
            tpu.wait_indirect_dma semaphore(%run_scoped3A : memref<!tpu.dma_semaphore, #tpu.memory_space<semaphore_mem>>) src(%arg8 : memref<400x64xf32, #tpu.memory_space<vmem>>) dst(%dma_wait3A_124 : memref<6400x64xf32, #tpu.memory_space<vmem_shared>>)
            tpu.yield
          }) : () -> ()
          %mul3A_102 = arith.constant 2 : i32
          %mul3A_103 = arith.muli %mul3A_102, %add3A_84 : i32
          %add3A_104 = arith.constant 2 : i32
          %add3A_105 = arith.addi %mul3A_103, %add3A_104 : i32
          %dma_start3A_106 = arith.constant 0 : i32
          %dma_start3A_107 = tpu.memref_slice %arg5[%add3A_105, %dma_start3A_106] : memref<27x400xi32, #tpu.memory_space<vmem>> -> memref<1x400xi32, #tpu.memory_space<vmem>>
          %dma_start3A_108 = tpu.memref_squeeze %dma_start3A_107 : memref<1x400xi32, #tpu.memory_space<vmem>> -> memref<400xi32, #tpu.memory_space<vmem>>
          %dma_start3A_109 = arith.constant 0 : i32
          %dma_start3A_110 = arith.constant 0 : i32
          %dma_start3A_111 = tpu.memref_slice %arg2[%dma_start3A_109, %dma_start3A_110] : memref<1404000x64xf32, #tpu.memory_space<hbm>> -> memref<1404000x64xf32, #tpu.memory_space<hbm>>
          tpu.enqueue_indirect_dma source(%dma_start3A_111 : memref<1404000x64xf32, #tpu.memory_space<hbm>>) target(%arg8 : memref<400x64xf32, #tpu.memory_space<vmem>>) offsets(%dma_start3A_108 : memref<400xi32, #tpu.memory_space<vmem>>) semaphore(%arg11 : memref<!tpu.dma_semaphore, #tpu.memory_space<semaphore_mem>>)
          %dma_wait3A_112 = arith.constant 0 : i32
          %dma_wait3A_113 = arith.constant 0 : i32
          %dma_wait3A_114 = tpu.memref_slice %arg5[%dma_wait3A_112, %dma_wait3A_113] : memref<27x400xi32, #tpu.memory_space<vmem>> -> memref<1x400xi32, #tpu.memory_space<vmem>>
          %dma_wait3A_115 = tpu.memref_squeeze %dma_wait3A_114 : memref<1x400xi32, #tpu.memory_space<vmem>> -> memref<400xi32, #tpu.memory_space<vmem>>
          %dma_wait3A_116 = arith.constant 0 : i32
          %dma_wait3A_117 = arith.constant 0 : i32
          %dma_wait3A_118 = tpu.memref_slice %arg2[%dma_wait3A_116, %dma_wait3A_117] : memref<1404000x64xf32, #tpu.memory_space<hbm>> -> memref<1404000x64xf32, #tpu.memory_space<hbm>>
          tpu.wait_indirect_dma semaphore(%arg12 : memref<!tpu.dma_semaphore, #tpu.memory_space<semaphore_mem>>) src(%dma_wait3A_118 : memref<1404000x64xf32, #tpu.memory_space<hbm>>) dst(%arg9 : memref<400x64xf32, #tpu.memory_space<vmem>>)
          "tpu.region"() ({
            %run_scoped3A = tpu.sem_alloc : memref<!tpu.dma_semaphore, #tpu.memory_space<semaphore_mem>>
            %dma_start3A_119 = arith.constant 0 : i32
            %dma_start3A_120 = arith.constant 0 : i32
            %dma_start3A_121 = tpu.memref_slice %arg10[%dma_start3A_119, %dma_start3A_120] : memref<6400x64xf32, #tpu.memory_space<vmem_shared>> -> memref<6400x64xf32, #tpu.memory_space<vmem_shared>>
            tpu.enqueue_indirect_dma source(%arg9 : memref<400x64xf32, #tpu.memory_space<vmem>>) target(%dma_start3A_121 : memref<6400x64xf32, #tpu.memory_space<vmem_shared>>) offsets(%arg6 : memref<400xi32, #tpu.memory_space<vmem>>) semaphore(%run_scoped3A : memref<!tpu.dma_semaphore, #tpu.memory_space<semaphore_mem>>) {add = true}
            %dma_wait3A_122 = arith.constant 0 : i32
            %dma_wait3A_123 = arith.constant 0 : i32
            %dma_wait3A_124 = tpu.memref_slice %arg10[%dma_wait3A_122, %dma_wait3A_123] : memref<6400x64xf32, #tpu.memory_space<vmem_shared>> -> memref<6400x64xf32, #tpu.memory_space<vmem_shared>>
            tpu.wait_indirect_dma semaphore(%run_scoped3A : memref<!tpu.dma_semaphore, #tpu.memory_space<semaphore_mem>>) src(%arg9 : memref<400x64xf32, #tpu.memory_space<vmem>>) dst(%dma_wait3A_124 : memref<6400x64xf32, #tpu.memory_space<vmem_shared>>)
            tpu.yield
          }) : () -> ()
        }
        %scan3A_62 = arith.constant 13 : i32
        %dma_wait3A_63 = arith.constant 0 : i32
        %dma_wait3A_64 = arith.constant 0 : i32
        %dma_wait3A_65 = tpu.memref_slice %arg5[%dma_wait3A_63, %dma_wait3A_64] : memref<27x400xi32, #tpu.memory_space<vmem>> -> memref<1x400xi32, #tpu.memory_space<vmem>>
        %dma_wait3A_66 = tpu.memref_squeeze %dma_wait3A_65 : memref<1x400xi32, #tpu.memory_space<vmem>> -> memref<400xi32, #tpu.memory_space<vmem>>
        %dma_wait3A_67 = arith.constant 0 : i32
        %dma_wait3A_68 = arith.constant 0 : i32
        %dma_wait3A_69 = tpu.memref_slice %arg2[%dma_wait3A_67, %dma_wait3A_68] : memref<1404000x64xf32, #tpu.memory_space<hbm>> -> memref<1404000x64xf32, #tpu.memory_space<hbm>>
        tpu.wait_indirect_dma semaphore(%arg11 : memref<!tpu.dma_semaphore, #tpu.memory_space<semaphore_mem>>) src(%dma_wait3A_69 : memref<1404000x64xf32, #tpu.memory_space<hbm>>) dst(%arg8 : memref<400x64xf32, #tpu.memory_space<vmem>>)
        "tpu.region"() ({
          %run_scoped3A = tpu.sem_alloc : memref<!tpu.dma_semaphore, #tpu.memory_space<semaphore_mem>>
          %dma_start3A_80 = arith.constant 0 : i32
          %dma_start3A_81 = arith.constant 0 : i32
          %dma_start3A_82 = tpu.memref_slice %arg10[%dma_start3A_80, %dma_start3A_81] : memref<6400x64xf32, #tpu.memory_space<vmem_shared>> -> memref<6400x64xf32, #tpu.memory_space<vmem_shared>>
          tpu.enqueue_indirect_dma source(%arg8 : memref<400x64xf32, #tpu.memory_space<vmem>>) target(%dma_start3A_82 : memref<6400x64xf32, #tpu.memory_space<vmem_shared>>) offsets(%arg6 : memref<400xi32, #tpu.memory_space<vmem>>) semaphore(%run_scoped3A : memref<!tpu.dma_semaphore, #tpu.memory_space<semaphore_mem>>) {add = true}
          %dma_wait3A_83 = arith.constant 0 : i32
          %dma_wait3A_84 = arith.constant 0 : i32
          %dma_wait3A_85 = tpu.memref_slice %arg10[%dma_wait3A_83, %dma_wait3A_84] : memref<6400x64xf32, #tpu.memory_space<vmem_shared>> -> memref<6400x64xf32, #tpu.memory_space<vmem_shared>>
          tpu.wait_indirect_dma semaphore(%run_scoped3A : memref<!tpu.dma_semaphore, #tpu.memory_space<semaphore_mem>>) src(%arg8 : memref<400x64xf32, #tpu.memory_space<vmem>>) dst(%dma_wait3A_85 : memref<6400x64xf32, #tpu.memory_space<vmem_shared>>)
          tpu.yield
        }) : () -> ()
        %mul3A_70 = arith.constant 400 : i32
        %mul3A_71 = arith.muli %arg1, %mul3A_70 : i32
        %dma_start3A_72 = arith.constant 0 : i32
        %dma_start3A_73 = tpu.memref_slice %arg4[%mul3A_26, %dma_start3A_72] : memref<50000x64xf32, #tpu.memory_space<hbm>> -> memref<400x64xf32, #tpu.memory_space<hbm>>
        %dma_start3A_74 = arith.constant 0 : i32
        %dma_start3A_75 = tpu.memref_slice %arg10[%mul3A_71, %dma_start3A_74] : memref<6400x64xf32, #tpu.memory_space<vmem_shared>> -> memref<400x64xf32, #tpu.memory_space<vmem_shared>>
        tpu.enqueue_dma source(%dma_start3A_75 : memref<400x64xf32, #tpu.memory_space<vmem_shared>>) target(%dma_start3A_73 : memref<400x64xf32, #tpu.memory_space<hbm>>) target_semaphore(%arg13 : memref<!tpu.dma_semaphore, #tpu.memory_space<semaphore_mem>>)
        %dma_wait3A_76 = arith.constant 0 : i32
        %dma_wait3A_77 = tpu.memref_slice %arg4[%mul3A_26, %dma_wait3A_76] : memref<50000x64xf32, #tpu.memory_space<hbm>> -> memref<400x64xf32, #tpu.memory_space<hbm>>
        %dma_wait3A_78 = arith.constant 0 : i32
        %dma_wait3A_79 = tpu.memref_slice %arg10[%mul3A_71, %dma_wait3A_78] : memref<6400x64xf32, #tpu.memory_space<vmem_shared>> -> memref<400x64xf32, #tpu.memory_space<vmem_shared>>
        tpu.wait_dma2 semaphore(%arg13 : memref<!tpu.dma_semaphore, #tpu.memory_space<semaphore_mem>>) src(%dma_wait3A_79 : memref<400x64xf32, #tpu.memory_space<vmem_shared>>) dst(%dma_wait3A_77 : memref<400x64xf32, #tpu.memory_space<hbm>>)
      } else {
      }
    }
    %scan3A_14 = arith.constant 4 : i32
    return
  }
}

#map = affine_map<(d0, d1) -> (0, 0)>
#map1 = affine_map<(d0, d1) -> (0, 0, 0)>
module attributes {stable_mosaic.version = 14 : i64} {
  func.func @k(%arg0: i32, %arg1: i32, %arg2: memref<1404000x64xf32, #tpu.memory_space<hbm>>, %arg3: memref<27x125x400xi32, #tpu.memory_space<hbm>>, %arg4: memref<50000x64xf32, #tpu.memory_space<hbm>>, %arg5: memref<27x400xi32, #tpu.memory_space<vmem>>, %arg6: memref<400xi32, #tpu.memory_space<vmem>>, %arg7: memref<400x64xf32, #tpu.memory_space<vmem>>, %arg8: memref<400x64xf32, #tpu.memory_space<vmem>>, %arg9: memref<400x64xf32, #tpu.memory_space<vmem>>, %arg10: memref<6400x64xf32, #tpu.memory_space<vmem_shared>>, %arg11: memref<!tpu.dma_semaphore, #tpu.memory_space<semaphore_mem>>, %arg12: memref<!tpu.dma_semaphore, #tpu.memory_space<semaphore_mem>>, %arg13: memref<!tpu.dma_semaphore, #tpu.memory_space<semaphore_mem>>) attributes {dimension_semantics = [#tpu.dimension_semantics<core_parallel>, #tpu.dimension_semantics<subcore_parallel>], iteration_bounds = array<i64: 2, 16>, scalar_prefetch = 0 : i64, scratch_operands = 9 : i64, tpu.core_type = #tpu.core_type<sc_vector_subcore>, window_params = [{transform_indices = #map}, {transform_indices = #map1}, {transform_indices = #map}]} {
    %mul3A = arith.constant 2 : i32
    %mul3A_0 = arith.muli %arg1, %mul3A : i32
    %add3A = arith.addi %mul3A_0, %arg0 : i32
    %scan3A = arith.constant 0 : i32
    %scan3A_1 = arith.constant 25 : i32
    %scan3A_2 = arith.addi %scan3A, %scan3A_1 : i32
    %scan3A_3 = arith.constant 1 : i32
    scf.for %scan3A_15 = %scan3A to %scan3A_2 step %scan3A_3  : i32 {
      %mul3A_16 = arith.constant 1 : i32
      %mul3A_17 = arith.muli %scan3A_15, %mul3A_16 : i32
      %add3A_18 = arith.constant 0 : i32
      %add3A_19 = arith.addi %add3A_18, %mul3A_17 : i32
      %mul3A_20 = arith.constant 16 : i32
      %mul3A_21 = arith.muli %add3A_19, %mul3A_20 : i32
      %iota3A = tpu.iota {dimensions = array<i32: 0>} : vector<16xi32>
      %mul3A_22 = arith.constant 16 : i32
      %mul3A_23 = arith.muli %add3A_19, %mul3A_22 : i32
      %mul3A_24 = arith.constant 400 : i32
      %mul3A_25 = arith.muli %arg1, %mul3A_24 : i32
      %add3A_26 = arith.addi %mul3A_23, %mul3A_25 : i32
      %add3A_27 = vector.broadcast %add3A_26 : i32 to vector<16xi32>
      %add3A_28 = arith.addi %iota3A, %add3A_27 : vector<16xi32>
      %swap3A = arith.index_cast %mul3A_21 : i32 to index
      %swap3A_29 = tpu.vector_load %arg6[%swap3A] {strides = array<i32>} : memref<400xi32, #tpu.memory_space<vmem>>, vector<16xi32>,
      %swap3A_30 = vector.shape_cast %swap3A_29 : vector<16xi32> to vector<16xi32>
      %swap3A_31 = vector.shape_cast %add3A_28 : vector<16xi32> to vector<16xi32>
      tpu.vector_store %arg6[%swap3A], %swap3A_31 {strides = array<i32>} : memref<400xi32, #tpu.memory_space<vmem>>, vector<16xi32>,
    }
    %scan3A_4 = arith.constant 25 : i32
    %scan3A_5 = arith.constant 0 : i32
    %scan3A_6 = arith.constant 400 : i32
    %scan3A_7 = arith.addi %scan3A_5, %scan3A_6 : i32
    %scan3A_8 = arith.constant 1 : i32
    scf.for %scan3A_15 = %scan3A_5 to %scan3A_7 step %scan3A_8  : i32 {
      %mul3A_16 = arith.constant 1 : i32
      %mul3A_17 = arith.muli %scan3A_15, %mul3A_16 : i32
      %add3A_18 = arith.constant 0 : i32
      %add3A_19 = arith.addi %add3A_18, %mul3A_17 : i32
      %broadcast_in_dim3A = arith.constant 0.000000e+00 : f32
      %broadcast_in_dim3A_20 = vector.broadcast %broadcast_in_dim3A : f32 to vector<16xf32>
      %swap3A = arith.index_cast %add3A_19 : i32 to index
      %swap3A_21 = arith.constant 0 : index
      %swap3A_22 = tpu.vector_load %arg7[%swap3A, %swap3A_21] {strides = array<i32>} : memref<400x64xf32, #tpu.memory_space<vmem>>, vector<1x16xf32>,
      %swap3A_23 = vector.shape_cast %swap3A_22 : vector<1x16xf32> to vector<16xf32>
      %swap3A_24 = vector.shape_cast %broadcast_in_dim3A_20 : vector<16xf32> to vector<1x16xf32>
      tpu.vector_store %arg7[%swap3A, %swap3A_21], %swap3A_24 {strides = array<i32>} : memref<400x64xf32, #tpu.memory_space<vmem>>, vector<1x16xf32>,
      %broadcast_in_dim3A_25 = arith.constant 0.000000e+00 : f32
      %broadcast_in_dim3A_26 = vector.broadcast %broadcast_in_dim3A_25 : f32 to vector<16xf32>
      %swap3A_27 = arith.index_cast %add3A_19 : i32 to index
      %swap3A_28 = arith.constant 16 : index
      %swap3A_29 = tpu.vector_load %arg7[%swap3A_27, %swap3A_28] {strides = array<i32>} : memref<400x64xf32, #tpu.memory_space<vmem>>, vector<1x16xf32>,
      %swap3A_30 = vector.shape_cast %swap3A_29 : vector<1x16xf32> to vector<16xf32>
      %swap3A_31 = vector.shape_cast %broadcast_in_dim3A_26 : vector<16xf32> to vector<1x16xf32>
      tpu.vector_store %arg7[%swap3A_27, %swap3A_28], %swap3A_31 {strides = array<i32>} : memref<400x64xf32, #tpu.memory_space<vmem>>, vector<1x16xf32>,
      %broadcast_in_dim3A_32 = arith.constant 0.000000e+00 : f32
      %broadcast_in_dim3A_33 = vector.broadcast %broadcast_in_dim3A_32 : f32 to vector<16xf32>
      %swap3A_34 = arith.index_cast %add3A_19 : i32 to index
      %swap3A_35 = arith.constant 32 : index
      %swap3A_36 = tpu.vector_load %arg7[%swap3A_34, %swap3A_35] {strides = array<i32>} : memref<400x64xf32, #tpu.memory_space<vmem>>, vector<1x16xf32>,
      %swap3A_37 = vector.shape_cast %swap3A_36 : vector<1x16xf32> to vector<16xf32>
      %swap3A_38 = vector.shape_cast %broadcast_in_dim3A_33 : vector<16xf32> to vector<1x16xf32>
      tpu.vector_store %arg7[%swap3A_34, %swap3A_35], %swap3A_38 {strides = array<i32>} : memref<400x64xf32, #tpu.memory_space<vmem>>, vector<1x16xf32>,
      %broadcast_in_dim3A_39 = arith.constant 0.000000e+00 : f32
      %broadcast_in_dim3A_40 = vector.broadcast %broadcast_in_dim3A_39 : f32 to vector<16xf32>
      %swap3A_41 = arith.index_cast %add3A_19 : i32 to index
      %swap3A_42 = arith.constant 48 : index
      %swap3A_43 = tpu.vector_load %arg7[%swap3A_41, %swap3A_42] {strides = array<i32>} : memref<400x64xf32, #tpu.memory_space<vmem>>, vector<1x16xf32>,
      %swap3A_44 = vector.shape_cast %swap3A_43 : vector<1x16xf32> to vector<16xf32>
      %swap3A_45 = vector.shape_cast %broadcast_in_dim3A_40 : vector<16xf32> to vector<1x16xf32>
      tpu.vector_store %arg7[%swap3A_41, %swap3A_42], %swap3A_45 {strides = array<i32>} : memref<400x64xf32, #tpu.memory_space<vmem>>, vector<1x16xf32>,
    }
    %scan3A_9 = arith.constant 400 : i32
    %scan3A_10 = arith.constant 0 : i32
    %scan3A_11 = arith.constant 4 : i32
    %scan3A_12 = arith.addi %scan3A_10, %scan3A_11 : i32
    %scan3A_13 = arith.constant 1 : i32
    scf.for %scan3A_15 = %scan3A_10 to %scan3A_12 step %scan3A_13  : i32 {
      %mul3A_16 = arith.constant 1 : i32
      %mul3A_17 = arith.muli %scan3A_15, %mul3A_16 : i32
      %add3A_18 = arith.constant 0 : i32
      %add3A_19 = arith.addi %add3A_18, %mul3A_17 : i32
      %mul3A_20 = arith.constant 32 : i32
      %mul3A_21 = arith.muli %mul3A_20, %add3A_19 : i32
      %add3A_22 = arith.addi %add3A, %mul3A_21 : i32
      %lt3A = arith.constant 125 : i32
      %lt3A_23 = arith.cmpi slt, %add3A_22, %lt3A : i32
      %convert_element_type3A = arith.extui %lt3A_23 : i1 to i32
      %cond3A = arith.constant 0 : i32
      %cond3A_24 = arith.cmpi ne, %convert_element_type3A, %cond3A : i32
      scf.if %cond3A_24 {
        %mul3A_25 = arith.constant 400 : i32
        %mul3A_26 = arith.muli %add3A_22, %mul3A_25 : i32
        %dma_start3A = arith.constant 0 : i32
        %dma_start3A_27 = arith.constant 0 : i32
        %dma_start3A_28 = tpu.memref_slice %arg3[%dma_start3A, %add3A_22, %dma_start3A_27] : memref<27x125x400xi32, #tpu.memory_space<hbm>> -> memref<27x1x400xi32, #tpu.memory_space<hbm>>
        %dma_start3A_29 = tpu.memref_squeeze %dma_start3A_28 : memref<27x1x400xi32, #tpu.memory_space<hbm>> -> memref<27x400xi32, #tpu.memory_space<hbm>>
        %dma_start3A_30 = arith.constant 0 : i32
        %dma_start3A_31 = arith.constant 0 : i32
        %dma_start3A_32 = tpu.memref_slice %arg3[%dma_start3A_30, %add3A_22, %dma_start3A_31] : memref<27x125x400xi32, #tpu.memory_space<hbm>> -> memref<27x1x400xi32, #tpu.memory_space<hbm>>
        %dma_start3A_33 = tpu.memref_squeeze %dma_start3A_32 : memref<27x1x400xi32, #tpu.memory_space<hbm>> -> memref<27x400xi32, #tpu.memory_space<hbm>>
        tpu.enqueue_dma source(%dma_start3A_33 : memref<27x400xi32, #tpu.memory_space<hbm>>) target(%arg5 : memref<27x400xi32, #tpu.memory_space<vmem>>) target_semaphore(%arg13 : memref<!tpu.dma_semaphore, #tpu.memory_space<semaphore_mem>>)
        %dma_wait3A = arith.constant 0 : i32
        %dma_wait3A_34 = arith.constant 0 : i32
        %dma_wait3A_35 = tpu.memref_slice %arg3[%dma_wait3A, %add3A_22, %dma_wait3A_34] : memref<27x125x400xi32, #tpu.memory_space<hbm>> -> memref<27x1x400xi32, #tpu.memory_space<hbm>>
        %dma_wait3A_36 = tpu.memref_squeeze %dma_wait3A_35 : memref<27x1x400xi32, #tpu.memory_space<hbm>> -> memref<27x400xi32, #tpu.memory_space<hbm>>
        %dma_wait3A_37 = arith.constant 0 : i32
        %dma_wait3A_38 = arith.constant 0 : i32
        %dma_wait3A_39 = tpu.memref_slice %arg3[%dma_wait3A_37, %add3A_22, %dma_wait3A_38] : memref<27x125x400xi32, #tpu.memory_space<hbm>> -> memref<27x1x400xi32, #tpu.memory_space<hbm>>
        %dma_wait3A_40 = tpu.memref_squeeze %dma_wait3A_39 : memref<27x1x400xi32, #tpu.memory_space<hbm>> -> memref<27x400xi32, #tpu.memory_space<hbm>>
        tpu.wait_dma2 semaphore(%arg13 : memref<!tpu.dma_semaphore, #tpu.memory_space<semaphore_mem>>) src(%dma_wait3A_40 : memref<27x400xi32, #tpu.memory_space<hbm>>) dst(%arg5 : memref<27x400xi32, #tpu.memory_space<vmem>>)
        %mul3A_41 = arith.constant 400 : i32
        %mul3A_42 = arith.muli %arg1, %mul3A_41 : i32
        %dma_start3A_43 = arith.constant 0 : i32
        %dma_start3A_44 = tpu.memref_slice %arg10[%mul3A_42, %dma_start3A_43] : memref<6400x64xf32, #tpu.memory_space<vmem_shared>> -> memref<400x64xf32, #tpu.memory_space<vmem_shared>>
        %dma_start3A_45 = arith.constant 0 : i32
        %dma_start3A_46 = tpu.memref_slice %arg10[%mul3A_42, %dma_start3A_45] : memref<6400x64xf32, #tpu.memory_space<vmem_shared>> -> memref<400x64xf32, #tpu.memory_space<vmem_shared>>
        tpu.enqueue_dma source(%arg7 : memref<400x64xf32, #tpu.memory_space<vmem>>) target(%dma_start3A_46 : memref<400x64xf32, #tpu.memory_space<vmem_shared>>) target_semaphore(%arg13 : memref<!tpu.dma_semaphore, #tpu.memory_space<semaphore_mem>>)
        %dma_wait3A_47 = arith.constant 0 : i32
        %dma_wait3A_48 = tpu.memref_slice %arg10[%mul3A_42, %dma_wait3A_47] : memref<6400x64xf32, #tpu.memory_space<vmem_shared>> -> memref<400x64xf32, #tpu.memory_space<vmem_shared>>
        %dma_wait3A_49 = arith.constant 0 : i32
        %dma_wait3A_50 = tpu.memref_slice %arg10[%mul3A_42, %dma_wait3A_49] : memref<6400x64xf32, #tpu.memory_space<vmem_shared>> -> memref<400x64xf32, #tpu.memory_space<vmem_shared>>
        tpu.wait_dma2 semaphore(%arg13 : memref<!tpu.dma_semaphore, #tpu.memory_space<semaphore_mem>>) src(%arg7 : memref<400x64xf32, #tpu.memory_space<vmem>>) dst(%dma_wait3A_50 : memref<400x64xf32, #tpu.memory_space<vmem_shared>>)
        %dma_start3A_51 = arith.constant 0 : i32
        %dma_start3A_52 = arith.constant 0 : i32
        %dma_start3A_53 = tpu.memref_slice %arg5[%dma_start3A_51, %dma_start3A_52] : memref<27x400xi32, #tpu.memory_space<vmem>> -> memref<1x400xi32, #tpu.memory_space<vmem>>
        %dma_start3A_54 = tpu.memref_squeeze %dma_start3A_53 : memref<1x400xi32, #tpu.memory_space<vmem>> -> memref<400xi32, #tpu.memory_space<vmem>>
        %dma_start3A_55 = arith.constant 0 : i32
        %dma_start3A_56 = arith.constant 0 : i32
        %dma_start3A_57 = tpu.memref_slice %arg2[%dma_start3A_55, %dma_start3A_56] : memref<1404000x64xf32, #tpu.memory_space<hbm>> -> memref<1404000x64xf32, #tpu.memory_space<hbm>>
        tpu.enqueue_indirect_dma source(%dma_start3A_57 : memref<1404000x64xf32, #tpu.memory_space<hbm>>) target(%arg8 : memref<400x64xf32, #tpu.memory_space<vmem>>) offsets(%dma_start3A_54 : memref<400xi32, #tpu.memory_space<vmem>>) semaphore(%arg11 : memref<!tpu.dma_semaphore, #tpu.memory_space<semaphore_mem>>)
        %scan3A_58 = arith.constant 0 : i32
        %scan3A_59 = arith.constant 13 : i32
        %scan3A_60 = arith.addi %scan3A_58, %scan3A_59 : i32
        %scan3A_61 = arith.constant 1 : i32
        scf.for %scan3A_80 = %scan3A_58 to %scan3A_60 step %scan3A_61  : i32 {
          %mul3A_81 = arith.constant 1 : i32
          %mul3A_82 = arith.muli %scan3A_80, %mul3A_81 : i32
          %add3A_83 = arith.constant 0 : i32
          %add3A_84 = arith.addi %add3A_83, %mul3A_82 : i32
          %mul3A_85 = arith.constant 2 : i32
          %mul3A_86 = arith.muli %mul3A_85, %add3A_84 : i32
          %add3A_87 = arith.constant 1 : i32
          %add3A_88 = arith.addi %mul3A_86, %add3A_87 : i32
          %dma_start3A_89 = arith.constant 0 : i32
          %dma_start3A_90 = tpu.memref_slice %arg5[%add3A_88, %dma_start3A_89] : memref<27x400xi32, #tpu.memory_space<vmem>> -> memref<1x400xi32, #tpu.memory_space<vmem>>
          %dma_start3A_91 = tpu.memref_squeeze %dma_start3A_90 : memref<1x400xi32, #tpu.memory_space<vmem>> -> memref<400xi32, #tpu.memory_space<vmem>>
          %dma_start3A_92 = arith.constant 0 : i32
          %dma_start3A_93 = arith.constant 0 : i32
          %dma_start3A_94 = tpu.memref_slice %arg2[%dma_start3A_92, %dma_start3A_93] : memref<1404000x64xf32, #tpu.memory_space<hbm>> -> memref<1404000x64xf32, #tpu.memory_space<hbm>>
          tpu.enqueue_indirect_dma source(%dma_start3A_94 : memref<1404000x64xf32, #tpu.memory_space<hbm>>) target(%arg9 : memref<400x64xf32, #tpu.memory_space<vmem>>) offsets(%dma_start3A_91 : memref<400xi32, #tpu.memory_space<vmem>>) semaphore(%arg12 : memref<!tpu.dma_semaphore, #tpu.memory_space<semaphore_mem>>)
          %dma_wait3A_95 = arith.constant 0 : i32
          %dma_wait3A_96 = arith.constant 0 : i32
          %dma_wait3A_97 = tpu.memref_slice %arg5[%dma_wait3A_95, %dma_wait3A_96] : memref<27x400xi32, #tpu.memory_space<vmem>> -> memref<1x400xi32, #tpu.memory_space<vmem>>
          %dma_wait3A_98 = tpu.memref_squeeze %dma_wait3A_97 : memref<1x400xi32, #tpu.memory_space<vmem>> -> memref<400xi32, #tpu.memory_space<vmem>>
          %dma_wait3A_99 = arith.constant 0 : i32
          %dma_wait3A_100 = arith.constant 0 : i32
          %dma_wait3A_101 = tpu.memref_slice %arg2[%dma_wait3A_99, %dma_wait3A_100] : memref<1404000x64xf32, #tpu.memory_space<hbm>> -> memref<1404000x64xf32, #tpu.memory_space<hbm>>
          tpu.wait_indirect_dma semaphore(%arg11 : memref<!tpu.dma_semaphore, #tpu.memory_space<semaphore_mem>>) src(%dma_wait3A_101 : memref<1404000x64xf32, #tpu.memory_space<hbm>>) dst(%arg8 : memref<400x64xf32, #tpu.memory_space<vmem>>)
          "tpu.region"() ({
            %run_scoped3A = tpu.sem_alloc : memref<!tpu.dma_semaphore, #tpu.memory_space<semaphore_mem>>
            %dma_start3A_119 = arith.constant 0 : i32
            %dma_start3A_120 = arith.constant 0 : i32
            %dma_start3A_121 = tpu.memref_slice %arg10[%dma_start3A_119, %dma_start3A_120] : memref<6400x64xf32, #tpu.memory_space<vmem_shared>> -> memref<6400x64xf32, #tpu.memory_space<vmem_shared>>
            tpu.enqueue_indirect_dma source(%arg8 : memref<400x64xf32, #tpu.memory_space<vmem>>) target(%dma_start3A_121 : memref<6400x64xf32, #tpu.memory_space<vmem_shared>>) offsets(%arg6 : memref<400xi32, #tpu.memory_space<vmem>>) semaphore(%run_scoped3A : memref<!tpu.dma_semaphore, #tpu.memory_space<semaphore_mem>>) {add = true}
            %dma_wait3A_122 = arith.constant 0 : i32
            %dma_wait3A_123 = arith.constant 0 : i32
            %dma_wait3A_124 = tpu.memref_slice %arg10[%dma_wait3A_122, %dma_wait3A_123] : memref<6400x64xf32, #tpu.memory_space<vmem_shared>> -> memref<6400x64xf32, #tpu.memory_space<vmem_shared>>
            tpu.wait_indirect_dma semaphore(%run_scoped3A : memref<!tpu.dma_semaphore, #tpu.memory_space<semaphore_mem>>) src(%arg8 : memref<400x64xf32, #tpu.memory_space<vmem>>) dst(%dma_wait3A_124 : memref<6400x64xf32, #tpu.memory_space<vmem_shared>>)
            tpu.yield
          }) : () -> ()
          %mul3A_102 = arith.constant 2 : i32
          %mul3A_103 = arith.muli %mul3A_102, %add3A_84 : i32
          %add3A_104 = arith.constant 2 : i32
          %add3A_105 = arith.addi %mul3A_103, %add3A_104 : i32
          %dma_start3A_106 = arith.constant 0 : i32
          %dma_start3A_107 = tpu.memref_slice %arg5[%add3A_105, %dma_start3A_106] : memref<27x400xi32, #tpu.memory_space<vmem>> -> memref<1x400xi32, #tpu.memory_space<vmem>>
          %dma_start3A_108 = tpu.memref_squeeze %dma_start3A_107 : memref<1x400xi32, #tpu.memory_space<vmem>> -> memref<400xi32, #tpu.memory_space<vmem>>
          %dma_start3A_109 = arith.constant 0 : i32
          %dma_start3A_110 = arith.constant 0 : i32
          %dma_start3A_111 = tpu.memref_slice %arg2[%dma_start3A_109, %dma_start3A_110] : memref<1404000x64xf32, #tpu.memory_space<hbm>> -> memref<1404000x64xf32, #tpu.memory_space<hbm>>
          tpu.enqueue_indirect_dma source(%dma_start3A_111 : memref<1404000x64xf32, #tpu.memory_space<hbm>>) target(%arg8 : memref<400x64xf32, #tpu.memory_space<vmem>>) offsets(%dma_start3A_108 : memref<400xi32, #tpu.memory_space<vmem>>) semaphore(%arg11 : memref<!tpu.dma_semaphore, #tpu.memory_space<semaphore_mem>>)
          %dma_wait3A_112 = arith.constant 0 : i32
          %dma_wait3A_113 = arith.constant 0 : i32
          %dma_wait3A_114 = tpu.memref_slice %arg5[%dma_wait3A_112, %dma_wait3A_113] : memref<27x400xi32, #tpu.memory_space<vmem>> -> memref<1x400xi32, #tpu.memory_space<vmem>>
          %dma_wait3A_115 = tpu.memref_squeeze %dma_wait3A_114 : memref<1x400xi32, #tpu.memory_space<vmem>> -> memref<400xi32, #tpu.memory_space<vmem>>
          %dma_wait3A_116 = arith.constant 0 : i32
          %dma_wait3A_117 = arith.constant 0 : i32
          %dma_wait3A_118 = tpu.memref_slice %arg2[%dma_wait3A_116, %dma_wait3A_117] : memref<1404000x64xf32, #tpu.memory_space<hbm>> -> memref<1404000x64xf32, #tpu.memory_space<hbm>>
          tpu.wait_indirect_dma semaphore(%arg12 : memref<!tpu.dma_semaphore, #tpu.memory_space<semaphore_mem>>) src(%dma_wait3A_118 : memref<1404000x64xf32, #tpu.memory_space<hbm>>) dst(%arg9 : memref<400x64xf32, #tpu.memory_space<vmem>>)
          "tpu.region"() ({
            %run_scoped3A = tpu.sem_alloc : memref<!tpu.dma_semaphore, #tpu.memory_space<semaphore_mem>>
            %dma_start3A_119 = arith.constant 0 : i32
            %dma_start3A_120 = arith.constant 0 : i32
            %dma_start3A_121 = tpu.memref_slice %arg10[%dma_start3A_119, %dma_start3A_120] : memref<6400x64xf32, #tpu.memory_space<vmem_shared>> -> memref<6400x64xf32, #tpu.memory_space<vmem_shared>>
            tpu.enqueue_indirect_dma source(%arg9 : memref<400x64xf32, #tpu.memory_space<vmem>>) target(%dma_start3A_121 : memref<6400x64xf32, #tpu.memory_space<vmem_shared>>) offsets(%arg6 : memref<400xi32, #tpu.memory_space<vmem>>) semaphore(%run_scoped3A : memref<!tpu.dma_semaphore, #tpu.memory_space<semaphore_mem>>) {add = true}
            %dma_wait3A_122 = arith.constant 0 : i32
            %dma_wait3A_123 = arith.constant 0 : i32
            %dma_wait3A_124 = tpu.memref_slice %arg10[%dma_wait3A_122, %dma_wait3A_123] : memref<6400x64xf32, #tpu.memory_space<vmem_shared>> -> memref<6400x64xf32, #tpu.memory_space<vmem_shared>>
            tpu.wait_indirect_dma semaphore(%run_scoped3A : memref<!tpu.dma_semaphore, #tpu.memory_space<semaphore_mem>>) src(%arg9 : memref<400x64xf32, #tpu.memory_space<vmem>>) dst(%dma_wait3A_124 : memref<6400x64xf32, #tpu.memory_space<vmem_shared>>)
            tpu.yield
          }) : () -> ()
        }
        %scan3A_62 = arith.constant 13 : i32
        %dma_wait3A_63 = arith.constant 0 : i32
        %dma_wait3A_64 = arith.constant 0 : i32
        %dma_wait3A_65 = tpu.memref_slice %arg5[%dma_wait3A_63, %dma_wait3A_64] : memref<27x400xi32, #tpu.memory_space<vmem>> -> memref<1x400xi32, #tpu.memory_space<vmem>>
        %dma_wait3A_66 = tpu.memref_squeeze %dma_wait3A_65 : memref<1x400xi32, #tpu.memory_space<vmem>> -> memref<400xi32, #tpu.memory_space<vmem>>
        %dma_wait3A_67 = arith.constant 0 : i32
        %dma_wait3A_68 = arith.constant 0 : i32
        %dma_wait3A_69 = tpu.memref_slice %arg2[%dma_wait3A_67, %dma_wait3A_68] : memref<1404000x64xf32, #tpu.memory_space<hbm>> -> memref<1404000x64xf32, #tpu.memory_space<hbm>>
        tpu.wait_indirect_dma semaphore(%arg11 : memref<!tpu.dma_semaphore, #tpu.memory_space<semaphore_mem>>) src(%dma_wait3A_69 : memref<1404000x64xf32, #tpu.memory_space<hbm>>) dst(%arg8 : memref<400x64xf32, #tpu.memory_space<vmem>>)
        "tpu.region"() ({
          %run_scoped3A = tpu.sem_alloc : memref<!tpu.dma_semaphore, #tpu.memory_space<semaphore_mem>>
          %dma_start3A_80 = arith.constant 0 : i32
          %dma_start3A_81 = arith.constant 0 : i32
          %dma_start3A_82 = tpu.memref_slice %arg10[%dma_start3A_80, %dma_start3A_81] : memref<6400x64xf32, #tpu.memory_space<vmem_shared>> -> memref<6400x64xf32, #tpu.memory_space<vmem_shared>>
          tpu.enqueue_indirect_dma source(%arg8 : memref<400x64xf32, #tpu.memory_space<vmem>>) target(%dma_start3A_82 : memref<6400x64xf32, #tpu.memory_space<vmem_shared>>) offsets(%arg6 : memref<400xi32, #tpu.memory_space<vmem>>) semaphore(%run_scoped3A : memref<!tpu.dma_semaphore, #tpu.memory_space<semaphore_mem>>) {add = true}
          %dma_wait3A_83 = arith.constant 0 : i32
          %dma_wait3A_84 = arith.constant 0 : i32
          %dma_wait3A_85 = tpu.memref_slice %arg10[%dma_wait3A_83, %dma_wait3A_84] : memref<6400x64xf32, #tpu.memory_space<vmem_shared>> -> memref<6400x64xf32, #tpu.memory_space<vmem_shared>>
          tpu.wait_indirect_dma semaphore(%run_scoped3A : memref<!tpu.dma_semaphore, #tpu.memory_space<semaphore_mem>>) src(%arg8 : memref<400x64xf32, #tpu.memory_space<vmem>>) dst(%dma_wait3A_85 : memref<6400x64xf32, #tpu.memory_space<vmem_shared>>)
          tpu.yield
        }) : () -> ()
        %mul3A_70 = arith.constant 400 : i32
        %mul3A_71 = arith.muli %arg1, %mul3A_70 : i32
        %dma_start3A_72 = arith.constant 0 : i32
        %dma_start3A_73 = tpu.memref_slice %arg4[%mul3A_26, %dma_start3A_72] : memref<50000x64xf32, #tpu.memory_space<hbm>> -> memref<400x64xf32, #tpu.memory_space<hbm>>
        %dma_start3A_74 = arith.constant 0 : i32
        %dma_start3A_75 = tpu.memref_slice %arg10[%mul3A_71, %dma_start3A_74] : memref<6400x64xf32, #tpu.memory_space<vmem_shared>> -> memref<400x64xf32, #tpu.memory_space<vmem_shared>>
        tpu.enqueue_dma source(%dma_start3A_75 : memref<400x64xf32, #tpu.memory_space<vmem_shared>>) target(%dma_start3A_73 : memref<400x64xf32, #tpu.memory_space<hbm>>) target_semaphore(%arg13 : memref<!tpu.dma_semaphore, #tpu.memory_space<semaphore_mem>>)
        %dma_wait3A_76 = arith.constant 0 : i32
        %dma_wait3A_77 = tpu.memref_slice %arg4[%mul3A_26, %dma_wait3A_76] : memref<50000x64xf32, #tpu.memory_space<hbm>> -> memref<400x64xf32, #tpu.memory_space<hbm>>
        %dma_wait3A_78 = arith.constant 0 : i32
        %dma_wait3A_79 = tpu.memref_slice %arg10[%mul3A_71, %dma_wait3A_78] : memref<6400x64xf32, #tpu.memory_space<vmem_shared>> -> memref<400x64xf32, #tpu.memory_space<vmem_shared>>
        tpu.wait_dma2 semaphore(%arg13 : memref<!tpu.dma_semaphore, #tpu.memory_space<semaphore_mem>>) src(%dma_wait3A_79 : memref<400x64xf32, #tpu.memory_space<vmem_shared>>) dst(%dma_wait3A_77 : memref<400x64xf32, #tpu.memory_space<hbm>>)
      } else {
      }
    }
    %scan3A_14 = arith.constant 4 : i32
    return
  }
}

#map = affine_map<(d0, d1) -> (0, 0)>
#map1 = affine_map<(d0, d1) -> (0, 0, 0)>
module attributes {stable_mosaic.version = 14 : i64} {
  func.func @k(%arg0: i32, %arg1: i32, %arg2: memref<1404000x64xf32, #tpu.memory_space<hbm>>, %arg3: memref<27x125x400xi32, #tpu.memory_space<hbm>>, %arg4: memref<50000x64xf32, #tpu.memory_space<hbm>>, %arg5: memref<27x400xi32, #tpu.memory_space<vmem>>, %arg6: memref<400xi32, #tpu.memory_space<vmem>>, %arg7: memref<400x64xf32, #tpu.memory_space<vmem>>, %arg8: memref<400x64xf32, #tpu.memory_space<vmem>>, %arg9: memref<400x64xf32, #tpu.memory_space<vmem>>, %arg10: memref<6400x64xf32, #tpu.memory_space<vmem_shared>>, %arg11: memref<!tpu.dma_semaphore, #tpu.memory_space<semaphore_mem>>, %arg12: memref<!tpu.dma_semaphore, #tpu.memory_space<semaphore_mem>>, %arg13: memref<!tpu.dma_semaphore, #tpu.memory_space<semaphore_mem>>) attributes {dimension_semantics = [#tpu.dimension_semantics<core_parallel>, #tpu.dimension_semantics<subcore_parallel>], iteration_bounds = array<i64: 2, 16>, scalar_prefetch = 0 : i64, scratch_operands = 9 : i64, tpu.core_type = #tpu.core_type<sc_vector_subcore>, window_params = [{transform_indices = #map}, {transform_indices = #map1}, {transform_indices = #map}]} {
    %mul3A = arith.constant 2 : i32
    %mul3A_0 = arith.muli %arg1, %mul3A : i32
    %add3A = arith.addi %mul3A_0, %arg0 : i32
    %scan3A = arith.constant 0 : i32
    %scan3A_1 = arith.constant 25 : i32
    %scan3A_2 = arith.addi %scan3A, %scan3A_1 : i32
    %scan3A_3 = arith.constant 1 : i32
    scf.for %scan3A_15 = %scan3A to %scan3A_2 step %scan3A_3  : i32 {
      %mul3A_16 = arith.constant 1 : i32
      %mul3A_17 = arith.muli %scan3A_15, %mul3A_16 : i32
      %add3A_18 = arith.constant 0 : i32
      %add3A_19 = arith.addi %add3A_18, %mul3A_17 : i32
      %mul3A_20 = arith.constant 16 : i32
      %mul3A_21 = arith.muli %add3A_19, %mul3A_20 : i32
      %iota3A = tpu.iota {dimensions = array<i32: 0>} : vector<16xi32>
      %mul3A_22 = arith.constant 16 : i32
      %mul3A_23 = arith.muli %add3A_19, %mul3A_22 : i32
      %mul3A_24 = arith.constant 400 : i32
      %mul3A_25 = arith.muli %arg1, %mul3A_24 : i32
      %add3A_26 = arith.addi %mul3A_23, %mul3A_25 : i32
      %add3A_27 = vector.broadcast %add3A_26 : i32 to vector<16xi32>
      %add3A_28 = arith.addi %iota3A, %add3A_27 : vector<16xi32>
      %swap3A = arith.index_cast %mul3A_21 : i32 to index
      %swap3A_29 = tpu.vector_load %arg6[%swap3A] {strides = array<i32>} : memref<400xi32, #tpu.memory_space<vmem>>, vector<16xi32>,
      %swap3A_30 = vector.shape_cast %swap3A_29 : vector<16xi32> to vector<16xi32>
      %swap3A_31 = vector.shape_cast %add3A_28 : vector<16xi32> to vector<16xi32>
      tpu.vector_store %arg6[%swap3A], %swap3A_31 {strides = array<i32>} : memref<400xi32, #tpu.memory_space<vmem>>, vector<16xi32>,
    }
    %scan3A_4 = arith.constant 25 : i32
    %scan3A_5 = arith.constant 0 : i32
    %scan3A_6 = arith.constant 400 : i32
    %scan3A_7 = arith.addi %scan3A_5, %scan3A_6 : i32
    %scan3A_8 = arith.constant 1 : i32
    scf.for %scan3A_15 = %scan3A_5 to %scan3A_7 step %scan3A_8  : i32 {
      %mul3A_16 = arith.constant 1 : i32
      %mul3A_17 = arith.muli %scan3A_15, %mul3A_16 : i32
      %add3A_18 = arith.constant 0 : i32
      %add3A_19 = arith.addi %add3A_18, %mul3A_17 : i32
      %broadcast_in_dim3A = arith.constant 0.000000e+00 : f32
      %broadcast_in_dim3A_20 = vector.broadcast %broadcast_in_dim3A : f32 to vector<16xf32>
      %swap3A = arith.index_cast %add3A_19 : i32 to index
      %swap3A_21 = arith.constant 0 : index
      %swap3A_22 = tpu.vector_load %arg7[%swap3A, %swap3A_21] {strides = array<i32>} : memref<400x64xf32, #tpu.memory_space<vmem>>, vector<1x16xf32>,
      %swap3A_23 = vector.shape_cast %swap3A_22 : vector<1x16xf32> to vector<16xf32>
      %swap3A_24 = vector.shape_cast %broadcast_in_dim3A_20 : vector<16xf32> to vector<1x16xf32>
      tpu.vector_store %arg7[%swap3A, %swap3A_21], %swap3A_24 {strides = array<i32>} : memref<400x64xf32, #tpu.memory_space<vmem>>, vector<1x16xf32>,
      %broadcast_in_dim3A_25 = arith.constant 0.000000e+00 : f32
      %broadcast_in_dim3A_26 = vector.broadcast %broadcast_in_dim3A_25 : f32 to vector<16xf32>
      %swap3A_27 = arith.index_cast %add3A_19 : i32 to index
      %swap3A_28 = arith.constant 16 : index
      %swap3A_29 = tpu.vector_load %arg7[%swap3A_27, %swap3A_28] {strides = array<i32>} : memref<400x64xf32, #tpu.memory_space<vmem>>, vector<1x16xf32>,
      %swap3A_30 = vector.shape_cast %swap3A_29 : vector<1x16xf32> to vector<16xf32>
      %swap3A_31 = vector.shape_cast %broadcast_in_dim3A_26 : vector<16xf32> to vector<1x16xf32>
      tpu.vector_store %arg7[%swap3A_27, %swap3A_28], %swap3A_31 {strides = array<i32>} : memref<400x64xf32, #tpu.memory_space<vmem>>, vector<1x16xf32>,
      %broadcast_in_dim3A_32 = arith.constant 0.000000e+00 : f32
      %broadcast_in_dim3A_33 = vector.broadcast %broadcast_in_dim3A_32 : f32 to vector<16xf32>
      %swap3A_34 = arith.index_cast %add3A_19 : i32 to index
      %swap3A_35 = arith.constant 32 : index
      %swap3A_36 = tpu.vector_load %arg7[%swap3A_34, %swap3A_35] {strides = array<i32>} : memref<400x64xf32, #tpu.memory_space<vmem>>, vector<1x16xf32>,
      %swap3A_37 = vector.shape_cast %swap3A_36 : vector<1x16xf32> to vector<16xf32>
      %swap3A_38 = vector.shape_cast %broadcast_in_dim3A_33 : vector<16xf32> to vector<1x16xf32>
      tpu.vector_store %arg7[%swap3A_34, %swap3A_35], %swap3A_38 {strides = array<i32>} : memref<400x64xf32, #tpu.memory_space<vmem>>, vector<1x16xf32>,
      %broadcast_in_dim3A_39 = arith.constant 0.000000e+00 : f32
      %broadcast_in_dim3A_40 = vector.broadcast %broadcast_in_dim3A_39 : f32 to vector<16xf32>
      %swap3A_41 = arith.index_cast %add3A_19 : i32 to index
      %swap3A_42 = arith.constant 48 : index
      %swap3A_43 = tpu.vector_load %arg7[%swap3A_41, %swap3A_42] {strides = array<i32>} : memref<400x64xf32, #tpu.memory_space<vmem>>, vector<1x16xf32>,
      %swap3A_44 = vector.shape_cast %swap3A_43 : vector<1x16xf32> to vector<16xf32>
      %swap3A_45 = vector.shape_cast %broadcast_in_dim3A_40 : vector<16xf32> to vector<1x16xf32>
      tpu.vector_store %arg7[%swap3A_41, %swap3A_42], %swap3A_45 {strides = array<i32>} : memref<400x64xf32, #tpu.memory_space<vmem>>, vector<1x16xf32>,
    }
    %scan3A_9 = arith.constant 400 : i32
    %scan3A_10 = arith.constant 0 : i32
    %scan3A_11 = arith.constant 4 : i32
    %scan3A_12 = arith.addi %scan3A_10, %scan3A_11 : i32
    %scan3A_13 = arith.constant 1 : i32
    scf.for %scan3A_15 = %scan3A_10 to %scan3A_12 step %scan3A_13  : i32 {
      %mul3A_16 = arith.constant 1 : i32
      %mul3A_17 = arith.muli %scan3A_15, %mul3A_16 : i32
      %add3A_18 = arith.constant 0 : i32
      %add3A_19 = arith.addi %add3A_18, %mul3A_17 : i32
      %mul3A_20 = arith.constant 32 : i32
      %mul3A_21 = arith.muli %mul3A_20, %add3A_19 : i32
      %add3A_22 = arith.addi %add3A, %mul3A_21 : i32
      %lt3A = arith.constant 125 : i32
      %lt3A_23 = arith.cmpi slt, %add3A_22, %lt3A : i32
      %convert_element_type3A = arith.extui %lt3A_23 : i1 to i32
      %cond3A = arith.constant 0 : i32
      %cond3A_24 = arith.cmpi ne, %convert_element_type3A, %cond3A : i32
      scf.if %cond3A_24 {
        %mul3A_25 = arith.constant 400 : i32
        %mul3A_26 = arith.muli %add3A_22, %mul3A_25 : i32
        %dma_start3A = arith.constant 0 : i32
        %dma_start3A_27 = arith.constant 0 : i32
        %dma_start3A_28 = tpu.memref_slice %arg3[%dma_start3A, %add3A_22, %dma_start3A_27] : memref<27x125x400xi32, #tpu.memory_space<hbm>> -> memref<27x1x400xi32, #tpu.memory_space<hbm>>
        %dma_start3A_29 = tpu.memref_squeeze %dma_start3A_28 : memref<27x1x400xi32, #tpu.memory_space<hbm>> -> memref<27x400xi32, #tpu.memory_space<hbm>>
        %dma_start3A_30 = arith.constant 0 : i32
        %dma_start3A_31 = arith.constant 0 : i32
        %dma_start3A_32 = tpu.memref_slice %arg3[%dma_start3A_30, %add3A_22, %dma_start3A_31] : memref<27x125x400xi32, #tpu.memory_space<hbm>> -> memref<27x1x400xi32, #tpu.memory_space<hbm>>
        %dma_start3A_33 = tpu.memref_squeeze %dma_start3A_32 : memref<27x1x400xi32, #tpu.memory_space<hbm>> -> memref<27x400xi32, #tpu.memory_space<hbm>>
        tpu.enqueue_dma source(%dma_start3A_33 : memref<27x400xi32, #tpu.memory_space<hbm>>) target(%arg5 : memref<27x400xi32, #tpu.memory_space<vmem>>) target_semaphore(%arg13 : memref<!tpu.dma_semaphore, #tpu.memory_space<semaphore_mem>>)
        %dma_wait3A = arith.constant 0 : i32
        %dma_wait3A_34 = arith.constant 0 : i32
        %dma_wait3A_35 = tpu.memref_slice %arg3[%dma_wait3A, %add3A_22, %dma_wait3A_34] : memref<27x125x400xi32, #tpu.memory_space<hbm>> -> memref<27x1x400xi32, #tpu.memory_space<hbm>>
        %dma_wait3A_36 = tpu.memref_squeeze %dma_wait3A_35 : memref<27x1x400xi32, #tpu.memory_space<hbm>> -> memref<27x400xi32, #tpu.memory_space<hbm>>
        %dma_wait3A_37 = arith.constant 0 : i32
        %dma_wait3A_38 = arith.constant 0 : i32
        %dma_wait3A_39 = tpu.memref_slice %arg3[%dma_wait3A_37, %add3A_22, %dma_wait3A_38] : memref<27x125x400xi32, #tpu.memory_space<hbm>> -> memref<27x1x400xi32, #tpu.memory_space<hbm>>
        %dma_wait3A_40 = tpu.memref_squeeze %dma_wait3A_39 : memref<27x1x400xi32, #tpu.memory_space<hbm>> -> memref<27x400xi32, #tpu.memory_space<hbm>>
        tpu.wait_dma2 semaphore(%arg13 : memref<!tpu.dma_semaphore, #tpu.memory_space<semaphore_mem>>) src(%dma_wait3A_40 : memref<27x400xi32, #tpu.memory_space<hbm>>) dst(%arg5 : memref<27x400xi32, #tpu.memory_space<vmem>>)
        %mul3A_41 = arith.constant 400 : i32
        %mul3A_42 = arith.muli %arg1, %mul3A_41 : i32
        %dma_start3A_43 = arith.constant 0 : i32
        %dma_start3A_44 = tpu.memref_slice %arg10[%mul3A_42, %dma_start3A_43] : memref<6400x64xf32, #tpu.memory_space<vmem_shared>> -> memref<400x64xf32, #tpu.memory_space<vmem_shared>>
        %dma_start3A_45 = arith.constant 0 : i32
        %dma_start3A_46 = tpu.memref_slice %arg10[%mul3A_42, %dma_start3A_45] : memref<6400x64xf32, #tpu.memory_space<vmem_shared>> -> memref<400x64xf32, #tpu.memory_space<vmem_shared>>
        tpu.enqueue_dma source(%arg7 : memref<400x64xf32, #tpu.memory_space<vmem>>) target(%dma_start3A_46 : memref<400x64xf32, #tpu.memory_space<vmem_shared>>) target_semaphore(%arg13 : memref<!tpu.dma_semaphore, #tpu.memory_space<semaphore_mem>>)
        %dma_wait3A_47 = arith.constant 0 : i32
        %dma_wait3A_48 = tpu.memref_slice %arg10[%mul3A_42, %dma_wait3A_47] : memref<6400x64xf32, #tpu.memory_space<vmem_shared>> -> memref<400x64xf32, #tpu.memory_space<vmem_shared>>
        %dma_wait3A_49 = arith.constant 0 : i32
        %dma_wait3A_50 = tpu.memref_slice %arg10[%mul3A_42, %dma_wait3A_49] : memref<6400x64xf32, #tpu.memory_space<vmem_shared>> -> memref<400x64xf32, #tpu.memory_space<vmem_shared>>
        tpu.wait_dma2 semaphore(%arg13 : memref<!tpu.dma_semaphore, #tpu.memory_space<semaphore_mem>>) src(%arg7 : memref<400x64xf32, #tpu.memory_space<vmem>>) dst(%dma_wait3A_50 : memref<400x64xf32, #tpu.memory_space<vmem_shared>>)
        %dma_start3A_51 = arith.constant 0 : i32
        %dma_start3A_52 = arith.constant 0 : i32
        %dma_start3A_53 = tpu.memref_slice %arg5[%dma_start3A_51, %dma_start3A_52] : memref<27x400xi32, #tpu.memory_space<vmem>> -> memref<1x400xi32, #tpu.memory_space<vmem>>
        %dma_start3A_54 = tpu.memref_squeeze %dma_start3A_53 : memref<1x400xi32, #tpu.memory_space<vmem>> -> memref<400xi32, #tpu.memory_space<vmem>>
        %dma_start3A_55 = arith.constant 0 : i32
        %dma_start3A_56 = arith.constant 0 : i32
        %dma_start3A_57 = tpu.memref_slice %arg2[%dma_start3A_55, %dma_start3A_56] : memref<1404000x64xf32, #tpu.memory_space<hbm>> -> memref<1404000x64xf32, #tpu.memory_space<hbm>>
        tpu.enqueue_indirect_dma source(%dma_start3A_57 : memref<1404000x64xf32, #tpu.memory_space<hbm>>) target(%arg8 : memref<400x64xf32, #tpu.memory_space<vmem>>) offsets(%dma_start3A_54 : memref<400xi32, #tpu.memory_space<vmem>>) semaphore(%arg11 : memref<!tpu.dma_semaphore, #tpu.memory_space<semaphore_mem>>)
        %scan3A_58 = arith.constant 0 : i32
        %scan3A_59 = arith.constant 13 : i32
        %scan3A_60 = arith.addi %scan3A_58, %scan3A_59 : i32
        %scan3A_61 = arith.constant 1 : i32
        scf.for %scan3A_80 = %scan3A_58 to %scan3A_60 step %scan3A_61  : i32 {
          %mul3A_81 = arith.constant 1 : i32
          %mul3A_82 = arith.muli %scan3A_80, %mul3A_81 : i32
          %add3A_83 = arith.constant 0 : i32
          %add3A_84 = arith.addi %add3A_83, %mul3A_82 : i32
          %mul3A_85 = arith.constant 2 : i32
          %mul3A_86 = arith.muli %mul3A_85, %add3A_84 : i32
          %add3A_87 = arith.constant 1 : i32
          %add3A_88 = arith.addi %mul3A_86, %add3A_87 : i32
          %dma_start3A_89 = arith.constant 0 : i32
          %dma_start3A_90 = tpu.memref_slice %arg5[%add3A_88, %dma_start3A_89] : memref<27x400xi32, #tpu.memory_space<vmem>> -> memref<1x400xi32, #tpu.memory_space<vmem>>
          %dma_start3A_91 = tpu.memref_squeeze %dma_start3A_90 : memref<1x400xi32, #tpu.memory_space<vmem>> -> memref<400xi32, #tpu.memory_space<vmem>>
          %dma_start3A_92 = arith.constant 0 : i32
          %dma_start3A_93 = arith.constant 0 : i32
          %dma_start3A_94 = tpu.memref_slice %arg2[%dma_start3A_92, %dma_start3A_93] : memref<1404000x64xf32, #tpu.memory_space<hbm>> -> memref<1404000x64xf32, #tpu.memory_space<hbm>>
          tpu.enqueue_indirect_dma source(%dma_start3A_94 : memref<1404000x64xf32, #tpu.memory_space<hbm>>) target(%arg9 : memref<400x64xf32, #tpu.memory_space<vmem>>) offsets(%dma_start3A_91 : memref<400xi32, #tpu.memory_space<vmem>>) semaphore(%arg12 : memref<!tpu.dma_semaphore, #tpu.memory_space<semaphore_mem>>)
          %dma_wait3A_95 = arith.constant 0 : i32
          %dma_wait3A_96 = arith.constant 0 : i32
          %dma_wait3A_97 = tpu.memref_slice %arg5[%dma_wait3A_95, %dma_wait3A_96] : memref<27x400xi32, #tpu.memory_space<vmem>> -> memref<1x400xi32, #tpu.memory_space<vmem>>
          %dma_wait3A_98 = tpu.memref_squeeze %dma_wait3A_97 : memref<1x400xi32, #tpu.memory_space<vmem>> -> memref<400xi32, #tpu.memory_space<vmem>>
          %dma_wait3A_99 = arith.constant 0 : i32
          %dma_wait3A_100 = arith.constant 0 : i32
          %dma_wait3A_101 = tpu.memref_slice %arg2[%dma_wait3A_99, %dma_wait3A_100] : memref<1404000x64xf32, #tpu.memory_space<hbm>> -> memref<1404000x64xf32, #tpu.memory_space<hbm>>
          tpu.wait_indirect_dma semaphore(%arg11 : memref<!tpu.dma_semaphore, #tpu.memory_space<semaphore_mem>>) src(%dma_wait3A_101 : memref<1404000x64xf32, #tpu.memory_space<hbm>>) dst(%arg8 : memref<400x64xf32, #tpu.memory_space<vmem>>)
          "tpu.region"() ({
            %run_scoped3A = tpu.sem_alloc : memref<!tpu.dma_semaphore, #tpu.memory_space<semaphore_mem>>
            %dma_start3A_119 = arith.constant 0 : i32
            %dma_start3A_120 = arith.constant 0 : i32
            %dma_start3A_121 = tpu.memref_slice %arg10[%dma_start3A_119, %dma_start3A_120] : memref<6400x64xf32, #tpu.memory_space<vmem_shared>> -> memref<6400x64xf32, #tpu.memory_space<vmem_shared>>
            tpu.enqueue_indirect_dma source(%arg8 : memref<400x64xf32, #tpu.memory_space<vmem>>) target(%dma_start3A_121 : memref<6400x64xf32, #tpu.memory_space<vmem_shared>>) offsets(%arg6 : memref<400xi32, #tpu.memory_space<vmem>>) semaphore(%run_scoped3A : memref<!tpu.dma_semaphore, #tpu.memory_space<semaphore_mem>>) {add = true}
            %dma_wait3A_122 = arith.constant 0 : i32
            %dma_wait3A_123 = arith.constant 0 : i32
            %dma_wait3A_124 = tpu.memref_slice %arg10[%dma_wait3A_122, %dma_wait3A_123] : memref<6400x64xf32, #tpu.memory_space<vmem_shared>> -> memref<6400x64xf32, #tpu.memory_space<vmem_shared>>
            tpu.wait_indirect_dma semaphore(%run_scoped3A : memref<!tpu.dma_semaphore, #tpu.memory_space<semaphore_mem>>) src(%arg8 : memref<400x64xf32, #tpu.memory_space<vmem>>) dst(%dma_wait3A_124 : memref<6400x64xf32, #tpu.memory_space<vmem_shared>>)
            tpu.yield
          }) : () -> ()
          %mul3A_102 = arith.constant 2 : i32
          %mul3A_103 = arith.muli %mul3A_102, %add3A_84 : i32
          %add3A_104 = arith.constant 2 : i32
          %add3A_105 = arith.addi %mul3A_103, %add3A_104 : i32
          %dma_start3A_106 = arith.constant 0 : i32
          %dma_start3A_107 = tpu.memref_slice %arg5[%add3A_105, %dma_start3A_106] : memref<27x400xi32, #tpu.memory_space<vmem>> -> memref<1x400xi32, #tpu.memory_space<vmem>>
          %dma_start3A_108 = tpu.memref_squeeze %dma_start3A_107 : memref<1x400xi32, #tpu.memory_space<vmem>> -> memref<400xi32, #tpu.memory_space<vmem>>
          %dma_start3A_109 = arith.constant 0 : i32
          %dma_start3A_110 = arith.constant 0 : i32
          %dma_start3A_111 = tpu.memref_slice %arg2[%dma_start3A_109, %dma_start3A_110] : memref<1404000x64xf32, #tpu.memory_space<hbm>> -> memref<1404000x64xf32, #tpu.memory_space<hbm>>
          tpu.enqueue_indirect_dma source(%dma_start3A_111 : memref<1404000x64xf32, #tpu.memory_space<hbm>>) target(%arg8 : memref<400x64xf32, #tpu.memory_space<vmem>>) offsets(%dma_start3A_108 : memref<400xi32, #tpu.memory_space<vmem>>) semaphore(%arg11 : memref<!tpu.dma_semaphore, #tpu.memory_space<semaphore_mem>>)
          %dma_wait3A_112 = arith.constant 0 : i32
          %dma_wait3A_113 = arith.constant 0 : i32
          %dma_wait3A_114 = tpu.memref_slice %arg5[%dma_wait3A_112, %dma_wait3A_113] : memref<27x400xi32, #tpu.memory_space<vmem>> -> memref<1x400xi32, #tpu.memory_space<vmem>>
          %dma_wait3A_115 = tpu.memref_squeeze %dma_wait3A_114 : memref<1x400xi32, #tpu.memory_space<vmem>> -> memref<400xi32, #tpu.memory_space<vmem>>
          %dma_wait3A_116 = arith.constant 0 : i32
          %dma_wait3A_117 = arith.constant 0 : i32
          %dma_wait3A_118 = tpu.memref_slice %arg2[%dma_wait3A_116, %dma_wait3A_117] : memref<1404000x64xf32, #tpu.memory_space<hbm>> -> memref<1404000x64xf32, #tpu.memory_space<hbm>>
          tpu.wait_indirect_dma semaphore(%arg12 : memref<!tpu.dma_semaphore, #tpu.memory_space<semaphore_mem>>) src(%dma_wait3A_118 : memref<1404000x64xf32, #tpu.memory_space<hbm>>) dst(%arg9 : memref<400x64xf32, #tpu.memory_space<vmem>>)
          "tpu.region"() ({
            %run_scoped3A = tpu.sem_alloc : memref<!tpu.dma_semaphore, #tpu.memory_space<semaphore_mem>>
            %dma_start3A_119 = arith.constant 0 : i32
            %dma_start3A_120 = arith.constant 0 : i32
            %dma_start3A_121 = tpu.memref_slice %arg10[%dma_start3A_119, %dma_start3A_120] : memref<6400x64xf32, #tpu.memory_space<vmem_shared>> -> memref<6400x64xf32, #tpu.memory_space<vmem_shared>>
            tpu.enqueue_indirect_dma source(%arg9 : memref<400x64xf32, #tpu.memory_space<vmem>>) target(%dma_start3A_121 : memref<6400x64xf32, #tpu.memory_space<vmem_shared>>) offsets(%arg6 : memref<400xi32, #tpu.memory_space<vmem>>) semaphore(%run_scoped3A : memref<!tpu.dma_semaphore, #tpu.memory_space<semaphore_mem>>) {add = true}
            %dma_wait3A_122 = arith.constant 0 : i32
            %dma_wait3A_123 = arith.constant 0 : i32
            %dma_wait3A_124 = tpu.memref_slice %arg10[%dma_wait3A_122, %dma_wait3A_123] : memref<6400x64xf32, #tpu.memory_space<vmem_shared>> -> memref<6400x64xf32, #tpu.memory_space<vmem_shared>>
            tpu.wait_indirect_dma semaphore(%run_scoped3A : memref<!tpu.dma_semaphore, #tpu.memory_space<semaphore_mem>>) src(%arg9 : memref<400x64xf32, #tpu.memory_space<vmem>>) dst(%dma_wait3A_124 : memref<6400x64xf32, #tpu.memory_space<vmem_shared>>)
            tpu.yield
          }) : () -> ()
        }
        %scan3A_62 = arith.constant 13 : i32
        %dma_wait3A_63 = arith.constant 0 : i32
        %dma_wait3A_64 = arith.constant 0 : i32
        %dma_wait3A_65 = tpu.memref_slice %arg5[%dma_wait3A_63, %dma_wait3A_64] : memref<27x400xi32, #tpu.memory_space<vmem>> -> memref<1x400xi32, #tpu.memory_space<vmem>>
        %dma_wait3A_66 = tpu.memref_squeeze %dma_wait3A_65 : memref<1x400xi32, #tpu.memory_space<vmem>> -> memref<400xi32, #tpu.memory_space<vmem>>
        %dma_wait3A_67 = arith.constant 0 : i32
        %dma_wait3A_68 = arith.constant 0 : i32
        %dma_wait3A_69 = tpu.memref_slice %arg2[%dma_wait3A_67, %dma_wait3A_68] : memref<1404000x64xf32, #tpu.memory_space<hbm>> -> memref<1404000x64xf32, #tpu.memory_space<hbm>>
        tpu.wait_indirect_dma semaphore(%arg11 : memref<!tpu.dma_semaphore, #tpu.memory_space<semaphore_mem>>) src(%dma_wait3A_69 : memref<1404000x64xf32, #tpu.memory_space<hbm>>) dst(%arg8 : memref<400x64xf32, #tpu.memory_space<vmem>>)
        "tpu.region"() ({
          %run_scoped3A = tpu.sem_alloc : memref<!tpu.dma_semaphore, #tpu.memory_space<semaphore_mem>>
          %dma_start3A_80 = arith.constant 0 : i32
          %dma_start3A_81 = arith.constant 0 : i32
          %dma_start3A_82 = tpu.memref_slice %arg10[%dma_start3A_80, %dma_start3A_81] : memref<6400x64xf32, #tpu.memory_space<vmem_shared>> -> memref<6400x64xf32, #tpu.memory_space<vmem_shared>>
          tpu.enqueue_indirect_dma source(%arg8 : memref<400x64xf32, #tpu.memory_space<vmem>>) target(%dma_start3A_82 : memref<6400x64xf32, #tpu.memory_space<vmem_shared>>) offsets(%arg6 : memref<400xi32, #tpu.memory_space<vmem>>) semaphore(%run_scoped3A : memref<!tpu.dma_semaphore, #tpu.memory_space<semaphore_mem>>) {add = true}
          %dma_wait3A_83 = arith.constant 0 : i32
          %dma_wait3A_84 = arith.constant 0 : i32
          %dma_wait3A_85 = tpu.memref_slice %arg10[%dma_wait3A_83, %dma_wait3A_84] : memref<6400x64xf32, #tpu.memory_space<vmem_shared>> -> memref<6400x64xf32, #tpu.memory_space<vmem_shared>>
          tpu.wait_indirect_dma semaphore(%run_scoped3A : memref<!tpu.dma_semaphore, #tpu.memory_space<semaphore_mem>>) src(%arg8 : memref<400x64xf32, #tpu.memory_space<vmem>>) dst(%dma_wait3A_85 : memref<6400x64xf32, #tpu.memory_space<vmem_shared>>)
          tpu.yield
        }) : () -> ()
        %mul3A_70 = arith.constant 400 : i32
        %mul3A_71 = arith.muli %arg1, %mul3A_70 : i32
        %dma_start3A_72 = arith.constant 0 : i32
        %dma_start3A_73 = tpu.memref_slice %arg4[%mul3A_26, %dma_start3A_72] : memref<50000x64xf32, #tpu.memory_space<hbm>> -> memref<400x64xf32, #tpu.memory_space<hbm>>
        %dma_start3A_74 = arith.constant 0 : i32
        %dma_start3A_75 = tpu.memref_slice %arg10[%mul3A_71, %dma_start3A_74] : memref<6400x64xf32, #tpu.memory_space<vmem_shared>> -> memref<400x64xf32, #tpu.memory_space<vmem_shared>>
        tpu.enqueue_dma source(%dma_start3A_75 : memref<400x64xf32, #tpu.memory_space<vmem_shared>>) target(%dma_start3A_73 : memref<400x64xf32, #tpu.memory_space<hbm>>) target_semaphore(%arg13 : memref<!tpu.dma_semaphore, #tpu.memory_space<semaphore_mem>>)
        %dma_wait3A_76 = arith.constant 0 : i32
        %dma_wait3A_77 = tpu.memref_slice %arg4[%mul3A_26, %dma_wait3A_76] : memref<50000x64xf32, #tpu.memory_space<hbm>> -> memref<400x64xf32, #tpu.memory_space<hbm>>
        %dma_wait3A_78 = arith.constant 0 : i32
        %dma_wait3A_79 = tpu.memref_slice %arg10[%mul3A_71, %dma_wait3A_78] : memref<6400x64xf32, #tpu.memory_space<vmem_shared>> -> memref<400x64xf32, #tpu.memory_space<vmem_shared>>
        tpu.wait_dma2 semaphore(%arg13 : memref<!tpu.dma_semaphore, #tpu.memory_space<semaphore_mem>>) src(%dma_wait3A_79 : memref<400x64xf32, #tpu.memory_space<vmem_shared>>) dst(%dma_wait3A_77 : memref<400x64xf32, #tpu.memory_space<hbm>>)
      } else {
      }
    }
    %scan3A_14 = arith.constant 4 : i32
    return
  }
}

#map = affine_map<(d0, d1) -> (0, 0)>
#map1 = affine_map<(d0, d1) -> (0, 0, 0)>
module attributes {stable_mosaic.version = 14 : i64} {
  func.func @k(%arg0: i32, %arg1: i32, %arg2: memref<1404000x64xf32, #tpu.memory_space<hbm>>, %arg3: memref<27x125x400xi32, #tpu.memory_space<hbm>>, %arg4: memref<50000x64xf32, #tpu.memory_space<hbm>>, %arg5: memref<50000x64xf32, #tpu.memory_space<hbm>>, %arg6: memref<27x400xi32, #tpu.memory_space<vmem>>, %arg7: memref<400xi32, #tpu.memory_space<vmem>>, %arg8: memref<400x64xf32, #tpu.memory_space<vmem>>, %arg9: memref<400x64xf32, #tpu.memory_space<vmem>>, %arg10: memref<400x64xf32, #tpu.memory_space<vmem>>, %arg11: memref<6400x64xf32, #tpu.memory_space<vmem_shared>>, %arg12: memref<!tpu.dma_semaphore, #tpu.memory_space<semaphore_mem>>, %arg13: memref<!tpu.dma_semaphore, #tpu.memory_space<semaphore_mem>>, %arg14: memref<!tpu.dma_semaphore, #tpu.memory_space<semaphore_mem>>) attributes {dimension_semantics = [#tpu.dimension_semantics<core_parallel>, #tpu.dimension_semantics<subcore_parallel>], iteration_bounds = array<i64: 2, 16>, scalar_prefetch = 0 : i64, scratch_operands = 9 : i64, tpu.core_type = #tpu.core_type<sc_vector_subcore>, window_params = [{transform_indices = #map}, {transform_indices = #map1}, {transform_indices = #map}, {transform_indices = #map}]} {
    %mul3A = arith.constant 2 : i32
    %mul3A_0 = arith.muli %arg1, %mul3A : i32
    %add3A = arith.addi %mul3A_0, %arg0 : i32
    %scan3A = arith.constant 0 : i32
    %scan3A_1 = arith.constant 25 : i32
    %scan3A_2 = arith.addi %scan3A, %scan3A_1 : i32
    %scan3A_3 = arith.constant 1 : i32
    scf.for %scan3A_15 = %scan3A to %scan3A_2 step %scan3A_3  : i32 {
      %mul3A_16 = arith.constant 1 : i32
      %mul3A_17 = arith.muli %scan3A_15, %mul3A_16 : i32
      %add3A_18 = arith.constant 0 : i32
      %add3A_19 = arith.addi %add3A_18, %mul3A_17 : i32
      %mul3A_20 = arith.constant 16 : i32
      %mul3A_21 = arith.muli %add3A_19, %mul3A_20 : i32
      %iota3A = tpu.iota {dimensions = array<i32: 0>} : vector<16xi32>
      %mul3A_22 = arith.constant 16 : i32
      %mul3A_23 = arith.muli %add3A_19, %mul3A_22 : i32
      %mul3A_24 = arith.constant 400 : i32
      %mul3A_25 = arith.muli %arg1, %mul3A_24 : i32
      %add3A_26 = arith.addi %mul3A_23, %mul3A_25 : i32
      %add3A_27 = vector.broadcast %add3A_26 : i32 to vector<16xi32>
      %add3A_28 = arith.addi %iota3A, %add3A_27 : vector<16xi32>
      %swap3A = arith.index_cast %mul3A_21 : i32 to index
      %swap3A_29 = tpu.vector_load %arg7[%swap3A] {strides = array<i32>} : memref<400xi32, #tpu.memory_space<vmem>>, vector<16xi32>,
      %swap3A_30 = vector.shape_cast %swap3A_29 : vector<16xi32> to vector<16xi32>
      %swap3A_31 = vector.shape_cast %add3A_28 : vector<16xi32> to vector<16xi32>
      tpu.vector_store %arg7[%swap3A], %swap3A_31 {strides = array<i32>} : memref<400xi32, #tpu.memory_space<vmem>>, vector<16xi32>,
    }
    %scan3A_4 = arith.constant 25 : i32
    %scan3A_5 = arith.constant 0 : i32
    %scan3A_6 = arith.constant 400 : i32
    %scan3A_7 = arith.addi %scan3A_5, %scan3A_6 : i32
    %scan3A_8 = arith.constant 1 : i32
    scf.for %scan3A_15 = %scan3A_5 to %scan3A_7 step %scan3A_8  : i32 {
      %mul3A_16 = arith.constant 1 : i32
      %mul3A_17 = arith.muli %scan3A_15, %mul3A_16 : i32
      %add3A_18 = arith.constant 0 : i32
      %add3A_19 = arith.addi %add3A_18, %mul3A_17 : i32
      %broadcast_in_dim3A = arith.constant 0.000000e+00 : f32
      %broadcast_in_dim3A_20 = vector.broadcast %broadcast_in_dim3A : f32 to vector<16xf32>
      %swap3A = arith.index_cast %add3A_19 : i32 to index
      %swap3A_21 = arith.constant 0 : index
      %swap3A_22 = tpu.vector_load %arg8[%swap3A, %swap3A_21] {strides = array<i32>} : memref<400x64xf32, #tpu.memory_space<vmem>>, vector<1x16xf32>,
      %swap3A_23 = vector.shape_cast %swap3A_22 : vector<1x16xf32> to vector<16xf32>
      %swap3A_24 = vector.shape_cast %broadcast_in_dim3A_20 : vector<16xf32> to vector<1x16xf32>
      tpu.vector_store %arg8[%swap3A, %swap3A_21], %swap3A_24 {strides = array<i32>} : memref<400x64xf32, #tpu.memory_space<vmem>>, vector<1x16xf32>,
      %broadcast_in_dim3A_25 = arith.constant 0.000000e+00 : f32
      %broadcast_in_dim3A_26 = vector.broadcast %broadcast_in_dim3A_25 : f32 to vector<16xf32>
      %swap3A_27 = arith.index_cast %add3A_19 : i32 to index
      %swap3A_28 = arith.constant 16 : index
      %swap3A_29 = tpu.vector_load %arg8[%swap3A_27, %swap3A_28] {strides = array<i32>} : memref<400x64xf32, #tpu.memory_space<vmem>>, vector<1x16xf32>,
      %swap3A_30 = vector.shape_cast %swap3A_29 : vector<1x16xf32> to vector<16xf32>
      %swap3A_31 = vector.shape_cast %broadcast_in_dim3A_26 : vector<16xf32> to vector<1x16xf32>
      tpu.vector_store %arg8[%swap3A_27, %swap3A_28], %swap3A_31 {strides = array<i32>} : memref<400x64xf32, #tpu.memory_space<vmem>>, vector<1x16xf32>,
      %broadcast_in_dim3A_32 = arith.constant 0.000000e+00 : f32
      %broadcast_in_dim3A_33 = vector.broadcast %broadcast_in_dim3A_32 : f32 to vector<16xf32>
      %swap3A_34 = arith.index_cast %add3A_19 : i32 to index
      %swap3A_35 = arith.constant 32 : index
      %swap3A_36 = tpu.vector_load %arg8[%swap3A_34, %swap3A_35] {strides = array<i32>} : memref<400x64xf32, #tpu.memory_space<vmem>>, vector<1x16xf32>,
      %swap3A_37 = vector.shape_cast %swap3A_36 : vector<1x16xf32> to vector<16xf32>
      %swap3A_38 = vector.shape_cast %broadcast_in_dim3A_33 : vector<16xf32> to vector<1x16xf32>
      tpu.vector_store %arg8[%swap3A_34, %swap3A_35], %swap3A_38 {strides = array<i32>} : memref<400x64xf32, #tpu.memory_space<vmem>>, vector<1x16xf32>,
      %broadcast_in_dim3A_39 = arith.constant 0.000000e+00 : f32
      %broadcast_in_dim3A_40 = vector.broadcast %broadcast_in_dim3A_39 : f32 to vector<16xf32>
      %swap3A_41 = arith.index_cast %add3A_19 : i32 to index
      %swap3A_42 = arith.constant 48 : index
      %swap3A_43 = tpu.vector_load %arg8[%swap3A_41, %swap3A_42] {strides = array<i32>} : memref<400x64xf32, #tpu.memory_space<vmem>>, vector<1x16xf32>,
      %swap3A_44 = vector.shape_cast %swap3A_43 : vector<1x16xf32> to vector<16xf32>
      %swap3A_45 = vector.shape_cast %broadcast_in_dim3A_40 : vector<16xf32> to vector<1x16xf32>
      tpu.vector_store %arg8[%swap3A_41, %swap3A_42], %swap3A_45 {strides = array<i32>} : memref<400x64xf32, #tpu.memory_space<vmem>>, vector<1x16xf32>,
    }
    %scan3A_9 = arith.constant 400 : i32
    %scan3A_10 = arith.constant 0 : i32
    %scan3A_11 = arith.constant 4 : i32
    %scan3A_12 = arith.addi %scan3A_10, %scan3A_11 : i32
    %scan3A_13 = arith.constant 1 : i32
    scf.for %scan3A_15 = %scan3A_10 to %scan3A_12 step %scan3A_13  : i32 {
      %mul3A_16 = arith.constant 1 : i32
      %mul3A_17 = arith.muli %scan3A_15, %mul3A_16 : i32
      %add3A_18 = arith.constant 0 : i32
      %add3A_19 = arith.addi %add3A_18, %mul3A_17 : i32
      %mul3A_20 = arith.constant 32 : i32
      %mul3A_21 = arith.muli %mul3A_20, %add3A_19 : i32
      %add3A_22 = arith.addi %add3A, %mul3A_21 : i32
      %lt3A = arith.constant 125 : i32
      %lt3A_23 = arith.cmpi slt, %add3A_22, %lt3A : i32
      %convert_element_type3A = arith.extui %lt3A_23 : i1 to i32
      %cond3A = arith.constant 0 : i32
      %cond3A_24 = arith.cmpi ne, %convert_element_type3A, %cond3A : i32
      scf.if %cond3A_24 {
        %mul3A_25 = arith.constant 400 : i32
        %mul3A_26 = arith.muli %add3A_22, %mul3A_25 : i32
        %dma_start3A = arith.constant 0 : i32
        %dma_start3A_27 = arith.constant 0 : i32
        %dma_start3A_28 = tpu.memref_slice %arg3[%dma_start3A, %add3A_22, %dma_start3A_27] : memref<27x125x400xi32, #tpu.memory_space<hbm>> -> memref<27x1x400xi32, #tpu.memory_space<hbm>>
        %dma_start3A_29 = tpu.memref_squeeze %dma_start3A_28 : memref<27x1x400xi32, #tpu.memory_space<hbm>> -> memref<27x400xi32, #tpu.memory_space<hbm>>
        %dma_start3A_30 = arith.constant 0 : i32
        %dma_start3A_31 = arith.constant 0 : i32
        %dma_start3A_32 = tpu.memref_slice %arg3[%dma_start3A_30, %add3A_22, %dma_start3A_31] : memref<27x125x400xi32, #tpu.memory_space<hbm>> -> memref<27x1x400xi32, #tpu.memory_space<hbm>>
        %dma_start3A_33 = tpu.memref_squeeze %dma_start3A_32 : memref<27x1x400xi32, #tpu.memory_space<hbm>> -> memref<27x400xi32, #tpu.memory_space<hbm>>
        tpu.enqueue_dma source(%dma_start3A_33 : memref<27x400xi32, #tpu.memory_space<hbm>>) target(%arg6 : memref<27x400xi32, #tpu.memory_space<vmem>>) target_semaphore(%arg14 : memref<!tpu.dma_semaphore, #tpu.memory_space<semaphore_mem>>)
        %dma_wait3A = arith.constant 0 : i32
        %dma_wait3A_34 = arith.constant 0 : i32
        %dma_wait3A_35 = tpu.memref_slice %arg3[%dma_wait3A, %add3A_22, %dma_wait3A_34] : memref<27x125x400xi32, #tpu.memory_space<hbm>> -> memref<27x1x400xi32, #tpu.memory_space<hbm>>
        %dma_wait3A_36 = tpu.memref_squeeze %dma_wait3A_35 : memref<27x1x400xi32, #tpu.memory_space<hbm>> -> memref<27x400xi32, #tpu.memory_space<hbm>>
        %dma_wait3A_37 = arith.constant 0 : i32
        %dma_wait3A_38 = arith.constant 0 : i32
        %dma_wait3A_39 = tpu.memref_slice %arg3[%dma_wait3A_37, %add3A_22, %dma_wait3A_38] : memref<27x125x400xi32, #tpu.memory_space<hbm>> -> memref<27x1x400xi32, #tpu.memory_space<hbm>>
        %dma_wait3A_40 = tpu.memref_squeeze %dma_wait3A_39 : memref<27x1x400xi32, #tpu.memory_space<hbm>> -> memref<27x400xi32, #tpu.memory_space<hbm>>
        tpu.wait_dma2 semaphore(%arg14 : memref<!tpu.dma_semaphore, #tpu.memory_space<semaphore_mem>>) src(%dma_wait3A_40 : memref<27x400xi32, #tpu.memory_space<hbm>>) dst(%arg6 : memref<27x400xi32, #tpu.memory_space<vmem>>)
        %mul3A_41 = arith.constant 400 : i32
        %mul3A_42 = arith.muli %arg1, %mul3A_41 : i32
        %dma_start3A_43 = arith.constant 0 : i32
        %dma_start3A_44 = tpu.memref_slice %arg11[%mul3A_42, %dma_start3A_43] : memref<6400x64xf32, #tpu.memory_space<vmem_shared>> -> memref<400x64xf32, #tpu.memory_space<vmem_shared>>
        %dma_start3A_45 = arith.constant 0 : i32
        %dma_start3A_46 = tpu.memref_slice %arg4[%mul3A_26, %dma_start3A_45] : memref<50000x64xf32, #tpu.memory_space<hbm>> -> memref<400x64xf32, #tpu.memory_space<hbm>>
        tpu.enqueue_dma source(%dma_start3A_46 : memref<400x64xf32, #tpu.memory_space<hbm>>) target(%dma_start3A_44 : memref<400x64xf32, #tpu.memory_space<vmem_shared>>) target_semaphore(%arg14 : memref<!tpu.dma_semaphore, #tpu.memory_space<semaphore_mem>>)
        %dma_wait3A_47 = arith.constant 0 : i32
        %dma_wait3A_48 = tpu.memref_slice %arg11[%mul3A_42, %dma_wait3A_47] : memref<6400x64xf32, #tpu.memory_space<vmem_shared>> -> memref<400x64xf32, #tpu.memory_space<vmem_shared>>
        %dma_wait3A_49 = arith.constant 0 : i32
        %dma_wait3A_50 = tpu.memref_slice %arg4[%mul3A_26, %dma_wait3A_49] : memref<50000x64xf32, #tpu.memory_space<hbm>> -> memref<400x64xf32, #tpu.memory_space<hbm>>
        tpu.wait_dma2 semaphore(%arg14 : memref<!tpu.dma_semaphore, #tpu.memory_space<semaphore_mem>>) src(%dma_wait3A_50 : memref<400x64xf32, #tpu.memory_space<hbm>>) dst(%dma_wait3A_48 : memref<400x64xf32, #tpu.memory_space<vmem_shared>>)
        %dma_start3A_51 = arith.constant 0 : i32
        %dma_start3A_52 = arith.constant 0 : i32
        %dma_start3A_53 = tpu.memref_slice %arg6[%dma_start3A_51, %dma_start3A_52] : memref<27x400xi32, #tpu.memory_space<vmem>> -> memref<1x400xi32, #tpu.memory_space<vmem>>
        %dma_start3A_54 = tpu.memref_squeeze %dma_start3A_53 : memref<1x400xi32, #tpu.memory_space<vmem>> -> memref<400xi32, #tpu.memory_space<vmem>>
        %dma_start3A_55 = arith.constant 0 : i32
        %dma_start3A_56 = arith.constant 0 : i32
        %dma_start3A_57 = tpu.memref_slice %arg2[%dma_start3A_55, %dma_start3A_56] : memref<1404000x64xf32, #tpu.memory_space<hbm>> -> memref<1404000x64xf32, #tpu.memory_space<hbm>>
        tpu.enqueue_indirect_dma source(%dma_start3A_57 : memref<1404000x64xf32, #tpu.memory_space<hbm>>) target(%arg9 : memref<400x64xf32, #tpu.memory_space<vmem>>) offsets(%dma_start3A_54 : memref<400xi32, #tpu.memory_space<vmem>>) semaphore(%arg12 : memref<!tpu.dma_semaphore, #tpu.memory_space<semaphore_mem>>)
        %scan3A_58 = arith.constant 0 : i32
        %scan3A_59 = arith.constant 13 : i32
        %scan3A_60 = arith.addi %scan3A_58, %scan3A_59 : i32
        %scan3A_61 = arith.constant 1 : i32
        scf.for %scan3A_80 = %scan3A_58 to %scan3A_60 step %scan3A_61  : i32 {
          %mul3A_81 = arith.constant 1 : i32
          %mul3A_82 = arith.muli %scan3A_80, %mul3A_81 : i32
          %add3A_83 = arith.constant 0 : i32
          %add3A_84 = arith.addi %add3A_83, %mul3A_82 : i32
          %mul3A_85 = arith.constant 2 : i32
          %mul3A_86 = arith.muli %mul3A_85, %add3A_84 : i32
          %add3A_87 = arith.constant 1 : i32
          %add3A_88 = arith.addi %mul3A_86, %add3A_87 : i32
          %dma_start3A_89 = arith.constant 0 : i32
          %dma_start3A_90 = tpu.memref_slice %arg6[%add3A_88, %dma_start3A_89] : memref<27x400xi32, #tpu.memory_space<vmem>> -> memref<1x400xi32, #tpu.memory_space<vmem>>
          %dma_start3A_91 = tpu.memref_squeeze %dma_start3A_90 : memref<1x400xi32, #tpu.memory_space<vmem>> -> memref<400xi32, #tpu.memory_space<vmem>>
          %dma_start3A_92 = arith.constant 0 : i32
          %dma_start3A_93 = arith.constant 0 : i32
          %dma_start3A_94 = tpu.memref_slice %arg2[%dma_start3A_92, %dma_start3A_93] : memref<1404000x64xf32, #tpu.memory_space<hbm>> -> memref<1404000x64xf32, #tpu.memory_space<hbm>>
          tpu.enqueue_indirect_dma source(%dma_start3A_94 : memref<1404000x64xf32, #tpu.memory_space<hbm>>) target(%arg10 : memref<400x64xf32, #tpu.memory_space<vmem>>) offsets(%dma_start3A_91 : memref<400xi32, #tpu.memory_space<vmem>>) semaphore(%arg13 : memref<!tpu.dma_semaphore, #tpu.memory_space<semaphore_mem>>)
          %dma_wait3A_95 = arith.constant 0 : i32
          %dma_wait3A_96 = arith.constant 0 : i32
          %dma_wait3A_97 = tpu.memref_slice %arg6[%dma_wait3A_95, %dma_wait3A_96] : memref<27x400xi32, #tpu.memory_space<vmem>> -> memref<1x400xi32, #tpu.memory_space<vmem>>
          %dma_wait3A_98 = tpu.memref_squeeze %dma_wait3A_97 : memref<1x400xi32, #tpu.memory_space<vmem>> -> memref<400xi32, #tpu.memory_space<vmem>>
          %dma_wait3A_99 = arith.constant 0 : i32
          %dma_wait3A_100 = arith.constant 0 : i32
          %dma_wait3A_101 = tpu.memref_slice %arg2[%dma_wait3A_99, %dma_wait3A_100] : memref<1404000x64xf32, #tpu.memory_space<hbm>> -> memref<1404000x64xf32, #tpu.memory_space<hbm>>
          tpu.wait_indirect_dma semaphore(%arg12 : memref<!tpu.dma_semaphore, #tpu.memory_space<semaphore_mem>>) src(%dma_wait3A_101 : memref<1404000x64xf32, #tpu.memory_space<hbm>>) dst(%arg9 : memref<400x64xf32, #tpu.memory_space<vmem>>)
          "tpu.region"() ({
            %run_scoped3A = tpu.sem_alloc : memref<!tpu.dma_semaphore, #tpu.memory_space<semaphore_mem>>
            %dma_start3A_119 = arith.constant 0 : i32
            %dma_start3A_120 = arith.constant 0 : i32
            %dma_start3A_121 = tpu.memref_slice %arg11[%dma_start3A_119, %dma_start3A_120] : memref<6400x64xf32, #tpu.memory_space<vmem_shared>> -> memref<6400x64xf32, #tpu.memory_space<vmem_shared>>
            tpu.enqueue_indirect_dma source(%arg9 : memref<400x64xf32, #tpu.memory_space<vmem>>) target(%dma_start3A_121 : memref<6400x64xf32, #tpu.memory_space<vmem_shared>>) offsets(%arg7 : memref<400xi32, #tpu.memory_space<vmem>>) semaphore(%run_scoped3A : memref<!tpu.dma_semaphore, #tpu.memory_space<semaphore_mem>>) {add = true}
            %dma_wait3A_122 = arith.constant 0 : i32
            %dma_wait3A_123 = arith.constant 0 : i32
            %dma_wait3A_124 = tpu.memref_slice %arg11[%dma_wait3A_122, %dma_wait3A_123] : memref<6400x64xf32, #tpu.memory_space<vmem_shared>> -> memref<6400x64xf32, #tpu.memory_space<vmem_shared>>
            tpu.wait_indirect_dma semaphore(%run_scoped3A : memref<!tpu.dma_semaphore, #tpu.memory_space<semaphore_mem>>) src(%arg9 : memref<400x64xf32, #tpu.memory_space<vmem>>) dst(%dma_wait3A_124 : memref<6400x64xf32, #tpu.memory_space<vmem_shared>>)
            tpu.yield
          }) : () -> ()
          %mul3A_102 = arith.constant 2 : i32
          %mul3A_103 = arith.muli %mul3A_102, %add3A_84 : i32
          %add3A_104 = arith.constant 2 : i32
          %add3A_105 = arith.addi %mul3A_103, %add3A_104 : i32
          %dma_start3A_106 = arith.constant 0 : i32
          %dma_start3A_107 = tpu.memref_slice %arg6[%add3A_105, %dma_start3A_106] : memref<27x400xi32, #tpu.memory_space<vmem>> -> memref<1x400xi32, #tpu.memory_space<vmem>>
          %dma_start3A_108 = tpu.memref_squeeze %dma_start3A_107 : memref<1x400xi32, #tpu.memory_space<vmem>> -> memref<400xi32, #tpu.memory_space<vmem>>
          %dma_start3A_109 = arith.constant 0 : i32
          %dma_start3A_110 = arith.constant 0 : i32
          %dma_start3A_111 = tpu.memref_slice %arg2[%dma_start3A_109, %dma_start3A_110] : memref<1404000x64xf32, #tpu.memory_space<hbm>> -> memref<1404000x64xf32, #tpu.memory_space<hbm>>
          tpu.enqueue_indirect_dma source(%dma_start3A_111 : memref<1404000x64xf32, #tpu.memory_space<hbm>>) target(%arg9 : memref<400x64xf32, #tpu.memory_space<vmem>>) offsets(%dma_start3A_108 : memref<400xi32, #tpu.memory_space<vmem>>) semaphore(%arg12 : memref<!tpu.dma_semaphore, #tpu.memory_space<semaphore_mem>>)
          %dma_wait3A_112 = arith.constant 0 : i32
          %dma_wait3A_113 = arith.constant 0 : i32
          %dma_wait3A_114 = tpu.memref_slice %arg6[%dma_wait3A_112, %dma_wait3A_113] : memref<27x400xi32, #tpu.memory_space<vmem>> -> memref<1x400xi32, #tpu.memory_space<vmem>>
          %dma_wait3A_115 = tpu.memref_squeeze %dma_wait3A_114 : memref<1x400xi32, #tpu.memory_space<vmem>> -> memref<400xi32, #tpu.memory_space<vmem>>
          %dma_wait3A_116 = arith.constant 0 : i32
          %dma_wait3A_117 = arith.constant 0 : i32
          %dma_wait3A_118 = tpu.memref_slice %arg2[%dma_wait3A_116, %dma_wait3A_117] : memref<1404000x64xf32, #tpu.memory_space<hbm>> -> memref<1404000x64xf32, #tpu.memory_space<hbm>>
          tpu.wait_indirect_dma semaphore(%arg13 : memref<!tpu.dma_semaphore, #tpu.memory_space<semaphore_mem>>) src(%dma_wait3A_118 : memref<1404000x64xf32, #tpu.memory_space<hbm>>) dst(%arg10 : memref<400x64xf32, #tpu.memory_space<vmem>>)
          "tpu.region"() ({
            %run_scoped3A = tpu.sem_alloc : memref<!tpu.dma_semaphore, #tpu.memory_space<semaphore_mem>>
            %dma_start3A_119 = arith.constant 0 : i32
            %dma_start3A_120 = arith.constant 0 : i32
            %dma_start3A_121 = tpu.memref_slice %arg11[%dma_start3A_119, %dma_start3A_120] : memref<6400x64xf32, #tpu.memory_space<vmem_shared>> -> memref<6400x64xf32, #tpu.memory_space<vmem_shared>>
            tpu.enqueue_indirect_dma source(%arg10 : memref<400x64xf32, #tpu.memory_space<vmem>>) target(%dma_start3A_121 : memref<6400x64xf32, #tpu.memory_space<vmem_shared>>) offsets(%arg7 : memref<400xi32, #tpu.memory_space<vmem>>) semaphore(%run_scoped3A : memref<!tpu.dma_semaphore, #tpu.memory_space<semaphore_mem>>) {add = true}
            %dma_wait3A_122 = arith.constant 0 : i32
            %dma_wait3A_123 = arith.constant 0 : i32
            %dma_wait3A_124 = tpu.memref_slice %arg11[%dma_wait3A_122, %dma_wait3A_123] : memref<6400x64xf32, #tpu.memory_space<vmem_shared>> -> memref<6400x64xf32, #tpu.memory_space<vmem_shared>>
            tpu.wait_indirect_dma semaphore(%run_scoped3A : memref<!tpu.dma_semaphore, #tpu.memory_space<semaphore_mem>>) src(%arg10 : memref<400x64xf32, #tpu.memory_space<vmem>>) dst(%dma_wait3A_124 : memref<6400x64xf32, #tpu.memory_space<vmem_shared>>)
            tpu.yield
          }) : () -> ()
        }
        %scan3A_62 = arith.constant 13 : i32
        %dma_wait3A_63 = arith.constant 0 : i32
        %dma_wait3A_64 = arith.constant 0 : i32
        %dma_wait3A_65 = tpu.memref_slice %arg6[%dma_wait3A_63, %dma_wait3A_64] : memref<27x400xi32, #tpu.memory_space<vmem>> -> memref<1x400xi32, #tpu.memory_space<vmem>>
        %dma_wait3A_66 = tpu.memref_squeeze %dma_wait3A_65 : memref<1x400xi32, #tpu.memory_space<vmem>> -> memref<400xi32, #tpu.memory_space<vmem>>
        %dma_wait3A_67 = arith.constant 0 : i32
        %dma_wait3A_68 = arith.constant 0 : i32
        %dma_wait3A_69 = tpu.memref_slice %arg2[%dma_wait3A_67, %dma_wait3A_68] : memref<1404000x64xf32, #tpu.memory_space<hbm>> -> memref<1404000x64xf32, #tpu.memory_space<hbm>>
        tpu.wait_indirect_dma semaphore(%arg12 : memref<!tpu.dma_semaphore, #tpu.memory_space<semaphore_mem>>) src(%dma_wait3A_69 : memref<1404000x64xf32, #tpu.memory_space<hbm>>) dst(%arg9 : memref<400x64xf32, #tpu.memory_space<vmem>>)
        "tpu.region"() ({
          %run_scoped3A = tpu.sem_alloc : memref<!tpu.dma_semaphore, #tpu.memory_space<semaphore_mem>>
          %dma_start3A_80 = arith.constant 0 : i32
          %dma_start3A_81 = arith.constant 0 : i32
          %dma_start3A_82 = tpu.memref_slice %arg11[%dma_start3A_80, %dma_start3A_81] : memref<6400x64xf32, #tpu.memory_space<vmem_shared>> -> memref<6400x64xf32, #tpu.memory_space<vmem_shared>>
          tpu.enqueue_indirect_dma source(%arg9 : memref<400x64xf32, #tpu.memory_space<vmem>>) target(%dma_start3A_82 : memref<6400x64xf32, #tpu.memory_space<vmem_shared>>) offsets(%arg7 : memref<400xi32, #tpu.memory_space<vmem>>) semaphore(%run_scoped3A : memref<!tpu.dma_semaphore, #tpu.memory_space<semaphore_mem>>) {add = true}
          %dma_wait3A_83 = arith.constant 0 : i32
          %dma_wait3A_84 = arith.constant 0 : i32
          %dma_wait3A_85 = tpu.memref_slice %arg11[%dma_wait3A_83, %dma_wait3A_84] : memref<6400x64xf32, #tpu.memory_space<vmem_shared>> -> memref<6400x64xf32, #tpu.memory_space<vmem_shared>>
          tpu.wait_indirect_dma semaphore(%run_scoped3A : memref<!tpu.dma_semaphore, #tpu.memory_space<semaphore_mem>>) src(%arg9 : memref<400x64xf32, #tpu.memory_space<vmem>>) dst(%dma_wait3A_85 : memref<6400x64xf32, #tpu.memory_space<vmem_shared>>)
          tpu.yield
        }) : () -> ()
        %mul3A_70 = arith.constant 400 : i32
        %mul3A_71 = arith.muli %arg1, %mul3A_70 : i32
        %dma_start3A_72 = arith.constant 0 : i32
        %dma_start3A_73 = tpu.memref_slice %arg5[%mul3A_26, %dma_start3A_72] : memref<50000x64xf32, #tpu.memory_space<hbm>> -> memref<400x64xf32, #tpu.memory_space<hbm>>
        %dma_start3A_74 = arith.constant 0 : i32
        %dma_start3A_75 = tpu.memref_slice %arg11[%mul3A_71, %dma_start3A_74] : memref<6400x64xf32, #tpu.memory_space<vmem_shared>> -> memref<400x64xf32, #tpu.memory_space<vmem_shared>>
        tpu.enqueue_dma source(%dma_start3A_75 : memref<400x64xf32, #tpu.memory_space<vmem_shared>>) target(%dma_start3A_73 : memref<400x64xf32, #tpu.memory_space<hbm>>) target_semaphore(%arg14 : memref<!tpu.dma_semaphore, #tpu.memory_space<semaphore_mem>>)
        %dma_wait3A_76 = arith.constant 0 : i32
        %dma_wait3A_77 = tpu.memref_slice %arg5[%mul3A_26, %dma_wait3A_76] : memref<50000x64xf32, #tpu.memory_space<hbm>> -> memref<400x64xf32, #tpu.memory_space<hbm>>
        %dma_wait3A_78 = arith.constant 0 : i32
        %dma_wait3A_79 = tpu.memref_slice %arg11[%mul3A_71, %dma_wait3A_78] : memref<6400x64xf32, #tpu.memory_space<vmem_shared>> -> memref<400x64xf32, #tpu.memory_space<vmem_shared>>
        tpu.wait_dma2 semaphore(%arg14 : memref<!tpu.dma_semaphore, #tpu.memory_space<semaphore_mem>>) src(%dma_wait3A_79 : memref<400x64xf32, #tpu.memory_space<vmem_shared>>) dst(%dma_wait3A_77 : memref<400x64xf32, #tpu.memory_space<hbm>>)
      } else {
      }
    }
    %scan3A_14 = arith.constant 4 : i32
    return
  }
}

#map = affine_map<(d0, d1) -> (0, 0)>
#map1 = affine_map<(d0, d1) -> (0, 0, 0)>
module attributes {stable_mosaic.version = 14 : i64} {
  func.func @k(%arg0: i32, %arg1: i32, %arg2: memref<1404000x64xf32, #tpu.memory_space<hbm>>, %arg3: memref<27x125x400xi32, #tpu.memory_space<hbm>>, %arg4: memref<50000x64xf32, #tpu.memory_space<hbm>>, %arg5: memref<50000x64xf32, #tpu.memory_space<hbm>>, %arg6: memref<27x400xi32, #tpu.memory_space<vmem>>, %arg7: memref<400xi32, #tpu.memory_space<vmem>>, %arg8: memref<400x64xf32, #tpu.memory_space<vmem>>, %arg9: memref<400x64xf32, #tpu.memory_space<vmem>>, %arg10: memref<400x64xf32, #tpu.memory_space<vmem>>, %arg11: memref<6400x64xf32, #tpu.memory_space<vmem_shared>>, %arg12: memref<!tpu.dma_semaphore, #tpu.memory_space<semaphore_mem>>, %arg13: memref<!tpu.dma_semaphore, #tpu.memory_space<semaphore_mem>>, %arg14: memref<!tpu.dma_semaphore, #tpu.memory_space<semaphore_mem>>) attributes {dimension_semantics = [#tpu.dimension_semantics<core_parallel>, #tpu.dimension_semantics<subcore_parallel>], iteration_bounds = array<i64: 2, 16>, scalar_prefetch = 0 : i64, scratch_operands = 9 : i64, tpu.core_type = #tpu.core_type<sc_vector_subcore>, window_params = [{transform_indices = #map}, {transform_indices = #map1}, {transform_indices = #map}, {transform_indices = #map}]} {
    %mul3A = arith.constant 2 : i32
    %mul3A_0 = arith.muli %arg1, %mul3A : i32
    %add3A = arith.addi %mul3A_0, %arg0 : i32
    %scan3A = arith.constant 0 : i32
    %scan3A_1 = arith.constant 25 : i32
    %scan3A_2 = arith.addi %scan3A, %scan3A_1 : i32
    %scan3A_3 = arith.constant 1 : i32
    scf.for %scan3A_15 = %scan3A to %scan3A_2 step %scan3A_3  : i32 {
      %mul3A_16 = arith.constant 1 : i32
      %mul3A_17 = arith.muli %scan3A_15, %mul3A_16 : i32
      %add3A_18 = arith.constant 0 : i32
      %add3A_19 = arith.addi %add3A_18, %mul3A_17 : i32
      %mul3A_20 = arith.constant 16 : i32
      %mul3A_21 = arith.muli %add3A_19, %mul3A_20 : i32
      %iota3A = tpu.iota {dimensions = array<i32: 0>} : vector<16xi32>
      %mul3A_22 = arith.constant 16 : i32
      %mul3A_23 = arith.muli %add3A_19, %mul3A_22 : i32
      %mul3A_24 = arith.constant 400 : i32
      %mul3A_25 = arith.muli %arg1, %mul3A_24 : i32
      %add3A_26 = arith.addi %mul3A_23, %mul3A_25 : i32
      %add3A_27 = vector.broadcast %add3A_26 : i32 to vector<16xi32>
      %add3A_28 = arith.addi %iota3A, %add3A_27 : vector<16xi32>
      %swap3A = arith.index_cast %mul3A_21 : i32 to index
      %swap3A_29 = tpu.vector_load %arg7[%swap3A] {strides = array<i32>} : memref<400xi32, #tpu.memory_space<vmem>>, vector<16xi32>,
      %swap3A_30 = vector.shape_cast %swap3A_29 : vector<16xi32> to vector<16xi32>
      %swap3A_31 = vector.shape_cast %add3A_28 : vector<16xi32> to vector<16xi32>
      tpu.vector_store %arg7[%swap3A], %swap3A_31 {strides = array<i32>} : memref<400xi32, #tpu.memory_space<vmem>>, vector<16xi32>,
    }
    %scan3A_4 = arith.constant 25 : i32
    %scan3A_5 = arith.constant 0 : i32
    %scan3A_6 = arith.constant 400 : i32
    %scan3A_7 = arith.addi %scan3A_5, %scan3A_6 : i32
    %scan3A_8 = arith.constant 1 : i32
    scf.for %scan3A_15 = %scan3A_5 to %scan3A_7 step %scan3A_8  : i32 {
      %mul3A_16 = arith.constant 1 : i32
      %mul3A_17 = arith.muli %scan3A_15, %mul3A_16 : i32
      %add3A_18 = arith.constant 0 : i32
      %add3A_19 = arith.addi %add3A_18, %mul3A_17 : i32
      %broadcast_in_dim3A = arith.constant 0.000000e+00 : f32
      %broadcast_in_dim3A_20 = vector.broadcast %broadcast_in_dim3A : f32 to vector<16xf32>
      %swap3A = arith.index_cast %add3A_19 : i32 to index
      %swap3A_21 = arith.constant 0 : index
      %swap3A_22 = tpu.vector_load %arg8[%swap3A, %swap3A_21] {strides = array<i32>} : memref<400x64xf32, #tpu.memory_space<vmem>>, vector<1x16xf32>,
      %swap3A_23 = vector.shape_cast %swap3A_22 : vector<1x16xf32> to vector<16xf32>
      %swap3A_24 = vector.shape_cast %broadcast_in_dim3A_20 : vector<16xf32> to vector<1x16xf32>
      tpu.vector_store %arg8[%swap3A, %swap3A_21], %swap3A_24 {strides = array<i32>} : memref<400x64xf32, #tpu.memory_space<vmem>>, vector<1x16xf32>,
      %broadcast_in_dim3A_25 = arith.constant 0.000000e+00 : f32
      %broadcast_in_dim3A_26 = vector.broadcast %broadcast_in_dim3A_25 : f32 to vector<16xf32>
      %swap3A_27 = arith.index_cast %add3A_19 : i32 to index
      %swap3A_28 = arith.constant 16 : index
      %swap3A_29 = tpu.vector_load %arg8[%swap3A_27, %swap3A_28] {strides = array<i32>} : memref<400x64xf32, #tpu.memory_space<vmem>>, vector<1x16xf32>,
      %swap3A_30 = vector.shape_cast %swap3A_29 : vector<1x16xf32> to vector<16xf32>
      %swap3A_31 = vector.shape_cast %broadcast_in_dim3A_26 : vector<16xf32> to vector<1x16xf32>
      tpu.vector_store %arg8[%swap3A_27, %swap3A_28], %swap3A_31 {strides = array<i32>} : memref<400x64xf32, #tpu.memory_space<vmem>>, vector<1x16xf32>,
      %broadcast_in_dim3A_32 = arith.constant 0.000000e+00 : f32
      %broadcast_in_dim3A_33 = vector.broadcast %broadcast_in_dim3A_32 : f32 to vector<16xf32>
      %swap3A_34 = arith.index_cast %add3A_19 : i32 to index
      %swap3A_35 = arith.constant 32 : index
      %swap3A_36 = tpu.vector_load %arg8[%swap3A_34, %swap3A_35] {strides = array<i32>} : memref<400x64xf32, #tpu.memory_space<vmem>>, vector<1x16xf32>,
      %swap3A_37 = vector.shape_cast %swap3A_36 : vector<1x16xf32> to vector<16xf32>
      %swap3A_38 = vector.shape_cast %broadcast_in_dim3A_33 : vector<16xf32> to vector<1x16xf32>
      tpu.vector_store %arg8[%swap3A_34, %swap3A_35], %swap3A_38 {strides = array<i32>} : memref<400x64xf32, #tpu.memory_space<vmem>>, vector<1x16xf32>,
      %broadcast_in_dim3A_39 = arith.constant 0.000000e+00 : f32
      %broadcast_in_dim3A_40 = vector.broadcast %broadcast_in_dim3A_39 : f32 to vector<16xf32>
      %swap3A_41 = arith.index_cast %add3A_19 : i32 to index
      %swap3A_42 = arith.constant 48 : index
      %swap3A_43 = tpu.vector_load %arg8[%swap3A_41, %swap3A_42] {strides = array<i32>} : memref<400x64xf32, #tpu.memory_space<vmem>>, vector<1x16xf32>,
      %swap3A_44 = vector.shape_cast %swap3A_43 : vector<1x16xf32> to vector<16xf32>
      %swap3A_45 = vector.shape_cast %broadcast_in_dim3A_40 : vector<16xf32> to vector<1x16xf32>
      tpu.vector_store %arg8[%swap3A_41, %swap3A_42], %swap3A_45 {strides = array<i32>} : memref<400x64xf32, #tpu.memory_space<vmem>>, vector<1x16xf32>,
    }
    %scan3A_9 = arith.constant 400 : i32
    %scan3A_10 = arith.constant 0 : i32
    %scan3A_11 = arith.constant 4 : i32
    %scan3A_12 = arith.addi %scan3A_10, %scan3A_11 : i32
    %scan3A_13 = arith.constant 1 : i32
    scf.for %scan3A_15 = %scan3A_10 to %scan3A_12 step %scan3A_13  : i32 {
      %mul3A_16 = arith.constant 1 : i32
      %mul3A_17 = arith.muli %scan3A_15, %mul3A_16 : i32
      %add3A_18 = arith.constant 0 : i32
      %add3A_19 = arith.addi %add3A_18, %mul3A_17 : i32
      %mul3A_20 = arith.constant 32 : i32
      %mul3A_21 = arith.muli %mul3A_20, %add3A_19 : i32
      %add3A_22 = arith.addi %add3A, %mul3A_21 : i32
      %lt3A = arith.constant 125 : i32
      %lt3A_23 = arith.cmpi slt, %add3A_22, %lt3A : i32
      %convert_element_type3A = arith.extui %lt3A_23 : i1 to i32
      %cond3A = arith.constant 0 : i32
      %cond3A_24 = arith.cmpi ne, %convert_element_type3A, %cond3A : i32
      scf.if %cond3A_24 {
        %mul3A_25 = arith.constant 400 : i32
        %mul3A_26 = arith.muli %add3A_22, %mul3A_25 : i32
        %dma_start3A = arith.constant 0 : i32
        %dma_start3A_27 = arith.constant 0 : i32
        %dma_start3A_28 = tpu.memref_slice %arg3[%dma_start3A, %add3A_22, %dma_start3A_27] : memref<27x125x400xi32, #tpu.memory_space<hbm>> -> memref<27x1x400xi32, #tpu.memory_space<hbm>>
        %dma_start3A_29 = tpu.memref_squeeze %dma_start3A_28 : memref<27x1x400xi32, #tpu.memory_space<hbm>> -> memref<27x400xi32, #tpu.memory_space<hbm>>
        %dma_start3A_30 = arith.constant 0 : i32
        %dma_start3A_31 = arith.constant 0 : i32
        %dma_start3A_32 = tpu.memref_slice %arg3[%dma_start3A_30, %add3A_22, %dma_start3A_31] : memref<27x125x400xi32, #tpu.memory_space<hbm>> -> memref<27x1x400xi32, #tpu.memory_space<hbm>>
        %dma_start3A_33 = tpu.memref_squeeze %dma_start3A_32 : memref<27x1x400xi32, #tpu.memory_space<hbm>> -> memref<27x400xi32, #tpu.memory_space<hbm>>
        tpu.enqueue_dma source(%dma_start3A_33 : memref<27x400xi32, #tpu.memory_space<hbm>>) target(%arg6 : memref<27x400xi32, #tpu.memory_space<vmem>>) target_semaphore(%arg14 : memref<!tpu.dma_semaphore, #tpu.memory_space<semaphore_mem>>)
        %dma_wait3A = arith.constant 0 : i32
        %dma_wait3A_34 = arith.constant 0 : i32
        %dma_wait3A_35 = tpu.memref_slice %arg3[%dma_wait3A, %add3A_22, %dma_wait3A_34] : memref<27x125x400xi32, #tpu.memory_space<hbm>> -> memref<27x1x400xi32, #tpu.memory_space<hbm>>
        %dma_wait3A_36 = tpu.memref_squeeze %dma_wait3A_35 : memref<27x1x400xi32, #tpu.memory_space<hbm>> -> memref<27x400xi32, #tpu.memory_space<hbm>>
        %dma_wait3A_37 = arith.constant 0 : i32
        %dma_wait3A_38 = arith.constant 0 : i32
        %dma_wait3A_39 = tpu.memref_slice %arg3[%dma_wait3A_37, %add3A_22, %dma_wait3A_38] : memref<27x125x400xi32, #tpu.memory_space<hbm>> -> memref<27x1x400xi32, #tpu.memory_space<hbm>>
        %dma_wait3A_40 = tpu.memref_squeeze %dma_wait3A_39 : memref<27x1x400xi32, #tpu.memory_space<hbm>> -> memref<27x400xi32, #tpu.memory_space<hbm>>
        tpu.wait_dma2 semaphore(%arg14 : memref<!tpu.dma_semaphore, #tpu.memory_space<semaphore_mem>>) src(%dma_wait3A_40 : memref<27x400xi32, #tpu.memory_space<hbm>>) dst(%arg6 : memref<27x400xi32, #tpu.memory_space<vmem>>)
        %mul3A_41 = arith.constant 400 : i32
        %mul3A_42 = arith.muli %arg1, %mul3A_41 : i32
        %dma_start3A_43 = arith.constant 0 : i32
        %dma_start3A_44 = tpu.memref_slice %arg11[%mul3A_42, %dma_start3A_43] : memref<6400x64xf32, #tpu.memory_space<vmem_shared>> -> memref<400x64xf32, #tpu.memory_space<vmem_shared>>
        %dma_start3A_45 = arith.constant 0 : i32
        %dma_start3A_46 = tpu.memref_slice %arg4[%mul3A_26, %dma_start3A_45] : memref<50000x64xf32, #tpu.memory_space<hbm>> -> memref<400x64xf32, #tpu.memory_space<hbm>>
        tpu.enqueue_dma source(%dma_start3A_46 : memref<400x64xf32, #tpu.memory_space<hbm>>) target(%dma_start3A_44 : memref<400x64xf32, #tpu.memory_space<vmem_shared>>) target_semaphore(%arg14 : memref<!tpu.dma_semaphore, #tpu.memory_space<semaphore_mem>>)
        %dma_wait3A_47 = arith.constant 0 : i32
        %dma_wait3A_48 = tpu.memref_slice %arg11[%mul3A_42, %dma_wait3A_47] : memref<6400x64xf32, #tpu.memory_space<vmem_shared>> -> memref<400x64xf32, #tpu.memory_space<vmem_shared>>
        %dma_wait3A_49 = arith.constant 0 : i32
        %dma_wait3A_50 = tpu.memref_slice %arg4[%mul3A_26, %dma_wait3A_49] : memref<50000x64xf32, #tpu.memory_space<hbm>> -> memref<400x64xf32, #tpu.memory_space<hbm>>
        tpu.wait_dma2 semaphore(%arg14 : memref<!tpu.dma_semaphore, #tpu.memory_space<semaphore_mem>>) src(%dma_wait3A_50 : memref<400x64xf32, #tpu.memory_space<hbm>>) dst(%dma_wait3A_48 : memref<400x64xf32, #tpu.memory_space<vmem_shared>>)
        %dma_start3A_51 = arith.constant 0 : i32
        %dma_start3A_52 = arith.constant 0 : i32
        %dma_start3A_53 = tpu.memref_slice %arg6[%dma_start3A_51, %dma_start3A_52] : memref<27x400xi32, #tpu.memory_space<vmem>> -> memref<1x400xi32, #tpu.memory_space<vmem>>
        %dma_start3A_54 = tpu.memref_squeeze %dma_start3A_53 : memref<1x400xi32, #tpu.memory_space<vmem>> -> memref<400xi32, #tpu.memory_space<vmem>>
        %dma_start3A_55 = arith.constant 0 : i32
        %dma_start3A_56 = arith.constant 0 : i32
        %dma_start3A_57 = tpu.memref_slice %arg2[%dma_start3A_55, %dma_start3A_56] : memref<1404000x64xf32, #tpu.memory_space<hbm>> -> memref<1404000x64xf32, #tpu.memory_space<hbm>>
        tpu.enqueue_indirect_dma source(%dma_start3A_57 : memref<1404000x64xf32, #tpu.memory_space<hbm>>) target(%arg9 : memref<400x64xf32, #tpu.memory_space<vmem>>) offsets(%dma_start3A_54 : memref<400xi32, #tpu.memory_space<vmem>>) semaphore(%arg12 : memref<!tpu.dma_semaphore, #tpu.memory_space<semaphore_mem>>)
        %scan3A_58 = arith.constant 0 : i32
        %scan3A_59 = arith.constant 13 : i32
        %scan3A_60 = arith.addi %scan3A_58, %scan3A_59 : i32
        %scan3A_61 = arith.constant 1 : i32
        scf.for %scan3A_80 = %scan3A_58 to %scan3A_60 step %scan3A_61  : i32 {
          %mul3A_81 = arith.constant 1 : i32
          %mul3A_82 = arith.muli %scan3A_80, %mul3A_81 : i32
          %add3A_83 = arith.constant 0 : i32
          %add3A_84 = arith.addi %add3A_83, %mul3A_82 : i32
          %mul3A_85 = arith.constant 2 : i32
          %mul3A_86 = arith.muli %mul3A_85, %add3A_84 : i32
          %add3A_87 = arith.constant 1 : i32
          %add3A_88 = arith.addi %mul3A_86, %add3A_87 : i32
          %dma_start3A_89 = arith.constant 0 : i32
          %dma_start3A_90 = tpu.memref_slice %arg6[%add3A_88, %dma_start3A_89] : memref<27x400xi32, #tpu.memory_space<vmem>> -> memref<1x400xi32, #tpu.memory_space<vmem>>
          %dma_start3A_91 = tpu.memref_squeeze %dma_start3A_90 : memref<1x400xi32, #tpu.memory_space<vmem>> -> memref<400xi32, #tpu.memory_space<vmem>>
          %dma_start3A_92 = arith.constant 0 : i32
          %dma_start3A_93 = arith.constant 0 : i32
          %dma_start3A_94 = tpu.memref_slice %arg2[%dma_start3A_92, %dma_start3A_93] : memref<1404000x64xf32, #tpu.memory_space<hbm>> -> memref<1404000x64xf32, #tpu.memory_space<hbm>>
          tpu.enqueue_indirect_dma source(%dma_start3A_94 : memref<1404000x64xf32, #tpu.memory_space<hbm>>) target(%arg10 : memref<400x64xf32, #tpu.memory_space<vmem>>) offsets(%dma_start3A_91 : memref<400xi32, #tpu.memory_space<vmem>>) semaphore(%arg13 : memref<!tpu.dma_semaphore, #tpu.memory_space<semaphore_mem>>)
          %dma_wait3A_95 = arith.constant 0 : i32
          %dma_wait3A_96 = arith.constant 0 : i32
          %dma_wait3A_97 = tpu.memref_slice %arg6[%dma_wait3A_95, %dma_wait3A_96] : memref<27x400xi32, #tpu.memory_space<vmem>> -> memref<1x400xi32, #tpu.memory_space<vmem>>
          %dma_wait3A_98 = tpu.memref_squeeze %dma_wait3A_97 : memref<1x400xi32, #tpu.memory_space<vmem>> -> memref<400xi32, #tpu.memory_space<vmem>>
          %dma_wait3A_99 = arith.constant 0 : i32
          %dma_wait3A_100 = arith.constant 0 : i32
          %dma_wait3A_101 = tpu.memref_slice %arg2[%dma_wait3A_99, %dma_wait3A_100] : memref<1404000x64xf32, #tpu.memory_space<hbm>> -> memref<1404000x64xf32, #tpu.memory_space<hbm>>
          tpu.wait_indirect_dma semaphore(%arg12 : memref<!tpu.dma_semaphore, #tpu.memory_space<semaphore_mem>>) src(%dma_wait3A_101 : memref<1404000x64xf32, #tpu.memory_space<hbm>>) dst(%arg9 : memref<400x64xf32, #tpu.memory_space<vmem>>)
          "tpu.region"() ({
            %run_scoped3A = tpu.sem_alloc : memref<!tpu.dma_semaphore, #tpu.memory_space<semaphore_mem>>
            %dma_start3A_119 = arith.constant 0 : i32
            %dma_start3A_120 = arith.constant 0 : i32
            %dma_start3A_121 = tpu.memref_slice %arg11[%dma_start3A_119, %dma_start3A_120] : memref<6400x64xf32, #tpu.memory_space<vmem_shared>> -> memref<6400x64xf32, #tpu.memory_space<vmem_shared>>
            tpu.enqueue_indirect_dma source(%arg9 : memref<400x64xf32, #tpu.memory_space<vmem>>) target(%dma_start3A_121 : memref<6400x64xf32, #tpu.memory_space<vmem_shared>>) offsets(%arg7 : memref<400xi32, #tpu.memory_space<vmem>>) semaphore(%run_scoped3A : memref<!tpu.dma_semaphore, #tpu.memory_space<semaphore_mem>>) {add = true}
            %dma_wait3A_122 = arith.constant 0 : i32
            %dma_wait3A_123 = arith.constant 0 : i32
            %dma_wait3A_124 = tpu.memref_slice %arg11[%dma_wait3A_122, %dma_wait3A_123] : memref<6400x64xf32, #tpu.memory_space<vmem_shared>> -> memref<6400x64xf32, #tpu.memory_space<vmem_shared>>
            tpu.wait_indirect_dma semaphore(%run_scoped3A : memref<!tpu.dma_semaphore, #tpu.memory_space<semaphore_mem>>) src(%arg9 : memref<400x64xf32, #tpu.memory_space<vmem>>) dst(%dma_wait3A_124 : memref<6400x64xf32, #tpu.memory_space<vmem_shared>>)
            tpu.yield
          }) : () -> ()
          %mul3A_102 = arith.constant 2 : i32
          %mul3A_103 = arith.muli %mul3A_102, %add3A_84 : i32
          %add3A_104 = arith.constant 2 : i32
          %add3A_105 = arith.addi %mul3A_103, %add3A_104 : i32
          %dma_start3A_106 = arith.constant 0 : i32
          %dma_start3A_107 = tpu.memref_slice %arg6[%add3A_105, %dma_start3A_106] : memref<27x400xi32, #tpu.memory_space<vmem>> -> memref<1x400xi32, #tpu.memory_space<vmem>>
          %dma_start3A_108 = tpu.memref_squeeze %dma_start3A_107 : memref<1x400xi32, #tpu.memory_space<vmem>> -> memref<400xi32, #tpu.memory_space<vmem>>
          %dma_start3A_109 = arith.constant 0 : i32
          %dma_start3A_110 = arith.constant 0 : i32
          %dma_start3A_111 = tpu.memref_slice %arg2[%dma_start3A_109, %dma_start3A_110] : memref<1404000x64xf32, #tpu.memory_space<hbm>> -> memref<1404000x64xf32, #tpu.memory_space<hbm>>
          tpu.enqueue_indirect_dma source(%dma_start3A_111 : memref<1404000x64xf32, #tpu.memory_space<hbm>>) target(%arg9 : memref<400x64xf32, #tpu.memory_space<vmem>>) offsets(%dma_start3A_108 : memref<400xi32, #tpu.memory_space<vmem>>) semaphore(%arg12 : memref<!tpu.dma_semaphore, #tpu.memory_space<semaphore_mem>>)
          %dma_wait3A_112 = arith.constant 0 : i32
          %dma_wait3A_113 = arith.constant 0 : i32
          %dma_wait3A_114 = tpu.memref_slice %arg6[%dma_wait3A_112, %dma_wait3A_113] : memref<27x400xi32, #tpu.memory_space<vmem>> -> memref<1x400xi32, #tpu.memory_space<vmem>>
          %dma_wait3A_115 = tpu.memref_squeeze %dma_wait3A_114 : memref<1x400xi32, #tpu.memory_space<vmem>> -> memref<400xi32, #tpu.memory_space<vmem>>
          %dma_wait3A_116 = arith.constant 0 : i32
          %dma_wait3A_117 = arith.constant 0 : i32
          %dma_wait3A_118 = tpu.memref_slice %arg2[%dma_wait3A_116, %dma_wait3A_117] : memref<1404000x64xf32, #tpu.memory_space<hbm>> -> memref<1404000x64xf32, #tpu.memory_space<hbm>>
          tpu.wait_indirect_dma semaphore(%arg13 : memref<!tpu.dma_semaphore, #tpu.memory_space<semaphore_mem>>) src(%dma_wait3A_118 : memref<1404000x64xf32, #tpu.memory_space<hbm>>) dst(%arg10 : memref<400x64xf32, #tpu.memory_space<vmem>>)
          "tpu.region"() ({
            %run_scoped3A = tpu.sem_alloc : memref<!tpu.dma_semaphore, #tpu.memory_space<semaphore_mem>>
            %dma_start3A_119 = arith.constant 0 : i32
            %dma_start3A_120 = arith.constant 0 : i32
            %dma_start3A_121 = tpu.memref_slice %arg11[%dma_start3A_119, %dma_start3A_120] : memref<6400x64xf32, #tpu.memory_space<vmem_shared>> -> memref<6400x64xf32, #tpu.memory_space<vmem_shared>>
            tpu.enqueue_indirect_dma source(%arg10 : memref<400x64xf32, #tpu.memory_space<vmem>>) target(%dma_start3A_121 : memref<6400x64xf32, #tpu.memory_space<vmem_shared>>) offsets(%arg7 : memref<400xi32, #tpu.memory_space<vmem>>) semaphore(%run_scoped3A : memref<!tpu.dma_semaphore, #tpu.memory_space<semaphore_mem>>) {add = true}
            %dma_wait3A_122 = arith.constant 0 : i32
            %dma_wait3A_123 = arith.constant 0 : i32
            %dma_wait3A_124 = tpu.memref_slice %arg11[%dma_wait3A_122, %dma_wait3A_123] : memref<6400x64xf32, #tpu.memory_space<vmem_shared>> -> memref<6400x64xf32, #tpu.memory_space<vmem_shared>>
            tpu.wait_indirect_dma semaphore(%run_scoped3A : memref<!tpu.dma_semaphore, #tpu.memory_space<semaphore_mem>>) src(%arg10 : memref<400x64xf32, #tpu.memory_space<vmem>>) dst(%dma_wait3A_124 : memref<6400x64xf32, #tpu.memory_space<vmem_shared>>)
            tpu.yield
          }) : () -> ()
        }
        %scan3A_62 = arith.constant 13 : i32
        %dma_wait3A_63 = arith.constant 0 : i32
        %dma_wait3A_64 = arith.constant 0 : i32
        %dma_wait3A_65 = tpu.memref_slice %arg6[%dma_wait3A_63, %dma_wait3A_64] : memref<27x400xi32, #tpu.memory_space<vmem>> -> memref<1x400xi32, #tpu.memory_space<vmem>>
        %dma_wait3A_66 = tpu.memref_squeeze %dma_wait3A_65 : memref<1x400xi32, #tpu.memory_space<vmem>> -> memref<400xi32, #tpu.memory_space<vmem>>
        %dma_wait3A_67 = arith.constant 0 : i32
        %dma_wait3A_68 = arith.constant 0 : i32
        %dma_wait3A_69 = tpu.memref_slice %arg2[%dma_wait3A_67, %dma_wait3A_68] : memref<1404000x64xf32, #tpu.memory_space<hbm>> -> memref<1404000x64xf32, #tpu.memory_space<hbm>>
        tpu.wait_indirect_dma semaphore(%arg12 : memref<!tpu.dma_semaphore, #tpu.memory_space<semaphore_mem>>) src(%dma_wait3A_69 : memref<1404000x64xf32, #tpu.memory_space<hbm>>) dst(%arg9 : memref<400x64xf32, #tpu.memory_space<vmem>>)
        "tpu.region"() ({
          %run_scoped3A = tpu.sem_alloc : memref<!tpu.dma_semaphore, #tpu.memory_space<semaphore_mem>>
          %dma_start3A_80 = arith.constant 0 : i32
          %dma_start3A_81 = arith.constant 0 : i32
          %dma_start3A_82 = tpu.memref_slice %arg11[%dma_start3A_80, %dma_start3A_81] : memref<6400x64xf32, #tpu.memory_space<vmem_shared>> -> memref<6400x64xf32, #tpu.memory_space<vmem_shared>>
          tpu.enqueue_indirect_dma source(%arg9 : memref<400x64xf32, #tpu.memory_space<vmem>>) target(%dma_start3A_82 : memref<6400x64xf32, #tpu.memory_space<vmem_shared>>) offsets(%arg7 : memref<400xi32, #tpu.memory_space<vmem>>) semaphore(%run_scoped3A : memref<!tpu.dma_semaphore, #tpu.memory_space<semaphore_mem>>) {add = true}
          %dma_wait3A_83 = arith.constant 0 : i32
          %dma_wait3A_84 = arith.constant 0 : i32
          %dma_wait3A_85 = tpu.memref_slice %arg11[%dma_wait3A_83, %dma_wait3A_84] : memref<6400x64xf32, #tpu.memory_space<vmem_shared>> -> memref<6400x64xf32, #tpu.memory_space<vmem_shared>>
          tpu.wait_indirect_dma semaphore(%run_scoped3A : memref<!tpu.dma_semaphore, #tpu.memory_space<semaphore_mem>>) src(%arg9 : memref<400x64xf32, #tpu.memory_space<vmem>>) dst(%dma_wait3A_85 : memref<6400x64xf32, #tpu.memory_space<vmem_shared>>)
          tpu.yield
        }) : () -> ()
        %mul3A_70 = arith.constant 400 : i32
        %mul3A_71 = arith.muli %arg1, %mul3A_70 : i32
        %dma_start3A_72 = arith.constant 0 : i32
        %dma_start3A_73 = tpu.memref_slice %arg5[%mul3A_26, %dma_start3A_72] : memref<50000x64xf32, #tpu.memory_space<hbm>> -> memref<400x64xf32, #tpu.memory_space<hbm>>
        %dma_start3A_74 = arith.constant 0 : i32
        %dma_start3A_75 = tpu.memref_slice %arg11[%mul3A_71, %dma_start3A_74] : memref<6400x64xf32, #tpu.memory_space<vmem_shared>> -> memref<400x64xf32, #tpu.memory_space<vmem_shared>>
        tpu.enqueue_dma source(%dma_start3A_75 : memref<400x64xf32, #tpu.memory_space<vmem_shared>>) target(%dma_start3A_73 : memref<400x64xf32, #tpu.memory_space<hbm>>) target_semaphore(%arg14 : memref<!tpu.dma_semaphore, #tpu.memory_space<semaphore_mem>>)
        %dma_wait3A_76 = arith.constant 0 : i32
        %dma_wait3A_77 = tpu.memref_slice %arg5[%mul3A_26, %dma_wait3A_76] : memref<50000x64xf32, #tpu.memory_space<hbm>> -> memref<400x64xf32, #tpu.memory_space<hbm>>
        %dma_wait3A_78 = arith.constant 0 : i32
        %dma_wait3A_79 = tpu.memref_slice %arg11[%mul3A_71, %dma_wait3A_78] : memref<6400x64xf32, #tpu.memory_space<vmem_shared>> -> memref<400x64xf32, #tpu.memory_space<vmem_shared>>
        tpu.wait_dma2 semaphore(%arg14 : memref<!tpu.dma_semaphore, #tpu.memory_space<semaphore_mem>>) src(%dma_wait3A_79 : memref<400x64xf32, #tpu.memory_space<vmem_shared>>) dst(%dma_wait3A_77 : memref<400x64xf32, #tpu.memory_space<hbm>>)
      } else {
      }
    }
    %scan3A_14 = arith.constant 4 : i32
    return
  }
}

#map = affine_map<(d0, d1) -> (0, 0)>
#map1 = affine_map<(d0, d1) -> (0, 0, 0)>
module attributes {stable_mosaic.version = 14 : i64} {
  func.func @k(%arg0: i32, %arg1: i32, %arg2: memref<1404000x64xf32, #tpu.memory_space<hbm>>, %arg3: memref<27x125x400xi32, #tpu.memory_space<hbm>>, %arg4: memref<50000x64xf32, #tpu.memory_space<hbm>>, %arg5: memref<50000x64xf32, #tpu.memory_space<hbm>>, %arg6: memref<27x400xi32, #tpu.memory_space<vmem>>, %arg7: memref<400xi32, #tpu.memory_space<vmem>>, %arg8: memref<400x64xf32, #tpu.memory_space<vmem>>, %arg9: memref<400x64xf32, #tpu.memory_space<vmem>>, %arg10: memref<400x64xf32, #tpu.memory_space<vmem>>, %arg11: memref<6400x64xf32, #tpu.memory_space<vmem_shared>>, %arg12: memref<!tpu.dma_semaphore, #tpu.memory_space<semaphore_mem>>, %arg13: memref<!tpu.dma_semaphore, #tpu.memory_space<semaphore_mem>>, %arg14: memref<!tpu.dma_semaphore, #tpu.memory_space<semaphore_mem>>) attributes {dimension_semantics = [#tpu.dimension_semantics<core_parallel>, #tpu.dimension_semantics<subcore_parallel>], iteration_bounds = array<i64: 2, 16>, scalar_prefetch = 0 : i64, scratch_operands = 9 : i64, tpu.core_type = #tpu.core_type<sc_vector_subcore>, window_params = [{transform_indices = #map}, {transform_indices = #map1}, {transform_indices = #map}, {transform_indices = #map}]} {
    %mul3A = arith.constant 2 : i32
    %mul3A_0 = arith.muli %arg1, %mul3A : i32
    %add3A = arith.addi %mul3A_0, %arg0 : i32
    %scan3A = arith.constant 0 : i32
    %scan3A_1 = arith.constant 25 : i32
    %scan3A_2 = arith.addi %scan3A, %scan3A_1 : i32
    %scan3A_3 = arith.constant 1 : i32
    scf.for %scan3A_15 = %scan3A to %scan3A_2 step %scan3A_3  : i32 {
      %mul3A_16 = arith.constant 1 : i32
      %mul3A_17 = arith.muli %scan3A_15, %mul3A_16 : i32
      %add3A_18 = arith.constant 0 : i32
      %add3A_19 = arith.addi %add3A_18, %mul3A_17 : i32
      %mul3A_20 = arith.constant 16 : i32
      %mul3A_21 = arith.muli %add3A_19, %mul3A_20 : i32
      %iota3A = tpu.iota {dimensions = array<i32: 0>} : vector<16xi32>
      %mul3A_22 = arith.constant 16 : i32
      %mul3A_23 = arith.muli %add3A_19, %mul3A_22 : i32
      %mul3A_24 = arith.constant 400 : i32
      %mul3A_25 = arith.muli %arg1, %mul3A_24 : i32
      %add3A_26 = arith.addi %mul3A_23, %mul3A_25 : i32
      %add3A_27 = vector.broadcast %add3A_26 : i32 to vector<16xi32>
      %add3A_28 = arith.addi %iota3A, %add3A_27 : vector<16xi32>
      %swap3A = arith.index_cast %mul3A_21 : i32 to index
      %swap3A_29 = tpu.vector_load %arg7[%swap3A] {strides = array<i32>} : memref<400xi32, #tpu.memory_space<vmem>>, vector<16xi32>,
      %swap3A_30 = vector.shape_cast %swap3A_29 : vector<16xi32> to vector<16xi32>
      %swap3A_31 = vector.shape_cast %add3A_28 : vector<16xi32> to vector<16xi32>
      tpu.vector_store %arg7[%swap3A], %swap3A_31 {strides = array<i32>} : memref<400xi32, #tpu.memory_space<vmem>>, vector<16xi32>,
    }
    %scan3A_4 = arith.constant 25 : i32
    %scan3A_5 = arith.constant 0 : i32
    %scan3A_6 = arith.constant 400 : i32
    %scan3A_7 = arith.addi %scan3A_5, %scan3A_6 : i32
    %scan3A_8 = arith.constant 1 : i32
    scf.for %scan3A_15 = %scan3A_5 to %scan3A_7 step %scan3A_8  : i32 {
      %mul3A_16 = arith.constant 1 : i32
      %mul3A_17 = arith.muli %scan3A_15, %mul3A_16 : i32
      %add3A_18 = arith.constant 0 : i32
      %add3A_19 = arith.addi %add3A_18, %mul3A_17 : i32
      %broadcast_in_dim3A = arith.constant 0.000000e+00 : f32
      %broadcast_in_dim3A_20 = vector.broadcast %broadcast_in_dim3A : f32 to vector<16xf32>
      %swap3A = arith.index_cast %add3A_19 : i32 to index
      %swap3A_21 = arith.constant 0 : index
      %swap3A_22 = tpu.vector_load %arg8[%swap3A, %swap3A_21] {strides = array<i32>} : memref<400x64xf32, #tpu.memory_space<vmem>>, vector<1x16xf32>,
      %swap3A_23 = vector.shape_cast %swap3A_22 : vector<1x16xf32> to vector<16xf32>
      %swap3A_24 = vector.shape_cast %broadcast_in_dim3A_20 : vector<16xf32> to vector<1x16xf32>
      tpu.vector_store %arg8[%swap3A, %swap3A_21], %swap3A_24 {strides = array<i32>} : memref<400x64xf32, #tpu.memory_space<vmem>>, vector<1x16xf32>,
      %broadcast_in_dim3A_25 = arith.constant 0.000000e+00 : f32
      %broadcast_in_dim3A_26 = vector.broadcast %broadcast_in_dim3A_25 : f32 to vector<16xf32>
      %swap3A_27 = arith.index_cast %add3A_19 : i32 to index
      %swap3A_28 = arith.constant 16 : index
      %swap3A_29 = tpu.vector_load %arg8[%swap3A_27, %swap3A_28] {strides = array<i32>} : memref<400x64xf32, #tpu.memory_space<vmem>>, vector<1x16xf32>,
      %swap3A_30 = vector.shape_cast %swap3A_29 : vector<1x16xf32> to vector<16xf32>
      %swap3A_31 = vector.shape_cast %broadcast_in_dim3A_26 : vector<16xf32> to vector<1x16xf32>
      tpu.vector_store %arg8[%swap3A_27, %swap3A_28], %swap3A_31 {strides = array<i32>} : memref<400x64xf32, #tpu.memory_space<vmem>>, vector<1x16xf32>,
      %broadcast_in_dim3A_32 = arith.constant 0.000000e+00 : f32
      %broadcast_in_dim3A_33 = vector.broadcast %broadcast_in_dim3A_32 : f32 to vector<16xf32>
      %swap3A_34 = arith.index_cast %add3A_19 : i32 to index
      %swap3A_35 = arith.constant 32 : index
      %swap3A_36 = tpu.vector_load %arg8[%swap3A_34, %swap3A_35] {strides = array<i32>} : memref<400x64xf32, #tpu.memory_space<vmem>>, vector<1x16xf32>,
      %swap3A_37 = vector.shape_cast %swap3A_36 : vector<1x16xf32> to vector<16xf32>
      %swap3A_38 = vector.shape_cast %broadcast_in_dim3A_33 : vector<16xf32> to vector<1x16xf32>
      tpu.vector_store %arg8[%swap3A_34, %swap3A_35], %swap3A_38 {strides = array<i32>} : memref<400x64xf32, #tpu.memory_space<vmem>>, vector<1x16xf32>,
      %broadcast_in_dim3A_39 = arith.constant 0.000000e+00 : f32
      %broadcast_in_dim3A_40 = vector.broadcast %broadcast_in_dim3A_39 : f32 to vector<16xf32>
      %swap3A_41 = arith.index_cast %add3A_19 : i32 to index
      %swap3A_42 = arith.constant 48 : index
      %swap3A_43 = tpu.vector_load %arg8[%swap3A_41, %swap3A_42] {strides = array<i32>} : memref<400x64xf32, #tpu.memory_space<vmem>>, vector<1x16xf32>,
      %swap3A_44 = vector.shape_cast %swap3A_43 : vector<1x16xf32> to vector<16xf32>
      %swap3A_45 = vector.shape_cast %broadcast_in_dim3A_40 : vector<16xf32> to vector<1x16xf32>
      tpu.vector_store %arg8[%swap3A_41, %swap3A_42], %swap3A_45 {strides = array<i32>} : memref<400x64xf32, #tpu.memory_space<vmem>>, vector<1x16xf32>,
    }
    %scan3A_9 = arith.constant 400 : i32
    %scan3A_10 = arith.constant 0 : i32
    %scan3A_11 = arith.constant 4 : i32
    %scan3A_12 = arith.addi %scan3A_10, %scan3A_11 : i32
    %scan3A_13 = arith.constant 1 : i32
    scf.for %scan3A_15 = %scan3A_10 to %scan3A_12 step %scan3A_13  : i32 {
      %mul3A_16 = arith.constant 1 : i32
      %mul3A_17 = arith.muli %scan3A_15, %mul3A_16 : i32
      %add3A_18 = arith.constant 0 : i32
      %add3A_19 = arith.addi %add3A_18, %mul3A_17 : i32
      %mul3A_20 = arith.constant 32 : i32
      %mul3A_21 = arith.muli %mul3A_20, %add3A_19 : i32
      %add3A_22 = arith.addi %add3A, %mul3A_21 : i32
      %lt3A = arith.constant 125 : i32
      %lt3A_23 = arith.cmpi slt, %add3A_22, %lt3A : i32
      %convert_element_type3A = arith.extui %lt3A_23 : i1 to i32
      %cond3A = arith.constant 0 : i32
      %cond3A_24 = arith.cmpi ne, %convert_element_type3A, %cond3A : i32
      scf.if %cond3A_24 {
        %mul3A_25 = arith.constant 400 : i32
        %mul3A_26 = arith.muli %add3A_22, %mul3A_25 : i32
        %dma_start3A = arith.constant 0 : i32
        %dma_start3A_27 = arith.constant 0 : i32
        %dma_start3A_28 = tpu.memref_slice %arg3[%dma_start3A, %add3A_22, %dma_start3A_27] : memref<27x125x400xi32, #tpu.memory_space<hbm>> -> memref<27x1x400xi32, #tpu.memory_space<hbm>>
        %dma_start3A_29 = tpu.memref_squeeze %dma_start3A_28 : memref<27x1x400xi32, #tpu.memory_space<hbm>> -> memref<27x400xi32, #tpu.memory_space<hbm>>
        %dma_start3A_30 = arith.constant 0 : i32
        %dma_start3A_31 = arith.constant 0 : i32
        %dma_start3A_32 = tpu.memref_slice %arg3[%dma_start3A_30, %add3A_22, %dma_start3A_31] : memref<27x125x400xi32, #tpu.memory_space<hbm>> -> memref<27x1x400xi32, #tpu.memory_space<hbm>>
        %dma_start3A_33 = tpu.memref_squeeze %dma_start3A_32 : memref<27x1x400xi32, #tpu.memory_space<hbm>> -> memref<27x400xi32, #tpu.memory_space<hbm>>
        tpu.enqueue_dma source(%dma_start3A_33 : memref<27x400xi32, #tpu.memory_space<hbm>>) target(%arg6 : memref<27x400xi32, #tpu.memory_space<vmem>>) target_semaphore(%arg14 : memref<!tpu.dma_semaphore, #tpu.memory_space<semaphore_mem>>)
        %dma_wait3A = arith.constant 0 : i32
        %dma_wait3A_34 = arith.constant 0 : i32
        %dma_wait3A_35 = tpu.memref_slice %arg3[%dma_wait3A, %add3A_22, %dma_wait3A_34] : memref<27x125x400xi32, #tpu.memory_space<hbm>> -> memref<27x1x400xi32, #tpu.memory_space<hbm>>
        %dma_wait3A_36 = tpu.memref_squeeze %dma_wait3A_35 : memref<27x1x400xi32, #tpu.memory_space<hbm>> -> memref<27x400xi32, #tpu.memory_space<hbm>>
        %dma_wait3A_37 = arith.constant 0 : i32
        %dma_wait3A_38 = arith.constant 0 : i32
        %dma_wait3A_39 = tpu.memref_slice %arg3[%dma_wait3A_37, %add3A_22, %dma_wait3A_38] : memref<27x125x400xi32, #tpu.memory_space<hbm>> -> memref<27x1x400xi32, #tpu.memory_space<hbm>>
        %dma_wait3A_40 = tpu.memref_squeeze %dma_wait3A_39 : memref<27x1x400xi32, #tpu.memory_space<hbm>> -> memref<27x400xi32, #tpu.memory_space<hbm>>
        tpu.wait_dma2 semaphore(%arg14 : memref<!tpu.dma_semaphore, #tpu.memory_space<semaphore_mem>>) src(%dma_wait3A_40 : memref<27x400xi32, #tpu.memory_space<hbm>>) dst(%arg6 : memref<27x400xi32, #tpu.memory_space<vmem>>)
        %mul3A_41 = arith.constant 400 : i32
        %mul3A_42 = arith.muli %arg1, %mul3A_41 : i32
        %dma_start3A_43 = arith.constant 0 : i32
        %dma_start3A_44 = tpu.memref_slice %arg11[%mul3A_42, %dma_start3A_43] : memref<6400x64xf32, #tpu.memory_space<vmem_shared>> -> memref<400x64xf32, #tpu.memory_space<vmem_shared>>
        %dma_start3A_45 = arith.constant 0 : i32
        %dma_start3A_46 = tpu.memref_slice %arg4[%mul3A_26, %dma_start3A_45] : memref<50000x64xf32, #tpu.memory_space<hbm>> -> memref<400x64xf32, #tpu.memory_space<hbm>>
        tpu.enqueue_dma source(%dma_start3A_46 : memref<400x64xf32, #tpu.memory_space<hbm>>) target(%dma_start3A_44 : memref<400x64xf32, #tpu.memory_space<vmem_shared>>) target_semaphore(%arg14 : memref<!tpu.dma_semaphore, #tpu.memory_space<semaphore_mem>>)
        %dma_wait3A_47 = arith.constant 0 : i32
        %dma_wait3A_48 = tpu.memref_slice %arg11[%mul3A_42, %dma_wait3A_47] : memref<6400x64xf32, #tpu.memory_space<vmem_shared>> -> memref<400x64xf32, #tpu.memory_space<vmem_shared>>
        %dma_wait3A_49 = arith.constant 0 : i32
        %dma_wait3A_50 = tpu.memref_slice %arg4[%mul3A_26, %dma_wait3A_49] : memref<50000x64xf32, #tpu.memory_space<hbm>> -> memref<400x64xf32, #tpu.memory_space<hbm>>
        tpu.wait_dma2 semaphore(%arg14 : memref<!tpu.dma_semaphore, #tpu.memory_space<semaphore_mem>>) src(%dma_wait3A_50 : memref<400x64xf32, #tpu.memory_space<hbm>>) dst(%dma_wait3A_48 : memref<400x64xf32, #tpu.memory_space<vmem_shared>>)
        %dma_start3A_51 = arith.constant 0 : i32
        %dma_start3A_52 = arith.constant 0 : i32
        %dma_start3A_53 = tpu.memref_slice %arg6[%dma_start3A_51, %dma_start3A_52] : memref<27x400xi32, #tpu.memory_space<vmem>> -> memref<1x400xi32, #tpu.memory_space<vmem>>
        %dma_start3A_54 = tpu.memref_squeeze %dma_start3A_53 : memref<1x400xi32, #tpu.memory_space<vmem>> -> memref<400xi32, #tpu.memory_space<vmem>>
        %dma_start3A_55 = arith.constant 0 : i32
        %dma_start3A_56 = arith.constant 0 : i32
        %dma_start3A_57 = tpu.memref_slice %arg2[%dma_start3A_55, %dma_start3A_56] : memref<1404000x64xf32, #tpu.memory_space<hbm>> -> memref<1404000x64xf32, #tpu.memory_space<hbm>>
        tpu.enqueue_indirect_dma source(%dma_start3A_57 : memref<1404000x64xf32, #tpu.memory_space<hbm>>) target(%arg9 : memref<400x64xf32, #tpu.memory_space<vmem>>) offsets(%dma_start3A_54 : memref<400xi32, #tpu.memory_space<vmem>>) semaphore(%arg12 : memref<!tpu.dma_semaphore, #tpu.memory_space<semaphore_mem>>)
        %scan3A_58 = arith.constant 0 : i32
        %scan3A_59 = arith.constant 13 : i32
        %scan3A_60 = arith.addi %scan3A_58, %scan3A_59 : i32
        %scan3A_61 = arith.constant 1 : i32
        scf.for %scan3A_80 = %scan3A_58 to %scan3A_60 step %scan3A_61  : i32 {
          %mul3A_81 = arith.constant 1 : i32
          %mul3A_82 = arith.muli %scan3A_80, %mul3A_81 : i32
          %add3A_83 = arith.constant 0 : i32
          %add3A_84 = arith.addi %add3A_83, %mul3A_82 : i32
          %mul3A_85 = arith.constant 2 : i32
          %mul3A_86 = arith.muli %mul3A_85, %add3A_84 : i32
          %add3A_87 = arith.constant 1 : i32
          %add3A_88 = arith.addi %mul3A_86, %add3A_87 : i32
          %dma_start3A_89 = arith.constant 0 : i32
          %dma_start3A_90 = tpu.memref_slice %arg6[%add3A_88, %dma_start3A_89] : memref<27x400xi32, #tpu.memory_space<vmem>> -> memref<1x400xi32, #tpu.memory_space<vmem>>
          %dma_start3A_91 = tpu.memref_squeeze %dma_start3A_90 : memref<1x400xi32, #tpu.memory_space<vmem>> -> memref<400xi32, #tpu.memory_space<vmem>>
          %dma_start3A_92 = arith.constant 0 : i32
          %dma_start3A_93 = arith.constant 0 : i32
          %dma_start3A_94 = tpu.memref_slice %arg2[%dma_start3A_92, %dma_start3A_93] : memref<1404000x64xf32, #tpu.memory_space<hbm>> -> memref<1404000x64xf32, #tpu.memory_space<hbm>>
          tpu.enqueue_indirect_dma source(%dma_start3A_94 : memref<1404000x64xf32, #tpu.memory_space<hbm>>) target(%arg10 : memref<400x64xf32, #tpu.memory_space<vmem>>) offsets(%dma_start3A_91 : memref<400xi32, #tpu.memory_space<vmem>>) semaphore(%arg13 : memref<!tpu.dma_semaphore, #tpu.memory_space<semaphore_mem>>)
          %dma_wait3A_95 = arith.constant 0 : i32
          %dma_wait3A_96 = arith.constant 0 : i32
          %dma_wait3A_97 = tpu.memref_slice %arg6[%dma_wait3A_95, %dma_wait3A_96] : memref<27x400xi32, #tpu.memory_space<vmem>> -> memref<1x400xi32, #tpu.memory_space<vmem>>
          %dma_wait3A_98 = tpu.memref_squeeze %dma_wait3A_97 : memref<1x400xi32, #tpu.memory_space<vmem>> -> memref<400xi32, #tpu.memory_space<vmem>>
          %dma_wait3A_99 = arith.constant 0 : i32
          %dma_wait3A_100 = arith.constant 0 : i32
          %dma_wait3A_101 = tpu.memref_slice %arg2[%dma_wait3A_99, %dma_wait3A_100] : memref<1404000x64xf32, #tpu.memory_space<hbm>> -> memref<1404000x64xf32, #tpu.memory_space<hbm>>
          tpu.wait_indirect_dma semaphore(%arg12 : memref<!tpu.dma_semaphore, #tpu.memory_space<semaphore_mem>>) src(%dma_wait3A_101 : memref<1404000x64xf32, #tpu.memory_space<hbm>>) dst(%arg9 : memref<400x64xf32, #tpu.memory_space<vmem>>)
          "tpu.region"() ({
            %run_scoped3A = tpu.sem_alloc : memref<!tpu.dma_semaphore, #tpu.memory_space<semaphore_mem>>
            %dma_start3A_119 = arith.constant 0 : i32
            %dma_start3A_120 = arith.constant 0 : i32
            %dma_start3A_121 = tpu.memref_slice %arg11[%dma_start3A_119, %dma_start3A_120] : memref<6400x64xf32, #tpu.memory_space<vmem_shared>> -> memref<6400x64xf32, #tpu.memory_space<vmem_shared>>
            tpu.enqueue_indirect_dma source(%arg9 : memref<400x64xf32, #tpu.memory_space<vmem>>) target(%dma_start3A_121 : memref<6400x64xf32, #tpu.memory_space<vmem_shared>>) offsets(%arg7 : memref<400xi32, #tpu.memory_space<vmem>>) semaphore(%run_scoped3A : memref<!tpu.dma_semaphore, #tpu.memory_space<semaphore_mem>>) {add = true}
            %dma_wait3A_122 = arith.constant 0 : i32
            %dma_wait3A_123 = arith.constant 0 : i32
            %dma_wait3A_124 = tpu.memref_slice %arg11[%dma_wait3A_122, %dma_wait3A_123] : memref<6400x64xf32, #tpu.memory_space<vmem_shared>> -> memref<6400x64xf32, #tpu.memory_space<vmem_shared>>
            tpu.wait_indirect_dma semaphore(%run_scoped3A : memref<!tpu.dma_semaphore, #tpu.memory_space<semaphore_mem>>) src(%arg9 : memref<400x64xf32, #tpu.memory_space<vmem>>) dst(%dma_wait3A_124 : memref<6400x64xf32, #tpu.memory_space<vmem_shared>>)
            tpu.yield
          }) : () -> ()
          %mul3A_102 = arith.constant 2 : i32
          %mul3A_103 = arith.muli %mul3A_102, %add3A_84 : i32
          %add3A_104 = arith.constant 2 : i32
          %add3A_105 = arith.addi %mul3A_103, %add3A_104 : i32
          %dma_start3A_106 = arith.constant 0 : i32
          %dma_start3A_107 = tpu.memref_slice %arg6[%add3A_105, %dma_start3A_106] : memref<27x400xi32, #tpu.memory_space<vmem>> -> memref<1x400xi32, #tpu.memory_space<vmem>>
          %dma_start3A_108 = tpu.memref_squeeze %dma_start3A_107 : memref<1x400xi32, #tpu.memory_space<vmem>> -> memref<400xi32, #tpu.memory_space<vmem>>
          %dma_start3A_109 = arith.constant 0 : i32
          %dma_start3A_110 = arith.constant 0 : i32
          %dma_start3A_111 = tpu.memref_slice %arg2[%dma_start3A_109, %dma_start3A_110] : memref<1404000x64xf32, #tpu.memory_space<hbm>> -> memref<1404000x64xf32, #tpu.memory_space<hbm>>
          tpu.enqueue_indirect_dma source(%dma_start3A_111 : memref<1404000x64xf32, #tpu.memory_space<hbm>>) target(%arg9 : memref<400x64xf32, #tpu.memory_space<vmem>>) offsets(%dma_start3A_108 : memref<400xi32, #tpu.memory_space<vmem>>) semaphore(%arg12 : memref<!tpu.dma_semaphore, #tpu.memory_space<semaphore_mem>>)
          %dma_wait3A_112 = arith.constant 0 : i32
          %dma_wait3A_113 = arith.constant 0 : i32
          %dma_wait3A_114 = tpu.memref_slice %arg6[%dma_wait3A_112, %dma_wait3A_113] : memref<27x400xi32, #tpu.memory_space<vmem>> -> memref<1x400xi32, #tpu.memory_space<vmem>>
          %dma_wait3A_115 = tpu.memref_squeeze %dma_wait3A_114 : memref<1x400xi32, #tpu.memory_space<vmem>> -> memref<400xi32, #tpu.memory_space<vmem>>
          %dma_wait3A_116 = arith.constant 0 : i32
          %dma_wait3A_117 = arith.constant 0 : i32
          %dma_wait3A_118 = tpu.memref_slice %arg2[%dma_wait3A_116, %dma_wait3A_117] : memref<1404000x64xf32, #tpu.memory_space<hbm>> -> memref<1404000x64xf32, #tpu.memory_space<hbm>>
          tpu.wait_indirect_dma semaphore(%arg13 : memref<!tpu.dma_semaphore, #tpu.memory_space<semaphore_mem>>) src(%dma_wait3A_118 : memref<1404000x64xf32, #tpu.memory_space<hbm>>) dst(%arg10 : memref<400x64xf32, #tpu.memory_space<vmem>>)
          "tpu.region"() ({
            %run_scoped3A = tpu.sem_alloc : memref<!tpu.dma_semaphore, #tpu.memory_space<semaphore_mem>>
            %dma_start3A_119 = arith.constant 0 : i32
            %dma_start3A_120 = arith.constant 0 : i32
            %dma_start3A_121 = tpu.memref_slice %arg11[%dma_start3A_119, %dma_start3A_120] : memref<6400x64xf32, #tpu.memory_space<vmem_shared>> -> memref<6400x64xf32, #tpu.memory_space<vmem_shared>>
            tpu.enqueue_indirect_dma source(%arg10 : memref<400x64xf32, #tpu.memory_space<vmem>>) target(%dma_start3A_121 : memref<6400x64xf32, #tpu.memory_space<vmem_shared>>) offsets(%arg7 : memref<400xi32, #tpu.memory_space<vmem>>) semaphore(%run_scoped3A : memref<!tpu.dma_semaphore, #tpu.memory_space<semaphore_mem>>) {add = true}
            %dma_wait3A_122 = arith.constant 0 : i32
            %dma_wait3A_123 = arith.constant 0 : i32
            %dma_wait3A_124 = tpu.memref_slice %arg11[%dma_wait3A_122, %dma_wait3A_123] : memref<6400x64xf32, #tpu.memory_space<vmem_shared>> -> memref<6400x64xf32, #tpu.memory_space<vmem_shared>>
            tpu.wait_indirect_dma semaphore(%run_scoped3A : memref<!tpu.dma_semaphore, #tpu.memory_space<semaphore_mem>>) src(%arg10 : memref<400x64xf32, #tpu.memory_space<vmem>>) dst(%dma_wait3A_124 : memref<6400x64xf32, #tpu.memory_space<vmem_shared>>)
            tpu.yield
          }) : () -> ()
        }
        %scan3A_62 = arith.constant 13 : i32
        %dma_wait3A_63 = arith.constant 0 : i32
        %dma_wait3A_64 = arith.constant 0 : i32
        %dma_wait3A_65 = tpu.memref_slice %arg6[%dma_wait3A_63, %dma_wait3A_64] : memref<27x400xi32, #tpu.memory_space<vmem>> -> memref<1x400xi32, #tpu.memory_space<vmem>>
        %dma_wait3A_66 = tpu.memref_squeeze %dma_wait3A_65 : memref<1x400xi32, #tpu.memory_space<vmem>> -> memref<400xi32, #tpu.memory_space<vmem>>
        %dma_wait3A_67 = arith.constant 0 : i32
        %dma_wait3A_68 = arith.constant 0 : i32
        %dma_wait3A_69 = tpu.memref_slice %arg2[%dma_wait3A_67, %dma_wait3A_68] : memref<1404000x64xf32, #tpu.memory_space<hbm>> -> memref<1404000x64xf32, #tpu.memory_space<hbm>>
        tpu.wait_indirect_dma semaphore(%arg12 : memref<!tpu.dma_semaphore, #tpu.memory_space<semaphore_mem>>) src(%dma_wait3A_69 : memref<1404000x64xf32, #tpu.memory_space<hbm>>) dst(%arg9 : memref<400x64xf32, #tpu.memory_space<vmem>>)
        "tpu.region"() ({
          %run_scoped3A = tpu.sem_alloc : memref<!tpu.dma_semaphore, #tpu.memory_space<semaphore_mem>>
          %dma_start3A_80 = arith.constant 0 : i32
          %dma_start3A_81 = arith.constant 0 : i32
          %dma_start3A_82 = tpu.memref_slice %arg11[%dma_start3A_80, %dma_start3A_81] : memref<6400x64xf32, #tpu.memory_space<vmem_shared>> -> memref<6400x64xf32, #tpu.memory_space<vmem_shared>>
          tpu.enqueue_indirect_dma source(%arg9 : memref<400x64xf32, #tpu.memory_space<vmem>>) target(%dma_start3A_82 : memref<6400x64xf32, #tpu.memory_space<vmem_shared>>) offsets(%arg7 : memref<400xi32, #tpu.memory_space<vmem>>) semaphore(%run_scoped3A : memref<!tpu.dma_semaphore, #tpu.memory_space<semaphore_mem>>) {add = true}
          %dma_wait3A_83 = arith.constant 0 : i32
          %dma_wait3A_84 = arith.constant 0 : i32
          %dma_wait3A_85 = tpu.memref_slice %arg11[%dma_wait3A_83, %dma_wait3A_84] : memref<6400x64xf32, #tpu.memory_space<vmem_shared>> -> memref<6400x64xf32, #tpu.memory_space<vmem_shared>>
          tpu.wait_indirect_dma semaphore(%run_scoped3A : memref<!tpu.dma_semaphore, #tpu.memory_space<semaphore_mem>>) src(%arg9 : memref<400x64xf32, #tpu.memory_space<vmem>>) dst(%dma_wait3A_85 : memref<6400x64xf32, #tpu.memory_space<vmem_shared>>)
          tpu.yield
        }) : () -> ()
        %mul3A_70 = arith.constant 400 : i32
        %mul3A_71 = arith.muli %arg1, %mul3A_70 : i32
        %dma_start3A_72 = arith.constant 0 : i32
        %dma_start3A_73 = tpu.memref_slice %arg5[%mul3A_26, %dma_start3A_72] : memref<50000x64xf32, #tpu.memory_space<hbm>> -> memref<400x64xf32, #tpu.memory_space<hbm>>
        %dma_start3A_74 = arith.constant 0 : i32
        %dma_start3A_75 = tpu.memref_slice %arg11[%mul3A_71, %dma_start3A_74] : memref<6400x64xf32, #tpu.memory_space<vmem_shared>> -> memref<400x64xf32, #tpu.memory_space<vmem_shared>>
        tpu.enqueue_dma source(%dma_start3A_75 : memref<400x64xf32, #tpu.memory_space<vmem_shared>>) target(%dma_start3A_73 : memref<400x64xf32, #tpu.memory_space<hbm>>) target_semaphore(%arg14 : memref<!tpu.dma_semaphore, #tpu.memory_space<semaphore_mem>>)
        %dma_wait3A_76 = arith.constant 0 : i32
        %dma_wait3A_77 = tpu.memref_slice %arg5[%mul3A_26, %dma_wait3A_76] : memref<50000x64xf32, #tpu.memory_space<hbm>> -> memref<400x64xf32, #tpu.memory_space<hbm>>
        %dma_wait3A_78 = arith.constant 0 : i32
        %dma_wait3A_79 = tpu.memref_slice %arg11[%mul3A_71, %dma_wait3A_78] : memref<6400x64xf32, #tpu.memory_space<vmem_shared>> -> memref<400x64xf32, #tpu.memory_space<vmem_shared>>
        tpu.wait_dma2 semaphore(%arg14 : memref<!tpu.dma_semaphore, #tpu.memory_space<semaphore_mem>>) src(%dma_wait3A_79 : memref<400x64xf32, #tpu.memory_space<vmem_shared>>) dst(%dma_wait3A_77 : memref<400x64xf32, #tpu.memory_space<hbm>>)
      } else {
      }
    }
    %scan3A_14 = arith.constant 4 : i32
    return
  }
}

#map = affine_map<(d0, d1) -> (0, 0)>
#map1 = affine_map<(d0, d1) -> (0, 0, 0)>
module attributes {stable_mosaic.version = 14 : i64} {
  func.func @k(%arg0: i32, %arg1: i32, %arg2: memref<1404000x64xf32, #tpu.memory_space<hbm>>, %arg3: memref<27x125x400xi32, #tpu.memory_space<hbm>>, %arg4: memref<50000x64xf32, #tpu.memory_space<hbm>>, %arg5: memref<50000x64xf32, #tpu.memory_space<hbm>>, %arg6: memref<27x400xi32, #tpu.memory_space<vmem>>, %arg7: memref<400xi32, #tpu.memory_space<vmem>>, %arg8: memref<400x64xf32, #tpu.memory_space<vmem>>, %arg9: memref<400x64xf32, #tpu.memory_space<vmem>>, %arg10: memref<400x64xf32, #tpu.memory_space<vmem>>, %arg11: memref<6400x64xf32, #tpu.memory_space<vmem_shared>>, %arg12: memref<!tpu.dma_semaphore, #tpu.memory_space<semaphore_mem>>, %arg13: memref<!tpu.dma_semaphore, #tpu.memory_space<semaphore_mem>>, %arg14: memref<!tpu.dma_semaphore, #tpu.memory_space<semaphore_mem>>) attributes {dimension_semantics = [#tpu.dimension_semantics<core_parallel>, #tpu.dimension_semantics<subcore_parallel>], iteration_bounds = array<i64: 2, 16>, scalar_prefetch = 0 : i64, scratch_operands = 9 : i64, tpu.core_type = #tpu.core_type<sc_vector_subcore>, window_params = [{transform_indices = #map}, {transform_indices = #map1}, {transform_indices = #map}, {transform_indices = #map}]} {
    %mul3A = arith.constant 2 : i32
    %mul3A_0 = arith.muli %arg1, %mul3A : i32
    %add3A = arith.addi %mul3A_0, %arg0 : i32
    %scan3A = arith.constant 0 : i32
    %scan3A_1 = arith.constant 25 : i32
    %scan3A_2 = arith.addi %scan3A, %scan3A_1 : i32
    %scan3A_3 = arith.constant 1 : i32
    scf.for %scan3A_15 = %scan3A to %scan3A_2 step %scan3A_3  : i32 {
      %mul3A_16 = arith.constant 1 : i32
      %mul3A_17 = arith.muli %scan3A_15, %mul3A_16 : i32
      %add3A_18 = arith.constant 0 : i32
      %add3A_19 = arith.addi %add3A_18, %mul3A_17 : i32
      %mul3A_20 = arith.constant 16 : i32
      %mul3A_21 = arith.muli %add3A_19, %mul3A_20 : i32
      %iota3A = tpu.iota {dimensions = array<i32: 0>} : vector<16xi32>
      %mul3A_22 = arith.constant 16 : i32
      %mul3A_23 = arith.muli %add3A_19, %mul3A_22 : i32
      %mul3A_24 = arith.constant 400 : i32
      %mul3A_25 = arith.muli %arg1, %mul3A_24 : i32
      %add3A_26 = arith.addi %mul3A_23, %mul3A_25 : i32
      %add3A_27 = vector.broadcast %add3A_26 : i32 to vector<16xi32>
      %add3A_28 = arith.addi %iota3A, %add3A_27 : vector<16xi32>
      %swap3A = arith.index_cast %mul3A_21 : i32 to index
      %swap3A_29 = tpu.vector_load %arg7[%swap3A] {strides = array<i32>} : memref<400xi32, #tpu.memory_space<vmem>>, vector<16xi32>,
      %swap3A_30 = vector.shape_cast %swap3A_29 : vector<16xi32> to vector<16xi32>
      %swap3A_31 = vector.shape_cast %add3A_28 : vector<16xi32> to vector<16xi32>
      tpu.vector_store %arg7[%swap3A], %swap3A_31 {strides = array<i32>} : memref<400xi32, #tpu.memory_space<vmem>>, vector<16xi32>,
    }
    %scan3A_4 = arith.constant 25 : i32
    %scan3A_5 = arith.constant 0 : i32
    %scan3A_6 = arith.constant 400 : i32
    %scan3A_7 = arith.addi %scan3A_5, %scan3A_6 : i32
    %scan3A_8 = arith.constant 1 : i32
    scf.for %scan3A_15 = %scan3A_5 to %scan3A_7 step %scan3A_8  : i32 {
      %mul3A_16 = arith.constant 1 : i32
      %mul3A_17 = arith.muli %scan3A_15, %mul3A_16 : i32
      %add3A_18 = arith.constant 0 : i32
      %add3A_19 = arith.addi %add3A_18, %mul3A_17 : i32
      %broadcast_in_dim3A = arith.constant 0.000000e+00 : f32
      %broadcast_in_dim3A_20 = vector.broadcast %broadcast_in_dim3A : f32 to vector<16xf32>
      %swap3A = arith.index_cast %add3A_19 : i32 to index
      %swap3A_21 = arith.constant 0 : index
      %swap3A_22 = tpu.vector_load %arg8[%swap3A, %swap3A_21] {strides = array<i32>} : memref<400x64xf32, #tpu.memory_space<vmem>>, vector<1x16xf32>,
      %swap3A_23 = vector.shape_cast %swap3A_22 : vector<1x16xf32> to vector<16xf32>
      %swap3A_24 = vector.shape_cast %broadcast_in_dim3A_20 : vector<16xf32> to vector<1x16xf32>
      tpu.vector_store %arg8[%swap3A, %swap3A_21], %swap3A_24 {strides = array<i32>} : memref<400x64xf32, #tpu.memory_space<vmem>>, vector<1x16xf32>,
      %broadcast_in_dim3A_25 = arith.constant 0.000000e+00 : f32
      %broadcast_in_dim3A_26 = vector.broadcast %broadcast_in_dim3A_25 : f32 to vector<16xf32>
      %swap3A_27 = arith.index_cast %add3A_19 : i32 to index
      %swap3A_28 = arith.constant 16 : index
      %swap3A_29 = tpu.vector_load %arg8[%swap3A_27, %swap3A_28] {strides = array<i32>} : memref<400x64xf32, #tpu.memory_space<vmem>>, vector<1x16xf32>,
      %swap3A_30 = vector.shape_cast %swap3A_29 : vector<1x16xf32> to vector<16xf32>
      %swap3A_31 = vector.shape_cast %broadcast_in_dim3A_26 : vector<16xf32> to vector<1x16xf32>
      tpu.vector_store %arg8[%swap3A_27, %swap3A_28], %swap3A_31 {strides = array<i32>} : memref<400x64xf32, #tpu.memory_space<vmem>>, vector<1x16xf32>,
      %broadcast_in_dim3A_32 = arith.constant 0.000000e+00 : f32
      %broadcast_in_dim3A_33 = vector.broadcast %broadcast_in_dim3A_32 : f32 to vector<16xf32>
      %swap3A_34 = arith.index_cast %add3A_19 : i32 to index
      %swap3A_35 = arith.constant 32 : index
      %swap3A_36 = tpu.vector_load %arg8[%swap3A_34, %swap3A_35] {strides = array<i32>} : memref<400x64xf32, #tpu.memory_space<vmem>>, vector<1x16xf32>,
      %swap3A_37 = vector.shape_cast %swap3A_36 : vector<1x16xf32> to vector<16xf32>
      %swap3A_38 = vector.shape_cast %broadcast_in_dim3A_33 : vector<16xf32> to vector<1x16xf32>
      tpu.vector_store %arg8[%swap3A_34, %swap3A_35], %swap3A_38 {strides = array<i32>} : memref<400x64xf32, #tpu.memory_space<vmem>>, vector<1x16xf32>,
      %broadcast_in_dim3A_39 = arith.constant 0.000000e+00 : f32
      %broadcast_in_dim3A_40 = vector.broadcast %broadcast_in_dim3A_39 : f32 to vector<16xf32>
      %swap3A_41 = arith.index_cast %add3A_19 : i32 to index
      %swap3A_42 = arith.constant 48 : index
      %swap3A_43 = tpu.vector_load %arg8[%swap3A_41, %swap3A_42] {strides = array<i32>} : memref<400x64xf32, #tpu.memory_space<vmem>>, vector<1x16xf32>,
      %swap3A_44 = vector.shape_cast %swap3A_43 : vector<1x16xf32> to vector<16xf32>
      %swap3A_45 = vector.shape_cast %broadcast_in_dim3A_40 : vector<16xf32> to vector<1x16xf32>
      tpu.vector_store %arg8[%swap3A_41, %swap3A_42], %swap3A_45 {strides = array<i32>} : memref<400x64xf32, #tpu.memory_space<vmem>>, vector<1x16xf32>,
    }
    %scan3A_9 = arith.constant 400 : i32
    %scan3A_10 = arith.constant 0 : i32
    %scan3A_11 = arith.constant 4 : i32
    %scan3A_12 = arith.addi %scan3A_10, %scan3A_11 : i32
    %scan3A_13 = arith.constant 1 : i32
    scf.for %scan3A_15 = %scan3A_10 to %scan3A_12 step %scan3A_13  : i32 {
      %mul3A_16 = arith.constant 1 : i32
      %mul3A_17 = arith.muli %scan3A_15, %mul3A_16 : i32
      %add3A_18 = arith.constant 0 : i32
      %add3A_19 = arith.addi %add3A_18, %mul3A_17 : i32
      %mul3A_20 = arith.constant 32 : i32
      %mul3A_21 = arith.muli %mul3A_20, %add3A_19 : i32
      %add3A_22 = arith.addi %add3A, %mul3A_21 : i32
      %lt3A = arith.constant 125 : i32
      %lt3A_23 = arith.cmpi slt, %add3A_22, %lt3A : i32
      %convert_element_type3A = arith.extui %lt3A_23 : i1 to i32
      %cond3A = arith.constant 0 : i32
      %cond3A_24 = arith.cmpi ne, %convert_element_type3A, %cond3A : i32
      scf.if %cond3A_24 {
        %mul3A_25 = arith.constant 400 : i32
        %mul3A_26 = arith.muli %add3A_22, %mul3A_25 : i32
        %dma_start3A = arith.constant 0 : i32
        %dma_start3A_27 = arith.constant 0 : i32
        %dma_start3A_28 = tpu.memref_slice %arg3[%dma_start3A, %add3A_22, %dma_start3A_27] : memref<27x125x400xi32, #tpu.memory_space<hbm>> -> memref<27x1x400xi32, #tpu.memory_space<hbm>>
        %dma_start3A_29 = tpu.memref_squeeze %dma_start3A_28 : memref<27x1x400xi32, #tpu.memory_space<hbm>> -> memref<27x400xi32, #tpu.memory_space<hbm>>
        %dma_start3A_30 = arith.constant 0 : i32
        %dma_start3A_31 = arith.constant 0 : i32
        %dma_start3A_32 = tpu.memref_slice %arg3[%dma_start3A_30, %add3A_22, %dma_start3A_31] : memref<27x125x400xi32, #tpu.memory_space<hbm>> -> memref<27x1x400xi32, #tpu.memory_space<hbm>>
        %dma_start3A_33 = tpu.memref_squeeze %dma_start3A_32 : memref<27x1x400xi32, #tpu.memory_space<hbm>> -> memref<27x400xi32, #tpu.memory_space<hbm>>
        tpu.enqueue_dma source(%dma_start3A_33 : memref<27x400xi32, #tpu.memory_space<hbm>>) target(%arg6 : memref<27x400xi32, #tpu.memory_space<vmem>>) target_semaphore(%arg14 : memref<!tpu.dma_semaphore, #tpu.memory_space<semaphore_mem>>)
        %dma_wait3A = arith.constant 0 : i32
        %dma_wait3A_34 = arith.constant 0 : i32
        %dma_wait3A_35 = tpu.memref_slice %arg3[%dma_wait3A, %add3A_22, %dma_wait3A_34] : memref<27x125x400xi32, #tpu.memory_space<hbm>> -> memref<27x1x400xi32, #tpu.memory_space<hbm>>
        %dma_wait3A_36 = tpu.memref_squeeze %dma_wait3A_35 : memref<27x1x400xi32, #tpu.memory_space<hbm>> -> memref<27x400xi32, #tpu.memory_space<hbm>>
        %dma_wait3A_37 = arith.constant 0 : i32
        %dma_wait3A_38 = arith.constant 0 : i32
        %dma_wait3A_39 = tpu.memref_slice %arg3[%dma_wait3A_37, %add3A_22, %dma_wait3A_38] : memref<27x125x400xi32, #tpu.memory_space<hbm>> -> memref<27x1x400xi32, #tpu.memory_space<hbm>>
        %dma_wait3A_40 = tpu.memref_squeeze %dma_wait3A_39 : memref<27x1x400xi32, #tpu.memory_space<hbm>> -> memref<27x400xi32, #tpu.memory_space<hbm>>
        tpu.wait_dma2 semaphore(%arg14 : memref<!tpu.dma_semaphore, #tpu.memory_space<semaphore_mem>>) src(%dma_wait3A_40 : memref<27x400xi32, #tpu.memory_space<hbm>>) dst(%arg6 : memref<27x400xi32, #tpu.memory_space<vmem>>)
        %mul3A_41 = arith.constant 400 : i32
        %mul3A_42 = arith.muli %arg1, %mul3A_41 : i32
        %dma_start3A_43 = arith.constant 0 : i32
        %dma_start3A_44 = tpu.memref_slice %arg11[%mul3A_42, %dma_start3A_43] : memref<6400x64xf32, #tpu.memory_space<vmem_shared>> -> memref<400x64xf32, #tpu.memory_space<vmem_shared>>
        %dma_start3A_45 = arith.constant 0 : i32
        %dma_start3A_46 = tpu.memref_slice %arg4[%mul3A_26, %dma_start3A_45] : memref<50000x64xf32, #tpu.memory_space<hbm>> -> memref<400x64xf32, #tpu.memory_space<hbm>>
        tpu.enqueue_dma source(%dma_start3A_46 : memref<400x64xf32, #tpu.memory_space<hbm>>) target(%dma_start3A_44 : memref<400x64xf32, #tpu.memory_space<vmem_shared>>) target_semaphore(%arg14 : memref<!tpu.dma_semaphore, #tpu.memory_space<semaphore_mem>>)
        %dma_wait3A_47 = arith.constant 0 : i32
        %dma_wait3A_48 = tpu.memref_slice %arg11[%mul3A_42, %dma_wait3A_47] : memref<6400x64xf32, #tpu.memory_space<vmem_shared>> -> memref<400x64xf32, #tpu.memory_space<vmem_shared>>
        %dma_wait3A_49 = arith.constant 0 : i32
        %dma_wait3A_50 = tpu.memref_slice %arg4[%mul3A_26, %dma_wait3A_49] : memref<50000x64xf32, #tpu.memory_space<hbm>> -> memref<400x64xf32, #tpu.memory_space<hbm>>
        tpu.wait_dma2 semaphore(%arg14 : memref<!tpu.dma_semaphore, #tpu.memory_space<semaphore_mem>>) src(%dma_wait3A_50 : memref<400x64xf32, #tpu.memory_space<hbm>>) dst(%dma_wait3A_48 : memref<400x64xf32, #tpu.memory_space<vmem_shared>>)
        %dma_start3A_51 = arith.constant 0 : i32
        %dma_start3A_52 = arith.constant 0 : i32
        %dma_start3A_53 = tpu.memref_slice %arg6[%dma_start3A_51, %dma_start3A_52] : memref<27x400xi32, #tpu.memory_space<vmem>> -> memref<1x400xi32, #tpu.memory_space<vmem>>
        %dma_start3A_54 = tpu.memref_squeeze %dma_start3A_53 : memref<1x400xi32, #tpu.memory_space<vmem>> -> memref<400xi32, #tpu.memory_space<vmem>>
        %dma_start3A_55 = arith.constant 0 : i32
        %dma_start3A_56 = arith.constant 0 : i32
        %dma_start3A_57 = tpu.memref_slice %arg2[%dma_start3A_55, %dma_start3A_56] : memref<1404000x64xf32, #tpu.memory_space<hbm>> -> memref<1404000x64xf32, #tpu.memory_space<hbm>>
        tpu.enqueue_indirect_dma source(%dma_start3A_57 : memref<1404000x64xf32, #tpu.memory_space<hbm>>) target(%arg9 : memref<400x64xf32, #tpu.memory_space<vmem>>) offsets(%dma_start3A_54 : memref<400xi32, #tpu.memory_space<vmem>>) semaphore(%arg12 : memref<!tpu.dma_semaphore, #tpu.memory_space<semaphore_mem>>)
        %scan3A_58 = arith.constant 0 : i32
        %scan3A_59 = arith.constant 13 : i32
        %scan3A_60 = arith.addi %scan3A_58, %scan3A_59 : i32
        %scan3A_61 = arith.constant 1 : i32
        scf.for %scan3A_80 = %scan3A_58 to %scan3A_60 step %scan3A_61  : i32 {
          %mul3A_81 = arith.constant 1 : i32
          %mul3A_82 = arith.muli %scan3A_80, %mul3A_81 : i32
          %add3A_83 = arith.constant 0 : i32
          %add3A_84 = arith.addi %add3A_83, %mul3A_82 : i32
          %mul3A_85 = arith.constant 2 : i32
          %mul3A_86 = arith.muli %mul3A_85, %add3A_84 : i32
          %add3A_87 = arith.constant 1 : i32
          %add3A_88 = arith.addi %mul3A_86, %add3A_87 : i32
          %dma_start3A_89 = arith.constant 0 : i32
          %dma_start3A_90 = tpu.memref_slice %arg6[%add3A_88, %dma_start3A_89] : memref<27x400xi32, #tpu.memory_space<vmem>> -> memref<1x400xi32, #tpu.memory_space<vmem>>
          %dma_start3A_91 = tpu.memref_squeeze %dma_start3A_90 : memref<1x400xi32, #tpu.memory_space<vmem>> -> memref<400xi32, #tpu.memory_space<vmem>>
          %dma_start3A_92 = arith.constant 0 : i32
          %dma_start3A_93 = arith.constant 0 : i32
          %dma_start3A_94 = tpu.memref_slice %arg2[%dma_start3A_92, %dma_start3A_93] : memref<1404000x64xf32, #tpu.memory_space<hbm>> -> memref<1404000x64xf32, #tpu.memory_space<hbm>>
          tpu.enqueue_indirect_dma source(%dma_start3A_94 : memref<1404000x64xf32, #tpu.memory_space<hbm>>) target(%arg10 : memref<400x64xf32, #tpu.memory_space<vmem>>) offsets(%dma_start3A_91 : memref<400xi32, #tpu.memory_space<vmem>>) semaphore(%arg13 : memref<!tpu.dma_semaphore, #tpu.memory_space<semaphore_mem>>)
          %dma_wait3A_95 = arith.constant 0 : i32
          %dma_wait3A_96 = arith.constant 0 : i32
          %dma_wait3A_97 = tpu.memref_slice %arg6[%dma_wait3A_95, %dma_wait3A_96] : memref<27x400xi32, #tpu.memory_space<vmem>> -> memref<1x400xi32, #tpu.memory_space<vmem>>
          %dma_wait3A_98 = tpu.memref_squeeze %dma_wait3A_97 : memref<1x400xi32, #tpu.memory_space<vmem>> -> memref<400xi32, #tpu.memory_space<vmem>>
          %dma_wait3A_99 = arith.constant 0 : i32
          %dma_wait3A_100 = arith.constant 0 : i32
          %dma_wait3A_101 = tpu.memref_slice %arg2[%dma_wait3A_99, %dma_wait3A_100] : memref<1404000x64xf32, #tpu.memory_space<hbm>> -> memref<1404000x64xf32, #tpu.memory_space<hbm>>
          tpu.wait_indirect_dma semaphore(%arg12 : memref<!tpu.dma_semaphore, #tpu.memory_space<semaphore_mem>>) src(%dma_wait3A_101 : memref<1404000x64xf32, #tpu.memory_space<hbm>>) dst(%arg9 : memref<400x64xf32, #tpu.memory_space<vmem>>)
          "tpu.region"() ({
            %run_scoped3A = tpu.sem_alloc : memref<!tpu.dma_semaphore, #tpu.memory_space<semaphore_mem>>
            %dma_start3A_119 = arith.constant 0 : i32
            %dma_start3A_120 = arith.constant 0 : i32
            %dma_start3A_121 = tpu.memref_slice %arg11[%dma_start3A_119, %dma_start3A_120] : memref<6400x64xf32, #tpu.memory_space<vmem_shared>> -> memref<6400x64xf32, #tpu.memory_space<vmem_shared>>
            tpu.enqueue_indirect_dma source(%arg9 : memref<400x64xf32, #tpu.memory_space<vmem>>) target(%dma_start3A_121 : memref<6400x64xf32, #tpu.memory_space<vmem_shared>>) offsets(%arg7 : memref<400xi32, #tpu.memory_space<vmem>>) semaphore(%run_scoped3A : memref<!tpu.dma_semaphore, #tpu.memory_space<semaphore_mem>>) {add = true}
            %dma_wait3A_122 = arith.constant 0 : i32
            %dma_wait3A_123 = arith.constant 0 : i32
            %dma_wait3A_124 = tpu.memref_slice %arg11[%dma_wait3A_122, %dma_wait3A_123] : memref<6400x64xf32, #tpu.memory_space<vmem_shared>> -> memref<6400x64xf32, #tpu.memory_space<vmem_shared>>
            tpu.wait_indirect_dma semaphore(%run_scoped3A : memref<!tpu.dma_semaphore, #tpu.memory_space<semaphore_mem>>) src(%arg9 : memref<400x64xf32, #tpu.memory_space<vmem>>) dst(%dma_wait3A_124 : memref<6400x64xf32, #tpu.memory_space<vmem_shared>>)
            tpu.yield
          }) : () -> ()
          %mul3A_102 = arith.constant 2 : i32
          %mul3A_103 = arith.muli %mul3A_102, %add3A_84 : i32
          %add3A_104 = arith.constant 2 : i32
          %add3A_105 = arith.addi %mul3A_103, %add3A_104 : i32
          %dma_start3A_106 = arith.constant 0 : i32
          %dma_start3A_107 = tpu.memref_slice %arg6[%add3A_105, %dma_start3A_106] : memref<27x400xi32, #tpu.memory_space<vmem>> -> memref<1x400xi32, #tpu.memory_space<vmem>>
          %dma_start3A_108 = tpu.memref_squeeze %dma_start3A_107 : memref<1x400xi32, #tpu.memory_space<vmem>> -> memref<400xi32, #tpu.memory_space<vmem>>
          %dma_start3A_109 = arith.constant 0 : i32
          %dma_start3A_110 = arith.constant 0 : i32
          %dma_start3A_111 = tpu.memref_slice %arg2[%dma_start3A_109, %dma_start3A_110] : memref<1404000x64xf32, #tpu.memory_space<hbm>> -> memref<1404000x64xf32, #tpu.memory_space<hbm>>
          tpu.enqueue_indirect_dma source(%dma_start3A_111 : memref<1404000x64xf32, #tpu.memory_space<hbm>>) target(%arg9 : memref<400x64xf32, #tpu.memory_space<vmem>>) offsets(%dma_start3A_108 : memref<400xi32, #tpu.memory_space<vmem>>) semaphore(%arg12 : memref<!tpu.dma_semaphore, #tpu.memory_space<semaphore_mem>>)
          %dma_wait3A_112 = arith.constant 0 : i32
          %dma_wait3A_113 = arith.constant 0 : i32
          %dma_wait3A_114 = tpu.memref_slice %arg6[%dma_wait3A_112, %dma_wait3A_113] : memref<27x400xi32, #tpu.memory_space<vmem>> -> memref<1x400xi32, #tpu.memory_space<vmem>>
          %dma_wait3A_115 = tpu.memref_squeeze %dma_wait3A_114 : memref<1x400xi32, #tpu.memory_space<vmem>> -> memref<400xi32, #tpu.memory_space<vmem>>
          %dma_wait3A_116 = arith.constant 0 : i32
          %dma_wait3A_117 = arith.constant 0 : i32
          %dma_wait3A_118 = tpu.memref_slice %arg2[%dma_wait3A_116, %dma_wait3A_117] : memref<1404000x64xf32, #tpu.memory_space<hbm>> -> memref<1404000x64xf32, #tpu.memory_space<hbm>>
          tpu.wait_indirect_dma semaphore(%arg13 : memref<!tpu.dma_semaphore, #tpu.memory_space<semaphore_mem>>) src(%dma_wait3A_118 : memref<1404000x64xf32, #tpu.memory_space<hbm>>) dst(%arg10 : memref<400x64xf32, #tpu.memory_space<vmem>>)
          "tpu.region"() ({
            %run_scoped3A = tpu.sem_alloc : memref<!tpu.dma_semaphore, #tpu.memory_space<semaphore_mem>>
            %dma_start3A_119 = arith.constant 0 : i32
            %dma_start3A_120 = arith.constant 0 : i32
            %dma_start3A_121 = tpu.memref_slice %arg11[%dma_start3A_119, %dma_start3A_120] : memref<6400x64xf32, #tpu.memory_space<vmem_shared>> -> memref<6400x64xf32, #tpu.memory_space<vmem_shared>>
            tpu.enqueue_indirect_dma source(%arg10 : memref<400x64xf32, #tpu.memory_space<vmem>>) target(%dma_start3A_121 : memref<6400x64xf32, #tpu.memory_space<vmem_shared>>) offsets(%arg7 : memref<400xi32, #tpu.memory_space<vmem>>) semaphore(%run_scoped3A : memref<!tpu.dma_semaphore, #tpu.memory_space<semaphore_mem>>) {add = true}
            %dma_wait3A_122 = arith.constant 0 : i32
            %dma_wait3A_123 = arith.constant 0 : i32
            %dma_wait3A_124 = tpu.memref_slice %arg11[%dma_wait3A_122, %dma_wait3A_123] : memref<6400x64xf32, #tpu.memory_space<vmem_shared>> -> memref<6400x64xf32, #tpu.memory_space<vmem_shared>>
            tpu.wait_indirect_dma semaphore(%run_scoped3A : memref<!tpu.dma_semaphore, #tpu.memory_space<semaphore_mem>>) src(%arg10 : memref<400x64xf32, #tpu.memory_space<vmem>>) dst(%dma_wait3A_124 : memref<6400x64xf32, #tpu.memory_space<vmem_shared>>)
            tpu.yield
          }) : () -> ()
        }
        %scan3A_62 = arith.constant 13 : i32
        %dma_wait3A_63 = arith.constant 0 : i32
        %dma_wait3A_64 = arith.constant 0 : i32
        %dma_wait3A_65 = tpu.memref_slice %arg6[%dma_wait3A_63, %dma_wait3A_64] : memref<27x400xi32, #tpu.memory_space<vmem>> -> memref<1x400xi32, #tpu.memory_space<vmem>>
        %dma_wait3A_66 = tpu.memref_squeeze %dma_wait3A_65 : memref<1x400xi32, #tpu.memory_space<vmem>> -> memref<400xi32, #tpu.memory_space<vmem>>
        %dma_wait3A_67 = arith.constant 0 : i32
        %dma_wait3A_68 = arith.constant 0 : i32
        %dma_wait3A_69 = tpu.memref_slice %arg2[%dma_wait3A_67, %dma_wait3A_68] : memref<1404000x64xf32, #tpu.memory_space<hbm>> -> memref<1404000x64xf32, #tpu.memory_space<hbm>>
        tpu.wait_indirect_dma semaphore(%arg12 : memref<!tpu.dma_semaphore, #tpu.memory_space<semaphore_mem>>) src(%dma_wait3A_69 : memref<1404000x64xf32, #tpu.memory_space<hbm>>) dst(%arg9 : memref<400x64xf32, #tpu.memory_space<vmem>>)
        "tpu.region"() ({
          %run_scoped3A = tpu.sem_alloc : memref<!tpu.dma_semaphore, #tpu.memory_space<semaphore_mem>>
          %dma_start3A_80 = arith.constant 0 : i32
          %dma_start3A_81 = arith.constant 0 : i32
          %dma_start3A_82 = tpu.memref_slice %arg11[%dma_start3A_80, %dma_start3A_81] : memref<6400x64xf32, #tpu.memory_space<vmem_shared>> -> memref<6400x64xf32, #tpu.memory_space<vmem_shared>>
          tpu.enqueue_indirect_dma source(%arg9 : memref<400x64xf32, #tpu.memory_space<vmem>>) target(%dma_start3A_82 : memref<6400x64xf32, #tpu.memory_space<vmem_shared>>) offsets(%arg7 : memref<400xi32, #tpu.memory_space<vmem>>) semaphore(%run_scoped3A : memref<!tpu.dma_semaphore, #tpu.memory_space<semaphore_mem>>) {add = true}
          %dma_wait3A_83 = arith.constant 0 : i32
          %dma_wait3A_84 = arith.constant 0 : i32
          %dma_wait3A_85 = tpu.memref_slice %arg11[%dma_wait3A_83, %dma_wait3A_84] : memref<6400x64xf32, #tpu.memory_space<vmem_shared>> -> memref<6400x64xf32, #tpu.memory_space<vmem_shared>>
          tpu.wait_indirect_dma semaphore(%run_scoped3A : memref<!tpu.dma_semaphore, #tpu.memory_space<semaphore_mem>>) src(%arg9 : memref<400x64xf32, #tpu.memory_space<vmem>>) dst(%dma_wait3A_85 : memref<6400x64xf32, #tpu.memory_space<vmem_shared>>)
          tpu.yield
        }) : () -> ()
        %mul3A_70 = arith.constant 400 : i32
        %mul3A_71 = arith.muli %arg1, %mul3A_70 : i32
        %dma_start3A_72 = arith.constant 0 : i32
        %dma_start3A_73 = tpu.memref_slice %arg5[%mul3A_26, %dma_start3A_72] : memref<50000x64xf32, #tpu.memory_space<hbm>> -> memref<400x64xf32, #tpu.memory_space<hbm>>
        %dma_start3A_74 = arith.constant 0 : i32
        %dma_start3A_75 = tpu.memref_slice %arg11[%mul3A_71, %dma_start3A_74] : memref<6400x64xf32, #tpu.memory_space<vmem_shared>> -> memref<400x64xf32, #tpu.memory_space<vmem_shared>>
        tpu.enqueue_dma source(%dma_start3A_75 : memref<400x64xf32, #tpu.memory_space<vmem_shared>>) target(%dma_start3A_73 : memref<400x64xf32, #tpu.memory_space<hbm>>) target_semaphore(%arg14 : memref<!tpu.dma_semaphore, #tpu.memory_space<semaphore_mem>>)
        %dma_wait3A_76 = arith.constant 0 : i32
        %dma_wait3A_77 = tpu.memref_slice %arg5[%mul3A_26, %dma_wait3A_76] : memref<50000x64xf32, #tpu.memory_space<hbm>> -> memref<400x64xf32, #tpu.memory_space<hbm>>
        %dma_wait3A_78 = arith.constant 0 : i32
        %dma_wait3A_79 = tpu.memref_slice %arg11[%mul3A_71, %dma_wait3A_78] : memref<6400x64xf32, #tpu.memory_space<vmem_shared>> -> memref<400x64xf32, #tpu.memory_space<vmem_shared>>
        tpu.wait_dma2 semaphore(%arg14 : memref<!tpu.dma_semaphore, #tpu.memory_space<semaphore_mem>>) src(%dma_wait3A_79 : memref<400x64xf32, #tpu.memory_space<vmem_shared>>) dst(%dma_wait3A_77 : memref<400x64xf32, #tpu.memory_space<hbm>>)
      } else {
      }
    }
    %scan3A_14 = arith.constant 4 : i32
    return
  }
}

module attributes {stable_mosaic.version = 14 : i64} {
  func.func @_stats_body(%arg0: i32, %arg1: memref<1000x64xf32, #tpu.memory_space<vmem>>, %arg2: memref<8x64xf32, #tpu.memory_space<vmem>>, %arg3: memref<8x64xf32, #tpu.memory_space<vmem>>, %arg4: memref<8x64xf32, #tpu.memory_space<vmem>>) attributes {dimension_semantics = [#tpu.dimension_semantics<arbitrary>], iteration_bounds = array<i64: 50>, scalar_prefetch = 0 : i64, scratch_operands = 0 : i64, tpu.core_type = #tpu.core_type<tc>, window_params = [{transform_indices = @transform_0, window_bounds = array<i64: 1000, 64>}, {pipeline_mode = #tpu.pipeline_mode<synchronous>, transform_indices = @transform_1, window_bounds = array<i64: 8, 64>}, {pipeline_mode = #tpu.pipeline_mode<synchronous>, transform_indices = @transform_2, window_bounds = array<i64: 8, 64>}, {pipeline_mode = #tpu.pipeline_mode<synchronous>, transform_indices = @transform_3, window_bounds = array<i64: 8, 64>}]} {
    %get3A = arith.constant 0 : index
    %get3A_0 = arith.constant 0 : index
    %get3A_1 = vector.load %arg1[%get3A, %get3A_0] : memref<1000x64xf32, #tpu.memory_space<vmem>>, vector<1000x64xf32>
    %get3A_2 = arith.constant 0 : index
    %get3A_3 = arith.constant 0 : index
    %get3A_4 = vector.load %arg2[%get3A_2, %get3A_3] : memref<8x64xf32, #tpu.memory_space<vmem>>, vector<1x64xf32>
    %add3A = vector.broadcast %get3A_4 : vector<1x64xf32> to vector<1000x64xf32>
    %add3A_5 = arith.addf %get3A_1, %add3A : vector<1000x64xf32>
    %eq3A = arith.constant 0 : i32
    %eq3A_6 = arith.cmpi eq, %arg0, %eq3A : i32
    %convert_element_type3A = arith.extui %eq3A_6 : i1 to i32
    %cond3A = arith.constant 0 : i32
    %cond3A_7 = arith.cmpi ne, %convert_element_type3A, %cond3A : i32
    scf.if %cond3A_7 {
      %broadcast_in_dim3A_25 = arith.constant 0.000000e+00 : f32
      %broadcast_in_dim3A_26 = vector.broadcast %broadcast_in_dim3A_25 : f32 to vector<8x64xf32>
      %swap3A_27 = arith.constant 0 : index
      %swap3A_28 = arith.constant 0 : index
      %swap3A_29 = vector.load %arg3[%swap3A_27, %swap3A_28] : memref<8x64xf32, #tpu.memory_space<vmem>>, vector<8x64xf32>
      tpu.vector_store %arg3[%swap3A_27, %swap3A_28], %broadcast_in_dim3A_26 {strides = array<i32>} : memref<8x64xf32, #tpu.memory_space<vmem>>, vector<8x64xf32>,
      %broadcast_in_dim3A_30 = arith.constant 0.000000e+00 : f32
      %broadcast_in_dim3A_31 = vector.broadcast %broadcast_in_dim3A_30 : f32 to vector<8x64xf32>
      %swap3A_32 = arith.constant 0 : index
      %swap3A_33 = arith.constant 0 : index
      %swap3A_34 = vector.load %arg4[%swap3A_32, %swap3A_33] : memref<8x64xf32, #tpu.memory_space<vmem>>, vector<8x64xf32>
      tpu.vector_store %arg4[%swap3A_32, %swap3A_33], %broadcast_in_dim3A_31 {strides = array<i32>} : memref<8x64xf32, #tpu.memory_space<vmem>>, vector<8x64xf32>,
    } else {
    }
    %get3A_8 = arith.constant 0 : index
    %get3A_9 = arith.constant 0 : index
    %get3A_10 = vector.load %arg3[%get3A_8, %get3A_9] : memref<8x64xf32, #tpu.memory_space<vmem>>, vector<1x64xf32>
    %reduce_sum3A = arith.constant dense<0.000000e+00> : vector<64xf32>
    %reduce_sum3A_11 = vector.multi_reduction <add>, %add3A_5, %reduce_sum3A [0] : vector<1000x64xf32> to vector<64xf32>
    %broadcast_in_dim3A = vector.shape_cast %reduce_sum3A_11 : vector<64xf32> to vector<1x64xf32>
    %add3A_12 = arith.addf %get3A_10, %broadcast_in_dim3A : vector<1x64xf32>
    %swap3A = arith.constant 0 : index
    %swap3A_13 = arith.constant 0 : index
    %swap3A_14 = vector.load %arg3[%swap3A, %swap3A_13] : memref<8x64xf32, #tpu.memory_space<vmem>>, vector<1x64xf32>
    tpu.vector_store %arg3[%swap3A, %swap3A_13], %add3A_12 {strides = array<i32>} : memref<8x64xf32, #tpu.memory_space<vmem>>, vector<1x64xf32>,
    %get3A_15 = arith.constant 0 : index
    %get3A_16 = arith.constant 0 : index
    %get3A_17 = vector.load %arg4[%get3A_15, %get3A_16] : memref<8x64xf32, #tpu.memory_space<vmem>>, vector<1x64xf32>
    %mul3A = arith.mulf %add3A_5, %add3A_5 : vector<1000x64xf32>
    %reduce_sum3A_18 = arith.constant dense<0.000000e+00> : vector<64xf32>
    %reduce_sum3A_19 = vector.multi_reduction <add>, %mul3A, %reduce_sum3A_18 [0] : vector<1000x64xf32> to vector<64xf32>
    %broadcast_in_dim3A_20 = vector.shape_cast %reduce_sum3A_19 : vector<64xf32> to vector<1x64xf32>
    %add3A_21 = arith.addf %get3A_17, %broadcast_in_dim3A_20 : vector<1x64xf32>
    %swap3A_22 = arith.constant 0 : index
    %swap3A_23 = arith.constant 0 : index
    %swap3A_24 = vector.load %arg4[%swap3A_22, %swap3A_23] : memref<8x64xf32, #tpu.memory_space<vmem>>, vector<1x64xf32>
    tpu.vector_store %arg4[%swap3A_22, %swap3A_23], %add3A_21 {strides = array<i32>} : memref<8x64xf32, #tpu.memory_space<vmem>>, vector<1x64xf32>,
    return
  }
  func.func @transform_0(%arg0: i32) -> (i32, i32) {
    %c0_i32 = arith.constant 0 : i32
    %c0_i32_0 = arith.constant 0 : i32
    return %arg0, %c0_i32 : i32, i32
  }
  func.func @transform_1(%arg0: i32) -> (i32, i32) {
    %c0_i32 = arith.constant 0 : i32
    %c0_i32_0 = arith.constant 0 : i32
    %c0_i32_1 = arith.constant 0 : i32
    return %c0_i32, %c0_i32_0 : i32, i32
  }
  func.func @transform_2(%arg0: i32) -> (i32, i32) {
    %c0_i32 = arith.constant 0 : i32
    %c0_i32_0 = arith.constant 0 : i32
    %c0_i32_1 = arith.constant 0 : i32
    return %c0_i32, %c0_i32_0 : i32, i32
  }
  func.func @transform_3(%arg0: i32) -> (i32, i32) {
    %c0_i32 = arith.constant 0 : i32
    %c0_i32_0 = arith.constant 0 : i32
    %c0_i32_1 = arith.constant 0 : i32
    return %c0_i32, %c0_i32_0 : i32, i32
  }
}

module attributes {stable_mosaic.version = 14 : i64} {
  func.func @_mm_body(%arg0: i32, %arg1: memref<2000x64xf32, #tpu.memory_space<vmem>>, %arg2: memref<8x64xf32, #tpu.memory_space<vmem>>, %arg3: memref<8x64xf32, #tpu.memory_space<vmem>>, %arg4: memref<8x64xf32, #tpu.memory_space<vmem>>, %arg5: memref<64x1728xf32, #tpu.memory_space<vmem>>, %arg6: memref<8x1728xf32, #tpu.memory_space<vmem>>, %arg7: memref<2000x1728xf32, #tpu.memory_space<vmem>>) attributes {dimension_semantics = [#tpu.dimension_semantics<arbitrary>], iteration_bounds = array<i64: 26>, scalar_prefetch = 0 : i64, scratch_operands = 0 : i64, tpu.core_type = #tpu.core_type<tc>, window_params = [{transform_indices = @transform_0, window_bounds = array<i64: 2000, 64>}, {pipeline_mode = #tpu.pipeline_mode<synchronous>, transform_indices = @transform_1, window_bounds = array<i64: 8, 64>}, {pipeline_mode = #tpu.pipeline_mode<synchronous>, transform_indices = @transform_2, window_bounds = array<i64: 8, 64>}, {pipeline_mode = #tpu.pipeline_mode<synchronous>, transform_indices = @transform_3, window_bounds = array<i64: 8, 64>}, {pipeline_mode = #tpu.pipeline_mode<synchronous>, transform_indices = @transform_4, window_bounds = array<i64: 64, 1728>}, {pipeline_mode = #tpu.pipeline_mode<synchronous>, transform_indices = @transform_5, window_bounds = array<i64: 8, 1728>}, {transform_indices = @transform_6, window_bounds = array<i64: 2000, 1728>}]} {
    %get3A = arith.constant 0 : index
    %get3A_0 = arith.constant 0 : index
    %get3A_1 = vector.load %arg1[%get3A, %get3A_0] : memref<2000x64xf32, #tpu.memory_space<vmem>>, vector<2000x64xf32>
    %get3A_2 = arith.constant 0 : index
    %get3A_3 = arith.constant 0 : index
    %get3A_4 = vector.load %arg2[%get3A_2, %get3A_3] : memref<8x64xf32, #tpu.memory_space<vmem>>, vector<1x64xf32>
    %add3A = vector.broadcast %get3A_4 : vector<1x64xf32> to vector<2000x64xf32>
    %add3A_5 = arith.addf %get3A_1, %add3A : vector<2000x64xf32>
    %get3A_6 = arith.constant 0 : index
    %get3A_7 = arith.constant 0 : index
    %get3A_8 = vector.load %arg3[%get3A_6, %get3A_7] : memref<8x64xf32, #tpu.memory_space<vmem>>, vector<1x64xf32>
    %mul3A = vector.broadcast %get3A_8 : vector<1x64xf32> to vector<2000x64xf32>
    %mul3A_9 = arith.mulf %add3A_5, %mul3A : vector<2000x64xf32>
    %get3A_10 = arith.constant 0 : index
    %get3A_11 = arith.constant 0 : index
    %get3A_12 = vector.load %arg4[%get3A_10, %get3A_11] : memref<8x64xf32, #tpu.memory_space<vmem>>, vector<1x64xf32>
    %add3A_13 = vector.broadcast %get3A_12 : vector<1x64xf32> to vector<2000x64xf32>
    %add3A_14 = arith.addf %mul3A_9, %add3A_13 : vector<2000x64xf32>
    %logistic3A = arith.negf %add3A_14 : vector<2000x64xf32>
    %logistic3A_15 = math.exp %logistic3A : vector<2000x64xf32>
    %logistic3A_16 = arith.constant 1.000000e+00 : f32
    %logistic3A_17 = vector.broadcast %logistic3A_16 : f32 to vector<2000x64xf32>
    %logistic3A_18 = arith.addf %logistic3A_17, %logistic3A_15 : vector<2000x64xf32>
    %logistic3A_19 = arith.divf %logistic3A_17, %logistic3A_18 : vector<2000x64xf32>
    %mul3A_20 = arith.mulf %add3A_14, %logistic3A_19 : vector<2000x64xf32>
    %lt3A = arith.constant 25 : i32
    %lt3A_21 = arith.cmpi slt, %arg0, %lt3A : i32
    %convert_element_type3A = arith.extui %lt3A_21 : i1 to i32
    %convert_element_type3A_22 = arith.sitofp %convert_element_type3A : i32 to f32
    %mul3A_23 = vector.broadcast %convert_element_type3A_22 : f32 to vector<2000x64xf32>
    %mul3A_24 = arith.mulf %mul3A_20, %mul3A_23 : vector<2000x64xf32>
    %get3A_25 = arith.constant 0 : index
    %get3A_26 = arith.constant 0 : index
    %get3A_27 = vector.load %arg5[%get3A_25, %get3A_26] : memref<64x1728xf32, #tpu.memory_space<vmem>>, vector<64x1728xf32>
    %dot_general3A = arith.constant dense<0.000000e+00> : vector<2000x1728xf32>
    %dot_general3A_28 = tpu.matmul %mul3A_24, %get3A_27, %dot_general3A {dimension_numbers = #tpu.dot_dimension_numbers<[1], [0], [0], [1], [0, 0, 1, 1], [], []>, transpose_lhs_hint = false} : vector<2000x64xf32>, vector<64x1728xf32>, vector<2000x1728xf32> -> vector<2000x1728xf32>
    %get3A_29 = arith.constant 0 : index
    %get3A_30 = arith.constant 0 : index
    %get3A_31 = vector.load %arg6[%get3A_29, %get3A_30] : memref<8x1728xf32, #tpu.memory_space<vmem>>, vector<1x1728xf32>
    %mul3A_32 = vector.broadcast %convert_element_type3A_22 : f32 to vector<1x1728xf32>
    %mul3A_33 = arith.mulf %get3A_31, %mul3A_32 : vector<1x1728xf32>
    %add3A_34 = vector.broadcast %mul3A_33 : vector<1x1728xf32> to vector<2000x1728xf32>
    %add3A_35 = arith.addf %dot_general3A_28, %add3A_34 : vector<2000x1728xf32>
    %swap3A = arith.constant 0 : index
    %swap3A_36 = arith.constant 0 : index
    %swap3A_37 = vector.load %arg7[%swap3A, %swap3A_36] : memref<2000x1728xf32, #tpu.memory_space<vmem>>, vector<2000x1728xf32>
    tpu.vector_store %arg7[%swap3A, %swap3A_36], %add3A_35 {strides = array<i32>} : memref<2000x1728xf32, #tpu.memory_space<vmem>>, vector<2000x1728xf32>,
    return
  }
  func.func @transform_0(%arg0: i32) -> (i32, i32) {
    %min3A = arith.constant 24 : i32
    %min3A_0 = arith.minsi %arg0, %min3A : i32
    %c0_i32 = arith.constant 0 : i32
    %c0_i32_1 = arith.constant 0 : i32
    return %min3A_0, %c0_i32 : i32, i32
  }
  func.func @transform_1(%arg0: i32) -> (i32, i32) {
    %c0_i32 = arith.constant 0 : i32
    %c0_i32_0 = arith.constant 0 : i32
    %c0_i32_1 = arith.constant 0 : i32
    return %c0_i32, %c0_i32_0 : i32, i32
  }
  func.func @transform_2(%arg0: i32) -> (i32, i32) {
    %c0_i32 = arith.constant 0 : i32
    %c0_i32_0 = arith.constant 0 : i32
    %c0_i32_1 = arith.constant 0 : i32
    return %c0_i32, %c0_i32_0 : i32, i32
  }
  func.func @transform_3(%arg0: i32) -> (i32, i32) {
    %c0_i32 = arith.constant 0 : i32
    %c0_i32_0 = arith.constant 0 : i32
    %c0_i32_1 = arith.constant 0 : i32
    return %c0_i32, %c0_i32_0 : i32, i32
  }
  func.func @transform_4(%arg0: i32) -> (i32, i32) {
    %c0_i32 = arith.constant 0 : i32
    %c0_i32_0 = arith.constant 0 : i32
    %c0_i32_1 = arith.constant 0 : i32
    return %c0_i32, %c0_i32_0 : i32, i32
  }
  func.func @transform_5(%arg0: i32) -> (i32, i32) {
    %c0_i32 = arith.constant 0 : i32
    %c0_i32_0 = arith.constant 0 : i32
    %c0_i32_1 = arith.constant 0 : i32
    return %c0_i32, %c0_i32_0 : i32, i32
  }
  func.func @transform_6(%arg0: i32) -> (i32, i32) {
    %c0_i32 = arith.constant 0 : i32
    %c0_i32_0 = arith.constant 0 : i32
    return %arg0, %c0_i32 : i32, i32
  }
}

module attributes {stable_mosaic.version = 14 : i64} {
  func.func @_emb_body(%arg0: i32, %arg1: memref<8x512xf32, #tpu.memory_space<vmem>>, %arg2: memref<512x64xf32, #tpu.memory_space<vmem>>, %arg3: memref<8x64xf32, #tpu.memory_space<vmem>>, %arg4: memref<8x64xf32, #tpu.memory_space<vmem>>) attributes {dimension_semantics = [#tpu.dimension_semantics<arbitrary>], iteration_bounds = array<i64: 1>, scalar_prefetch = 0 : i64, scratch_operands = 0 : i64, tpu.core_type = #tpu.core_type<tc>, window_params = [{pipeline_mode = #tpu.pipeline_mode<synchronous>, transform_indices = @transform_0, window_bounds = array<i64: 8, 512>}, {pipeline_mode = #tpu.pipeline_mode<synchronous>, transform_indices = @transform_1, window_bounds = array<i64: 512, 64>}, {pipeline_mode = #tpu.pipeline_mode<synchronous>, transform_indices = @transform_2, window_bounds = array<i64: 8, 64>}, {pipeline_mode = #tpu.pipeline_mode<synchronous>, transform_indices = @transform_3, window_bounds = array<i64: 8, 64>}]} {
    %get3A = arith.constant 0 : index
    %get3A_0 = arith.constant 0 : index
    %get3A_1 = vector.load %arg1[%get3A, %get3A_0] : memref<8x512xf32, #tpu.memory_space<vmem>>, vector<8x512xf32>
    %logistic3A = arith.negf %get3A_1 : vector<8x512xf32>
    %logistic3A_2 = math.exp %logistic3A : vector<8x512xf32>
    %logistic3A_3 = arith.constant 1.000000e+00 : f32
    %logistic3A_4 = vector.broadcast %logistic3A_3 : f32 to vector<8x512xf32>
    %logistic3A_5 = arith.addf %logistic3A_4, %logistic3A_2 : vector<8x512xf32>
    %logistic3A_6 = arith.divf %logistic3A_4, %logistic3A_5 : vector<8x512xf32>
    %mul3A = arith.mulf %get3A_1, %logistic3A_6 : vector<8x512xf32>
    %get3A_7 = arith.constant 0 : index
    %get3A_8 = arith.constant 0 : index
    %get3A_9 = vector.load %arg2[%get3A_7, %get3A_8] : memref<512x64xf32, #tpu.memory_space<vmem>>, vector<512x64xf32>
    %dot_general3A = arith.constant dense<0.000000e+00> : vector<8x64xf32>
    %dot_general3A_10 = tpu.matmul %mul3A, %get3A_9, %dot_general3A {dimension_numbers = #tpu.dot_dimension_numbers<[1], [0], [0], [1], [0, 0, 1, 1], [], []>, transpose_lhs_hint = false} : vector<8x512xf32>, vector<512x64xf32>, vector<8x64xf32> -> vector<8x64xf32>
    %get3A_11 = arith.constant 0 : index
    %get3A_12 = arith.constant 0 : index
    %get3A_13 = vector.load %arg3[%get3A_11, %get3A_12] : memref<8x64xf32, #tpu.memory_space<vmem>>, vector<8x64xf32>
    %add3A = arith.addf %dot_general3A_10, %get3A_13 : vector<8x64xf32>
    %swap3A = arith.constant 0 : index
    %swap3A_14 = arith.constant 0 : index
    %swap3A_15 = vector.load %arg4[%swap3A, %swap3A_14] : memref<8x64xf32, #tpu.memory_space<vmem>>, vector<8x64xf32>
    tpu.vector_store %arg4[%swap3A, %swap3A_14], %add3A {strides = array<i32>} : memref<8x64xf32, #tpu.memory_space<vmem>>, vector<8x64xf32>,
    return
  }
  func.func @transform_0(%arg0: i32) -> (i32, i32) {
    %c0_i32 = arith.constant 0 : i32
    %c0_i32_0 = arith.constant 0 : i32
    %c0_i32_1 = arith.constant 0 : i32
    return %c0_i32, %c0_i32_0 : i32, i32
  }
  func.func @transform_1(%arg0: i32) -> (i32, i32) {
    %c0_i32 = arith.constant 0 : i32
    %c0_i32_0 = arith.constant 0 : i32
    %c0_i32_1 = arith.constant 0 : i32
    return %c0_i32, %c0_i32_0 : i32, i32
  }
  func.func @transform_2(%arg0: i32) -> (i32, i32) {
    %c0_i32 = arith.constant 0 : i32
    %c0_i32_0 = arith.constant 0 : i32
    %c0_i32_1 = arith.constant 0 : i32
    return %c0_i32, %c0_i32_0 : i32, i32
  }
  func.func @transform_3(%arg0: i32) -> (i32, i32) {
    %c0_i32 = arith.constant 0 : i32
    %c0_i32_0 = arith.constant 0 : i32
    %c0_i32_1 = arith.constant 0 : i32
    return %c0_i32, %c0_i32_0 : i32, i32
  }
}

</mosaic_0001>

<sc_bundles>
// kernel: kernel.27.cloned.1.call-start
scs
__scs_entry_jumppad:
0x0: {  	(pc) =	sbr.rel $0x88, $3  }
0x1: {  	(tag) =	ssettag $0x0;
	lr =	simm.s32 $0x1  }
0x2: {  	[smem:$0x3F94] =	sst lr;
	_ =	strace $0xD0000000  }
0x3: {  	_ = 	snop  }
0x4: {  	_ = 	snop  }
0x5: {  	_ = 	snop  }
0x6: {  	_ = 	snop  }
0x7: {  	_ = 	snop  }
__scs_overlays_trampoline_lowered:
0x8: {  	[smem:$0x3FA3] =	sst s0  }
0x9: {  	[smem:$0x3FA4] =	sst s1  }
0xa: {  	[smem:$0x3FA5] =	sst s2  }
0xb: {  	[smem:$0x3FA6] =	sst s3  }
0xc: {  	[smem:$0x3FA7] =	sst s4  }
0xd: {  	[smem:$0x3FA8] =	sst s5  }
0xe: {  	[smem:$0x3FA9] =	sst s6  }
0xf: {  	[smem:$0x3FAA] =	sst s7  }
0x10: {  	[smem:$0x3FAB] =	sst s8  }
0x11: {  	[smem:$0x3FAC] =	sst s9;
	s0 =	simm.s32 @!p0 $0x0  }
0x12: {  	s1 =	sld [smem:$0x3F92];
	s0 =	simm.s32 @p0 $0x1  }
0x13: {  	[smem:$0x3FAD] =	sst s0;
	s0 =	simm.s32 @!p1 $0x0  }
0x14: {  	s2 =	sld [smem:$0x3F91];
	s0 =	simm.s32 @p1 $0x1  }
0x15: {  	[smem:$0x3FAE] =	sst s0;
	s0 =	simm.s32 @!p2 $0x0  }
0x16: {  	s3 =	sld [smem:$0x3FDB];
	s0 =	simm.s32 @p2 $0x1  }
0x17: {  	s4 =	simm.s32 $0x1BF5;
	[smem:$0x3FB0] =	sst s0  }
0x18: {  	s0 =	sld [smem:$0x3F93];
	_ =	swait.ge [sflag:s4], $0x0  }
0x19: {  	s7 =	sld [smem:$0x3F94]  }
0x1a: {  	s8 =	sadd.s32 $0xFFFFE003, lr  }
0x1b: {  	s9 =	sadd.s32 $0xFFFFFEF7, lr;
	s5 =	simm.s32 $0xFFFFFFFF;
	p2 =	slt.u32 s8, $0xFFFFF086  }
0x1c: {  	p1 =	slt.u32 s9, $0xF7A;
	s5 =	simm.s32 @!p2 $0x0  }
0x1d: {  	s5 =	simm.s32 @p1 $0x1;
	p0 =	seq.s32 s7, s2  }
0x1e: {  	s7 =	smul.u32 @!p0 $0xF7A, s2;
	p2 =	seq.s32 @!p0 s5, $0x0  }
0x1f: {  	s9 =	smul.u32 $0xF7A, s1;
	s8 =	simm.s32 @!p0 $0x1BF5;
	p2 =	por !p2, p0  }
0x20: {  	[sflag:s8] =	ssyncset.s32 @!p0 $0xFFFFF086;
	s6 =	sadd.s32 @!p0 s3, s7;
	s7 =	simm.s32 @!p0 $0x108  }
0x21: {  	s3 =	sadd.s32 s3, s9;
	s6 =	sadd.s32 @!p0 $0x88, s6;
	s7 =	simm.s32 @p2 $0x1082  }
0x22: {  	[simem:s7], [sflag:s8] =	dma.local @!p0 [hbm:s6], $0xF7A  }
0x23: {  	s9 =	sor.u32 $0xD0000000, s2;
	s6 =	simm.s32 $0x108;
	_ =	swait.ge @!p0 [sflag:s8], $0x0  }
0x24: {  	s3 =	sadd.s32 $0x88, s3;
	s6 =	simm.s32 @!p1 $0x1082;
	[sflag:s4] =	ssyncset.s32 $0xFFFFF086  }
0x25: {  	[simem:s6], [sflag:s4] =	dma.local [hbm:s3], $0xF7A  }
0x26: {  	[smem:$0x3F94] =	sst s1;
	(tag) =	ssettag s2;
	_ =	strace s9  }
0x27: {  	s1 =	sld [smem:$0x3FA4]  }
0x28: {  	s2 =	sld [smem:$0x3FA5]  }
0x29: {  	s4 =	sld [smem:$0x3FA7]  }
0x2a: {  	p0 =	seq.s32 s5, $0x0;
	s5 =	sld [smem:$0x3FA8]  }
0x2b: {  	s6 =	sld [smem:$0x3FA9]  }
0x2c: {  	s7 =	sld [smem:$0x3FAA]  }
0x2d: {  	s3 =	simm.s32 $0x108;
	s8 =	sld [smem:$0x3FAB]  }
0x2e: {  	s3 =	simm.s32 @!p0 $0x1082;
	s9 =	sld [smem:$0x3FAC]  }
0x2f: {  	lr =	sadd.s32 s0, s3;
	s0 =	sld [smem:$0x3FA3]  }
0x30: {  	s3 =	sld [smem:$0x3FA6]  }
0x31: {  	[smem:$0x3FAF] =	sst s10  }
0x32: {  	s10 =	sld [smem:$0x3FAD];
	_ =	sdelay $0x3  }
0x33: {  	p0 =	seq.s32 s10, $0x1;
	s10 =	sld [smem:$0x3FAF];
	_ =	sdelay $0x3  }
0x34: {  	[smem:$0x3FAF] =	sst s10  }
0x35: {  	s10 =	sld [smem:$0x3FAE];
	_ =	sdelay $0x3  }
0x36: {  	p1 =	seq.s32 s10, $0x1;
	s10 =	sld [smem:$0x3FAF];
	_ =	sdelay $0x3  }
0x37: {  	[smem:$0x3FAF] =	sst s10  }
0x38: {  	s10 =	sld [smem:$0x3FB0]  }
0x39: {  	_ = 	snop;
	(pc) =	sbr.ind lr, $3  }
0x3a: {  	_ = 	snop  }
0x3b: {  	_ = 	snop  }
0x3c: {  	p2 =	seq.s32 s10, $0x1;
	s10 =	sld [smem:$0x3FAF]  }
0x3d: {  	_ =	shalt  }
0x3e: {  	_ =	shalt  }
0x3f: {  	_ =	shalt  }
0x40: {  	_ =	shalt  }
0x41: {  	_ =	shalt  }
0x42: {  	_ =	shalt  }
0x43: {  	_ =	shalt  }
0x44: {  	_ =	shalt  }
0x45: {  	_ =	shalt  }
0x46: {  	_ =	shalt  }
0x47: {  	_ =	shalt  }
0x48: {  	_ =	shalt  }
0x49: {  	_ =	shalt  }
0x4a: {  	_ =	shalt  }
0x4b: {  	_ =	shalt  }
0x4c: {  	_ =	shalt  }
0x4d: {  	_ =	shalt  }
0x4e: {  	_ =	shalt  }
0x4f: {  	_ =	shalt  }
0x50: {  	_ =	shalt  }
0x51: {  	_ =	shalt  }
0x52: {  	_ =	shalt  }
0x53: {  	_ =	shalt  }
0x54: {  	_ =	shalt  }
0x55: {  	_ =	shalt  }
0x56: {  	_ =	shalt  }
0x57: {  	_ =	shalt  }
0x58: {  	_ =	shalt  }
0x59: {  	_ =	shalt  }
0x5a: {  	_ =	shalt  }
0x5b: {  	_ =	shalt  }
0x5c: {  	_ =	shalt  }
0x5d: {  	_ =	shalt  }
0x5e: {  	_ =	shalt  }
0x5f: {  	_ =	shalt  }
0x60: {  	_ =	shalt  }
0x61: {  	_ =	shalt  }
0x62: {  	_ =	shalt  }
0x63: {  	_ =	shalt  }
0x64: {  	_ =	shalt  }
0x65: {  	_ =	shalt  }
0x66: {  	_ =	shalt  }
0x67: {  	_ =	shalt  }
0x68: {  	_ =	shalt  }
0x69: {  	_ =	shalt  }
0x6a: {  	_ =	shalt  }
0x6b: {  	_ =	shalt  }
0x6c: {  	_ =	shalt  }
0x6d: {  	_ =	shalt  }
0x6e: {  	_ =	shalt  }
0x6f: {  	_ =	shalt  }
0x70: {  	_ =	shalt  }
0x71: {  	_ =	shalt  }
0x72: {  	_ =	shalt  }
0x73: {  	_ =	shalt  }
0x74: {  	_ =	shalt  }
0x75: {  	_ =	shalt  }
0x76: {  	_ =	shalt  }
0x77: {  	_ =	shalt  }
0x78: {  	_ =	shalt  }
0x79: {  	_ =	shalt  }
0x7a: {  	_ =	shalt  }
0x7b: {  	_ =	shalt  }
0x7c: {  	_ =	shalt  }
0x7d: {  	_ =	shalt  }
0x7e: {  	_ =	shalt  }
0x7f: {  	_ =	shalt  }
0x80: {  	_ =	shalt  }
0x81: {  	_ =	shalt  }
0x82: {  	_ =	shalt  }
0x83: {  	_ =	shalt  }
0x84: {  	_ =	shalt  }
0x85: {  	_ =	shalt  }
0x86: {  	_ =	shalt  }
0x87: {  	_ =	shalt  }
.Lfunc_end0:
.L_simem_size_0:
called_computation.1_lowered:
.L_overlay_start_0:
0x88: {  	s2 =	sld [smem:$0x3FD9]  }
0x89: {  	s3 =	sld [smem:$0x3FFE];
	_ =	sdelay $0x1  }
0x8a: {  	s1 =	srdreg.scid  }
0x8b: {  	s0 =	sand.u32 $0x1, s1  }
0x8c: {  	s17 =	sshll.u32 s0, $0xA;
	s2 =	sadd.s32 s3, s2  }
0x8d: {  	s2 =	sadd.s32 s2, s17  }
0x8e: {  	[smem:$0x3FBB] =	sst s2  }
0x8f: {  	_ = 	snop  }
0x90: {  	(tm) =	ssettm $0x1  }
0x91: {  	s18 =	sld [smem:$0x3FFB];
	_ =	sdelay $0x3  }
0x92: {  	_ =	strace s18  }
0x93: {  	s2 =	sld [smem:$0x3FFC];
	_ =	sdelay $0x3  }
0x94: {  	_ =	strace s2  }
0x95: {  	s2 =	sld [smem:$0x3FFD];
	_ =	sdelay $0x3  }
0x96: {  	_ =	strace s2  }
0x97: {  	_ =	strace $0x8FFFFFFF  }
0x98: {  	s19 =	sld [smem:$0x3FDB];
	_ =	sdelay $0x1  }
0x99: {  	s20 =	simm.s32 $_scs_section_size  }
0x9a: {  	s4 =	simm.s32 $_size__tile_overlayer_lowered;
	s5 =	simm.s32 $_tile_overlayer_lowered  }
0x9b: {  	s6 =	simm.s32 $0x1BFF;
	s21 =	sshll.u32 s5, $0x1;
	s3 =	sadd.s32 s20, s19  }
0x9c: {  	s22 =	simm.s32 $0x0;
	s4 =	sshll.u32 s4, $0x1;
	s5 =	sadd.s32 s21, s3  }
0x9d: {  	[timem:s22], [sflag:s6] =	dma.local [hbm:s5], s4  }
0x9e: {  	_ =	swait.ge [sflag:s6], s4  }
0x9f: {  	s4 =	ssub.s32 $0x0, s4;
	[sflag:s6] =	ssyncset.done $0x0  }
0xa0: {  	[sflag:s6] =	ssyncadd.s32 s4;
	_ =	sdelay $0x1  }
0xa1: {  	s23 =	simm.s32 $0x1B8B  }
0xa2: {  	_ =	swait.ge [sflag:s23], $0x1  }
0xa3: {  	[sflag:s23] =	ssyncset.done $0x0  }
0xa4: {  	[sflag:s23] =	ssyncadd.s32 $0xFFFFFFFF  }
0xa5: {  	s4 =	sld [smem:$0x0]  }
0xa6: {  	s5 =	sand.u32 $0xFFFFFFFE, s1  }
0xa7: {  	p0 =	sne.s32 s1, s5  }
0xa8: {  	s5 =	sshll.u32 @p0 s5, $0xE  }
0xa9: {  	s5 =	sadd.s32 @p0 $0x11B8D, s5;
	s6 =	sshll.u32 @p0 s4, $0x11  }
0xaa: {  	s5 =	sor.u32 @p0 s6, s5  }
0xab: {  	[sflag:s5] =	ssyncadd.remote.s32 @p0 $0x1;
	_ =	sdelay $0x1  }
0xac: {  	s5 =	simm.s32 @p0 $0x1B8D  }
0xad: {  	_ =	swait.eq @p0 [sflag:s5], $0x1  }
0xae: {  	[sflag:s5] =	ssyncadd.s32 @p0 $0xFFFFFFFF  }
0xaf: {  	s6 =	sshll.u32 @!p0 s1, $0xE  }
0xb0: {  	s6 =	sor.u32 @!p0 $0x4000, s6;
	s5 =	simm.s32 @!p0 $0x1B8D  }
0xb1: {  	s4 =	sshll.u32 @!p0 s4, $0x11;
	s6 =	sadd.s32 @!p0 $0x11B8D, s6;
	_ =	swait.eq @!p0 [sflag:s5], $0x1  }
0xb2: {  	s4 =	sor.u32 @!p0 s4, s6;
	[sflag:s5] =	ssyncadd.s32 @!p0 $0xFFFFFFFF  }
0xb3: {  	s25 =	simm.s32 $0x1B8E;
	s24 =	sld [smem:$0x3FFE];
	[sflag:s4] =	ssyncadd.remote.s32 @!p0 $0x1  }
0xb4: {  	s26 =	simm.s32 $execute0_lowered;
	[smem:$0x3FD2] =	sst s25  }
0xb5: {  	s5 =	sshll.u32 s26, $0x1;
	_ =	strace $0x8000004F;
	[dreg:$0x1] =	wrdreg $0xFFFFFFFF  }
0xb6: {  	s28 =	simm.s32 $_size_execute0_lowered;
	s3 =	sadd.s32 s3, s5;
	[dreg:$0x0] =	wrdreg $0x0  }
0xb7: {  	s5 =	sshll.u32 s28, $0x1;
	[dreg:$0x2] =	wrdreg s3  }
0xb8: {  	[dreg:$0x3] =	wrdreg s5  }
0xb9: {  	[dreg:$0x4] =	wrdreg $0xC0  }
0xba: {  	_ =	task [dreg:s22], $0x5FFFF  }
0xbb: {  	[dreg:$0x1] =	wrdreg $0xFFFFFFFF  }
0xbc: {  	[dreg:$0x0] =	wrdreg $0x60  }
0xbd: {  	[dreg:$0x2] =	wrdreg s24  }
0xbe: {  	[dreg:$0x3] =	wrdreg $0x157C00  }
0xbf: {  	[dreg:$0x4] =	wrdreg $0x9  }
0xc0: {  	_ =	task.clear_ibuf [dreg:s22], $0x5FFFF;
	_ =	strace $0x9000004F  }
0xc1: {  	s29 =	simm.s32 $0x9;
	_ =	strace $0x80000051  }
0xc2: {  	_ =	swait.ge [sflag:s29], $0x1  }
0xc3: {  	[sflag:s29] =	ssyncadd.s32 $0xFFFFFFFF  }
0xc4: {  	_ =	strace $0x90000051  }
0xc5: {  	_ =	sfence  }
0xc6: {  	s30 =	sld [smem:$0x0];
	_ =	sdelay $0x2  }
0xc7: {  	s31 =	sshll.u32 s1, $0xD;
	s1 =	sshrl.u32 s1, $0x2  }
0xc8: {  	s4 =	sand.u32 $0x4000, s31;
	s1 =	sadd.s32 s1, s30  }
0xc9: {  	s0 =	sor.u32 s4, s0;
	s1 =	sshll.u32 s1, $0x11  }
0xca: {  	s0 =	sor.u32 s1, s0  }
0xcb: {  	s0 =	sadd.s32 $0x8F2B, s0  }
0xcc: {  	[sflag:s0] =	ssyncadd.remote.s32 $0x1  }
0xcd: {  	_ =	sfence.sel $0xFFFF  }
0xce: {  	[dreg:$0x0] =	wrdreg $0xFFFFFFFF;
	(pc) =	sbr.abs _section_cstart, $3  }
0xcf: {  	[dreg:$0x1] =	wrdreg $0xFFFFFFFF  }
0xd0: {  	_ =	task.clear_ibuf [dreg:s22], $0x2FFFF;
	_ =	strace $0x9FFFFFFF  }
0xd1: {  	(tm) =	ssettm $0x7FFFFFFF  }
tec
execute0_lowered:
.L_overlay_start_1:
0x0: {  	(tag) =	ssettag $0x1  }
0x1: {  	s7 =	rddreg [dreg:$0x0]  }
0x2: {  	s1 =	rddreg [dreg:$0x1]  }
0x3: {  	s0 =	rddreg [dreg:$0x2]  }
0x4: {  	s3 =	simm.s32 $0x0;
	s2 =	srdreg.scid;
	s12 =	simm.s32 $0x190  }
0x5: {  	s13 =	simm.s32 $0xC350;
	s14 =	simm.s32 $0x3;
	s15 =	simm.s32 $0x2BC0  }
0x6: {  	s16 =	simm.s32 $0x8FC0;
	s17 =	simm.s32 $0xF3C0;
	s18 =	simm.s32 $0x1  }
0x7: {  	s19 =	simm.s32 $0x2A30;
	s20 =	simm.s32 $0x4;
	s21 =	simm.s32 $0x2  }
0x8: {  	s22 =	simm.s32 $0x0;
	[smem:$0x7FF] =	sst s3;
	s4 =	sand.u32 $0x1, s2  }
.Ltmp0:
0x9: {  	s2 =	stileid.u32;
	s5 =	sadd.s32 $0x1A01200, s7;
	(pc) =	sbr.rel .LBB2_1-.Ltmp0, $4  }
0xa: {  	s6 =	sadd.s32 $0x56400, s7;
	s8 =	ssub.s32 $0x2, s4;
	s9 =	smul.u32 $0x19000, s2  }
0xb: {  	s7 =	sadd.s32 $0x2F71600, s7;
	_ =	strace $0x80000050;
	s10 =	sshrl.u32 s8, $0x1  }
0xc: {  	s11 =	ssub.s32 s8, s10;
	s31 =	sshrl.u32 s9, $0x2;
	s8 =	sshll.u32 s2, $0x1  }
0xd: {  	v0 =	vlaneseq.u32;
	v1 =	vimm.f32 $0.0e+00;
	s9 =	smul.u32 $0x190, s2;
	s10 =	sadd.s32 s31, s1;
	s11 =	smax.u32 s11, $0x1  }
.LBB2_11:
0xe: {  	s22 =	sadd.s32 $0x1, s22  }
0xf: {  	p0 =	sne.s32 s22, s11  }
.Ltmp1:
0x10: {  	_ = 	snop;
	(pc) =	sbr.rel @!p0 .LBB2_12-.Ltmp1, $1  }
0x11: {  	_ =	sdelay $0x3  }
.LBB2_1:
0x12: {  	_ = 	snop  }
0x13: {  	s24 =	simm.s32 $0x40;
	s26 =	simm.s32 $0x0;
	v2 =	vor.u32 s9, v0;
	s25 =	smov.u32 s9  }
.LBB2_2:
0x14: {  	p0 =	sne.s32 s24, $0x600  }
0x15: {  	[tilespmem:s26+$0x2A30] =	vst v2;
	s25 =	sadd.s32 $0x10, s25;
	s23 =	smov.u32 s24;
	s24 =	sadd.s32 $0x40, s24  }
.Ltmp2:
0x16: {  	(pc) =	sbr.rel @p0 .LBB2_2-.Ltmp2, $2  }
0x17: {  	_ =	sdelay $0x2  }
0x18: {  	v2 =	vor.u32 s25, v0;
	s26 =	sshra.s32 s23, $0x2;
	s23 =	simm.s32 $0x0  }
0x19: {  	[tilespmem:s26+$0x2A30] =	vst v2;
	s25 =	simm.s32 $0x100;
	s24 =	simm.s32 $0x0  }
.LBB2_4:
0x1a: {  	p0 =	sne.s32 s25, $0x18F00;
	[tilespmem:s24+$0x2BF0] =	vst v1;
	s26 =	smov.u32 s25;
	s25 =	sadd.s32 $0x100, s25  }
.Ltmp3:
0x1b: {  	[tilespmem:s24+$0x2BE0] =	vst v1;
	(pc) =	sbr.rel @p0 .LBB2_4-.Ltmp3, $3  }
0x1c: {  	[tilespmem:s24+$0x2BC0] =	vst v1  }
0x1d: {  	[tilespmem:s24+$0x2BD0] =	vst v1;
	_ =	sdelay $0x1  }
0x1e: {  	s24 =	sshra.s32 s26, $0x2  }
.Ltmp4:
0x1f: {  	(pc) =	sbr.rel .LBB2_6-.Ltmp4, $4  }
0x20: {  	[tilespmem:s24+$0x2BF0] =	vst v1  }
0x21: {  	[tilespmem:s24+$0x2BE0] =	vst v1  }
0x22: {  	[tilespmem:s24+$0x2BC0] =	vst v1  }
0x23: {  	[tilespmem:s24+$0x2BD0] =	vst v1  }
.LBB2_10:
0x24: {  	s23 =	sadd.s32 $0x1, s23  }
0x25: {  	p0 =	sne.s32 s23, $0x4  }
.Ltmp5:
0x26: {  	_ = 	snop;
	(pc) =	sbr.rel @!p0 .LBB2_11-.Ltmp5, $1  }
0x27: {  	_ =	sdelay $0x3  }
.LBB2_6:
0x28: {  	s24 =	sshll.u32 s23, $0x5  }
0x29: {  	s24 =	sor.u32 s24, s8  }
0x2a: {  	s24 =	sor.u32 s4, s24  }
0x2b: {  	p0 =	sgt.u32 s24, $0x7C  }
.Ltmp6:
0x2c: {  	_ = 	snop;
	(pc) =	sbr.rel @p0 .LBB2_10-.Ltmp6, $1  }
0x2d: {  	_ =	sdelay $0x3  }
0x2e: {  	s25 =	smul.u32 $0x32, s24;
	_ =	sdelay $0x1  }
0x2f: {  	s25 =	sadd.s32 s6, s25  }
0x30: {  	[tilespmem:s3], [sflag:$0x3] =	stream.strided.gather [hbm4b:s25+s12], $0x2A30, s13, s12, $0x38;
	[tilespmem:$0x1BBC0] =	vst v63  }
0x31: {  	_ =	swait.ge [sflag:s14], $0x2A30  }
0x32: {  	[sflag:s14] =	ssyncset.done $0x0  }
0x33: {  	[sflag:s14] =	ssyncadd.s32 $0xFFFFD5D0  }
0x34: {  	[spmem:s10] =	stream.linear.scatter [tilespmem:s15], [sflag:$0x3], $0x6400, $0x38;
	[tilespmem:$0x1BBC0] =	vst v63  }
0x35: {  	_ =	swait.ge [sflag:s14], $0x6400  }
0x36: {  	[sflag:s14] =	ssyncset.done $0x0  }
0x37: {  	[sflag:s14] =	ssyncadd.s32 $0xFFFF9C00  }
0x38: {  	[tilespmem:s16], [sflag:$0x1] =	stream.indirect.gather [hbm4b:s5+s12], $0x40, s3, s12, $0xb8;
	[tilespmem:$0x1BBC0] =	vst v63  }
0x39: {  	s30 =	simm.s32 $0x190  }
0x3a: {  	[tilespmem:s17], [sflag:$0x2] =	stream.indirect.gather [hbm4b:s5+s12], $0x40, s30, s12, $0xb8;
	[tilespmem:$0x1BBC0] =	vst v63  }
0x3b: {  	_ =	swait.ge [sflag:s18], $0x6400  }
0x3c: {  	[sflag:s18] =	ssyncset.done $0x0  }
0x3d: {  	[sflag:s18] =	ssyncadd.s32 $0xFFFF9C00  }
0x3e: {  	[spmem:s1] =	stream.indirect.scatter.add.f32 [tilespmem:s16], [sflag:$0x4], $0x40, s19, s12, $0xb8;
	[tilespmem:$0x1BBC0] =	vst v63  }
0x3f: {  	_ =	swait.ge [sflag:s20], $0x6400  }
0x40: {  	[sflag:s20] =	ssyncset.done $0x0  }
0x41: {  	s31 =	simm.s32 $0x320;
	[sflag:s20] =	ssyncadd.s32 $0xFFFF9C00  }
0x42: {  	[tilespmem:s16], [sflag:$0x1] =	stream.indirect.gather [hbm4b:s5+s12], $0x40, s31, s12, $0xb8;
	[tilespmem:$0x1BBC0] =	vst v63  }
0x43: {  	_ =	swait.ge [sflag:s21], $0x6400  }
0x44: {  	[sflag:s21] =	ssyncset.done $0x0  }
0x45: {  	[sflag:s21] =	ssyncadd.s32 $0xFFFF9C00  }
0x46: {  	[spmem:s1] =	stream.indirect.scatter.add.f32 [tilespmem:s17], [sflag:$0x4], $0x40, s19, s12, $0xb8;
	[tilespmem:$0x1BBC0] =	vst v63  }
0x47: {  	_ =	swait.ge [sflag:s20], $0x6400  }
0x48: {  	s26 =	simm.s32 $0xFFFF7680;
	s25 =	simm.s32 $0xFFFFDA80;
	[sflag:s20] =	ssyncset.done $0x0  }
.LBB2_8:
0x49: {  	s28 =	sadd.s32 $0x2A30, s25  }
0x4a: {  	[sflag:s20] =	ssyncadd.s32 $0xFFFF9C00;
	s29 =	smov.u32 s26;
	s30 =	sadd.s32 $0xC80, s26  }
0x4b: {  	[tilespmem:s17], [sflag:$0x2] =	stream.indirect.gather [hbm4b:s5+s12], $0x40, s28, s12, $0xb8;
	[tilespmem:$0x1BBC0] =	vst v63  }
0x4c: {  	p0 =	sne.s32 s26, $0xFFFFF380;
	_ =	swait.ge [sflag:s18], $0x6400  }
0x4d: {  	[sflag:s18] =	ssyncset.done $0x0  }
0x4e: {  	[sflag:s18] =	ssyncadd.s32 $0xFFFF9C00  }
0x4f: {  	[spmem:s1] =	stream.indirect.scatter.add.f32 [tilespmem:s16], [sflag:$0x4], $0x40, s19, s12, $0xb8;
	[tilespmem:$0x1BBC0] =	vst v63  }
0x50: {  	_ =	swait.ge [sflag:s20], $0x6400  }
0x51: {  	[sflag:s20] =	ssyncset.done $0x0  }
0x52: {  	s25 =	sadd.s32 $0x2BC0, s25;
	[sflag:s20] =	ssyncadd.s32 $0xFFFF9C00  }
0x53: {  	[tilespmem:s16], [sflag:$0x1] =	stream.indirect.gather [hbm4b:s5+s12], $0x40, s25, s12, $0xb8;
	[tilespmem:$0x1BBC0] =	vst v63  }
0x54: {  	_ =	swait.ge [sflag:s21], $0x6400  }
.Ltmp7:
0x55: {  	[sflag:s21] =	ssyncset.done $0x0;
	(pc) =	sbr.rel @p0 .LBB2_8-.Ltmp7, $4  }
0x56: {  	[sflag:s21] =	ssyncadd.s32 $0xFFFF9C00  }
0x57: {  	[spmem:s1] =	stream.indirect.scatter.add.f32 [tilespmem:s17], [sflag:$0x4], $0x40, s19, s12, $0xb8;
	[tilespmem:$0x1BBC0] =	vst v63  }
0x58: {  	_ =	swait.ge [sflag:s20], $0x6400  }
0x59: {  	s26 =	smov.u32 s30;
	s25 =	sshra.s32 s29, $0x2;
	[sflag:s20] =	ssyncset.done $0x0  }
0x5a: {  	s26 =	sadd.s32 $0x2A30, s25;
	[sflag:s20] =	ssyncadd.s32 $0xFFFF9C00  }
0x5b: {  	[tilespmem:s17], [sflag:$0x2] =	stream.indirect.gather [hbm4b:s5+s12], $0x40, s26, s12, $0xb8;
	[tilespmem:$0x1BBC0] =	vst v63  }
0x5c: {  	_ =	swait.ge [sflag:s18], $0x6400  }
0x5d: {  	[sflag:s18] =	ssyncset.done $0x0  }
0x5e: {  	[sflag:s18] =	ssyncadd.s32 $0xFFFF9C00  }
0x5f: {  	[spmem:s1] =	stream.indirect.scatter.add.f32 [tilespmem:s16], [sflag:$0x4], $0x40, s19, s12, $0xb8;
	[tilespmem:$0x1BBC0] =	vst v63  }
0x60: {  	_ =	swait.ge [sflag:s20], $0x6400  }
0x61: {  	[sflag:s20] =	ssyncset.done $0x0  }
0x62: {  	s29 =	sadd.s32 $0x2BC0, s25;
	[sflag:s20] =	ssyncadd.s32 $0xFFFF9C00  }
0x63: {  	[tilespmem:s16], [sflag:$0x1] =	stream.indirect.gather [hbm4b:s5+s12], $0x40, s29, s12, $0xb8;
	[tilespmem:$0x1BBC0] =	vst v63  }
0x64: {  	_ =	swait.ge [sflag:s21], $0x6400  }
0x65: {  	[sflag:s21] =	ssyncset.done $0x0  }
0x66: {  	[sflag:s21] =	ssyncadd.s32 $0xFFFF9C00  }
0x67: {  	[spmem:s1] =	stream.indirect.scatter.add.f32 [tilespmem:s17], [sflag:$0x4], $0x40, s19, s12, $0xb8;
	[tilespmem:$0x1BBC0] =	vst v63  }
0x68: {  	_ =	swait.ge [sflag:s20], $0x6400  }
0x69: {  	[sflag:s20] =	ssyncset.done $0x0  }
0x6a: {  	[sflag:s20] =	ssyncadd.s32 $0xFFFF9C00  }
0x6b: {  	_ =	swait.ge [sflag:s18], $0x6400  }
0x6c: {  	[sflag:s18] =	ssyncset.done $0x0  }
0x6d: {  	[sflag:s18] =	ssyncadd.s32 $0xFFFF9C00  }
0x6e: {  	[spmem:s1] =	stream.indirect.scatter.add.f32 [tilespmem:s16], [sflag:$0x4], $0x40, s19, s12, $0xb8;
	[tilespmem:$0x1BBC0] =	vst v63  }
0x6f: {  	s24 =	smul.u32 $0xC80, s24;
	s30 =	sshll.u32 s2, $0x6;
	_ =	swait.ge [sflag:s20], $0x6400  }
0x70: {  	s31 =	sshrl.u32 s10, $0x3;
	s25 =	sor.u32 $0x1C03, s30;
	[sflag:s20] =	ssyncset.done $0x0  }
.Ltmp8:
0x71: {  	s24 =	sadd.s32 s7, s24;
	[sflag:s20] =	ssyncadd.s32 $0xFFFF9C00;
	(pc) =	sbr.rel .LBB2_10-.Ltmp8, $4  }
0x72: {  	[hbm:s24], [sflag:s25] =	dma.local [spmem:s31], $0xC80  }
0x73: {  	_ =	swait.ge [sflag:s14], $0xC80  }
0x74: {  	[sflag:s14] =	ssyncset.done $0x0  }
0x75: {  	[sflag:s14] =	ssyncadd.s32 $0xFFFFF380  }
.LBB2_12:
0x76: {  	_ =	sfence.sel $0x180000  }
0x77: {  	[bflag:$0x0] =	sbarrier.arrive $0xFFFF  }
0x78: {  	p0 =	sne.s32 s2, $0x0;
	_ =	strace $0x90000050  }
0x79: {  	s0 =	sadd.s32 @!p0 $0x100000, s0;
	[bflag:$0x2] =	sbarrier.arrive $0xFFFF  }
0x7a: {  	[sflag:s0] =	ssyncadd.tile.s32 @!p0 $0x1;
	_ =	shalt  }
.Lfunc_end2:
_tile_overlayer_lowered:
.L_overlay_start_2:
0x7b: {  	(tag) =	ssettag $0x2  }
0x7c: {  	s0 =	rddreg [dreg:$0x0];
	s2 =	stileid.u32  }
0x7d: {  	s1 =	rddreg [dreg:$0x1];
	p0 =	sne.s32 s2, $0x0  }
0x7e: {  	s3 =	rddreg [dreg:$0x2];
	[bflag:$0x3] =	sbarrier.arrive $0xFFFF;
	s2 =	simm.s32 @!p0 $0x1C04  }
0x7f: {  	[timem:s3], [sflag:s2] =	dma.local @!p0 [hbm:s0], s1  }
0x80: {  	s0 =	simm.s32 @!p0 $0x4  }
0x81: {  	_ =	swait.ge @!p0 [sflag:s0], s1  }
0x82: {  	s1 =	ssub.s32 @!p0 $0x0, s1;
	[sflag:s0] =	ssyncset.done @!p0 $0x0  }
0x83: {  	[sflag:s0] =	ssyncadd.s32 @!p0 s1  }
0x84: {  	[bflag:$0x3] =	sbarrier.arrive $0xFFFF  }
0x85: {  	_ =	shalt  }

// kernel: kernel.30.cloned.1.call-start
scs
__scs_entry_jumppad:
0x0: {  	(pc) =	sbr.rel $0x88, $3  }
0x1: {  	(tag) =	ssettag $0x0;
	lr =	simm.s32 $0x1  }
0x2: {  	[smem:$0x3F94] =	sst lr;
	_ =	strace $0xD0000000  }
0x3: {  	_ = 	snop  }
0x4: {  	_ = 	snop  }
0x5: {  	_ = 	snop  }
0x6: {  	_ = 	snop  }
0x7: {  	_ = 	snop  }
__scs_overlays_trampoline_lowered:
0x8: {  	[smem:$0x3FA3] =	sst s0  }
0x9: {  	[smem:$0x3FA4] =	sst s1  }
0xa: {  	[smem:$0x3FA5] =	sst s2  }
0xb: {  	[smem:$0x3FA6] =	sst s3  }
0xc: {  	[smem:$0x3FA7] =	sst s4  }
0xd: {  	[smem:$0x3FA8] =	sst s5  }
0xe: {  	[smem:$0x3FA9] =	sst s6  }
0xf: {  	[smem:$0x3FAA] =	sst s7  }
0x10: {  	[smem:$0x3FAB] =	sst s8  }
0x11: {  	[smem:$0x3FAC] =	sst s9;
	s0 =	simm.s32 @!p0 $0x0  }
0x12: {  	s1 =	sld [smem:$0x3F92];
	s0 =	simm.s32 @p0 $0x1  }
0x13: {  	[smem:$0x3FAD] =	sst s0;
	s0 =	simm.s32 @!p1 $0x0  }
0x14: {  	s2 =	sld [smem:$0x3F91];
	s0 =	simm.s32 @p1 $0x1  }
0x15: {  	[smem:$0x3FAE] =	sst s0;
	s0 =	simm.s32 @!p2 $0x0  }
0x16: {  	s3 =	sld [smem:$0x3FDB];
	s0 =	simm.s32 @p2 $0x1  }
0x17: {  	s4 =	simm.s32 $0x1BF5;
	[smem:$0x3FB0] =	sst s0  }
0x18: {  	s0 =	sld [smem:$0x3F93];
	_ =	swait.ge [sflag:s4], $0x0  }
0x19: {  	s7 =	sld [smem:$0x3F94]  }
0x1a: {  	s8 =	sadd.s32 $0xFFFFE003, lr  }
0x1b: {  	s9 =	sadd.s32 $0xFFFFFEF7, lr;
	s5 =	simm.s32 $0xFFFFFFFF;
	p2 =	slt.u32 s8, $0xFFFFF086  }
0x1c: {  	p1 =	slt.u32 s9, $0xF7A;
	s5 =	simm.s32 @!p2 $0x0  }
0x1d: {  	s5 =	simm.s32 @p1 $0x1;
	p0 =	seq.s32 s7, s2  }
0x1e: {  	s7 =	smul.u32 @!p0 $0xF7A, s2;
	p2 =	seq.s32 @!p0 s5, $0x0  }
0x1f: {  	s9 =	smul.u32 $0xF7A, s1;
	s8 =	simm.s32 @!p0 $0x1BF5;
	p2 =	por !p2, p0  }
0x20: {  	[sflag:s8] =	ssyncset.s32 @!p0 $0xFFFFF086;
	s6 =	sadd.s32 @!p0 s3, s7;
	s7 =	simm.s32 @!p0 $0x108  }
0x21: {  	s3 =	sadd.s32 s3, s9;
	s6 =	sadd.s32 @!p0 $0x88, s6;
	s7 =	simm.s32 @p2 $0x1082  }
0x22: {  	[simem:s7], [sflag:s8] =	dma.local @!p0 [hbm:s6], $0xF7A  }
0x23: {  	s9 =	sor.u32 $0xD0000000, s2;
	s6 =	simm.s32 $0x108;
	_ =	swait.ge @!p0 [sflag:s8], $0x0  }
0x24: {  	s3 =	sadd.s32 $0x88, s3;
	s6 =	simm.s32 @!p1 $0x1082;
	[sflag:s4] =	ssyncset.s32 $0xFFFFF086  }
0x25: {  	[simem:s6], [sflag:s4] =	dma.local [hbm:s3], $0xF7A  }
0x26: {  	[smem:$0x3F94] =	sst s1;
	(tag) =	ssettag s2;
	_ =	strace s9  }
0x27: {  	s1 =	sld [smem:$0x3FA4]  }
0x28: {  	s2 =	sld [smem:$0x3FA5]  }
0x29: {  	s4 =	sld [smem:$0x3FA7]  }
0x2a: {  	p0 =	seq.s32 s5, $0x0;
	s5 =	sld [smem:$0x3FA8]  }
0x2b: {  	s6 =	sld [smem:$0x3FA9]  }
0x2c: {  	s7 =	sld [smem:$0x3FAA]  }
0x2d: {  	s3 =	simm.s32 $0x108;
	s8 =	sld [smem:$0x3FAB]  }
0x2e: {  	s3 =	simm.s32 @!p0 $0x1082;
	s9 =	sld [smem:$0x3FAC]  }
0x2f: {  	lr =	sadd.s32 s0, s3;
	s0 =	sld [smem:$0x3FA3]  }
0x30: {  	s3 =	sld [smem:$0x3FA6]  }
0x31: {  	[smem:$0x3FAF] =	sst s10  }
0x32: {  	s10 =	sld [smem:$0x3FAD];
	_ =	sdelay $0x3  }
0x33: {  	p0 =	seq.s32 s10, $0x1;
	s10 =	sld [smem:$0x3FAF];
	_ =	sdelay $0x3  }
0x34: {  	[smem:$0x3FAF] =	sst s10  }
0x35: {  	s10 =	sld [smem:$0x3FAE];
	_ =	sdelay $0x3  }
0x36: {  	p1 =	seq.s32 s10, $0x1;
	s10 =	sld [smem:$0x3FAF];
	_ =	sdelay $0x3  }
0x37: {  	[smem:$0x3FAF] =	sst s10  }
0x38: {  	s10 =	sld [smem:$0x3FB0]  }
0x39: {  	_ = 	snop;
	(pc) =	sbr.ind lr, $3  }
0x3a: {  	_ = 	snop  }
0x3b: {  	_ = 	snop  }
0x3c: {  	p2 =	seq.s32 s10, $0x1;
	s10 =	sld [smem:$0x3FAF]  }
0x3d: {  	_ =	shalt  }
0x3e: {  	_ =	shalt  }
0x3f: {  	_ =	shalt  }
0x40: {  	_ =	shalt  }
0x41: {  	_ =	shalt  }
0x42: {  	_ =	shalt  }
0x43: {  	_ =	shalt  }
0x44: {  	_ =	shalt  }
0x45: {  	_ =	shalt  }
0x46: {  	_ =	shalt  }
0x47: {  	_ =	shalt  }
0x48: {  	_ =	shalt  }
0x49: {  	_ =	shalt  }
0x4a: {  	_ =	shalt  }
0x4b: {  	_ =	shalt  }
0x4c: {  	_ =	shalt  }
0x4d: {  	_ =	shalt  }
0x4e: {  	_ =	shalt  }
0x4f: {  	_ =	shalt  }
0x50: {  	_ =	shalt  }
0x51: {  	_ =	shalt  }
0x52: {  	_ =	shalt  }
0x53: {  	_ =	shalt  }
0x54: {  	_ =	shalt  }
0x55: {  	_ =	shalt  }
0x56: {  	_ =	shalt  }
0x57: {  	_ =	shalt  }
0x58: {  	_ =	shalt  }
0x59: {  	_ =	shalt  }
0x5a: {  	_ =	shalt  }
0x5b: {  	_ =	shalt  }
0x5c: {  	_ =	shalt  }
0x5d: {  	_ =	shalt  }
0x5e: {  	_ =	shalt  }
0x5f: {  	_ =	shalt  }
0x60: {  	_ =	shalt  }
0x61: {  	_ =	shalt  }
0x62: {  	_ =	shalt  }
0x63: {  	_ =	shalt  }
0x64: {  	_ =	shalt  }
0x65: {  	_ =	shalt  }
0x66: {  	_ =	shalt  }
0x67: {  	_ =	shalt  }
0x68: {  	_ =	shalt  }
0x69: {  	_ =	shalt  }
0x6a: {  	_ =	shalt  }
0x6b: {  	_ =	shalt  }
0x6c: {  	_ =	shalt  }
0x6d: {  	_ =	shalt  }
0x6e: {  	_ =	shalt  }
0x6f: {  	_ =	shalt  }
0x70: {  	_ =	shalt  }
0x71: {  	_ =	shalt  }
0x72: {  	_ =	shalt  }
0x73: {  	_ =	shalt  }
0x74: {  	_ =	shalt  }
0x75: {  	_ =	shalt  }
0x76: {  	_ =	shalt  }
0x77: {  	_ =	shalt  }
0x78: {  	_ =	shalt  }
0x79: {  	_ =	shalt  }
0x7a: {  	_ =	shalt  }
0x7b: {  	_ =	shalt  }
0x7c: {  	_ =	shalt  }
0x7d: {  	_ =	shalt  }
0x7e: {  	_ =	shalt  }
0x7f: {  	_ =	shalt  }
0x80: {  	_ =	shalt  }
0x81: {  	_ =	shalt  }
0x82: {  	_ =	shalt  }
0x83: {  	_ =	shalt  }
0x84: {  	_ =	shalt  }
0x85: {  	_ =	shalt  }
0x86: {  	_ =	shalt  }
0x87: {  	_ =	shalt  }
.Lfunc_end0:
.L_simem_size_0:
called_computation.2_lowered:
.L_overlay_start_0:
0x88: {  	s2 =	sld [smem:$0x3FD9]  }
0x89: {  	s3 =	sld [smem:$0x3FFE];
	_ =	sdelay $0x1  }
0x8a: {  	s1 =	srdreg.scid  }
0x8b: {  	s0 =	sand.u32 $0x1, s1  }
0x8c: {  	s17 =	sshll.u32 s0, $0xA;
	s2 =	sadd.s32 s3, s2  }
0x8d: {  	s2 =	sadd.s32 s2, s17  }
0x8e: {  	[smem:$0x3FBB] =	sst s2  }
0x8f: {  	_ = 	snop  }
0x90: {  	(tm) =	ssettm $0x1  }
0x91: {  	s18 =	sld [smem:$0x3FFB];
	_ =	sdelay $0x3  }
0x92: {  	_ =	strace s18  }
0x93: {  	s2 =	sld [smem:$0x3FFC];
	_ =	sdelay $0x3  }
0x94: {  	_ =	strace s2  }
0x95: {  	s2 =	sld [smem:$0x3FFD];
	_ =	sdelay $0x3  }
0x96: {  	_ =	strace s2  }
0x97: {  	_ =	strace $0x8FFFFFFF  }
0x98: {  	s19 =	sld [smem:$0x3FDB];
	_ =	sdelay $0x1  }
0x99: {  	s20 =	simm.s32 $_scs_section_size  }
0x9a: {  	s4 =	simm.s32 $_size__tile_overlayer_lowered;
	s5 =	simm.s32 $_tile_overlayer_lowered  }
0x9b: {  	s6 =	simm.s32 $0x1BFF;
	s21 =	sshll.u32 s5, $0x1;
	s3 =	sadd.s32 s20, s19  }
0x9c: {  	s22 =	simm.s32 $0x0;
	s4 =	sshll.u32 s4, $0x1;
	s5 =	sadd.s32 s21, s3  }
0x9d: {  	[timem:s22], [sflag:s6] =	dma.local [hbm:s5], s4  }
0x9e: {  	_ =	swait.ge [sflag:s6], s4  }
0x9f: {  	s4 =	ssub.s32 $0x0, s4;
	[sflag:s6] =	ssyncset.done $0x0  }
0xa0: {  	[sflag:s6] =	ssyncadd.s32 s4;
	_ =	sdelay $0x1  }
0xa1: {  	s23 =	simm.s32 $0x1B8B  }
0xa2: {  	_ =	swait.ge [sflag:s23], $0x1  }
0xa3: {  	[sflag:s23] =	ssyncset.done $0x0  }
0xa4: {  	[sflag:s23] =	ssyncadd.s32 $0xFFFFFFFF  }
0xa5: {  	s4 =	sld [smem:$0x0]  }
0xa6: {  	s5 =	sand.u32 $0xFFFFFFFE, s1  }
0xa7: {  	p0 =	sne.s32 s1, s5  }
0xa8: {  	s5 =	sshll.u32 @p0 s5, $0xE  }
0xa9: {  	s5 =	sadd.s32 @p0 $0x11B8D, s5;
	s6 =	sshll.u32 @p0 s4, $0x11  }
0xaa: {  	s5 =	sor.u32 @p0 s6, s5  }
0xab: {  	[sflag:s5] =	ssyncadd.remote.s32 @p0 $0x1;
	_ =	sdelay $0x1  }
0xac: {  	s5 =	simm.s32 @p0 $0x1B8D  }
0xad: {  	_ =	swait.eq @p0 [sflag:s5], $0x1  }
0xae: {  	[sflag:s5] =	ssyncadd.s32 @p0 $0xFFFFFFFF  }
0xaf: {  	s6 =	sshll.u32 @!p0 s1, $0xE  }
0xb0: {  	s6 =	sor.u32 @!p0 $0x4000, s6;
	s5 =	simm.s32 @!p0 $0x1B8D  }
0xb1: {  	s4 =	sshll.u32 @!p0 s4, $0x11;
	s6 =	sadd.s32 @!p0 $0x11B8D, s6;
	_ =	swait.eq @!p0 [sflag:s5], $0x1  }
0xb2: {  	s4 =	sor.u32 @!p0 s4, s6;
	[sflag:s5] =	ssyncadd.s32 @!p0 $0xFFFFFFFF  }
0xb3: {  	s25 =	simm.s32 $0x1B8E;
	s24 =	sld [smem:$0x3FFE];
	[sflag:s4] =	ssyncadd.remote.s32 @!p0 $0x1  }
0xb4: {  	s26 =	simm.s32 $execute0_lowered;
	[smem:$0x3FD2] =	sst s25  }
0xb5: {  	s5 =	sshll.u32 s26, $0x1;
	_ =	strace $0x8000005B;
	[dreg:$0x1] =	wrdreg $0xFFFFFFFF  }
0xb6: {  	s28 =	simm.s32 $_size_execute0_lowered;
	s3 =	sadd.s32 s3, s5;
	[dreg:$0x0] =	wrdreg $0x0  }
0xb7: {  	s5 =	sshll.u32 s28, $0x1;
	[dreg:$0x2] =	wrdreg s3  }
0xb8: {  	[dreg:$0x3] =	wrdreg s5  }
0xb9: {  	[dreg:$0x4] =	wrdreg $0xC0  }
0xba: {  	_ =	task [dreg:s22], $0x5FFFF  }
0xbb: {  	[dreg:$0x1] =	wrdreg $0xFFFFFFFF  }
0xbc: {  	[dreg:$0x0] =	wrdreg $0x60  }
0xbd: {  	[dreg:$0x2] =	wrdreg s24  }
0xbe: {  	[dreg:$0x3] =	wrdreg $0x157C00  }
0xbf: {  	[dreg:$0x4] =	wrdreg $0x9  }
0xc0: {  	_ =	task.clear_ibuf [dreg:s22], $0x5FFFF;
	_ =	strace $0x9000005B  }
0xc1: {  	s29 =	simm.s32 $0x9;
	_ =	strace $0x8000005D  }
0xc2: {  	_ =	swait.ge [sflag:s29], $0x1  }
0xc3: {  	[sflag:s29] =	ssyncadd.s32 $0xFFFFFFFF  }
0xc4: {  	_ =	strace $0x9000005D  }
0xc5: {  	_ =	sfence  }
0xc6: {  	s30 =	sld [smem:$0x0];
	_ =	sdelay $0x2  }
0xc7: {  	s31 =	sshll.u32 s1, $0xD;
	s1 =	sshrl.u32 s1, $0x2  }
0xc8: {  	s4 =	sand.u32 $0x4000, s31;
	s1 =	sadd.s32 s1, s30  }
0xc9: {  	s0 =	sor.u32 s4, s0;
	s1 =	sshll.u32 s1, $0x11  }
0xca: {  	s0 =	sor.u32 s1, s0  }
0xcb: {  	s0 =	sadd.s32 $0x8F2B, s0  }
0xcc: {  	[sflag:s0] =	ssyncadd.remote.s32 $0x1  }
0xcd: {  	_ =	sfence.sel $0xFFFF  }
0xce: {  	[dreg:$0x0] =	wrdreg $0xFFFFFFFF;
	(pc) =	sbr.abs _section_cstart, $3  }
0xcf: {  	[dreg:$0x1] =	wrdreg $0xFFFFFFFF  }
0xd0: {  	_ =	task.clear_ibuf [dreg:s22], $0x2FFFF;
	_ =	strace $0x9FFFFFFF  }
0xd1: {  	(tm) =	ssettm $0x7FFFFFFF  }
tec
execute0_lowered:
.L_overlay_start_1:
0x0: {  	(tag) =	ssettag $0x1  }
0x1: {  	s8 =	rddreg [dreg:$0x0]  }
0x2: {  	s1 =	rddreg [dreg:$0x1];
	s2 =	simm.s32 $0x0;
	s3 =	srdreg.scid  }
0x3: {  	s13 =	simm.s32 $0x190;
	s14 =	simm.s32 $0xC350;
	s15 =	simm.s32 $0x3  }
0x4: {  	s17 =	simm.s32 $0x8FC0;
	s18 =	simm.s32 $0xF3C0;
	s19 =	simm.s32 $0x1  }
0x5: {  	s20 =	simm.s32 $0x2A30;
	s21 =	simm.s32 $0x4;
	s22 =	simm.s32 $0x2  }
0x6: {  	s23 =	simm.s32 $0x0;
	[smem:$0x7FF] =	sst s2;
	s4 =	sadd.s32 $0x30A200, s8  }
0x7: {  	s5 =	sand.u32 $0x1, s3;
	s3 =	stileid.u32;
	s7 =	sadd.s32 $0x2A8600, s8  }
.Ltmp0:
0x8: {  	s6 =	sadd.s32 $0x56400, s8;
	s8 =	sadd.s32 $0x121600, s8;
	(pc) =	sbr.rel .LBB2_1-.Ltmp0, $4  }
0x9: {  	s9 =	ssub.s32 $0x2, s5;
	s10 =	smul.u32 $0x19000, s3;
	s16 =	sshll.u32 s3, $0x6  }
0xa: {  	_ =	strace $0x8000005C;
	s11 =	sshrl.u32 s9, $0x1;
	s16 =	sor.u32 $0x1C03, s16  }
0xb: {  	s12 =	ssub.s32 s9, s11;
	s9 =	sshll.u32 s3, $0x1;
	s31 =	sshrl.u32 s10, $0x2  }
0xc: {  	v0 =	vlaneseq.u32;
	v1 =	vimm.f32 $0.0e+00;
	s10 =	smul.u32 $0x190, s3;
	s11 =	sadd.s32 s31, s1;
	s12 =	smax.u32 s12, $0x1  }
.LBB2_11:
0xd: {  	s23 =	sadd.s32 $0x1, s23  }
0xe: {  	p0 =	sne.s32 s23, s12  }
.Ltmp1:
0xf: {  	_ = 	snop;
	(pc) =	sbr.rel @!p0 .LBB2_12-.Ltmp1, $1  }
0x10: {  	_ =	sdelay $0x3  }
.LBB2_1:
0x11: {  	_ = 	snop  }
0x12: {  	s25 =	simm.s32 $0x40;
	s28 =	simm.s32 $0x0;
	v2 =	vor.u32 s10, v0;
	s26 =	smov.u32 s10  }
.LBB2_2:
0x13: {  	p0 =	sne.s32 s25, $0x600  }
0x14: {  	[tilespmem:s28+$0x2A30] =	vst v2;
	s26 =	sadd.s32 $0x10, s26;
	s24 =	smov.u32 s25;
	s25 =	sadd.s32 $0x40, s25  }
.Ltmp2:
0x15: {  	(pc) =	sbr.rel @p0 .LBB2_2-.Ltmp2, $2  }
0x16: {  	_ =	sdelay $0x2  }
0x17: {  	v2 =	vor.u32 s26, v0;
	s28 =	sshra.s32 s24, $0x2;
	s24 =	simm.s32 $0x0  }
0x18: {  	[tilespmem:s28+$0x2A30] =	vst v2;
	s26 =	simm.s32 $0x100;
	s25 =	simm.s32 $0x0  }
.LBB2_4:
0x19: {  	p0 =	sne.s32 s26, $0x18F00;
	[tilespmem:s25+$0x2BF0] =	vst v1;
	s28 =	smov.u32 s26;
	s26 =	sadd.s32 $0x100, s26  }
.Ltmp3:
0x1a: {  	[tilespmem:s25+$0x2BE0] =	vst v1;
	(pc) =	sbr.rel @p0 .LBB2_4-.Ltmp3, $3  }
0x1b: {  	[tilespmem:s25+$0x2BC0] =	vst v1  }
0x1c: {  	[tilespmem:s25+$0x2BD0] =	vst v1;
	_ =	sdelay $0x1  }
0x1d: {  	s25 =	sshra.s32 s28, $0x2  }
.Ltmp4:
0x1e: {  	(pc) =	sbr.rel .LBB2_6-.Ltmp4, $4  }
0x1f: {  	[tilespmem:s25+$0x2BF0] =	vst v1  }
0x20: {  	[tilespmem:s25+$0x2BE0] =	vst v1  }
0x21: {  	[tilespmem:s25+$0x2BC0] =	vst v1  }
0x22: {  	[tilespmem:s25+$0x2BD0] =	vst v1  }
.LBB2_10:
0x23: {  	s24 =	sadd.s32 $0x1, s24  }
0x24: {  	p0 =	sne.s32 s24, $0x4  }
.Ltmp5:
0x25: {  	_ = 	snop;
	(pc) =	sbr.rel @!p0 .LBB2_11-.Ltmp5, $1  }
0x26: {  	_ =	sdelay $0x3  }
.LBB2_6:
0x27: {  	s25 =	sshll.u32 s24, $0x5  }
0x28: {  	s25 =	sor.u32 s25, s9  }
0x29: {  	s25 =	sor.u32 s5, s25  }
0x2a: {  	p0 =	sgt.u32 s25, $0x7C  }
.Ltmp6:
0x2b: {  	_ = 	snop;
	(pc) =	sbr.rel @p0 .LBB2_10-.Ltmp6, $1  }
0x2c: {  	_ =	sdelay $0x3  }
0x2d: {  	s26 =	smul.u32 $0x32, s25;
	_ =	sdelay $0x1  }
0x2e: {  	s26 =	sadd.s32 s6, s26  }
0x2f: {  	[tilespmem:s2], [sflag:$0x3] =	stream.strided.gather [hbm4b:s26+s13], $0x2A30, s14, s13, $0x38;
	[tilespmem:$0x1BBC0] =	vst v63  }
0x30: {  	s25 =	smul.u32 $0xC80, s25;
	_ =	swait.ge [sflag:s15], $0x2A30  }
0x31: {  	[sflag:s15] =	ssyncset.done $0x0  }
0x32: {  	s28 =	sadd.s32 s7, s25;
	s26 =	sshrl.u32 s11, $0x3;
	[sflag:s15] =	ssyncadd.s32 $0xFFFFD5D0  }
0x33: {  	[spmem:s26], [sflag:s16] =	dma.local [hbm:s28], $0xC80  }
0x34: {  	_ =	swait.ge [sflag:s15], $0xC80  }
0x35: {  	[sflag:s15] =	ssyncset.done $0x0  }
0x36: {  	[sflag:s15] =	ssyncadd.s32 $0xFFFFF380  }
0x37: {  	[tilespmem:s17], [sflag:$0x1] =	stream.indirect.gather [hbm4b:s4+s13], $0x40, s2, s13, $0xb8;
	[tilespmem:$0x1BBC0] =	vst v63  }
0x38: {  	s28 =	simm.s32 $0x190  }
0x39: {  	[tilespmem:s18], [sflag:$0x2] =	stream.indirect.gather [hbm4b:s4+s13], $0x40, s28, s13, $0xb8;
	[tilespmem:$0x1BBC0] =	vst v63  }
0x3a: {  	_ =	swait.ge [sflag:s19], $0x6400  }
0x3b: {  	[sflag:s19] =	ssyncset.done $0x0  }
0x3c: {  	[sflag:s19] =	ssyncadd.s32 $0xFFFF9C00  }
0x3d: {  	[spmem:s1] =	stream.indirect.scatter.add.f32 [tilespmem:s17], [sflag:$0x4], $0x40, s20, s13, $0xb8;
	[tilespmem:$0x1BBC0] =	vst v63  }
0x3e: {  	_ =	swait.ge [sflag:s21], $0x6400  }
0x3f: {  	[sflag:s21] =	ssyncset.done $0x0  }
0x40: {  	s28 =	simm.s32 $0x320;
	[sflag:s21] =	ssyncadd.s32 $0xFFFF9C00  }
0x41: {  	[tilespmem:s17], [sflag:$0x1] =	stream.indirect.gather [hbm4b:s4+s13], $0x40, s28, s13, $0xb8;
	[tilespmem:$0x1BBC0] =	vst v63  }
0x42: {  	_ =	swait.ge [sflag:s22], $0x6400  }
0x43: {  	[sflag:s22] =	ssyncset.done $0x0  }
0x44: {  	[sflag:s22] =	ssyncadd.s32 $0xFFFF9C00  }
0x45: {  	[spmem:s1] =	stream.indirect.scatter.add.f32 [tilespmem:s18], [sflag:$0x4], $0x40, s20, s13, $0xb8;
	[tilespmem:$0x1BBC0] =	vst v63  }
0x46: {  	_ =	swait.ge [sflag:s21], $0x6400  }
0x47: {  	s29 =	simm.s32 $0xFFFF7680;
	s28 =	simm.s32 $0xFFFFDA80;
	[sflag:s21] =	ssyncset.done $0x0  }
.LBB2_8:
0x48: {  	s30 =	sadd.s32 $0x2A30, s28  }
0x49: {  	[sflag:s21] =	ssyncadd.s32 $0xFFFF9C00;
	s31 =	smov.u32 s29;
	s0 =	sadd.s32 $0xC80, s29  }
0x4a: {  	[tilespmem:s18], [sflag:$0x2] =	stream.indirect.gather [hbm4b:s4+s13], $0x40, s30, s13, $0xb8;
	[tilespmem:$0x1BBC0] =	vst v63  }
0x4b: {  	p0 =	sne.s32 s29, $0xFFFFF380;
	_ =	swait.ge [sflag:s19], $0x6400  }
0x4c: {  	[sflag:s19] =	ssyncset.done $0x0  }
0x4d: {  	[sflag:s19] =	ssyncadd.s32 $0xFFFF9C00  }
0x4e: {  	[spmem:s1] =	stream.indirect.scatter.add.f32 [tilespmem:s17], [sflag:$0x4], $0x40, s20, s13, $0xb8;
	[tilespmem:$0x1BBC0] =	vst v63  }
0x4f: {  	_ =	swait.ge [sflag:s21], $0x6400  }
0x50: {  	[sflag:s21] =	ssyncset.done $0x0  }
0x51: {  	s28 =	sadd.s32 $0x2BC0, s28;
	[sflag:s21] =	ssyncadd.s32 $0xFFFF9C00  }
0x52: {  	[tilespmem:s17], [sflag:$0x1] =	stream.indirect.gather [hbm4b:s4+s13], $0x40, s28, s13, $0xb8;
	[tilespmem:$0x1BBC0] =	vst v63  }
0x53: {  	_ =	swait.ge [sflag:s22], $0x6400  }
.Ltmp7:
0x54: {  	[sflag:s22] =	ssyncset.done $0x0;
	(pc) =	sbr.rel @p0 .LBB2_8-.Ltmp7, $4  }
0x55: {  	[sflag:s22] =	ssyncadd.s32 $0xFFFF9C00  }
0x56: {  	[spmem:s1] =	stream.indirect.scatter.add.f32 [tilespmem:s18], [sflag:$0x4], $0x40, s20, s13, $0xb8;
	[tilespmem:$0x1BBC0] =	vst v63  }
0x57: {  	_ =	swait.ge [sflag:s21], $0x6400  }
0x58: {  	s29 =	smov.u32 s0;
	s28 =	sshra.s32 s31, $0x2;
	[sflag:s21] =	ssyncset.done $0x0  }
0x59: {  	s0 =	sadd.s32 $0x2A30, s28;
	[sflag:s21] =	ssyncadd.s32 $0xFFFF9C00  }
0x5a: {  	[tilespmem:s18], [sflag:$0x2] =	stream.indirect.gather [hbm4b:s4+s13], $0x40, s0, s13, $0xb8;
	[tilespmem:$0x1BBC0] =	vst v63  }
0x5b: {  	_ =	swait.ge [sflag:s19], $0x6400  }
0x5c: {  	[sflag:s19] =	ssyncset.done $0x0  }
0x5d: {  	[sflag:s19] =	ssyncadd.s32 $0xFFFF9C00  }
0x5e: {  	[spmem:s1] =	stream.indirect.scatter.add.f32 [tilespmem:s17], [sflag:$0x4], $0x40, s20, s13, $0xb8;
	[tilespmem:$0x1BBC0] =	vst v63  }
0x5f: {  	_ =	swait.ge [sflag:s21], $0x6400  }
0x60: {  	[sflag:s21] =	ssyncset.done $0x0  }
0x61: {  	s30 =	sadd.s32 $0x2BC0, s28;
	[sflag:s21] =	ssyncadd.s32 $0xFFFF9C00  }
0x62: {  	[tilespmem:s17], [sflag:$0x1] =	stream.indirect.gather [hbm4b:s4+s13], $0x40, s30, s13, $0xb8;
	[tilespmem:$0x1BBC0] =	vst v63  }
0x63: {  	_ =	swait.ge [sflag:s22], $0x6400  }
0x64: {  	[sflag:s22] =	ssyncset.done $0x0  }
0x65: {  	[sflag:s22] =	ssyncadd.s32 $0xFFFF9C00  }
0x66: {  	[spmem:s1] =	stream.indirect.scatter.add.f32 [tilespmem:s18], [sflag:$0x4], $0x40, s20, s13, $0xb8;
	[tilespmem:$0x1BBC0] =	vst v63  }
0x67: {  	_ =	swait.ge [sflag:s21], $0x6400  }
0x68: {  	[sflag:s21] =	ssyncset.done $0x0  }
0x69: {  	[sflag:s21] =	ssyncadd.s32 $0xFFFF9C00  }
0x6a: {  	_ =	swait.ge [sflag:s19], $0x6400  }
0x6b: {  	[sflag:s19] =	ssyncset.done $0x0  }
0x6c: {  	[sflag:s19] =	ssyncadd.s32 $0xFFFF9C00  }
0x6d: {  	[spmem:s1] =	stream.indirect.scatter.add.f32 [tilespmem:s17], [sflag:$0x4], $0x40, s20, s13, $0xb8;
	[tilespmem:$0x1BBC0] =	vst v63  }
0x6e: {  	_ =	swait.ge [sflag:s21], $0x6400  }
0x6f: {  	[sflag:s21] =	ssyncset.done $0x0  }
.Ltmp8:
0x70: {  	s31 =	sadd.s32 s8, s25;
	[sflag:s21] =	ssyncadd.s32 $0xFFFF9C00;
	(pc) =	sbr.rel .LBB2_10-.Ltmp8, $4  }
0x71: {  	[hbm:s31], [sflag:s16] =	dma.local [spmem:s26], $0xC80  }
0x72: {  	_ =	swait.ge [sflag:s15], $0xC80  }
0x73: {  	[sflag:s15] =	ssyncset.done $0x0  }
0x74: {  	[sflag:s15] =	ssyncadd.s32 $0xFFFFF380  }
.LBB2_12:
0x75: {  	_ =	sfence.sel $0x180000  }
0x76: {  	[bflag:$0x0] =	sbarrier.arrive $0xFFFF  }
0x77: {  	_ =	strace $0x9000005C  }
0x78: {  	[bflag:$0x2] =	sbarrier.arrive $0xFFFF  }
0x79: {  	p0 =	sne.s32 s3, $0x0;
	s0 =	rddreg [dreg:$0x2]  }
0x7a: {  	s0 =	sadd.s32 @!p0 $0x100000, s0  }
0x7b: {  	[sflag:s0] =	ssyncadd.tile.s32 @!p0 $0x1;
	_ =	shalt  }
.Lfunc_end2:
_tile_overlayer_lowered:
.L_overlay_start_2:
0x7c: {  	(tag) =	ssettag $0x2  }
0x7d: {  	s0 =	rddreg [dreg:$0x0];
	s2 =	stileid.u32  }
0x7e: {  	s1 =	rddreg [dreg:$0x1];
	p0 =	sne.s32 s2, $0x0  }
0x7f: {  	s3 =	rddreg [dreg:$0x2];
	[bflag:$0x3] =	sbarrier.arrive $0xFFFF;
	s2 =	simm.s32 @!p0 $0x1C04  }
0x80: {  	[timem:s3], [sflag:s2] =	dma.local @!p0 [hbm:s0], s1  }
0x81: {  	s0 =	simm.s32 @!p0 $0x4  }
0x82: {  	_ =	swait.ge @!p0 [sflag:s0], s1  }
0x83: {  	s1 =	ssub.s32 @!p0 $0x0, s1;
	[sflag:s0] =	ssyncset.done @!p0 $0x0  }
0x84: {  	[sflag:s0] =	ssyncadd.s32 @!p0 s1  }
0x85: {  	[bflag:$0x3] =	sbarrier.arrive $0xFFFF  }
0x86: {  	_ =	shalt  }

// kernel: kernel.33.cloned.1.call-start
scs
__scs_entry_jumppad:
0x0: {  	(pc) =	sbr.rel $0x88, $3  }
0x1: {  	(tag) =	ssettag $0x0;
	lr =	simm.s32 $0x1  }
0x2: {  	[smem:$0x3F94] =	sst lr;
	_ =	strace $0xD0000000  }
0x3: {  	_ = 	snop  }
0x4: {  	_ = 	snop  }
0x5: {  	_ = 	snop  }
0x6: {  	_ = 	snop  }
0x7: {  	_ = 	snop  }
__scs_overlays_trampoline_lowered:
0x8: {  	[smem:$0x3FA3] =	sst s0  }
0x9: {  	[smem:$0x3FA4] =	sst s1  }
0xa: {  	[smem:$0x3FA5] =	sst s2  }
0xb: {  	[smem:$0x3FA6] =	sst s3  }
0xc: {  	[smem:$0x3FA7] =	sst s4  }
0xd: {  	[smem:$0x3FA8] =	sst s5  }
0xe: {  	[smem:$0x3FA9] =	sst s6  }
0xf: {  	[smem:$0x3FAA] =	sst s7  }
0x10: {  	[smem:$0x3FAB] =	sst s8  }
0x11: {  	[smem:$0x3FAC] =	sst s9;
	s0 =	simm.s32 @!p0 $0x0  }
0x12: {  	s1 =	sld [smem:$0x3F92];
	s0 =	simm.s32 @p0 $0x1  }
0x13: {  	[smem:$0x3FAD] =	sst s0;
	s0 =	simm.s32 @!p1 $0x0  }
0x14: {  	s2 =	sld [smem:$0x3F91];
	s0 =	simm.s32 @p1 $0x1  }
0x15: {  	[smem:$0x3FAE] =	sst s0;
	s0 =	simm.s32 @!p2 $0x0  }
0x16: {  	s3 =	sld [smem:$0x3FDB];
	s0 =	simm.s32 @p2 $0x1  }
0x17: {  	s4 =	simm.s32 $0x1BF5;
	[smem:$0x3FB0] =	sst s0  }
0x18: {  	s0 =	sld [smem:$0x3F93];
	_ =	swait.ge [sflag:s4], $0x0  }
0x19: {  	s7 =	sld [smem:$0x3F94]  }
0x1a: {  	s8 =	sadd.s32 $0xFFFFE003, lr  }
0x1b: {  	s9 =	sadd.s32 $0xFFFFFEF7, lr;
	s5 =	simm.s32 $0xFFFFFFFF;
	p2 =	slt.u32 s8, $0xFFFFF086  }
0x1c: {  	p1 =	slt.u32 s9, $0xF7A;
	s5 =	simm.s32 @!p2 $0x0  }
0x1d: {  	s5 =	simm.s32 @p1 $0x1;
	p0 =	seq.s32 s7, s2  }
0x1e: {  	s7 =	smul.u32 @!p0 $0xF7A, s2;
	p2 =	seq.s32 @!p0 s5, $0x0  }
0x1f: {  	s9 =	smul.u32 $0xF7A, s1;
	s8 =	simm.s32 @!p0 $0x1BF5;
	p2 =	por !p2, p0  }
0x20: {  	[sflag:s8] =	ssyncset.s32 @!p0 $0xFFFFF086;
	s6 =	sadd.s32 @!p0 s3, s7;
	s7 =	simm.s32 @!p0 $0x108  }
0x21: {  	s3 =	sadd.s32 s3, s9;
	s6 =	sadd.s32 @!p0 $0x88, s6;
	s7 =	simm.s32 @p2 $0x1082  }
0x22: {  	[simem:s7], [sflag:s8] =	dma.local @!p0 [hbm:s6], $0xF7A  }
0x23: {  	s9 =	sor.u32 $0xD0000000, s2;
	s6 =	simm.s32 $0x108;
	_ =	swait.ge @!p0 [sflag:s8], $0x0  }
0x24: {  	s3 =	sadd.s32 $0x88, s3;
	s6 =	simm.s32 @!p1 $0x1082;
	[sflag:s4] =	ssyncset.s32 $0xFFFFF086  }
0x25: {  	[simem:s6], [sflag:s4] =	dma.local [hbm:s3], $0xF7A  }
0x26: {  	[smem:$0x3F94] =	sst s1;
	(tag) =	ssettag s2;
	_ =	strace s9  }
0x27: {  	s1 =	sld [smem:$0x3FA4]  }
0x28: {  	s2 =	sld [smem:$0x3FA5]  }
0x29: {  	s4 =	sld [smem:$0x3FA7]  }
0x2a: {  	p0 =	seq.s32 s5, $0x0;
	s5 =	sld [smem:$0x3FA8]  }
0x2b: {  	s6 =	sld [smem:$0x3FA9]  }
0x2c: {  	s7 =	sld [smem:$0x3FAA]  }
0x2d: {  	s3 =	simm.s32 $0x108;
	s8 =	sld [smem:$0x3FAB]  }
0x2e: {  	s3 =	simm.s32 @!p0 $0x1082;
	s9 =	sld [smem:$0x3FAC]  }
0x2f: {  	lr =	sadd.s32 s0, s3;
	s0 =	sld [smem:$0x3FA3]  }
0x30: {  	s3 =	sld [smem:$0x3FA6]  }
0x31: {  	[smem:$0x3FAF] =	sst s10  }
0x32: {  	s10 =	sld [smem:$0x3FAD];
	_ =	sdelay $0x3  }
0x33: {  	p0 =	seq.s32 s10, $0x1;
	s10 =	sld [smem:$0x3FAF];
	_ =	sdelay $0x3  }
0x34: {  	[smem:$0x3FAF] =	sst s10  }
0x35: {  	s10 =	sld [smem:$0x3FAE];
	_ =	sdelay $0x3  }
0x36: {  	p1 =	seq.s32 s10, $0x1;
	s10 =	sld [smem:$0x3FAF];
	_ =	sdelay $0x3  }
0x37: {  	[smem:$0x3FAF] =	sst s10  }
0x38: {  	s10 =	sld [smem:$0x3FB0]  }
0x39: {  	_ = 	snop;
	(pc) =	sbr.ind lr, $3  }
0x3a: {  	_ = 	snop  }
0x3b: {  	_ = 	snop  }
0x3c: {  	p2 =	seq.s32 s10, $0x1;
	s10 =	sld [smem:$0x3FAF]  }
0x3d: {  	_ =	shalt  }
0x3e: {  	_ =	shalt  }
0x3f: {  	_ =	shalt  }
0x40: {  	_ =	shalt  }
0x41: {  	_ =	shalt  }
0x42: {  	_ =	shalt  }
0x43: {  	_ =	shalt  }
0x44: {  	_ =	shalt  }
0x45: {  	_ =	shalt  }
0x46: {  	_ =	shalt  }
0x47: {  	_ =	shalt  }
0x48: {  	_ =	shalt  }
0x49: {  	_ =	shalt  }
0x4a: {  	_ =	shalt  }
0x4b: {  	_ =	shalt  }
0x4c: {  	_ =	shalt  }
0x4d: {  	_ =	shalt  }
0x4e: {  	_ =	shalt  }
0x4f: {  	_ =	shalt  }
0x50: {  	_ =	shalt  }
0x51: {  	_ =	shalt  }
0x52: {  	_ =	shalt  }
0x53: {  	_ =	shalt  }
0x54: {  	_ =	shalt  }
0x55: {  	_ =	shalt  }
0x56: {  	_ =	shalt  }
0x57: {  	_ =	shalt  }
0x58: {  	_ =	shalt  }
0x59: {  	_ =	shalt  }
0x5a: {  	_ =	shalt  }
0x5b: {  	_ =	shalt  }
0x5c: {  	_ =	shalt  }
0x5d: {  	_ =	shalt  }
0x5e: {  	_ =	shalt  }
0x5f: {  	_ =	shalt  }
0x60: {  	_ =	shalt  }
0x61: {  	_ =	shalt  }
0x62: {  	_ =	shalt  }
0x63: {  	_ =	shalt  }
0x64: {  	_ =	shalt  }
0x65: {  	_ =	shalt  }
0x66: {  	_ =	shalt  }
0x67: {  	_ =	shalt  }
0x68: {  	_ =	shalt  }
0x69: {  	_ =	shalt  }
0x6a: {  	_ =	shalt  }
0x6b: {  	_ =	shalt  }
0x6c: {  	_ =	shalt  }
0x6d: {  	_ =	shalt  }
0x6e: {  	_ =	shalt  }
0x6f: {  	_ =	shalt  }
0x70: {  	_ =	shalt  }
0x71: {  	_ =	shalt  }
0x72: {  	_ =	shalt  }
0x73: {  	_ =	shalt  }
0x74: {  	_ =	shalt  }
0x75: {  	_ =	shalt  }
0x76: {  	_ =	shalt  }
0x77: {  	_ =	shalt  }
0x78: {  	_ =	shalt  }
0x79: {  	_ =	shalt  }
0x7a: {  	_ =	shalt  }
0x7b: {  	_ =	shalt  }
0x7c: {  	_ =	shalt  }
0x7d: {  	_ =	shalt  }
0x7e: {  	_ =	shalt  }
0x7f: {  	_ =	shalt  }
0x80: {  	_ =	shalt  }
0x81: {  	_ =	shalt  }
0x82: {  	_ =	shalt  }
0x83: {  	_ =	shalt  }
0x84: {  	_ =	shalt  }
0x85: {  	_ =	shalt  }
0x86: {  	_ =	shalt  }
0x87: {  	_ =	shalt  }
.Lfunc_end0:
.L_simem_size_0:
called_computation.3_lowered:
.L_overlay_start_0:
0x88: {  	s2 =	sld [smem:$0x3FD9]  }
0x89: {  	s3 =	sld [smem:$0x3FFE];
	_ =	sdelay $0x1  }
0x8a: {  	s1 =	srdreg.scid  }
0x8b: {  	s0 =	sand.u32 $0x1, s1  }
0x8c: {  	s17 =	sshll.u32 s0, $0xA;
	s2 =	sadd.s32 s3, s2  }
0x8d: {  	s2 =	sadd.s32 s2, s17  }
0x8e: {  	[smem:$0x3FBB] =	sst s2  }
0x8f: {  	_ = 	snop  }
0x90: {  	(tm) =	ssettm $0x1  }
0x91: {  	s18 =	sld [smem:$0x3FFB];
	_ =	sdelay $0x3  }
0x92: {  	_ =	strace s18  }
0x93: {  	s2 =	sld [smem:$0x3FFC];
	_ =	sdelay $0x3  }
0x94: {  	_ =	strace s2  }
0x95: {  	s2 =	sld [smem:$0x3FFD];
	_ =	sdelay $0x3  }
0x96: {  	_ =	strace s2  }
0x97: {  	_ =	strace $0x8FFFFFFF  }
0x98: {  	s19 =	sld [smem:$0x3FDB];
	_ =	sdelay $0x1  }
0x99: {  	s20 =	simm.s32 $_scs_section_size  }
0x9a: {  	s4 =	simm.s32 $_size__tile_overlayer_lowered;
	s5 =	simm.s32 $_tile_overlayer_lowered  }
0x9b: {  	s6 =	simm.s32 $0x1BFF;
	s21 =	sshll.u32 s5, $0x1;
	s3 =	sadd.s32 s20, s19  }
0x9c: {  	s22 =	simm.s32 $0x0;
	s4 =	sshll.u32 s4, $0x1;
	s5 =	sadd.s32 s21, s3  }
0x9d: {  	[timem:s22], [sflag:s6] =	dma.local [hbm:s5], s4  }
0x9e: {  	_ =	swait.ge [sflag:s6], s4  }
0x9f: {  	s4 =	ssub.s32 $0x0, s4;
	[sflag:s6] =	ssyncset.done $0x0  }
0xa0: {  	[sflag:s6] =	ssyncadd.s32 s4;
	_ =	sdelay $0x1  }
0xa1: {  	s23 =	simm.s32 $0x1B8B  }
0xa2: {  	_ =	swait.ge [sflag:s23], $0x1  }
0xa3: {  	[sflag:s23] =	ssyncset.done $0x0  }
0xa4: {  	[sflag:s23] =	ssyncadd.s32 $0xFFFFFFFF  }
0xa5: {  	s4 =	sld [smem:$0x0]  }
0xa6: {  	s5 =	sand.u32 $0xFFFFFFFE, s1  }
0xa7: {  	p0 =	sne.s32 s1, s5  }
0xa8: {  	s5 =	sshll.u32 @p0 s5, $0xE  }
0xa9: {  	s5 =	sadd.s32 @p0 $0x11B8D, s5;
	s6 =	sshll.u32 @p0 s4, $0x11  }
0xaa: {  	s5 =	sor.u32 @p0 s6, s5  }
0xab: {  	[sflag:s5] =	ssyncadd.remote.s32 @p0 $0x1;
	_ =	sdelay $0x1  }
0xac: {  	s5 =	simm.s32 @p0 $0x1B8D  }
0xad: {  	_ =	swait.eq @p0 [sflag:s5], $0x1  }
0xae: {  	[sflag:s5] =	ssyncadd.s32 @p0 $0xFFFFFFFF  }
0xaf: {  	s6 =	sshll.u32 @!p0 s1, $0xE  }
0xb0: {  	s6 =	sor.u32 @!p0 $0x4000, s6;
	s5 =	simm.s32 @!p0 $0x1B8D  }
0xb1: {  	s4 =	sshll.u32 @!p0 s4, $0x11;
	s6 =	sadd.s32 @!p0 $0x11B8D, s6;
	_ =	swait.eq @!p0 [sflag:s5], $0x1  }
0xb2: {  	s4 =	sor.u32 @!p0 s4, s6;
	[sflag:s5] =	ssyncadd.s32 @!p0 $0xFFFFFFFF  }
0xb3: {  	s25 =	simm.s32 $0x1B8E;
	s24 =	sld [smem:$0x3FFE];
	[sflag:s4] =	ssyncadd.remote.s32 @!p0 $0x1  }
0xb4: {  	s26 =	simm.s32 $execute0_lowered;
	[smem:$0x3FD2] =	sst s25  }
0xb5: {  	s5 =	sshll.u32 s26, $0x1;
	_ =	strace $0x80000049;
	[dreg:$0x1] =	wrdreg $0xFFFFFFFF  }
0xb6: {  	s28 =	simm.s32 $_size_execute0_lowered;
	s3 =	sadd.s32 s3, s5;
	[dreg:$0x0] =	wrdreg $0x0  }
0xb7: {  	s5 =	sshll.u32 s28, $0x1;
	[dreg:$0x2] =	wrdreg s3  }
0xb8: {  	[dreg:$0x3] =	wrdreg s5  }
0xb9: {  	[dreg:$0x4] =	wrdreg $0xC0  }
0xba: {  	_ =	task [dreg:s22], $0x5FFFF  }
0xbb: {  	[dreg:$0x1] =	wrdreg $0xFFFFFFFF  }
0xbc: {  	[dreg:$0x0] =	wrdreg $0x60  }
0xbd: {  	[dreg:$0x2] =	wrdreg s24  }
0xbe: {  	[dreg:$0x3] =	wrdreg $0x157C00  }
0xbf: {  	[dreg:$0x4] =	wrdreg $0xA  }
0xc0: {  	_ =	task.clear_ibuf [dreg:s22], $0x5FFFF;
	_ =	strace $0x90000049  }
0xc1: {  	s29 =	simm.s32 $0xA;
	_ =	strace $0x8000004B  }
0xc2: {  	_ =	swait.ge [sflag:s29], $0x1  }
0xc3: {  	[sflag:s29] =	ssyncadd.s32 $0xFFFFFFFF  }
0xc4: {  	_ =	strace $0x9000004B  }
0xc5: {  	_ =	sfence  }
0xc6: {  	s30 =	sld [smem:$0x0];
	_ =	sdelay $0x2  }
0xc7: {  	s31 =	sshll.u32 s1, $0xD;
	s1 =	sshrl.u32 s1, $0x2  }
0xc8: {  	s4 =	sand.u32 $0x4000, s31;
	s1 =	sadd.s32 s1, s30  }
0xc9: {  	s0 =	sor.u32 s4, s0;
	s1 =	sshll.u32 s1, $0x11  }
0xca: {  	s0 =	sor.u32 s1, s0  }
0xcb: {  	s0 =	sadd.s32 $0x8F2B, s0  }
0xcc: {  	[sflag:s0] =	ssyncadd.remote.s32 $0x1  }
0xcd: {  	_ =	sfence.sel $0xFFFF  }
0xce: {  	[dreg:$0x0] =	wrdreg $0xFFFFFFFF;
	(pc) =	sbr.abs _section_cstart, $3  }
0xcf: {  	[dreg:$0x1] =	wrdreg $0xFFFFFFFF  }
0xd0: {  	_ =	task.clear_ibuf [dreg:s22], $0x2FFFF;
	_ =	strace $0x9FFFFFFF  }
0xd1: {  	(tm) =	ssettm $0x7FFFFFFF  }
tec
execute0_lowered:
.L_overlay_start_1:
0x0: {  	(tag) =	ssettag $0x1  }
0x1: {  	s7 =	rddreg [dreg:$0x0]  }
0x2: {  	s1 =	rddreg [dreg:$0x1]  }
0x3: {  	s0 =	rddreg [dreg:$0x2]  }
0x4: {  	s3 =	simm.s32 $0x0;
	s2 =	srdreg.scid;
	s12 =	simm.s32 $0x190  }
0x5: {  	s13 =	simm.s32 $0xC350;
	s14 =	simm.s32 $0x3;
	s15 =	simm.s32 $0x2BC0  }
0x6: {  	s16 =	simm.s32 $0x8FC0;
	s17 =	simm.s32 $0xF3C0;
	s18 =	simm.s32 $0x1  }
0x7: {  	s19 =	simm.s32 $0x2A30;
	s20 =	simm.s32 $0x4;
	s21 =	simm.s32 $0x2  }
0x8: {  	s22 =	simm.s32 $0x0;
	[smem:$0x7FF] =	sst s3;
	s4 =	sand.u32 $0x1, s2  }
.Ltmp0:
0x9: {  	s2 =	stileid.u32;
	s5 =	sadd.s32 $0x3CD600, s7;
	(pc) =	sbr.rel .LBB2_1-.Ltmp0, $4  }
0xa: {  	s6 =	sadd.s32 $0x3C00, s7;
	s8 =	ssub.s32 $0x2, s4;
	s9 =	smul.u32 $0x19000, s2  }
0xb: {  	s7 =	sadd.s32 $0x193DA00, s7;
	_ =	strace $0x8000004A;
	s10 =	sshrl.u32 s8, $0x1  }
0xc: {  	s11 =	ssub.s32 s8, s10;
	s31 =	sshrl.u32 s9, $0x2;
	s8 =	sshll.u32 s2, $0x1  }
0xd: {  	v0 =	vlaneseq.u32;
	v1 =	vimm.f32 $0.0e+00;
	s9 =	smul.u32 $0x190, s2;
	s10 =	sadd.s32 s31, s1;
	s11 =	smax.u32 s11, $0x1  }
.LBB2_11:
0xe: {  	s22 =	sadd.s32 $0x1, s22  }
0xf: {  	p0 =	sne.s32 s22, s11  }
.Ltmp1:
0x10: {  	_ = 	snop;
	(pc) =	sbr.rel @!p0 .LBB2_12-.Ltmp1, $1  }
0x11: {  	_ =	sdelay $0x3  }
.LBB2_1:
0x12: {  	_ = 	snop  }
0x13: {  	s24 =	simm.s32 $0x40;
	s26 =	simm.s32 $0x0;
	v2 =	vor.u32 s9, v0;
	s25 =	smov.u32 s9  }
.LBB2_2:
0x14: {  	p0 =	sne.s32 s24, $0x600  }
0x15: {  	[tilespmem:s26+$0x2A30] =	vst v2;
	s25 =	sadd.s32 $0x10, s25;
	s23 =	smov.u32 s24;
	s24 =	sadd.s32 $0x40, s24  }
.Ltmp2:
0x16: {  	(pc) =	sbr.rel @p0 .LBB2_2-.Ltmp2, $2  }
0x17: {  	_ =	sdelay $0x2  }
0x18: {  	v2 =	vor.u32 s25, v0;
	s26 =	sshra.s32 s23, $0x2;
	s23 =	simm.s32 $0x0  }
0x19: {  	[tilespmem:s26+$0x2A30] =	vst v2;
	s25 =	simm.s32 $0x100;
	s24 =	simm.s32 $0x0  }
.LBB2_4:
0x1a: {  	p0 =	sne.s32 s25, $0x18F00;
	[tilespmem:s24+$0x2BF0] =	vst v1;
	s26 =	smov.u32 s25;
	s25 =	sadd.s32 $0x100, s25  }
.Ltmp3:
0x1b: {  	[tilespmem:s24+$0x2BE0] =	vst v1;
	(pc) =	sbr.rel @p0 .LBB2_4-.Ltmp3, $3  }
0x1c: {  	[tilespmem:s24+$0x2BC0] =	vst v1  }
0x1d: {  	[tilespmem:s24+$0x2BD0] =	vst v1;
	_ =	sdelay $0x1  }
0x1e: {  	s24 =	sshra.s32 s26, $0x2  }
.Ltmp4:
0x1f: {  	(pc) =	sbr.rel .LBB2_6-.Ltmp4, $4  }
0x20: {  	[tilespmem:s24+$0x2BF0] =	vst v1  }
0x21: {  	[tilespmem:s24+$0x2BE0] =	vst v1  }
0x22: {  	[tilespmem:s24+$0x2BC0] =	vst v1  }
0x23: {  	[tilespmem:s24+$0x2BD0] =	vst v1  }
.LBB2_10:
0x24: {  	s23 =	sadd.s32 $0x1, s23  }
0x25: {  	p0 =	sne.s32 s23, $0x4  }
.Ltmp5:
0x26: {  	_ = 	snop;
	(pc) =	sbr.rel @!p0 .LBB2_11-.Ltmp5, $1  }
0x27: {  	_ =	sdelay $0x3  }
.LBB2_6:
0x28: {  	s24 =	sshll.u32 s23, $0x5  }
0x29: {  	s24 =	sor.u32 s24, s8  }
0x2a: {  	s24 =	sor.u32 s4, s24  }
0x2b: {  	p0 =	sgt.u32 s24, $0x7C  }
.Ltmp6:
0x2c: {  	_ = 	snop;
	(pc) =	sbr.rel @p0 .LBB2_10-.Ltmp6, $1  }
0x2d: {  	_ =	sdelay $0x3  }
0x2e: {  	s25 =	smul.u32 $0x32, s24;
	_ =	sdelay $0x1  }
0x2f: {  	s25 =	sadd.s32 s6, s25  }
0x30: {  	[tilespmem:s3], [sflag:$0x3] =	stream.strided.gather [hbm4b:s25+s12], $0x2A30, s13, s12, $0x38;
	[tilespmem:$0x1BBC0] =	vst v63  }
0x31: {  	_ =	swait.ge [sflag:s14], $0x2A30  }
0x32: {  	[sflag:s14] =	ssyncset.done $0x0  }
0x33: {  	[sflag:s14] =	ssyncadd.s32 $0xFFFFD5D0  }
0x34: {  	[spmem:s10] =	stream.linear.scatter [tilespmem:s15], [sflag:$0x3], $0x6400, $0x38;
	[tilespmem:$0x1BBC0] =	vst v63  }
0x35: {  	_ =	swait.ge [sflag:s14], $0x6400  }
0x36: {  	[sflag:s14] =	ssyncset.done $0x0  }
0x37: {  	[sflag:s14] =	ssyncadd.s32 $0xFFFF9C00  }
0x38: {  	[tilespmem:s16], [sflag:$0x1] =	stream.indirect.gather [hbm4b:s5+s12], $0x40, s3, s12, $0xb8;
	[tilespmem:$0x1BBC0] =	vst v63  }
0x39: {  	s30 =	simm.s32 $0x190  }
0x3a: {  	[tilespmem:s17], [sflag:$0x2] =	stream.indirect.gather [hbm4b:s5+s12], $0x40, s30, s12, $0xb8;
	[tilespmem:$0x1BBC0] =	vst v63  }
0x3b: {  	_ =	swait.ge [sflag:s18], $0x6400  }
0x3c: {  	[sflag:s18] =	ssyncset.done $0x0  }
0x3d: {  	[sflag:s18] =	ssyncadd.s32 $0xFFFF9C00  }
0x3e: {  	[spmem:s1] =	stream.indirect.scatter.add.f32 [tilespmem:s16], [sflag:$0x4], $0x40, s19, s12, $0xb8;
	[tilespmem:$0x1BBC0] =	vst v63  }
0x3f: {  	_ =	swait.ge [sflag:s20], $0x6400  }
0x40: {  	[sflag:s20] =	ssyncset.done $0x0  }
0x41: {  	s31 =	simm.s32 $0x320;
	[sflag:s20] =	ssyncadd.s32 $0xFFFF9C00  }
0x42: {  	[tilespmem:s16], [sflag:$0x1] =	stream.indirect.gather [hbm4b:s5+s12], $0x40, s31, s12, $0xb8;
	[tilespmem:$0x1BBC0] =	vst v63  }
0x43: {  	_ =	swait.ge [sflag:s21], $0x6400  }
0x44: {  	[sflag:s21] =	ssyncset.done $0x0  }
0x45: {  	[sflag:s21] =	ssyncadd.s32 $0xFFFF9C00  }
0x46: {  	[spmem:s1] =	stream.indirect.scatter.add.f32 [tilespmem:s17], [sflag:$0x4], $0x40, s19, s12, $0xb8;
	[tilespmem:$0x1BBC0] =	vst v63  }
0x47: {  	_ =	swait.ge [sflag:s20], $0x6400  }
0x48: {  	s26 =	simm.s32 $0xFFFF7680;
	s25 =	simm.s32 $0xFFFFDA80;
	[sflag:s20] =	ssyncset.done $0x0  }
.LBB2_8:
0x49: {  	s28 =	sadd.s32 $0x2A30, s25  }
0x4a: {  	[sflag:s20] =	ssyncadd.s32 $0xFFFF9C00;
	s29 =	smov.u32 s26;
	s30 =	sadd.s32 $0xC80, s26  }
0x4b: {  	[tilespmem:s17], [sflag:$0x2] =	stream.indirect.gather [hbm4b:s5+s12], $0x40, s28, s12, $0xb8;
	[tilespmem:$0x1BBC0] =	vst v63  }
0x4c: {  	p0 =	sne.s32 s26, $0xFFFFF380;
	_ =	swait.ge [sflag:s18], $0x6400  }
0x4d: {  	[sflag:s18] =	ssyncset.done $0x0  }
0x4e: {  	[sflag:s18] =	ssyncadd.s32 $0xFFFF9C00  }
0x4f: {  	[spmem:s1] =	stream.indirect.scatter.add.f32 [tilespmem:s16], [sflag:$0x4], $0x40, s19, s12, $0xb8;
	[tilespmem:$0x1BBC0] =	vst v63  }
0x50: {  	_ =	swait.ge [sflag:s20], $0x6400  }
0x51: {  	[sflag:s20] =	ssyncset.done $0x0  }
0x52: {  	s25 =	sadd.s32 $0x2BC0, s25;
	[sflag:s20] =	ssyncadd.s32 $0xFFFF9C00  }
0x53: {  	[tilespmem:s16], [sflag:$0x1] =	stream.indirect.gather [hbm4b:s5+s12], $0x40, s25, s12, $0xb8;
	[tilespmem:$0x1BBC0] =	vst v63  }
0x54: {  	_ =	swait.ge [sflag:s21], $0x6400  }
.Ltmp7:
0x55: {  	[sflag:s21] =	ssyncset.done $0x0;
	(pc) =	sbr.rel @p0 .LBB2_8-.Ltmp7, $4  }
0x56: {  	[sflag:s21] =	ssyncadd.s32 $0xFFFF9C00  }
0x57: {  	[spmem:s1] =	stream.indirect.scatter.add.f32 [tilespmem:s17], [sflag:$0x4], $0x40, s19, s12, $0xb8;
	[tilespmem:$0x1BBC0] =	vst v63  }
0x58: {  	_ =	swait.ge [sflag:s20], $0x6400  }
0x59: {  	s26 =	smov.u32 s30;
	s25 =	sshra.s32 s29, $0x2;
	[sflag:s20] =	ssyncset.done $0x0  }
0x5a: {  	s26 =	sadd.s32 $0x2A30, s25;
	[sflag:s20] =	ssyncadd.s32 $0xFFFF9C00  }
0x5b: {  	[tilespmem:s17], [sflag:$0x2] =	stream.indirect.gather [hbm4b:s5+s12], $0x40, s26, s12, $0xb8;
	[tilespmem:$0x1BBC0] =	vst v63  }
0x5c: {  	_ =	swait.ge [sflag:s18], $0x6400  }
0x5d: {  	[sflag:s18] =	ssyncset.done $0x0  }
0x5e: {  	[sflag:s18] =	ssyncadd.s32 $0xFFFF9C00  }
0x5f: {  	[spmem:s1] =	stream.indirect.scatter.add.f32 [tilespmem:s16], [sflag:$0x4], $0x40, s19, s12, $0xb8;
	[tilespmem:$0x1BBC0] =	vst v63  }
0x60: {  	_ =	swait.ge [sflag:s20], $0x6400  }
0x61: {  	[sflag:s20] =	ssyncset.done $0x0  }
0x62: {  	s29 =	sadd.s32 $0x2BC0, s25;
	[sflag:s20] =	ssyncadd.s32 $0xFFFF9C00  }
0x63: {  	[tilespmem:s16], [sflag:$0x1] =	stream.indirect.gather [hbm4b:s5+s12], $0x40, s29, s12, $0xb8;
	[tilespmem:$0x1BBC0] =	vst v63  }
0x64: {  	_ =	swait.ge [sflag:s21], $0x6400  }
0x65: {  	[sflag:s21] =	ssyncset.done $0x0  }
0x66: {  	[sflag:s21] =	ssyncadd.s32 $0xFFFF9C00  }
0x67: {  	[spmem:s1] =	stream.indirect.scatter.add.f32 [tilespmem:s17], [sflag:$0x4], $0x40, s19, s12, $0xb8;
	[tilespmem:$0x1BBC0] =	vst v63  }
0x68: {  	_ =	swait.ge [sflag:s20], $0x6400  }
0x69: {  	[sflag:s20] =	ssyncset.done $0x0  }
0x6a: {  	[sflag:s20] =	ssyncadd.s32 $0xFFFF9C00  }
0x6b: {  	_ =	swait.ge [sflag:s18], $0x6400  }
0x6c: {  	[sflag:s18] =	ssyncset.done $0x0  }
0x6d: {  	[sflag:s18] =	ssyncadd.s32 $0xFFFF9C00  }
0x6e: {  	[spmem:s1] =	stream.indirect.scatter.add.f32 [tilespmem:s16], [sflag:$0x4], $0x40, s19, s12, $0xb8;
	[tilespmem:$0x1BBC0] =	vst v63  }
0x6f: {  	s24 =	smul.u32 $0xC80, s24;
	s30 =	sshll.u32 s2, $0x6;
	_ =	swait.ge [sflag:s20], $0x6400  }
0x70: {  	s31 =	sshrl.u32 s10, $0x3;
	s25 =	sor.u32 $0x1C03, s30;
	[sflag:s20] =	ssyncset.done $0x0  }
.Ltmp8:
0x71: {  	s24 =	sadd.s32 s7, s24;
	[sflag:s20] =	ssyncadd.s32 $0xFFFF9C00;
	(pc) =	sbr.rel .LBB2_10-.Ltmp8, $4  }
0x72: {  	[hbm:s24], [sflag:s25] =	dma.local [spmem:s31], $0xC80  }
0x73: {  	_ =	swait.ge [sflag:s14], $0xC80  }
0x74: {  	[sflag:s14] =	ssyncset.done $0x0  }
0x75: {  	[sflag:s14] =	ssyncadd.s32 $0xFFFFF380  }
.LBB2_12:
0x76: {  	_ =	sfence.sel $0x180000  }
0x77: {  	[bflag:$0x0] =	sbarrier.arrive $0xFFFF  }
0x78: {  	p0 =	sne.s32 s2, $0x0;
	_ =	strace $0x9000004A  }
0x79: {  	s0 =	sadd.s32 @!p0 $0x100000, s0;
	[bflag:$0x2] =	sbarrier.arrive $0xFFFF  }
0x7a: {  	[sflag:s0] =	ssyncadd.tile.s32 @!p0 $0x1;
	_ =	shalt  }
.Lfunc_end2:
_tile_overlayer_lowered:
.L_overlay_start_2:
0x7b: {  	(tag) =	ssettag $0x2  }
0x7c: {  	s0 =	rddreg [dreg:$0x0];
	s2 =	stileid.u32  }
0x7d: {  	s1 =	rddreg [dreg:$0x1];
	p0 =	sne.s32 s2, $0x0  }
0x7e: {  	s3 =	rddreg [dreg:$0x2];
	[bflag:$0x3] =	sbarrier.arrive $0xFFFF;
	s2 =	simm.s32 @!p0 $0x1C04  }
0x7f: {  	[timem:s3], [sflag:s2] =	dma.local @!p0 [hbm:s0], s1  }
0x80: {  	s0 =	simm.s32 @!p0 $0x4  }
0x81: {  	_ =	swait.ge @!p0 [sflag:s0], s1  }
0x82: {  	s1 =	ssub.s32 @!p0 $0x0, s1;
	[sflag:s0] =	ssyncset.done @!p0 $0x0  }
0x83: {  	[sflag:s0] =	ssyncadd.s32 @!p0 s1  }
0x84: {  	[bflag:$0x3] =	sbarrier.arrive $0xFFFF  }
0x85: {  	_ =	shalt  }

// kernel: kernel.36.cloned.1.call-start
scs
__scs_entry_jumppad:
0x0: {  	(pc) =	sbr.rel $0x88, $3  }
0x1: {  	(tag) =	ssettag $0x0;
	lr =	simm.s32 $0x1  }
0x2: {  	[smem:$0x3F94] =	sst lr;
	_ =	strace $0xD0000000  }
0x3: {  	_ = 	snop  }
0x4: {  	_ = 	snop  }
0x5: {  	_ = 	snop  }
0x6: {  	_ = 	snop  }
0x7: {  	_ = 	snop  }
__scs_overlays_trampoline_lowered:
0x8: {  	[smem:$0x3FA3] =	sst s0  }
0x9: {  	[smem:$0x3FA4] =	sst s1  }
0xa: {  	[smem:$0x3FA5] =	sst s2  }
0xb: {  	[smem:$0x3FA6] =	sst s3  }
0xc: {  	[smem:$0x3FA7] =	sst s4  }
0xd: {  	[smem:$0x3FA8] =	sst s5  }
0xe: {  	[smem:$0x3FA9] =	sst s6  }
0xf: {  	[smem:$0x3FAA] =	sst s7  }
0x10: {  	[smem:$0x3FAB] =	sst s8  }
0x11: {  	[smem:$0x3FAC] =	sst s9;
	s0 =	simm.s32 @!p0 $0x0  }
0x12: {  	s1 =	sld [smem:$0x3F92];
	s0 =	simm.s32 @p0 $0x1  }
0x13: {  	[smem:$0x3FAD] =	sst s0;
	s0 =	simm.s32 @!p1 $0x0  }
0x14: {  	s2 =	sld [smem:$0x3F91];
	s0 =	simm.s32 @p1 $0x1  }
0x15: {  	[smem:$0x3FAE] =	sst s0;
	s0 =	simm.s32 @!p2 $0x0  }
0x16: {  	s3 =	sld [smem:$0x3FDB];
	s0 =	simm.s32 @p2 $0x1  }
0x17: {  	s4 =	simm.s32 $0x1BF5;
	[smem:$0x3FB0] =	sst s0  }
0x18: {  	s0 =	sld [smem:$0x3F93];
	_ =	swait.ge [sflag:s4], $0x0  }
0x19: {  	s7 =	sld [smem:$0x3F94]  }
0x1a: {  	s8 =	sadd.s32 $0xFFFFE003, lr  }
0x1b: {  	s9 =	sadd.s32 $0xFFFFFEF7, lr;
	s5 =	simm.s32 $0xFFFFFFFF;
	p2 =	slt.u32 s8, $0xFFFFF086  }
0x1c: {  	p1 =	slt.u32 s9, $0xF7A;
	s5 =	simm.s32 @!p2 $0x0  }
0x1d: {  	s5 =	simm.s32 @p1 $0x1;
	p0 =	seq.s32 s7, s2  }
0x1e: {  	s7 =	smul.u32 @!p0 $0xF7A, s2;
	p2 =	seq.s32 @!p0 s5, $0x0  }
0x1f: {  	s9 =	smul.u32 $0xF7A, s1;
	s8 =	simm.s32 @!p0 $0x1BF5;
	p2 =	por !p2, p0  }
0x20: {  	[sflag:s8] =	ssyncset.s32 @!p0 $0xFFFFF086;
	s6 =	sadd.s32 @!p0 s3, s7;
	s7 =	simm.s32 @!p0 $0x108  }
0x21: {  	s3 =	sadd.s32 s3, s9;
	s6 =	sadd.s32 @!p0 $0x88, s6;
	s7 =	simm.s32 @p2 $0x1082  }
0x22: {  	[simem:s7], [sflag:s8] =	dma.local @!p0 [hbm:s6], $0xF7A  }
0x23: {  	s9 =	sor.u32 $0xD0000000, s2;
	s6 =	simm.s32 $0x108;
	_ =	swait.ge @!p0 [sflag:s8], $0x0  }
0x24: {  	s3 =	sadd.s32 $0x88, s3;
	s6 =	simm.s32 @!p1 $0x1082;
	[sflag:s4] =	ssyncset.s32 $0xFFFFF086  }
0x25: {  	[simem:s6], [sflag:s4] =	dma.local [hbm:s3], $0xF7A  }
0x26: {  	[smem:$0x3F94] =	sst s1;
	(tag) =	ssettag s2;
	_ =	strace s9  }
0x27: {  	s1 =	sld [smem:$0x3FA4]  }
0x28: {  	s2 =	sld [smem:$0x3FA5]  }
0x29: {  	s4 =	sld [smem:$0x3FA7]  }
0x2a: {  	p0 =	seq.s32 s5, $0x0;
	s5 =	sld [smem:$0x3FA8]  }
0x2b: {  	s6 =	sld [smem:$0x3FA9]  }
0x2c: {  	s7 =	sld [smem:$0x3FAA]  }
0x2d: {  	s3 =	simm.s32 $0x108;
	s8 =	sld [smem:$0x3FAB]  }
0x2e: {  	s3 =	simm.s32 @!p0 $0x1082;
	s9 =	sld [smem:$0x3FAC]  }
0x2f: {  	lr =	sadd.s32 s0, s3;
	s0 =	sld [smem:$0x3FA3]  }
0x30: {  	s3 =	sld [smem:$0x3FA6]  }
0x31: {  	[smem:$0x3FAF] =	sst s10  }
0x32: {  	s10 =	sld [smem:$0x3FAD];
	_ =	sdelay $0x3  }
0x33: {  	p0 =	seq.s32 s10, $0x1;
	s10 =	sld [smem:$0x3FAF];
	_ =	sdelay $0x3  }
0x34: {  	[smem:$0x3FAF] =	sst s10  }
0x35: {  	s10 =	sld [smem:$0x3FAE];
	_ =	sdelay $0x3  }
0x36: {  	p1 =	seq.s32 s10, $0x1;
	s10 =	sld [smem:$0x3FAF];
	_ =	sdelay $0x3  }
0x37: {  	[smem:$0x3FAF] =	sst s10  }
0x38: {  	s10 =	sld [smem:$0x3FB0]  }
0x39: {  	_ = 	snop;
	(pc) =	sbr.ind lr, $3  }
0x3a: {  	_ = 	snop  }
0x3b: {  	_ = 	snop  }
0x3c: {  	p2 =	seq.s32 s10, $0x1;
	s10 =	sld [smem:$0x3FAF]  }
0x3d: {  	_ =	shalt  }
0x3e: {  	_ =	shalt  }
0x3f: {  	_ =	shalt  }
0x40: {  	_ =	shalt  }
0x41: {  	_ =	shalt  }
0x42: {  	_ =	shalt  }
0x43: {  	_ =	shalt  }
0x44: {  	_ =	shalt  }
0x45: {  	_ =	shalt  }
0x46: {  	_ =	shalt  }
0x47: {  	_ =	shalt  }
0x48: {  	_ =	shalt  }
0x49: {  	_ =	shalt  }
0x4a: {  	_ =	shalt  }
0x4b: {  	_ =	shalt  }
0x4c: {  	_ =	shalt  }
0x4d: {  	_ =	shalt  }
0x4e: {  	_ =	shalt  }
0x4f: {  	_ =	shalt  }
0x50: {  	_ =	shalt  }
0x51: {  	_ =	shalt  }
0x52: {  	_ =	shalt  }
0x53: {  	_ =	shalt  }
0x54: {  	_ =	shalt  }
0x55: {  	_ =	shalt  }
0x56: {  	_ =	shalt  }
0x57: {  	_ =	shalt  }
0x58: {  	_ =	shalt  }
0x59: {  	_ =	shalt  }
0x5a: {  	_ =	shalt  }
0x5b: {  	_ =	shalt  }
0x5c: {  	_ =	shalt  }
0x5d: {  	_ =	shalt  }
0x5e: {  	_ =	shalt  }
0x5f: {  	_ =	shalt  }
0x60: {  	_ =	shalt  }
0x61: {  	_ =	shalt  }
0x62: {  	_ =	shalt  }
0x63: {  	_ =	shalt  }
0x64: {  	_ =	shalt  }
0x65: {  	_ =	shalt  }
0x66: {  	_ =	shalt  }
0x67: {  	_ =	shalt  }
0x68: {  	_ =	shalt  }
0x69: {  	_ =	shalt  }
0x6a: {  	_ =	shalt  }
0x6b: {  	_ =	shalt  }
0x6c: {  	_ =	shalt  }
0x6d: {  	_ =	shalt  }
0x6e: {  	_ =	shalt  }
0x6f: {  	_ =	shalt  }
0x70: {  	_ =	shalt  }
0x71: {  	_ =	shalt  }
0x72: {  	_ =	shalt  }
0x73: {  	_ =	shalt  }
0x74: {  	_ =	shalt  }
0x75: {  	_ =	shalt  }
0x76: {  	_ =	shalt  }
0x77: {  	_ =	shalt  }
0x78: {  	_ =	shalt  }
0x79: {  	_ =	shalt  }
0x7a: {  	_ =	shalt  }
0x7b: {  	_ =	shalt  }
0x7c: {  	_ =	shalt  }
0x7d: {  	_ =	shalt  }
0x7e: {  	_ =	shalt  }
0x7f: {  	_ =	shalt  }
0x80: {  	_ =	shalt  }
0x81: {  	_ =	shalt  }
0x82: {  	_ =	shalt  }
0x83: {  	_ =	shalt  }
0x84: {  	_ =	shalt  }
0x85: {  	_ =	shalt  }
0x86: {  	_ =	shalt  }
0x87: {  	_ =	shalt  }
.Lfunc_end0:
.L_simem_size_0:
called_computation.4_lowered:
.L_overlay_start_0:
0x88: {  	s2 =	sld [smem:$0x3FD9]  }
0x89: {  	s3 =	sld [smem:$0x3FFE];
	_ =	sdelay $0x1  }
0x8a: {  	s1 =	srdreg.scid  }
0x8b: {  	s0 =	sand.u32 $0x1, s1  }
0x8c: {  	s16 =	sshll.u32 s0, $0xA;
	s2 =	sadd.s32 s3, s2  }
0x8d: {  	s2 =	sadd.s32 s2, s16  }
0x8e: {  	[smem:$0x3FBB] =	sst s2  }
0x8f: {  	_ = 	snop  }
0x90: {  	(tm) =	ssettm $0x1  }
0x91: {  	s17 =	sld [smem:$0x3FFB];
	_ =	sdelay $0x3  }
0x92: {  	_ =	strace s17  }
0x93: {  	s2 =	sld [smem:$0x3FFC];
	_ =	sdelay $0x3  }
0x94: {  	_ =	strace s2  }
0x95: {  	s2 =	sld [smem:$0x3FFD];
	_ =	sdelay $0x3  }
0x96: {  	_ =	strace s2  }
0x97: {  	_ =	strace $0x8FFFFFFF  }
0x98: {  	s18 =	sld [smem:$0x3FDB];
	_ =	sdelay $0x1  }
0x99: {  	s19 =	simm.s32 $_scs_section_size  }
0x9a: {  	s4 =	simm.s32 $_size__tile_overlayer_lowered;
	s5 =	simm.s32 $_tile_overlayer_lowered  }
0x9b: {  	s22 =	simm.s32 $0x1BFF;
	s21 =	sshll.u32 s5, $0x1;
	s2 =	sadd.s32 s19, s18  }
0x9c: {  	s6 =	simm.s32 $0x0;
	s20 =	sshll.u32 s4, $0x1;
	s4 =	sadd.s32 s21, s2  }
0x9d: {  	[timem:s6], [sflag:s22] =	dma.local [hbm:s4], s20  }
0x9e: {  	_ =	swait.ge [sflag:s22], s20  }
0x9f: {  	s3 =	ssub.s32 $0x0, s20;
	[sflag:s22] =	ssyncset.done $0x0  }
0xa0: {  	[sflag:s22] =	ssyncadd.s32 s3;
	_ =	sdelay $0x1  }
0xa1: {  	s23 =	simm.s32 $0x1B8B  }
0xa2: {  	_ =	swait.ge [sflag:s23], $0x1  }
0xa3: {  	[sflag:s23] =	ssyncset.done $0x0  }
0xa4: {  	s25 =	simm.s32 $0x1B8E;
	s24 =	sld [smem:$0x3FFE];
	[sflag:s23] =	ssyncadd.s32 $0xFFFFFFFF  }
0xa5: {  	s26 =	simm.s32 $execute0_lowered;
	[smem:$0x3FD2] =	sst s25  }
0xa6: {  	s4 =	sshll.u32 s26, $0x1;
	_ =	strace $0x80000052;
	[dreg:$0x1] =	wrdreg $0xFFFFFFFF  }
0xa7: {  	s28 =	simm.s32 $_size_execute0_lowered;
	s2 =	sadd.s32 s2, s4;
	[dreg:$0x0] =	wrdreg $0x0  }
0xa8: {  	s4 =	sshll.u32 s28, $0x1;
	[dreg:$0x2] =	wrdreg s2  }
0xa9: {  	[dreg:$0x3] =	wrdreg s4  }
0xaa: {  	[dreg:$0x4] =	wrdreg $0xC0  }
0xab: {  	_ =	task [dreg:s6], $0x5FFFF  }
0xac: {  	[dreg:$0x1] =	wrdreg $0xFFFFFFFF  }
0xad: {  	[dreg:$0x0] =	wrdreg $0x60  }
0xae: {  	[dreg:$0x2] =	wrdreg s24  }
0xaf: {  	[dreg:$0x3] =	wrdreg $0x157C00  }
0xb0: {  	[dreg:$0x4] =	wrdreg $0xA  }
0xb1: {  	_ =	task.clear_ibuf [dreg:s6], $0x5FFFF;
	_ =	strace $0x90000052  }
0xb2: {  	s29 =	simm.s32 $0xA;
	_ =	strace $0x80000054  }
0xb3: {  	_ =	swait.ge [sflag:s29], $0x1  }
0xb4: {  	[sflag:s29] =	ssyncadd.s32 $0xFFFFFFFF  }
0xb5: {  	_ =	strace $0x90000054  }
0xb6: {  	_ =	sfence  }
0xb7: {  	s30 =	sld [smem:$0x0];
	_ =	sdelay $0x2  }
0xb8: {  	s31 =	sshll.u32 s1, $0xD;
	s1 =	sshrl.u32 s1, $0x2  }
0xb9: {  	s3 =	sand.u32 $0x4000, s31;
	s1 =	sadd.s32 s1, s30  }
0xba: {  	s0 =	sor.u32 s3, s0;
	s1 =	sshll.u32 s1, $0x11  }
0xbb: {  	s0 =	sor.u32 s1, s0  }
0xbc: {  	s0 =	sadd.s32 $0x8F2B, s0  }
0xbd: {  	[sflag:s0] =	ssyncadd.remote.s32 $0x1  }
0xbe: {  	_ =	sfence.sel $0xFFFF  }
0xbf: {  	[dreg:$0x0] =	wrdreg $0xFFFFFFFF;
	(pc) =	sbr.abs _section_cstart, $3  }
0xc0: {  	[dreg:$0x1] =	wrdreg $0xFFFFFFFF  }
0xc1: {  	_ =	task.clear_ibuf [dreg:s6], $0x2FFFF;
	_ =	strace $0x9FFFFFFF  }
0xc2: {  	(tm) =	ssettm $0x7FFFFFFF  }
0xc3: {  	_ =	shalt  }
tec
execute0_lowered:
.L_overlay_start_1:
0x0: {  	(tag) =	ssettag $0x1  }
0x1: {  	s8 =	rddreg [dreg:$0x0]  }
0x2: {  	s1 =	rddreg [dreg:$0x1];
	s2 =	simm.s32 $0x0;
	s3 =	srdreg.scid  }
0x3: {  	s13 =	simm.s32 $0x190;
	s14 =	simm.s32 $0xC350;
	s15 =	simm.s32 $0x3  }
0x4: {  	s17 =	simm.s32 $0x8FC0;
	s18 =	simm.s32 $0xF3C0;
	s19 =	simm.s32 $0x1  }
0x5: {  	s20 =	simm.s32 $0x2A30;
	s21 =	simm.s32 $0x4;
	s22 =	simm.s32 $0x2  }
0x6: {  	s23 =	simm.s32 $0x0;
	[smem:$0x7FF] =	sst s2;
	s4 =	sadd.s32 $0x1B29C00, s8  }
0x7: {  	s5 =	sand.u32 $0x1, s3;
	s3 =	stileid.u32;
	s6 =	sadd.s32 $0x3C00, s8  }
.Ltmp0:
0x8: {  	s7 =	sadd.s32 $0x2FD3200, s8;
	s8 =	sadd.s32 $0xBFA00, s8;
	(pc) =	sbr.rel .LBB2_1-.Ltmp0, $4  }
0x9: {  	s9 =	ssub.s32 $0x2, s5;
	s10 =	smul.u32 $0x19000, s3;
	s16 =	sshll.u32 s3, $0x6  }
0xa: {  	_ =	strace $0x80000053;
	s11 =	sshrl.u32 s9, $0x1;
	s16 =	sor.u32 $0x1C03, s16  }
0xb: {  	s12 =	ssub.s32 s9, s11;
	s9 =	sshll.u32 s3, $0x1;
	s31 =	sshrl.u32 s10, $0x2  }
0xc: {  	v0 =	vlaneseq.u32;
	v1 =	vimm.f32 $0.0e+00;
	s10 =	smul.u32 $0x190, s3;
	s11 =	sadd.s32 s31, s1;
	s12 =	smax.u32 s12, $0x1  }
.LBB2_11:
0xd: {  	s23 =	sadd.s32 $0x1, s23  }
0xe: {  	p0 =	sne.s32 s23, s12  }
.Ltmp1:
0xf: {  	_ = 	snop;
	(pc) =	sbr.rel @!p0 .LBB2_12-.Ltmp1, $1  }
0x10: {  	_ =	sdelay $0x3  }
.LBB2_1:
0x11: {  	_ = 	snop  }
0x12: {  	s25 =	simm.s32 $0x40;
	s28 =	simm.s32 $0x0;
	v2 =	vor.u32 s10, v0;
	s26 =	smov.u32 s10  }
.LBB2_2:
0x13: {  	p0 =	sne.s32 s25, $0x600  }
0x14: {  	[tilespmem:s28+$0x2A30] =	vst v2;
	s26 =	sadd.s32 $0x10, s26;
	s24 =	smov.u32 s25;
	s25 =	sadd.s32 $0x40, s25  }
.Ltmp2:
0x15: {  	(pc) =	sbr.rel @p0 .LBB2_2-.Ltmp2, $2  }
0x16: {  	_ =	sdelay $0x2  }
0x17: {  	v2 =	vor.u32 s26, v0;
	s28 =	sshra.s32 s24, $0x2;
	s24 =	simm.s32 $0x0  }
0x18: {  	[tilespmem:s28+$0x2A30] =	vst v2;
	s26 =	simm.s32 $0x100;
	s25 =	simm.s32 $0x0  }
.LBB2_4:
0x19: {  	p0 =	sne.s32 s26, $0x18F00;
	[tilespmem:s25+$0x2BF0] =	vst v1;
	s28 =	smov.u32 s26;
	s26 =	sadd.s32 $0x100, s26  }
.Ltmp3:
0x1a: {  	[tilespmem:s25+$0x2BE0] =	vst v1;
	(pc) =	sbr.rel @p0 .LBB2_4-.Ltmp3, $3  }
0x1b: {  	[tilespmem:s25+$0x2BC0] =	vst v1  }
0x1c: {  	[tilespmem:s25+$0x2BD0] =	vst v1;
	_ =	sdelay $0x1  }
0x1d: {  	s25 =	sshra.s32 s28, $0x2  }
.Ltmp4:
0x1e: {  	(pc) =	sbr.rel .LBB2_6-.Ltmp4, $4  }
0x1f: {  	[tilespmem:s25+$0x2BF0] =	vst v1  }
0x20: {  	[tilespmem:s25+$0x2BE0] =	vst v1  }
0x21: {  	[tilespmem:s25+$0x2BC0] =	vst v1  }
0x22: {  	[tilespmem:s25+$0x2BD0] =	vst v1  }
.LBB2_10:
0x23: {  	s24 =	sadd.s32 $0x1, s24  }
0x24: {  	p0 =	sne.s32 s24, $0x4  }
.Ltmp5:
0x25: {  	_ = 	snop;
	(pc) =	sbr.rel @!p0 .LBB2_11-.Ltmp5, $1  }
0x26: {  	_ =	sdelay $0x3  }
.LBB2_6:
0x27: {  	s25 =	sshll.u32 s24, $0x5  }
0x28: {  	s25 =	sor.u32 s25, s9  }
0x29: {  	s25 =	sor.u32 s5, s25  }
0x2a: {  	p0 =	sgt.u32 s25, $0x7C  }
.Ltmp6:
0x2b: {  	_ = 	snop;
	(pc) =	sbr.rel @p0 .LBB2_10-.Ltmp6, $1  }
0x2c: {  	_ =	sdelay $0x3  }
0x2d: {  	s26 =	smul.u32 $0x32, s25;
	_ =	sdelay $0x1  }
0x2e: {  	s26 =	sadd.s32 s6, s26  }
0x2f: {  	[tilespmem:s2], [sflag:$0x3] =	stream.strided.gather [hbm4b:s26+s13], $0x2A30, s14, s13, $0x38;
	[tilespmem:$0x1BBC0] =	vst v63  }
0x30: {  	s25 =	smul.u32 $0xC80, s25;
	_ =	swait.ge [sflag:s15], $0x2A30  }
0x31: {  	[sflag:s15] =	ssyncset.done $0x0  }
0x32: {  	s28 =	sadd.s32 s7, s25;
	s26 =	sshrl.u32 s11, $0x3;
	[sflag:s15] =	ssyncadd.s32 $0xFFFFD5D0  }
0x33: {  	[spmem:s26], [sflag:s16] =	dma.local [hbm:s28], $0xC80  }
0x34: {  	_ =	swait.ge [sflag:s15], $0xC80  }
0x35: {  	[sflag:s15] =	ssyncset.done $0x0  }
0x36: {  	[sflag:s15] =	ssyncadd.s32 $0xFFFFF380  }
0x37: {  	[tilespmem:s17], [sflag:$0x1] =	stream.indirect.gather [hbm4b:s4+s13], $0x40, s2, s13, $0xb8;
	[tilespmem:$0x1BBC0] =	vst v63  }
0x38: {  	s28 =	simm.s32 $0x190  }
0x39: {  	[tilespmem:s18], [sflag:$0x2] =	stream.indirect.gather [hbm4b:s4+s13], $0x40, s28, s13, $0xb8;
	[tilespmem:$0x1BBC0] =	vst v63  }
0x3a: {  	_ =	swait.ge [sflag:s19], $0x6400  }
0x3b: {  	[sflag:s19] =	ssyncset.done $0x0  }
0x3c: {  	[sflag:s19] =	ssyncadd.s32 $0xFFFF9C00  }
0x3d: {  	[spmem:s1] =	stream.indirect.scatter.add.f32 [tilespmem:s17], [sflag:$0x4], $0x40, s20, s13, $0xb8;
	[tilespmem:$0x1BBC0] =	vst v63  }
0x3e: {  	_ =	swait.ge [sflag:s21], $0x6400  }
0x3f: {  	[sflag:s21] =	ssyncset.done $0x0  }
0x40: {  	s28 =	simm.s32 $0x320;
	[sflag:s21] =	ssyncadd.s32 $0xFFFF9C00  }
0x41: {  	[tilespmem:s17], [sflag:$0x1] =	stream.indirect.gather [hbm4b:s4+s13], $0x40, s28, s13, $0xb8;
	[tilespmem:$0x1BBC0] =	vst v63  }
0x42: {  	_ =	swait.ge [sflag:s22], $0x6400  }
0x43: {  	[sflag:s22] =	ssyncset.done $0x0  }
0x44: {  	[sflag:s22] =	ssyncadd.s32 $0xFFFF9C00  }
0x45: {  	[spmem:s1] =	stream.indirect.scatter.add.f32 [tilespmem:s18], [sflag:$0x4], $0x40, s20, s13, $0xb8;
	[tilespmem:$0x1BBC0] =	vst v63  }
0x46: {  	_ =	swait.ge [sflag:s21], $0x6400  }
0x47: {  	s29 =	simm.s32 $0xFFFF7680;
	s28 =	simm.s32 $0xFFFFDA80;
	[sflag:s21] =	ssyncset.done $0x0  }
.LBB2_8:
0x48: {  	s30 =	sadd.s32 $0x2A30, s28  }
0x49: {  	[sflag:s21] =	ssyncadd.s32 $0xFFFF9C00;
	s31 =	smov.u32 s29;
	s0 =	sadd.s32 $0xC80, s29  }
0x4a: {  	[tilespmem:s18], [sflag:$0x2] =	stream.indirect.gather [hbm4b:s4+s13], $0x40, s30, s13, $0xb8;
	[tilespmem:$0x1BBC0] =	vst v63  }
0x4b: {  	p0 =	sne.s32 s29, $0xFFFFF380;
	_ =	swait.ge [sflag:s19], $0x6400  }
0x4c: {  	[sflag:s19] =	ssyncset.done $0x0  }
0x4d: {  	[sflag:s19] =	ssyncadd.s32 $0xFFFF9C00  }
0x4e: {  	[spmem:s1] =	stream.indirect.scatter.add.f32 [tilespmem:s17], [sflag:$0x4], $0x40, s20, s13, $0xb8;
	[tilespmem:$0x1BBC0] =	vst v63  }
0x4f: {  	_ =	swait.ge [sflag:s21], $0x6400  }
0x50: {  	[sflag:s21] =	ssyncset.done $0x0  }
0x51: {  	s28 =	sadd.s32 $0x2BC0, s28;
	[sflag:s21] =	ssyncadd.s32 $0xFFFF9C00  }
0x52: {  	[tilespmem:s17], [sflag:$0x1] =	stream.indirect.gather [hbm4b:s4+s13], $0x40, s28, s13, $0xb8;
	[tilespmem:$0x1BBC0] =	vst v63  }
0x53: {  	_ =	swait.ge [sflag:s22], $0x6400  }
.Ltmp7:
0x54: {  	[sflag:s22] =	ssyncset.done $0x0;
	(pc) =	sbr.rel @p0 .LBB2_8-.Ltmp7, $4  }
0x55: {  	[sflag:s22] =	ssyncadd.s32 $0xFFFF9C00  }
0x56: {  	[spmem:s1] =	stream.indirect.scatter.add.f32 [tilespmem:s18], [sflag:$0x4], $0x40, s20, s13, $0xb8;
	[tilespmem:$0x1BBC0] =	vst v63  }
0x57: {  	_ =	swait.ge [sflag:s21], $0x6400  }
0x58: {  	s29 =	smov.u32 s0;
	s28 =	sshra.s32 s31, $0x2;
	[sflag:s21] =	ssyncset.done $0x0  }
0x59: {  	s0 =	sadd.s32 $0x2A30, s28;
	[sflag:s21] =	ssyncadd.s32 $0xFFFF9C00  }
0x5a: {  	[tilespmem:s18], [sflag:$0x2] =	stream.indirect.gather [hbm4b:s4+s13], $0x40, s0, s13, $0xb8;
	[tilespmem:$0x1BBC0] =	vst v63  }
0x5b: {  	_ =	swait.ge [sflag:s19], $0x6400  }
0x5c: {  	[sflag:s19] =	ssyncset.done $0x0  }
0x5d: {  	[sflag:s19] =	ssyncadd.s32 $0xFFFF9C00  }
0x5e: {  	[spmem:s1] =	stream.indirect.scatter.add.f32 [tilespmem:s17], [sflag:$0x4], $0x40, s20, s13, $0xb8;
	[tilespmem:$0x1BBC0] =	vst v63  }
0x5f: {  	_ =	swait.ge [sflag:s21], $0x6400  }
0x60: {  	[sflag:s21] =	ssyncset.done $0x0  }
0x61: {  	s30 =	sadd.s32 $0x2BC0, s28;
	[sflag:s21] =	ssyncadd.s32 $0xFFFF9C00  }
0x62: {  	[tilespmem:s17], [sflag:$0x1] =	stream.indirect.gather [hbm4b:s4+s13], $0x40, s30, s13, $0xb8;
	[tilespmem:$0x1BBC0] =	vst v63  }
0x63: {  	_ =	swait.ge [sflag:s22], $0x6400  }
0x64: {  	[sflag:s22] =	ssyncset.done $0x0  }
0x65: {  	[sflag:s22] =	ssyncadd.s32 $0xFFFF9C00  }
0x66: {  	[spmem:s1] =	stream.indirect.scatter.add.f32 [tilespmem:s18], [sflag:$0x4], $0x40, s20, s13, $0xb8;
	[tilespmem:$0x1BBC0] =	vst v63  }
0x67: {  	_ =	swait.ge [sflag:s21], $0x6400  }
0x68: {  	[sflag:s21] =	ssyncset.done $0x0  }
0x69: {  	[sflag:s21] =	ssyncadd.s32 $0xFFFF9C00  }
0x6a: {  	_ =	swait.ge [sflag:s19], $0x6400  }
0x6b: {  	[sflag:s19] =	ssyncset.done $0x0  }
0x6c: {  	[sflag:s19] =	ssyncadd.s32 $0xFFFF9C00  }
0x6d: {  	[spmem:s1] =	stream.indirect.scatter.add.f32 [tilespmem:s17], [sflag:$0x4], $0x40, s20, s13, $0xb8;
	[tilespmem:$0x1BBC0] =	vst v63  }
0x6e: {  	_ =	swait.ge [sflag:s21], $0x6400  }
0x6f: {  	[sflag:s21] =	ssyncset.done $0x0  }
.Ltmp8:
0x70: {  	s31 =	sadd.s32 s8, s25;
	[sflag:s21] =	ssyncadd.s32 $0xFFFF9C00;
	(pc) =	sbr.rel .LBB2_10-.Ltmp8, $4  }
0x71: {  	[hbm:s31], [sflag:s16] =	dma.local [spmem:s26], $0xC80  }
0x72: {  	_ =	swait.ge [sflag:s15], $0xC80  }
0x73: {  	[sflag:s15] =	ssyncset.done $0x0  }
0x74: {  	[sflag:s15] =	ssyncadd.s32 $0xFFFFF380  }
.LBB2_12:
0x75: {  	_ =	sfence.sel $0x180000  }
0x76: {  	[bflag:$0x0] =	sbarrier.arrive $0xFFFF  }
0x77: {  	_ =	strace $0x90000053  }
0x78: {  	[bflag:$0x2] =	sbarrier.arrive $0xFFFF  }
0x79: {  	p0 =	sne.s32 s3, $0x0;
	s0 =	rddreg [dreg:$0x2]  }
0x7a: {  	s0 =	sadd.s32 @!p0 $0x100000, s0  }
0x7b: {  	[sflag:s0] =	ssyncadd.tile.s32 @!p0 $0x1;
	_ =	shalt  }
.Lfunc_end2:
_tile_overlayer_lowered:
.L_overlay_start_2:
0x7c: {  	(tag) =	ssettag $0x2  }
0x7d: {  	s0 =	rddreg [dreg:$0x0];
	s2 =	stileid.u32  }
0x7e: {  	s1 =	rddreg [dreg:$0x1];
	p0 =	sne.s32 s2, $0x0  }
0x7f: {  	s3 =	rddreg [dreg:$0x2];
	[bflag:$0x3] =	sbarrier.arrive $0xFFFF;
	s2 =	simm.s32 @!p0 $0x1C04  }
0x80: {  	[timem:s3], [sflag:s2] =	dma.local @!p0 [hbm:s0], s1  }
0x81: {  	s0 =	simm.s32 @!p0 $0x4  }
0x82: {  	_ =	swait.ge @!p0 [sflag:s0], s1  }
0x83: {  	s1 =	ssub.s32 @!p0 $0x0, s1;
	[sflag:s0] =	ssyncset.done @!p0 $0x0  }
0x84: {  	[sflag:s0] =	ssyncadd.s32 @!p0 s1  }
0x85: {  	[bflag:$0x3] =	sbarrier.arrive $0xFFFF  }
0x86: {  	_ =	shalt  }

// kernel: kernel.39.cloned.1.call-start
scs
__scs_entry_jumppad:
0x0: {  	(pc) =	sbr.rel $0x88, $3  }
0x1: {  	(tag) =	ssettag $0x0;
	lr =	simm.s32 $0x1  }
0x2: {  	[smem:$0x3F94] =	sst lr;
	_ =	strace $0xD0000000  }
0x3: {  	_ = 	snop  }
0x4: {  	_ = 	snop  }
0x5: {  	_ = 	snop  }
0x6: {  	_ = 	snop  }
0x7: {  	_ = 	snop  }
__scs_overlays_trampoline_lowered:
0x8: {  	[smem:$0x3FA3] =	sst s0  }
0x9: {  	[smem:$0x3FA4] =	sst s1  }
0xa: {  	[smem:$0x3FA5] =	sst s2  }
0xb: {  	[smem:$0x3FA6] =	sst s3  }
0xc: {  	[smem:$0x3FA7] =	sst s4  }
0xd: {  	[smem:$0x3FA8] =	sst s5  }
0xe: {  	[smem:$0x3FA9] =	sst s6  }
0xf: {  	[smem:$0x3FAA] =	sst s7  }
0x10: {  	[smem:$0x3FAB] =	sst s8  }
0x11: {  	[smem:$0x3FAC] =	sst s9;
	s0 =	simm.s32 @!p0 $0x0  }
0x12: {  	s1 =	sld [smem:$0x3F92];
	s0 =	simm.s32 @p0 $0x1  }
0x13: {  	[smem:$0x3FAD] =	sst s0;
	s0 =	simm.s32 @!p1 $0x0  }
0x14: {  	s2 =	sld [smem:$0x3F91];
	s0 =	simm.s32 @p1 $0x1  }
0x15: {  	[smem:$0x3FAE] =	sst s0;
	s0 =	simm.s32 @!p2 $0x0  }
0x16: {  	s3 =	sld [smem:$0x3FDB];
	s0 =	simm.s32 @p2 $0x1  }
0x17: {  	s4 =	simm.s32 $0x1BF5;
	[smem:$0x3FB0] =	sst s0  }
0x18: {  	s0 =	sld [smem:$0x3F93];
	_ =	swait.ge [sflag:s4], $0x0  }
0x19: {  	s7 =	sld [smem:$0x3F94]  }
0x1a: {  	s8 =	sadd.s32 $0xFFFFE003, lr  }
0x1b: {  	s9 =	sadd.s32 $0xFFFFFEF7, lr;
	s5 =	simm.s32 $0xFFFFFFFF;
	p2 =	slt.u32 s8, $0xFFFFF086  }
0x1c: {  	p1 =	slt.u32 s9, $0xF7A;
	s5 =	simm.s32 @!p2 $0x0  }
0x1d: {  	s5 =	simm.s32 @p1 $0x1;
	p0 =	seq.s32 s7, s2  }
0x1e: {  	s7 =	smul.u32 @!p0 $0xF7A, s2;
	p2 =	seq.s32 @!p0 s5, $0x0  }
0x1f: {  	s9 =	smul.u32 $0xF7A, s1;
	s8 =	simm.s32 @!p0 $0x1BF5;
	p2 =	por !p2, p0  }
0x20: {  	[sflag:s8] =	ssyncset.s32 @!p0 $0xFFFFF086;
	s6 =	sadd.s32 @!p0 s3, s7;
	s7 =	simm.s32 @!p0 $0x108  }
0x21: {  	s3 =	sadd.s32 s3, s9;
	s6 =	sadd.s32 @!p0 $0x88, s6;
	s7 =	simm.s32 @p2 $0x1082  }
0x22: {  	[simem:s7], [sflag:s8] =	dma.local @!p0 [hbm:s6], $0xF7A  }
0x23: {  	s9 =	sor.u32 $0xD0000000, s2;
	s6 =	simm.s32 $0x108;
	_ =	swait.ge @!p0 [sflag:s8], $0x0  }
0x24: {  	s3 =	sadd.s32 $0x88, s3;
	s6 =	simm.s32 @!p1 $0x1082;
	[sflag:s4] =	ssyncset.s32 $0xFFFFF086  }
0x25: {  	[simem:s6], [sflag:s4] =	dma.local [hbm:s3], $0xF7A  }
0x26: {  	[smem:$0x3F94] =	sst s1;
	(tag) =	ssettag s2;
	_ =	strace s9  }
0x27: {  	s1 =	sld [smem:$0x3FA4]  }
0x28: {  	s2 =	sld [smem:$0x3FA5]  }
0x29: {  	s4 =	sld [smem:$0x3FA7]  }
0x2a: {  	p0 =	seq.s32 s5, $0x0;
	s5 =	sld [smem:$0x3FA8]  }
0x2b: {  	s6 =	sld [smem:$0x3FA9]  }
0x2c: {  	s7 =	sld [smem:$0x3FAA]  }
0x2d: {  	s3 =	simm.s32 $0x108;
	s8 =	sld [smem:$0x3FAB]  }
0x2e: {  	s3 =	simm.s32 @!p0 $0x1082;
	s9 =	sld [smem:$0x3FAC]  }
0x2f: {  	lr =	sadd.s32 s0, s3;
	s0 =	sld [smem:$0x3FA3]  }
0x30: {  	s3 =	sld [smem:$0x3FA6]  }
0x31: {  	[smem:$0x3FAF] =	sst s10  }
0x32: {  	s10 =	sld [smem:$0x3FAD];
	_ =	sdelay $0x3  }
0x33: {  	p0 =	seq.s32 s10, $0x1;
	s10 =	sld [smem:$0x3FAF];
	_ =	sdelay $0x3  }
0x34: {  	[smem:$0x3FAF] =	sst s10  }
0x35: {  	s10 =	sld [smem:$0x3FAE];
	_ =	sdelay $0x3  }
0x36: {  	p1 =	seq.s32 s10, $0x1;
	s10 =	sld [smem:$0x3FAF];
	_ =	sdelay $0x3  }
0x37: {  	[smem:$0x3FAF] =	sst s10  }
0x38: {  	s10 =	sld [smem:$0x3FB0]  }
0x39: {  	_ = 	snop;
	(pc) =	sbr.ind lr, $3  }
0x3a: {  	_ = 	snop  }
0x3b: {  	_ = 	snop  }
0x3c: {  	p2 =	seq.s32 s10, $0x1;
	s10 =	sld [smem:$0x3FAF]  }
0x3d: {  	_ =	shalt  }
0x3e: {  	_ =	shalt  }
0x3f: {  	_ =	shalt  }
0x40: {  	_ =	shalt  }
0x41: {  	_ =	shalt  }
0x42: {  	_ =	shalt  }
0x43: {  	_ =	shalt  }
0x44: {  	_ =	shalt  }
0x45: {  	_ =	shalt  }
0x46: {  	_ =	shalt  }
0x47: {  	_ =	shalt  }
0x48: {  	_ =	shalt  }
0x49: {  	_ =	shalt  }
0x4a: {  	_ =	shalt  }
0x4b: {  	_ =	shalt  }
0x4c: {  	_ =	shalt  }
0x4d: {  	_ =	shalt  }
0x4e: {  	_ =	shalt  }
0x4f: {  	_ =	shalt  }
0x50: {  	_ =	shalt  }
0x51: {  	_ =	shalt  }
0x52: {  	_ =	shalt  }
0x53: {  	_ =	shalt  }
0x54: {  	_ =	shalt  }
0x55: {  	_ =	shalt  }
0x56: {  	_ =	shalt  }
0x57: {  	_ =	shalt  }
0x58: {  	_ =	shalt  }
0x59: {  	_ =	shalt  }
0x5a: {  	_ =	shalt  }
0x5b: {  	_ =	shalt  }
0x5c: {  	_ =	shalt  }
0x5d: {  	_ =	shalt  }
0x5e: {  	_ =	shalt  }
0x5f: {  	_ =	shalt  }
0x60: {  	_ =	shalt  }
0x61: {  	_ =	shalt  }
0x62: {  	_ =	shalt  }
0x63: {  	_ =	shalt  }
0x64: {  	_ =	shalt  }
0x65: {  	_ =	shalt  }
0x66: {  	_ =	shalt  }
0x67: {  	_ =	shalt  }
0x68: {  	_ =	shalt  }
0x69: {  	_ =	shalt  }
0x6a: {  	_ =	shalt  }
0x6b: {  	_ =	shalt  }
0x6c: {  	_ =	shalt  }
0x6d: {  	_ =	shalt  }
0x6e: {  	_ =	shalt  }
0x6f: {  	_ =	shalt  }
0x70: {  	_ =	shalt  }
0x71: {  	_ =	shalt  }
0x72: {  	_ =	shalt  }
0x73: {  	_ =	shalt  }
0x74: {  	_ =	shalt  }
0x75: {  	_ =	shalt  }
0x76: {  	_ =	shalt  }
0x77: {  	_ =	shalt  }
0x78: {  	_ =	shalt  }
0x79: {  	_ =	shalt  }
0x7a: {  	_ =	shalt  }
0x7b: {  	_ =	shalt  }
0x7c: {  	_ =	shalt  }
0x7d: {  	_ =	shalt  }
0x7e: {  	_ =	shalt  }
0x7f: {  	_ =	shalt  }
0x80: {  	_ =	shalt  }
0x81: {  	_ =	shalt  }
0x82: {  	_ =	shalt  }
0x83: {  	_ =	shalt  }
0x84: {  	_ =	shalt  }
0x85: {  	_ =	shalt  }
0x86: {  	_ =	shalt  }
0x87: {  	_ =	shalt  }
.Lfunc_end0:
.L_simem_size_0:
called_computation.5_lowered:
.L_overlay_start_0:
0x88: {  	s2 =	sld [smem:$0x3FD9]  }
0x89: {  	s3 =	sld [smem:$0x3FFE];
	_ =	sdelay $0x1  }
0x8a: {  	s1 =	srdreg.scid  }
0x8b: {  	s0 =	sand.u32 $0x1, s1  }
0x8c: {  	s17 =	sshll.u32 s0, $0xA;
	s2 =	sadd.s32 s3, s2  }
0x8d: {  	s2 =	sadd.s32 s2, s17  }
0x8e: {  	[smem:$0x3FBB] =	sst s2  }
0x8f: {  	_ = 	snop  }
0x90: {  	(tm) =	ssettm $0x1  }
0x91: {  	s18 =	sld [smem:$0x3FFB];
	_ =	sdelay $0x3  }
0x92: {  	_ =	strace s18  }
0x93: {  	s2 =	sld [smem:$0x3FFC];
	_ =	sdelay $0x3  }
0x94: {  	_ =	strace s2  }
0x95: {  	s2 =	sld [smem:$0x3FFD];
	_ =	sdelay $0x3  }
0x96: {  	_ =	strace s2  }
0x97: {  	_ =	strace $0x8FFFFFFF  }
0x98: {  	s19 =	sld [smem:$0x3FDB];
	_ =	sdelay $0x1  }
0x99: {  	s20 =	simm.s32 $_scs_section_size  }
0x9a: {  	s4 =	simm.s32 $_size__tile_overlayer_lowered;
	s5 =	simm.s32 $_tile_overlayer_lowered  }
0x9b: {  	s6 =	simm.s32 $0x1BFF;
	s21 =	sshll.u32 s5, $0x1;
	s3 =	sadd.s32 s20, s19  }
0x9c: {  	s22 =	simm.s32 $0x0;
	s4 =	sshll.u32 s4, $0x1;
	s5 =	sadd.s32 s21, s3  }
0x9d: {  	[timem:s22], [sflag:s6] =	dma.local [hbm:s5], s4  }
0x9e: {  	_ =	swait.ge [sflag:s6], s4  }
0x9f: {  	s4 =	ssub.s32 $0x0, s4;
	[sflag:s6] =	ssyncset.done $0x0  }
0xa0: {  	[sflag:s6] =	ssyncadd.s32 s4;
	_ =	sdelay $0x1  }
0xa1: {  	s23 =	simm.s32 $0x1B8B  }
0xa2: {  	_ =	swait.ge [sflag:s23], $0x1  }
0xa3: {  	[sflag:s23] =	ssyncset.done $0x0  }
0xa4: {  	[sflag:s23] =	ssyncadd.s32 $0xFFFFFFFF  }
0xa5: {  	s4 =	sld [smem:$0x0]  }
0xa6: {  	s5 =	sand.u32 $0xFFFFFFFE, s1  }
0xa7: {  	p0 =	sne.s32 s1, s5  }
0xa8: {  	s5 =	sshll.u32 @p0 s5, $0xE  }
0xa9: {  	s5 =	sadd.s32 @p0 $0x11B8D, s5;
	s6 =	sshll.u32 @p0 s4, $0x11  }
0xaa: {  	s5 =	sor.u32 @p0 s6, s5  }
0xab: {  	[sflag:s5] =	ssyncadd.remote.s32 @p0 $0x1;
	_ =	sdelay $0x1  }
0xac: {  	s5 =	simm.s32 @p0 $0x1B8D  }
0xad: {  	_ =	swait.eq @p0 [sflag:s5], $0x1  }
0xae: {  	[sflag:s5] =	ssyncadd.s32 @p0 $0xFFFFFFFF  }
0xaf: {  	s6 =	sshll.u32 @!p0 s1, $0xE  }
0xb0: {  	s6 =	sor.u32 @!p0 $0x4000, s6;
	s5 =	simm.s32 @!p0 $0x1B8D  }
0xb1: {  	s4 =	sshll.u32 @!p0 s4, $0x11;
	s6 =	sadd.s32 @!p0 $0x11B8D, s6;
	_ =	swait.eq @!p0 [sflag:s5], $0x1  }
0xb2: {  	s4 =	sor.u32 @!p0 s4, s6;
	[sflag:s5] =	ssyncadd.s32 @!p0 $0xFFFFFFFF  }
0xb3: {  	s25 =	simm.s32 $0x1B8E;
	s24 =	sld [smem:$0x3FFE];
	[sflag:s4] =	ssyncadd.remote.s32 @!p0 $0x1  }
0xb4: {  	s26 =	simm.s32 $execute0_lowered;
	[smem:$0x3FD2] =	sst s25  }
0xb5: {  	s5 =	sshll.u32 s26, $0x1;
	_ =	strace $0x8000004C;
	[dreg:$0x1] =	wrdreg $0xFFFFFFFF  }
0xb6: {  	s28 =	simm.s32 $_size_execute0_lowered;
	s3 =	sadd.s32 s3, s5;
	[dreg:$0x0] =	wrdreg $0x0  }
0xb7: {  	s5 =	sshll.u32 s28, $0x1;
	[dreg:$0x2] =	wrdreg s3  }
0xb8: {  	[dreg:$0x3] =	wrdreg s5  }
0xb9: {  	[dreg:$0x4] =	wrdreg $0xC0  }
0xba: {  	_ =	task [dreg:s22], $0x5FFFF  }
0xbb: {  	[dreg:$0x1] =	wrdreg $0xFFFFFFFF  }
0xbc: {  	[dreg:$0x0] =	wrdreg $0x60  }
0xbd: {  	[dreg:$0x2] =	wrdreg s24  }
0xbe: {  	[dreg:$0x3] =	wrdreg $0x157C00  }
0xbf: {  	[dreg:$0x4] =	wrdreg $0xB  }
0xc0: {  	_ =	task.clear_ibuf [dreg:s22], $0x5FFFF;
	_ =	strace $0x9000004C  }
0xc1: {  	s29 =	simm.s32 $0xB;
	_ =	strace $0x8000004E  }
0xc2: {  	_ =	swait.ge [sflag:s29], $0x1  }
0xc3: {  	[sflag:s29] =	ssyncadd.s32 $0xFFFFFFFF  }
0xc4: {  	_ =	strace $0x9000004E  }
0xc5: {  	_ =	sfence  }
0xc6: {  	s30 =	sld [smem:$0x0];
	_ =	sdelay $0x2  }
0xc7: {  	s31 =	sshll.u32 s1, $0xD;
	s1 =	sshrl.u32 s1, $0x2  }
0xc8: {  	s4 =	sand.u32 $0x4000, s31;
	s1 =	sadd.s32 s1, s30  }
0xc9: {  	s0 =	sor.u32 s4, s0;
	s1 =	sshll.u32 s1, $0x11  }
0xca: {  	s0 =	sor.u32 s1, s0  }
0xcb: {  	s0 =	sadd.s32 $0x8F2B, s0  }
0xcc: {  	[sflag:s0] =	ssyncadd.remote.s32 $0x1  }
0xcd: {  	_ =	sfence.sel $0xFFFF  }
0xce: {  	[dreg:$0x0] =	wrdreg $0xFFFFFFFF;
	(pc) =	sbr.abs _section_cstart, $3  }
0xcf: {  	[dreg:$0x1] =	wrdreg $0xFFFFFFFF  }
0xd0: {  	_ =	task.clear_ibuf [dreg:s22], $0x2FFFF;
	_ =	strace $0x9FFFFFFF  }
0xd1: {  	(tm) =	ssettm $0x7FFFFFFF  }
tec
execute0_lowered:
.L_overlay_start_1:
0x0: {  	(tag) =	ssettag $0x1  }
0x1: {  	s7 =	rddreg [dreg:$0x0]  }
0x2: {  	s1 =	rddreg [dreg:$0x1]  }
0x3: {  	s0 =	rddreg [dreg:$0x2]  }
0x4: {  	s3 =	simm.s32 $0x0;
	s2 =	srdreg.scid;
	s12 =	simm.s32 $0x190  }
0x5: {  	s13 =	simm.s32 $0xC350;
	s14 =	simm.s32 $0x3;
	s15 =	simm.s32 $0x2BC0  }
0x6: {  	s16 =	simm.s32 $0x8FC0;
	s17 =	simm.s32 $0xF3C0;
	s18 =	simm.s32 $0x1  }
0x7: {  	s19 =	simm.s32 $0x2A30;
	s20 =	simm.s32 $0x4;
	s21 =	simm.s32 $0x2  }
0x8: {  	s22 =	simm.s32 $0x0;
	[smem:$0x7FF] =	sst s3;
	s4 =	sand.u32 $0x1, s2  }
.Ltmp0:
0x9: {  	s2 =	stileid.u32;
	s5 =	sadd.s32 $0x24BB200, s7;
	(pc) =	sbr.rel .LBB2_1-.Ltmp0, $4  }
0xa: {  	s6 =	sadd.s32 $0x2D000, s7;
	s8 =	ssub.s32 $0x2, s4;
	s9 =	smul.u32 $0x19000, s2  }
0xb: {  	s7 =	sadd.s32 $0x199F600, s7;
	_ =	strace $0x8000004D;
	s10 =	sshrl.u32 s8, $0x1  }
0xc: {  	s11 =	ssub.s32 s8, s10;
	s31 =	sshrl.u32 s9, $0x2;
	s8 =	sshll.u32 s2, $0x1  }
0xd: {  	v0 =	vlaneseq.u32;
	v1 =	vimm.f32 $0.0e+00;
	s9 =	smul.u32 $0x190, s2;
	s10 =	sadd.s32 s31, s1;
	s11 =	smax.u32 s11, $0x1  }
.LBB2_11:
0xe: {  	s22 =	sadd.s32 $0x1, s22  }
0xf: {  	p0 =	sne.s32 s22, s11  }
.Ltmp1:
0x10: {  	_ = 	snop;
	(pc) =	sbr.rel @!p0 .LBB2_12-.Ltmp1, $1  }
0x11: {  	_ =	sdelay $0x3  }
.LBB2_1:
0x12: {  	_ = 	snop  }
0x13: {  	s24 =	simm.s32 $0x40;
	s26 =	simm.s32 $0x0;
	v2 =	vor.u32 s9, v0;
	s25 =	smov.u32 s9  }
.LBB2_2:
0x14: {  	p0 =	sne.s32 s24, $0x600  }
0x15: {  	[tilespmem:s26+$0x2A30] =	vst v2;
	s25 =	sadd.s32 $0x10, s25;
	s23 =	smov.u32 s24;
	s24 =	sadd.s32 $0x40, s24  }
.Ltmp2:
0x16: {  	(pc) =	sbr.rel @p0 .LBB2_2-.Ltmp2, $2  }
0x17: {  	_ =	sdelay $0x2  }
0x18: {  	v2 =	vor.u32 s25, v0;
	s26 =	sshra.s32 s23, $0x2;
	s23 =	simm.s32 $0x0  }
0x19: {  	[tilespmem:s26+$0x2A30] =	vst v2;
	s25 =	simm.s32 $0x100;
	s24 =	simm.s32 $0x0  }
.LBB2_4:
0x1a: {  	p0 =	sne.s32 s25, $0x18F00;
	[tilespmem:s24+$0x2BF0] =	vst v1;
	s26 =	smov.u32 s25;
	s25 =	sadd.s32 $0x100, s25  }
.Ltmp3:
0x1b: {  	[tilespmem:s24+$0x2BE0] =	vst v1;
	(pc) =	sbr.rel @p0 .LBB2_4-.Ltmp3, $3  }
0x1c: {  	[tilespmem:s24+$0x2BC0] =	vst v1  }
0x1d: {  	[tilespmem:s24+$0x2BD0] =	vst v1;
	_ =	sdelay $0x1  }
0x1e: {  	s24 =	sshra.s32 s26, $0x2  }
.Ltmp4:
0x1f: {  	(pc) =	sbr.rel .LBB2_6-.Ltmp4, $4  }
0x20: {  	[tilespmem:s24+$0x2BF0] =	vst v1  }
0x21: {  	[tilespmem:s24+$0x2BE0] =	vst v1  }
0x22: {  	[tilespmem:s24+$0x2BC0] =	vst v1  }
0x23: {  	[tilespmem:s24+$0x2BD0] =	vst v1  }
.LBB2_10:
0x24: {  	s23 =	sadd.s32 $0x1, s23  }
0x25: {  	p0 =	sne.s32 s23, $0x4  }
.Ltmp5:
0x26: {  	_ = 	snop;
	(pc) =	sbr.rel @!p0 .LBB2_11-.Ltmp5, $1  }
0x27: {  	_ =	sdelay $0x3  }
.LBB2_6:
0x28: {  	s24 =	sshll.u32 s23, $0x5  }
0x29: {  	s24 =	sor.u32 s24, s8  }
0x2a: {  	s24 =	sor.u32 s4, s24  }
0x2b: {  	p0 =	sgt.u32 s24, $0x7C  }
.Ltmp6:
0x2c: {  	_ = 	snop;
	(pc) =	sbr.rel @p0 .LBB2_10-.Ltmp6, $1  }
0x2d: {  	_ =	sdelay $0x3  }
0x2e: {  	s25 =	smul.u32 $0x32, s24;
	_ =	sdelay $0x1  }
0x2f: {  	s25 =	sadd.s32 s6, s25  }
0x30: {  	[tilespmem:s3], [sflag:$0x3] =	stream.strided.gather [hbm4b:s25+s12], $0x2A30, s13, s12, $0x38;
	[tilespmem:$0x1BBC0] =	vst v63  }
0x31: {  	_ =	swait.ge [sflag:s14], $0x2A30  }
0x32: {  	[sflag:s14] =	ssyncset.done $0x0  }
0x33: {  	[sflag:s14] =	ssyncadd.s32 $0xFFFFD5D0  }
0x34: {  	[spmem:s10] =	stream.linear.scatter [tilespmem:s15], [sflag:$0x3], $0x6400, $0x38;
	[tilespmem:$0x1BBC0] =	vst v63  }
0x35: {  	_ =	swait.ge [sflag:s14], $0x6400  }
0x36: {  	[sflag:s14] =	ssyncset.done $0x0  }
0x37: {  	[sflag:s14] =	ssyncadd.s32 $0xFFFF9C00  }
0x38: {  	[tilespmem:s16], [sflag:$0x1] =	stream.indirect.gather [hbm4b:s5+s12], $0x40, s3, s12, $0xb8;
	[tilespmem:$0x1BBC0] =	vst v63  }
0x39: {  	s30 =	simm.s32 $0x190  }
0x3a: {  	[tilespmem:s17], [sflag:$0x2] =	stream.indirect.gather [hbm4b:s5+s12], $0x40, s30, s12, $0xb8;
	[tilespmem:$0x1BBC0] =	vst v63  }
0x3b: {  	_ =	swait.ge [sflag:s18], $0x6400  }
0x3c: {  	[sflag:s18] =	ssyncset.done $0x0  }
0x3d: {  	[sflag:s18] =	ssyncadd.s32 $0xFFFF9C00  }
0x3e: {  	[spmem:s1] =	stream.indirect.scatter.add.f32 [tilespmem:s16], [sflag:$0x4], $0x40, s19, s12, $0xb8;
	[tilespmem:$0x1BBC0] =	vst v63  }
0x3f: {  	_ =	swait.ge [sflag:s20], $0x6400  }
0x40: {  	[sflag:s20] =	ssyncset.done $0x0  }
0x41: {  	s31 =	simm.s32 $0x320;
	[sflag:s20] =	ssyncadd.s32 $0xFFFF9C00  }
0x42: {  	[tilespmem:s16], [sflag:$0x1] =	stream.indirect.gather [hbm4b:s5+s12], $0x40, s31, s12, $0xb8;
	[tilespmem:$0x1BBC0] =	vst v63  }
0x43: {  	_ =	swait.ge [sflag:s21], $0x6400  }
0x44: {  	[sflag:s21] =	ssyncset.done $0x0  }
0x45: {  	[sflag:s21] =	ssyncadd.s32 $0xFFFF9C00  }
0x46: {  	[spmem:s1] =	stream.indirect.scatter.add.f32 [tilespmem:s17], [sflag:$0x4], $0x40, s19, s12, $0xb8;
	[tilespmem:$0x1BBC0] =	vst v63  }
0x47: {  	_ =	swait.ge [sflag:s20], $0x6400  }
0x48: {  	s26 =	simm.s32 $0xFFFF7680;
	s25 =	simm.s32 $0xFFFFDA80;
	[sflag:s20] =	ssyncset.done $0x0  }
.LBB2_8:
0x49: {  	s28 =	sadd.s32 $0x2A30, s25  }
0x4a: {  	[sflag:s20] =	ssyncadd.s32 $0xFFFF9C00;
	s29 =	smov.u32 s26;
	s30 =	sadd.s32 $0xC80, s26  }
0x4b: {  	[tilespmem:s17], [sflag:$0x2] =	stream.indirect.gather [hbm4b:s5+s12], $0x40, s28, s12, $0xb8;
	[tilespmem:$0x1BBC0] =	vst v63  }
0x4c: {  	p0 =	sne.s32 s26, $0xFFFFF380;
	_ =	swait.ge [sflag:s18], $0x6400  }
0x4d: {  	[sflag:s18] =	ssyncset.done $0x0  }
0x4e: {  	[sflag:s18] =	ssyncadd.s32 $0xFFFF9C00  }
0x4f: {  	[spmem:s1] =	stream.indirect.scatter.add.f32 [tilespmem:s16], [sflag:$0x4], $0x40, s19, s12, $0xb8;
	[tilespmem:$0x1BBC0] =	vst v63  }
0x50: {  	_ =	swait.ge [sflag:s20], $0x6400  }
0x51: {  	[sflag:s20] =	ssyncset.done $0x0  }
0x52: {  	s25 =	sadd.s32 $0x2BC0, s25;
	[sflag:s20] =	ssyncadd.s32 $0xFFFF9C00  }
0x53: {  	[tilespmem:s16], [sflag:$0x1] =	stream.indirect.gather [hbm4b:s5+s12], $0x40, s25, s12, $0xb8;
	[tilespmem:$0x1BBC0] =	vst v63  }
0x54: {  	_ =	swait.ge [sflag:s21], $0x6400  }
.Ltmp7:
0x55: {  	[sflag:s21] =	ssyncset.done $0x0;
	(pc) =	sbr.rel @p0 .LBB2_8-.Ltmp7, $4  }
0x56: {  	[sflag:s21] =	ssyncadd.s32 $0xFFFF9C00  }
0x57: {  	[spmem:s1] =	stream.indirect.scatter.add.f32 [tilespmem:s17], [sflag:$0x4], $0x40, s19, s12, $0xb8;
	[tilespmem:$0x1BBC0] =	vst v63  }
0x58: {  	_ =	swait.ge [sflag:s20], $0x6400  }
0x59: {  	s26 =	smov.u32 s30;
	s25 =	sshra.s32 s29, $0x2;
	[sflag:s20] =	ssyncset.done $0x0  }
0x5a: {  	s26 =	sadd.s32 $0x2A30, s25;
	[sflag:s20] =	ssyncadd.s32 $0xFFFF9C00  }
0x5b: {  	[tilespmem:s17], [sflag:$0x2] =	stream.indirect.gather [hbm4b:s5+s12], $0x40, s26, s12, $0xb8;
	[tilespmem:$0x1BBC0] =	vst v63  }
0x5c: {  	_ =	swait.ge [sflag:s18], $0x6400  }
0x5d: {  	[sflag:s18] =	ssyncset.done $0x0  }
0x5e: {  	[sflag:s18] =	ssyncadd.s32 $0xFFFF9C00  }
0x5f: {  	[spmem:s1] =	stream.indirect.scatter.add.f32 [tilespmem:s16], [sflag:$0x4], $0x40, s19, s12, $0xb8;
	[tilespmem:$0x1BBC0] =	vst v63  }
0x60: {  	_ =	swait.ge [sflag:s20], $0x6400  }
0x61: {  	[sflag:s20] =	ssyncset.done $0x0  }
0x62: {  	s29 =	sadd.s32 $0x2BC0, s25;
	[sflag:s20] =	ssyncadd.s32 $0xFFFF9C00  }
0x63: {  	[tilespmem:s16], [sflag:$0x1] =	stream.indirect.gather [hbm4b:s5+s12], $0x40, s29, s12, $0xb8;
	[tilespmem:$0x1BBC0] =	vst v63  }
0x64: {  	_ =	swait.ge [sflag:s21], $0x6400  }
0x65: {  	[sflag:s21] =	ssyncset.done $0x0  }
0x66: {  	[sflag:s21] =	ssyncadd.s32 $0xFFFF9C00  }
0x67: {  	[spmem:s1] =	stream.indirect.scatter.add.f32 [tilespmem:s17], [sflag:$0x4], $0x40, s19, s12, $0xb8;
	[tilespmem:$0x1BBC0] =	vst v63  }
0x68: {  	_ =	swait.ge [sflag:s20], $0x6400  }
0x69: {  	[sflag:s20] =	ssyncset.done $0x0  }
0x6a: {  	[sflag:s20] =	ssyncadd.s32 $0xFFFF9C00  }
0x6b: {  	_ =	swait.ge [sflag:s18], $0x6400  }
0x6c: {  	[sflag:s18] =	ssyncset.done $0x0  }
0x6d: {  	[sflag:s18] =	ssyncadd.s32 $0xFFFF9C00  }
0x6e: {  	[spmem:s1] =	stream.indirect.scatter.add.f32 [tilespmem:s16], [sflag:$0x4], $0x40, s19, s12, $0xb8;
	[tilespmem:$0x1BBC0] =	vst v63  }
0x6f: {  	s24 =	smul.u32 $0xC80, s24;
	s30 =	sshll.u32 s2, $0x6;
	_ =	swait.ge [sflag:s20], $0x6400  }
0x70: {  	s31 =	sshrl.u32 s10, $0x3;
	s25 =	sor.u32 $0x1C03, s30;
	[sflag:s20] =	ssyncset.done $0x0  }
.Ltmp8:
0x71: {  	s24 =	sadd.s32 s7, s24;
	[sflag:s20] =	ssyncadd.s32 $0xFFFF9C00;
	(pc) =	sbr.rel .LBB2_10-.Ltmp8, $4  }
0x72: {  	[hbm:s24], [sflag:s25] =	dma.local [spmem:s31], $0xC80  }
0x73: {  	_ =	swait.ge [sflag:s14], $0xC80  }
0x74: {  	[sflag:s14] =	ssyncset.done $0x0  }
0x75: {  	[sflag:s14] =	ssyncadd.s32 $0xFFFFF380  }
.LBB2_12:
0x76: {  	_ =	sfence.sel $0x180000  }
0x77: {  	[bflag:$0x0] =	sbarrier.arrive $0xFFFF  }
0x78: {  	p0 =	sne.s32 s2, $0x0;
	_ =	strace $0x9000004D  }
0x79: {  	s0 =	sadd.s32 @!p0 $0x100000, s0;
	[bflag:$0x2] =	sbarrier.arrive $0xFFFF  }
0x7a: {  	[sflag:s0] =	ssyncadd.tile.s32 @!p0 $0x1;
	_ =	shalt  }
.Lfunc_end2:
_tile_overlayer_lowered:
.L_overlay_start_2:
0x7b: {  	(tag) =	ssettag $0x2  }
0x7c: {  	s0 =	rddreg [dreg:$0x0];
	s2 =	stileid.u32  }
0x7d: {  	s1 =	rddreg [dreg:$0x1];
	p0 =	sne.s32 s2, $0x0  }
0x7e: {  	s3 =	rddreg [dreg:$0x2];
	[bflag:$0x3] =	sbarrier.arrive $0xFFFF;
	s2 =	simm.s32 @!p0 $0x1C04  }
0x7f: {  	[timem:s3], [sflag:s2] =	dma.local @!p0 [hbm:s0], s1  }
0x80: {  	s0 =	simm.s32 @!p0 $0x4  }
0x81: {  	_ =	swait.ge @!p0 [sflag:s0], s1  }
0x82: {  	s1 =	ssub.s32 @!p0 $0x0, s1;
	[sflag:s0] =	ssyncset.done @!p0 $0x0  }
0x83: {  	[sflag:s0] =	ssyncadd.s32 @!p0 s1  }
0x84: {  	[bflag:$0x3] =	sbarrier.arrive $0xFFFF  }
0x85: {  	_ =	shalt  }

// kernel: kernel.42.cloned.1.call-start
scs
__scs_entry_jumppad:
0x0: {  	(pc) =	sbr.rel $0x88, $3  }
0x1: {  	(tag) =	ssettag $0x0;
	lr =	simm.s32 $0x1  }
0x2: {  	[smem:$0x3F94] =	sst lr;
	_ =	strace $0xD0000000  }
0x3: {  	_ = 	snop  }
0x4: {  	_ = 	snop  }
0x5: {  	_ = 	snop  }
0x6: {  	_ = 	snop  }
0x7: {  	_ = 	snop  }
__scs_overlays_trampoline_lowered:
0x8: {  	[smem:$0x3FA3] =	sst s0  }
0x9: {  	[smem:$0x3FA4] =	sst s1  }
0xa: {  	[smem:$0x3FA5] =	sst s2  }
0xb: {  	[smem:$0x3FA6] =	sst s3  }
0xc: {  	[smem:$0x3FA7] =	sst s4  }
0xd: {  	[smem:$0x3FA8] =	sst s5  }
0xe: {  	[smem:$0x3FA9] =	sst s6  }
0xf: {  	[smem:$0x3FAA] =	sst s7  }
0x10: {  	[smem:$0x3FAB] =	sst s8  }
0x11: {  	[smem:$0x3FAC] =	sst s9;
	s0 =	simm.s32 @!p0 $0x0  }
0x12: {  	s1 =	sld [smem:$0x3F92];
	s0 =	simm.s32 @p0 $0x1  }
0x13: {  	[smem:$0x3FAD] =	sst s0;
	s0 =	simm.s32 @!p1 $0x0  }
0x14: {  	s2 =	sld [smem:$0x3F91];
	s0 =	simm.s32 @p1 $0x1  }
0x15: {  	[smem:$0x3FAE] =	sst s0;
	s0 =	simm.s32 @!p2 $0x0  }
0x16: {  	s3 =	sld [smem:$0x3FDB];
	s0 =	simm.s32 @p2 $0x1  }
0x17: {  	s4 =	simm.s32 $0x1BF5;
	[smem:$0x3FB0] =	sst s0  }
0x18: {  	s0 =	sld [smem:$0x3F93];
	_ =	swait.ge [sflag:s4], $0x0  }
0x19: {  	s7 =	sld [smem:$0x3F94]  }
0x1a: {  	s8 =	sadd.s32 $0xFFFFE003, lr  }
0x1b: {  	s9 =	sadd.s32 $0xFFFFFEF7, lr;
	s5 =	simm.s32 $0xFFFFFFFF;
	p2 =	slt.u32 s8, $0xFFFFF086  }
0x1c: {  	p1 =	slt.u32 s9, $0xF7A;
	s5 =	simm.s32 @!p2 $0x0  }
0x1d: {  	s5 =	simm.s32 @p1 $0x1;
	p0 =	seq.s32 s7, s2  }
0x1e: {  	s7 =	smul.u32 @!p0 $0xF7A, s2;
	p2 =	seq.s32 @!p0 s5, $0x0  }
0x1f: {  	s9 =	smul.u32 $0xF7A, s1;
	s8 =	simm.s32 @!p0 $0x1BF5;
	p2 =	por !p2, p0  }
0x20: {  	[sflag:s8] =	ssyncset.s32 @!p0 $0xFFFFF086;
	s6 =	sadd.s32 @!p0 s3, s7;
	s7 =	simm.s32 @!p0 $0x108  }
0x21: {  	s3 =	sadd.s32 s3, s9;
	s6 =	sadd.s32 @!p0 $0x88, s6;
	s7 =	simm.s32 @p2 $0x1082  }
0x22: {  	[simem:s7], [sflag:s8] =	dma.local @!p0 [hbm:s6], $0xF7A  }
0x23: {  	s9 =	sor.u32 $0xD0000000, s2;
	s6 =	simm.s32 $0x108;
	_ =	swait.ge @!p0 [sflag:s8], $0x0  }
0x24: {  	s3 =	sadd.s32 $0x88, s3;
	s6 =	simm.s32 @!p1 $0x1082;
	[sflag:s4] =	ssyncset.s32 $0xFFFFF086  }
0x25: {  	[simem:s6], [sflag:s4] =	dma.local [hbm:s3], $0xF7A  }
0x26: {  	[smem:$0x3F94] =	sst s1;
	(tag) =	ssettag s2;
	_ =	strace s9  }
0x27: {  	s1 =	sld [smem:$0x3FA4]  }
0x28: {  	s2 =	sld [smem:$0x3FA5]  }
0x29: {  	s4 =	sld [smem:$0x3FA7]  }
0x2a: {  	p0 =	seq.s32 s5, $0x0;
	s5 =	sld [smem:$0x3FA8]  }
0x2b: {  	s6 =	sld [smem:$0x3FA9]  }
0x2c: {  	s7 =	sld [smem:$0x3FAA]  }
0x2d: {  	s3 =	simm.s32 $0x108;
	s8 =	sld [smem:$0x3FAB]  }
0x2e: {  	s3 =	simm.s32 @!p0 $0x1082;
	s9 =	sld [smem:$0x3FAC]  }
0x2f: {  	lr =	sadd.s32 s0, s3;
	s0 =	sld [smem:$0x3FA3]  }
0x30: {  	s3 =	sld [smem:$0x3FA6]  }
0x31: {  	[smem:$0x3FAF] =	sst s10  }
0x32: {  	s10 =	sld [smem:$0x3FAD];
	_ =	sdelay $0x3  }
0x33: {  	p0 =	seq.s32 s10, $0x1;
	s10 =	sld [smem:$0x3FAF];
	_ =	sdelay $0x3  }
0x34: {  	[smem:$0x3FAF] =	sst s10  }
0x35: {  	s10 =	sld [smem:$0x3FAE];
	_ =	sdelay $0x3  }
0x36: {  	p1 =	seq.s32 s10, $0x1;
	s10 =	sld [smem:$0x3FAF];
	_ =	sdelay $0x3  }
0x37: {  	[smem:$0x3FAF] =	sst s10  }
0x38: {  	s10 =	sld [smem:$0x3FB0]  }
0x39: {  	_ = 	snop;
	(pc) =	sbr.ind lr, $3  }
0x3a: {  	_ = 	snop  }
0x3b: {  	_ = 	snop  }
0x3c: {  	p2 =	seq.s32 s10, $0x1;
	s10 =	sld [smem:$0x3FAF]  }
0x3d: {  	_ =	shalt  }
0x3e: {  	_ =	shalt  }
0x3f: {  	_ =	shalt  }
0x40: {  	_ =	shalt  }
0x41: {  	_ =	shalt  }
0x42: {  	_ =	shalt  }
0x43: {  	_ =	shalt  }
0x44: {  	_ =	shalt  }
0x45: {  	_ =	shalt  }
0x46: {  	_ =	shalt  }
0x47: {  	_ =	shalt  }
0x48: {  	_ =	shalt  }
0x49: {  	_ =	shalt  }
0x4a: {  	_ =	shalt  }
0x4b: {  	_ =	shalt  }
0x4c: {  	_ =	shalt  }
0x4d: {  	_ =	shalt  }
0x4e: {  	_ =	shalt  }
0x4f: {  	_ =	shalt  }
0x50: {  	_ =	shalt  }
0x51: {  	_ =	shalt  }
0x52: {  	_ =	shalt  }
0x53: {  	_ =	shalt  }
0x54: {  	_ =	shalt  }
0x55: {  	_ =	shalt  }
0x56: {  	_ =	shalt  }
0x57: {  	_ =	shalt  }
0x58: {  	_ =	shalt  }
0x59: {  	_ =	shalt  }
0x5a: {  	_ =	shalt  }
0x5b: {  	_ =	shalt  }
0x5c: {  	_ =	shalt  }
0x5d: {  	_ =	shalt  }
0x5e: {  	_ =	shalt  }
0x5f: {  	_ =	shalt  }
0x60: {  	_ =	shalt  }
0x61: {  	_ =	shalt  }
0x62: {  	_ =	shalt  }
0x63: {  	_ =	shalt  }
0x64: {  	_ =	shalt  }
0x65: {  	_ =	shalt  }
0x66: {  	_ =	shalt  }
0x67: {  	_ =	shalt  }
0x68: {  	_ =	shalt  }
0x69: {  	_ =	shalt  }
0x6a: {  	_ =	shalt  }
0x6b: {  	_ =	shalt  }
0x6c: {  	_ =	shalt  }
0x6d: {  	_ =	shalt  }
0x6e: {  	_ =	shalt  }
0x6f: {  	_ =	shalt  }
0x70: {  	_ =	shalt  }
0x71: {  	_ =	shalt  }
0x72: {  	_ =	shalt  }
0x73: {  	_ =	shalt  }
0x74: {  	_ =	shalt  }
0x75: {  	_ =	shalt  }
0x76: {  	_ =	shalt  }
0x77: {  	_ =	shalt  }
0x78: {  	_ =	shalt  }
0x79: {  	_ =	shalt  }
0x7a: {  	_ =	shalt  }
0x7b: {  	_ =	shalt  }
0x7c: {  	_ =	shalt  }
0x7d: {  	_ =	shalt  }
0x7e: {  	_ =	shalt  }
0x7f: {  	_ =	shalt  }
0x80: {  	_ =	shalt  }
0x81: {  	_ =	shalt  }
0x82: {  	_ =	shalt  }
0x83: {  	_ =	shalt  }
0x84: {  	_ =	shalt  }
0x85: {  	_ =	shalt  }
0x86: {  	_ =	shalt  }
0x87: {  	_ =	shalt  }
.Lfunc_end0:
.L_simem_size_0:
called_computation.6_lowered:
.L_overlay_start_0:
0x88: {  	s2 =	sld [smem:$0x3FD9]  }
0x89: {  	s3 =	sld [smem:$0x3FFE];
	_ =	sdelay $0x1  }
0x8a: {  	s1 =	srdreg.scid  }
0x8b: {  	s0 =	sand.u32 $0x1, s1  }
0x8c: {  	s17 =	sshll.u32 s0, $0xA;
	s2 =	sadd.s32 s3, s2  }
0x8d: {  	s2 =	sadd.s32 s2, s17  }
0x8e: {  	[smem:$0x3FBB] =	sst s2  }
0x8f: {  	_ = 	snop  }
0x90: {  	(tm) =	ssettm $0x1  }
0x91: {  	s18 =	sld [smem:$0x3FFB];
	_ =	sdelay $0x3  }
0x92: {  	_ =	strace s18  }
0x93: {  	s2 =	sld [smem:$0x3FFC];
	_ =	sdelay $0x3  }
0x94: {  	_ =	strace s2  }
0x95: {  	s2 =	sld [smem:$0x3FFD];
	_ =	sdelay $0x3  }
0x96: {  	_ =	strace s2  }
0x97: {  	_ =	strace $0x8FFFFFFF  }
0x98: {  	s19 =	sld [smem:$0x3FDB];
	_ =	sdelay $0x1  }
0x99: {  	s20 =	simm.s32 $_scs_section_size  }
0x9a: {  	s4 =	simm.s32 $_size__tile_overlayer_lowered;
	s5 =	simm.s32 $_tile_overlayer_lowered  }
0x9b: {  	s6 =	simm.s32 $0x1BFF;
	s21 =	sshll.u32 s5, $0x1;
	s3 =	sadd.s32 s20, s19  }
0x9c: {  	s22 =	simm.s32 $0x0;
	s4 =	sshll.u32 s4, $0x1;
	s5 =	sadd.s32 s21, s3  }
0x9d: {  	[timem:s22], [sflag:s6] =	dma.local [hbm:s5], s4  }
0x9e: {  	_ =	swait.ge [sflag:s6], s4  }
0x9f: {  	s4 =	ssub.s32 $0x0, s4;
	[sflag:s6] =	ssyncset.done $0x0  }
0xa0: {  	[sflag:s6] =	ssyncadd.s32 s4;
	_ =	sdelay $0x1  }
0xa1: {  	s23 =	simm.s32 $0x1B8B  }
0xa2: {  	_ =	swait.ge [sflag:s23], $0x1  }
0xa3: {  	[sflag:s23] =	ssyncset.done $0x0  }
0xa4: {  	[sflag:s23] =	ssyncadd.s32 $0xFFFFFFFF  }
0xa5: {  	s4 =	sld [smem:$0x0]  }
0xa6: {  	s5 =	sand.u32 $0xFFFFFFFE, s1  }
0xa7: {  	p0 =	sne.s32 s1, s5  }
0xa8: {  	s5 =	sshll.u32 @p0 s5, $0xE  }
0xa9: {  	s5 =	sadd.s32 @p0 $0x11B8D, s5;
	s6 =	sshll.u32 @p0 s4, $0x11  }
0xaa: {  	s5 =	sor.u32 @p0 s6, s5  }
0xab: {  	[sflag:s5] =	ssyncadd.remote.s32 @p0 $0x1;
	_ =	sdelay $0x1  }
0xac: {  	s5 =	simm.s32 @p0 $0x1B8D  }
0xad: {  	_ =	swait.eq @p0 [sflag:s5], $0x1  }
0xae: {  	[sflag:s5] =	ssyncadd.s32 @p0 $0xFFFFFFFF  }
0xaf: {  	s6 =	sshll.u32 @!p0 s1, $0xE  }
0xb0: {  	s6 =	sor.u32 @!p0 $0x4000, s6;
	s5 =	simm.s32 @!p0 $0x1B8D  }
0xb1: {  	s4 =	sshll.u32 @!p0 s4, $0x11;
	s6 =	sadd.s32 @!p0 $0x11B8D, s6;
	_ =	swait.eq @!p0 [sflag:s5], $0x1  }
0xb2: {  	s4 =	sor.u32 @!p0 s4, s6;
	[sflag:s5] =	ssyncadd.s32 @!p0 $0xFFFFFFFF  }
0xb3: {  	s25 =	simm.s32 $0x1B8E;
	s24 =	sld [smem:$0x3FFE];
	[sflag:s4] =	ssyncadd.remote.s32 @!p0 $0x1  }
0xb4: {  	s26 =	simm.s32 $execute0_lowered;
	[smem:$0x3FD2] =	sst s25  }
0xb5: {  	s5 =	sshll.u32 s26, $0x1;
	_ =	strace $0x80000055;
	[dreg:$0x1] =	wrdreg $0xFFFFFFFF  }
0xb6: {  	s28 =	simm.s32 $_size_execute0_lowered;
	s3 =	sadd.s32 s3, s5;
	[dreg:$0x0] =	wrdreg $0x0  }
0xb7: {  	s5 =	sshll.u32 s28, $0x1;
	[dreg:$0x2] =	wrdreg s3  }
0xb8: {  	[dreg:$0x3] =	wrdreg s5  }
0xb9: {  	[dreg:$0x4] =	wrdreg $0xC0  }
0xba: {  	_ =	task [dreg:s22], $0x5FFFF  }
0xbb: {  	[dreg:$0x1] =	wrdreg $0xFFFFFFFF  }
0xbc: {  	[dreg:$0x0] =	wrdreg $0x60  }
0xbd: {  	[dreg:$0x2] =	wrdreg s24  }
0xbe: {  	[dreg:$0x3] =	wrdreg $0x157C00  }
0xbf: {  	[dreg:$0x4] =	wrdreg $0xB  }
0xc0: {  	_ =	task.clear_ibuf [dreg:s22], $0x5FFFF;
	_ =	strace $0x90000055  }
0xc1: {  	s29 =	simm.s32 $0xB;
	_ =	strace $0x80000057  }
0xc2: {  	_ =	swait.ge [sflag:s29], $0x1  }
0xc3: {  	[sflag:s29] =	ssyncadd.s32 $0xFFFFFFFF  }
0xc4: {  	_ =	strace $0x90000057  }
0xc5: {  	_ =	sfence  }
0xc6: {  	s30 =	sld [smem:$0x0];
	_ =	sdelay $0x2  }
0xc7: {  	s31 =	sshll.u32 s1, $0xD;
	s1 =	sshrl.u32 s1, $0x2  }
0xc8: {  	s4 =	sand.u32 $0x4000, s31;
	s1 =	sadd.s32 s1, s30  }
0xc9: {  	s0 =	sor.u32 s4, s0;
	s1 =	sshll.u32 s1, $0x11  }
0xca: {  	s0 =	sor.u32 s1, s0  }
0xcb: {  	s0 =	sadd.s32 $0x8F2B, s0  }
0xcc: {  	[sflag:s0] =	ssyncadd.remote.s32 $0x1  }
0xcd: {  	_ =	sfence.sel $0xFFFF  }
0xce: {  	[dreg:$0x0] =	wrdreg $0xFFFFFFFF;
	(pc) =	sbr.abs _section_cstart, $3  }
0xcf: {  	[dreg:$0x1] =	wrdreg $0xFFFFFFFF  }
0xd0: {  	_ =	task.clear_ibuf [dreg:s22], $0x2FFFF;
	_ =	strace $0x9FFFFFFF  }
0xd1: {  	(tm) =	ssettm $0x7FFFFFFF  }
tec
execute0_lowered:
.L_overlay_start_1:
0x0: {  	(tag) =	ssettag $0x1  }
0x1: {  	s8 =	rddreg [dreg:$0x0]  }
0x2: {  	s1 =	rddreg [dreg:$0x1];
	s2 =	simm.s32 $0x0;
	s3 =	srdreg.scid  }
0x3: {  	s13 =	simm.s32 $0x190;
	s14 =	simm.s32 $0xC350;
	s15 =	simm.s32 $0x3  }
0x4: {  	s17 =	simm.s32 $0x8FC0;
	s18 =	simm.s32 $0xF3C0;
	s19 =	simm.s32 $0x1  }
0x5: {  	s20 =	simm.s32 $0x2A30;
	s21 =	simm.s32 $0x4;
	s22 =	simm.s32 $0x2  }
0x6: {  	s23 =	simm.s32 $0x0;
	[smem:$0x7FF] =	sst s2;
	s4 =	sadd.s32 $0x3034E00, s8  }
0x7: {  	s5 =	sand.u32 $0x1, s3;
	s3 =	stileid.u32;
	s7 =	sadd.s32 $0xE87400, s8  }
.Ltmp0:
0x8: {  	s6 =	sadd.s32 $0x2D000, s8;
	s8 =	sadd.s32 $0x1E4E00, s8;
	(pc) =	sbr.rel .LBB2_1-.Ltmp0, $4  }
0x9: {  	s9 =	ssub.s32 $0x2, s5;
	s10 =	smul.u32 $0x19000, s3;
	s16 =	sshll.u32 s3, $0x6  }
0xa: {  	_ =	strace $0x80000056;
	s11 =	sshrl.u32 s9, $0x1;
	s16 =	sor.u32 $0x1C03, s16  }
0xb: {  	s12 =	ssub.s32 s9, s11;
	s9 =	sshll.u32 s3, $0x1;
	s31 =	sshrl.u32 s10, $0x2  }
0xc: {  	v0 =	vlaneseq.u32;
	v1 =	vimm.f32 $0.0e+00;
	s10 =	smul.u32 $0x190, s3;
	s11 =	sadd.s32 s31, s1;
	s12 =	smax.u32 s12, $0x1  }
.LBB2_11:
0xd: {  	s23 =	sadd.s32 $0x1, s23  }
0xe: {  	p0 =	sne.s32 s23, s12  }
.Ltmp1:
0xf: {  	_ = 	snop;
	(pc) =	sbr.rel @!p0 .LBB2_12-.Ltmp1, $1  }
0x10: {  	_ =	sdelay $0x3  }
.LBB2_1:
0x11: {  	_ = 	snop  }
0x12: {  	s25 =	simm.s32 $0x40;
	s28 =	simm.s32 $0x0;
	v2 =	vor.u32 s10, v0;
	s26 =	smov.u32 s10  }
.LBB2_2:
0x13: {  	p0 =	sne.s32 s25, $0x600  }
0x14: {  	[tilespmem:s28+$0x2A30] =	vst v2;
	s26 =	sadd.s32 $0x10, s26;
	s24 =	smov.u32 s25;
	s25 =	sadd.s32 $0x40, s25  }
.Ltmp2:
0x15: {  	(pc) =	sbr.rel @p0 .LBB2_2-.Ltmp2, $2  }
0x16: {  	_ =	sdelay $0x2  }
0x17: {  	v2 =	vor.u32 s26, v0;
	s28 =	sshra.s32 s24, $0x2;
	s24 =	simm.s32 $0x0  }
0x18: {  	[tilespmem:s28+$0x2A30] =	vst v2;
	s26 =	simm.s32 $0x100;
	s25 =	simm.s32 $0x0  }
.LBB2_4:
0x19: {  	p0 =	sne.s32 s26, $0x18F00;
	[tilespmem:s25+$0x2BF0] =	vst v1;
	s28 =	smov.u32 s26;
	s26 =	sadd.s32 $0x100, s26  }
.Ltmp3:
0x1a: {  	[tilespmem:s25+$0x2BE0] =	vst v1;
	(pc) =	sbr.rel @p0 .LBB2_4-.Ltmp3, $3  }
0x1b: {  	[tilespmem:s25+$0x2BC0] =	vst v1  }
0x1c: {  	[tilespmem:s25+$0x2BD0] =	vst v1;
	_ =	sdelay $0x1  }
0x1d: {  	s25 =	sshra.s32 s28, $0x2  }
.Ltmp4:
0x1e: {  	(pc) =	sbr.rel .LBB2_6-.Ltmp4, $4  }
0x1f: {  	[tilespmem:s25+$0x2BF0] =	vst v1  }
0x20: {  	[tilespmem:s25+$0x2BE0] =	vst v1  }
0x21: {  	[tilespmem:s25+$0x2BC0] =	vst v1  }
0x22: {  	[tilespmem:s25+$0x2BD0] =	vst v1  }
.LBB2_10:
0x23: {  	s24 =	sadd.s32 $0x1, s24  }
0x24: {  	p0 =	sne.s32 s24, $0x4  }
.Ltmp5:
0x25: {  	_ = 	snop;
	(pc) =	sbr.rel @!p0 .LBB2_11-.Ltmp5, $1  }
0x26: {  	_ =	sdelay $0x3  }
.LBB2_6:
0x27: {  	s25 =	sshll.u32 s24, $0x5  }
0x28: {  	s25 =	sor.u32 s25, s9  }
0x29: {  	s25 =	sor.u32 s5, s25  }
0x2a: {  	p0 =	sgt.u32 s25, $0x7C  }
.Ltmp6:
0x2b: {  	_ = 	snop;
	(pc) =	sbr.rel @p0 .LBB2_10-.Ltmp6, $1  }
0x2c: {  	_ =	sdelay $0x3  }
0x2d: {  	s26 =	smul.u32 $0x32, s25;
	_ =	sdelay $0x1  }
0x2e: {  	s26 =	sadd.s32 s6, s26  }
0x2f: {  	[tilespmem:s2], [sflag:$0x3] =	stream.strided.gather [hbm4b:s26+s13], $0x2A30, s14, s13, $0x38;
	[tilespmem:$0x1BBC0] =	vst v63  }
0x30: {  	s25 =	smul.u32 $0xC80, s25;
	_ =	swait.ge [sflag:s15], $0x2A30  }
0x31: {  	[sflag:s15] =	ssyncset.done $0x0  }
0x32: {  	s28 =	sadd.s32 s7, s25;
	s26 =	sshrl.u32 s11, $0x3;
	[sflag:s15] =	ssyncadd.s32 $0xFFFFD5D0  }
0x33: {  	[spmem:s26], [sflag:s16] =	dma.local [hbm:s28], $0xC80  }
0x34: {  	_ =	swait.ge [sflag:s15], $0xC80  }
0x35: {  	[sflag:s15] =	ssyncset.done $0x0  }
0x36: {  	[sflag:s15] =	ssyncadd.s32 $0xFFFFF380  }
0x37: {  	[tilespmem:s17], [sflag:$0x1] =	stream.indirect.gather [hbm4b:s4+s13], $0x40, s2, s13, $0xb8;
	[tilespmem:$0x1BBC0] =	vst v63  }
0x38: {  	s28 =	simm.s32 $0x190  }
0x39: {  	[tilespmem:s18], [sflag:$0x2] =	stream.indirect.gather [hbm4b:s4+s13], $0x40, s28, s13, $0xb8;
	[tilespmem:$0x1BBC0] =	vst v63  }
0x3a: {  	_ =	swait.ge [sflag:s19], $0x6400  }
0x3b: {  	[sflag:s19] =	ssyncset.done $0x0  }
0x3c: {  	[sflag:s19] =	ssyncadd.s32 $0xFFFF9C00  }
0x3d: {  	[spmem:s1] =	stream.indirect.scatter.add.f32 [tilespmem:s17], [sflag:$0x4], $0x40, s20, s13, $0xb8;
	[tilespmem:$0x1BBC0] =	vst v63  }
0x3e: {  	_ =	swait.ge [sflag:s21], $0x6400  }
0x3f: {  	[sflag:s21] =	ssyncset.done $0x0  }
0x40: {  	s28 =	simm.s32 $0x320;
	[sflag:s21] =	ssyncadd.s32 $0xFFFF9C00  }
0x41: {  	[tilespmem:s17], [sflag:$0x1] =	stream.indirect.gather [hbm4b:s4+s13], $0x40, s28, s13, $0xb8;
	[tilespmem:$0x1BBC0] =	vst v63  }
0x42: {  	_ =	swait.ge [sflag:s22], $0x6400  }
0x43: {  	[sflag:s22] =	ssyncset.done $0x0  }
0x44: {  	[sflag:s22] =	ssyncadd.s32 $0xFFFF9C00  }
0x45: {  	[spmem:s1] =	stream.indirect.scatter.add.f32 [tilespmem:s18], [sflag:$0x4], $0x40, s20, s13, $0xb8;
	[tilespmem:$0x1BBC0] =	vst v63  }
0x46: {  	_ =	swait.ge [sflag:s21], $0x6400  }
0x47: {  	s29 =	simm.s32 $0xFFFF7680;
	s28 =	simm.s32 $0xFFFFDA80;
	[sflag:s21] =	ssyncset.done $0x0  }
.LBB2_8:
0x48: {  	s30 =	sadd.s32 $0x2A30, s28  }
0x49: {  	[sflag:s21] =	ssyncadd.s32 $0xFFFF9C00;
	s31 =	smov.u32 s29;
	s0 =	sadd.s32 $0xC80, s29  }
0x4a: {  	[tilespmem:s18], [sflag:$0x2] =	stream.indirect.gather [hbm4b:s4+s13], $0x40, s30, s13, $0xb8;
	[tilespmem:$0x1BBC0] =	vst v63  }
0x4b: {  	p0 =	sne.s32 s29, $0xFFFFF380;
	_ =	swait.ge [sflag:s19], $0x6400  }
0x4c: {  	[sflag:s19] =	ssyncset.done $0x0  }
0x4d: {  	[sflag:s19] =	ssyncadd.s32 $0xFFFF9C00  }
0x4e: {  	[spmem:s1] =	stream.indirect.scatter.add.f32 [tilespmem:s17], [sflag:$0x4], $0x40, s20, s13, $0xb8;
	[tilespmem:$0x1BBC0] =	vst v63  }
0x4f: {  	_ =	swait.ge [sflag:s21], $0x6400  }
0x50: {  	[sflag:s21] =	ssyncset.done $0x0  }
0x51: {  	s28 =	sadd.s32 $0x2BC0, s28;
	[sflag:s21] =	ssyncadd.s32 $0xFFFF9C00  }
0x52: {  	[tilespmem:s17], [sflag:$0x1] =	stream.indirect.gather [hbm4b:s4+s13], $0x40, s28, s13, $0xb8;
	[tilespmem:$0x1BBC0] =	vst v63  }
0x53: {  	_ =	swait.ge [sflag:s22], $0x6400  }
.Ltmp7:
0x54: {  	[sflag:s22] =	ssyncset.done $0x0;
	(pc) =	sbr.rel @p0 .LBB2_8-.Ltmp7, $4  }
0x55: {  	[sflag:s22] =	ssyncadd.s32 $0xFFFF9C00  }
0x56: {  	[spmem:s1] =	stream.indirect.scatter.add.f32 [tilespmem:s18], [sflag:$0x4], $0x40, s20, s13, $0xb8;
	[tilespmem:$0x1BBC0] =	vst v63  }
0x57: {  	_ =	swait.ge [sflag:s21], $0x6400  }
0x58: {  	s29 =	smov.u32 s0;
	s28 =	sshra.s32 s31, $0x2;
	[sflag:s21] =	ssyncset.done $0x0  }
0x59: {  	s0 =	sadd.s32 $0x2A30, s28;
	[sflag:s21] =	ssyncadd.s32 $0xFFFF9C00  }
0x5a: {  	[tilespmem:s18], [sflag:$0x2] =	stream.indirect.gather [hbm4b:s4+s13], $0x40, s0, s13, $0xb8;
	[tilespmem:$0x1BBC0] =	vst v63  }
0x5b: {  	_ =	swait.ge [sflag:s19], $0x6400  }
0x5c: {  	[sflag:s19] =	ssyncset.done $0x0  }
0x5d: {  	[sflag:s19] =	ssyncadd.s32 $0xFFFF9C00  }
0x5e: {  	[spmem:s1] =	stream.indirect.scatter.add.f32 [tilespmem:s17], [sflag:$0x4], $0x40, s20, s13, $0xb8;
	[tilespmem:$0x1BBC0] =	vst v63  }
0x5f: {  	_ =	swait.ge [sflag:s21], $0x6400  }
0x60: {  	[sflag:s21] =	ssyncset.done $0x0  }
0x61: {  	s30 =	sadd.s32 $0x2BC0, s28;
	[sflag:s21] =	ssyncadd.s32 $0xFFFF9C00  }
0x62: {  	[tilespmem:s17], [sflag:$0x1] =	stream.indirect.gather [hbm4b:s4+s13], $0x40, s30, s13, $0xb8;
	[tilespmem:$0x1BBC0] =	vst v63  }
0x63: {  	_ =	swait.ge [sflag:s22], $0x6400  }
0x64: {  	[sflag:s22] =	ssyncset.done $0x0  }
0x65: {  	[sflag:s22] =	ssyncadd.s32 $0xFFFF9C00  }
0x66: {  	[spmem:s1] =	stream.indirect.scatter.add.f32 [tilespmem:s18], [sflag:$0x4], $0x40, s20, s13, $0xb8;
	[tilespmem:$0x1BBC0] =	vst v63  }
0x67: {  	_ =	swait.ge [sflag:s21], $0x6400  }
0x68: {  	[sflag:s21] =	ssyncset.done $0x0  }
0x69: {  	[sflag:s21] =	ssyncadd.s32 $0xFFFF9C00  }
0x6a: {  	_ =	swait.ge [sflag:s19], $0x6400  }
0x6b: {  	[sflag:s19] =	ssyncset.done $0x0  }
0x6c: {  	[sflag:s19] =	ssyncadd.s32 $0xFFFF9C00  }
0x6d: {  	[spmem:s1] =	stream.indirect.scatter.add.f32 [tilespmem:s17], [sflag:$0x4], $0x40, s20, s13, $0xb8;
	[tilespmem:$0x1BBC0] =	vst v63  }
0x6e: {  	_ =	swait.ge [sflag:s21], $0x6400  }
0x6f: {  	[sflag:s21] =	ssyncset.done $0x0  }
.Ltmp8:
0x70: {  	s31 =	sadd.s32 s8, s25;
	[sflag:s21] =	ssyncadd.s32 $0xFFFF9C00;
	(pc) =	sbr.rel .LBB2_10-.Ltmp8, $4  }
0x71: {  	[hbm:s31], [sflag:s16] =	dma.local [spmem:s26], $0xC80  }
0x72: {  	_ =	swait.ge [sflag:s15], $0xC80  }
0x73: {  	[sflag:s15] =	ssyncset.done $0x0  }
0x74: {  	[sflag:s15] =	ssyncadd.s32 $0xFFFFF380  }
.LBB2_12:
0x75: {  	_ =	sfence.sel $0x180000  }
0x76: {  	[bflag:$0x0] =	sbarrier.arrive $0xFFFF  }
0x77: {  	_ =	strace $0x90000056  }
0x78: {  	[bflag:$0x2] =	sbarrier.arrive $0xFFFF  }
0x79: {  	p0 =	sne.s32 s3, $0x0;
	s0 =	rddreg [dreg:$0x2]  }
0x7a: {  	s0 =	sadd.s32 @!p0 $0x100000, s0  }
0x7b: {  	[sflag:s0] =	ssyncadd.tile.s32 @!p0 $0x1;
	_ =	shalt  }
.Lfunc_end2:
_tile_overlayer_lowered:
.L_overlay_start_2:
0x7c: {  	(tag) =	ssettag $0x2  }
0x7d: {  	s0 =	rddreg [dreg:$0x0];
	s2 =	stileid.u32  }
0x7e: {  	s1 =	rddreg [dreg:$0x1];
	p0 =	sne.s32 s2, $0x0  }
0x7f: {  	s3 =	rddreg [dreg:$0x2];
	[bflag:$0x3] =	sbarrier.arrive $0xFFFF;
	s2 =	simm.s32 @!p0 $0x1C04  }
0x80: {  	[timem:s3], [sflag:s2] =	dma.local @!p0 [hbm:s0], s1  }
0x81: {  	s0 =	simm.s32 @!p0 $0x4  }
0x82: {  	_ =	swait.ge @!p0 [sflag:s0], s1  }
0x83: {  	s1 =	ssub.s32 @!p0 $0x0, s1;
	[sflag:s0] =	ssyncset.done @!p0 $0x0  }
0x84: {  	[sflag:s0] =	ssyncadd.s32 @!p0 s1  }
0x85: {  	[bflag:$0x3] =	sbarrier.arrive $0xFFFF  }
0x86: {  	_ =	shalt  }

// kernel: kernel.45.cloned.1.call-start
scs
__scs_entry_jumppad:
0x0: {  	(pc) =	sbr.rel $0x88, $3  }
0x1: {  	(tag) =	ssettag $0x0;
	lr =	simm.s32 $0x1  }
0x2: {  	[smem:$0x3F94] =	sst lr;
	_ =	strace $0xD0000000  }
0x3: {  	_ = 	snop  }
0x4: {  	_ = 	snop  }
0x5: {  	_ = 	snop  }
0x6: {  	_ = 	snop  }
0x7: {  	_ = 	snop  }
__scs_overlays_trampoline_lowered:
0x8: {  	[smem:$0x3FA3] =	sst s0  }
0x9: {  	[smem:$0x3FA4] =	sst s1  }
0xa: {  	[smem:$0x3FA5] =	sst s2  }
0xb: {  	[smem:$0x3FA6] =	sst s3  }
0xc: {  	[smem:$0x3FA7] =	sst s4  }
0xd: {  	[smem:$0x3FA8] =	sst s5  }
0xe: {  	[smem:$0x3FA9] =	sst s6  }
0xf: {  	[smem:$0x3FAA] =	sst s7  }
0x10: {  	[smem:$0x3FAB] =	sst s8  }
0x11: {  	[smem:$0x3FAC] =	sst s9;
	s0 =	simm.s32 @!p0 $0x0  }
0x12: {  	s1 =	sld [smem:$0x3F92];
	s0 =	simm.s32 @p0 $0x1  }
0x13: {  	[smem:$0x3FAD] =	sst s0;
	s0 =	simm.s32 @!p1 $0x0  }
0x14: {  	s2 =	sld [smem:$0x3F91];
	s0 =	simm.s32 @p1 $0x1  }
0x15: {  	[smem:$0x3FAE] =	sst s0;
	s0 =	simm.s32 @!p2 $0x0  }
0x16: {  	s3 =	sld [smem:$0x3FDB];
	s0 =	simm.s32 @p2 $0x1  }
0x17: {  	s4 =	simm.s32 $0x1BF5;
	[smem:$0x3FB0] =	sst s0  }
0x18: {  	s0 =	sld [smem:$0x3F93];
	_ =	swait.ge [sflag:s4], $0x0  }
0x19: {  	s7 =	sld [smem:$0x3F94]  }
0x1a: {  	s8 =	sadd.s32 $0xFFFFE003, lr  }
0x1b: {  	s9 =	sadd.s32 $0xFFFFFEF7, lr;
	s5 =	simm.s32 $0xFFFFFFFF;
	p2 =	slt.u32 s8, $0xFFFFF086  }
0x1c: {  	p1 =	slt.u32 s9, $0xF7A;
	s5 =	simm.s32 @!p2 $0x0  }
0x1d: {  	s5 =	simm.s32 @p1 $0x1;
	p0 =	seq.s32 s7, s2  }
0x1e: {  	s7 =	smul.u32 @!p0 $0xF7A, s2;
	p2 =	seq.s32 @!p0 s5, $0x0  }
0x1f: {  	s9 =	smul.u32 $0xF7A, s1;
	s8 =	simm.s32 @!p0 $0x1BF5;
	p2 =	por !p2, p0  }
0x20: {  	[sflag:s8] =	ssyncset.s32 @!p0 $0xFFFFF086;
	s6 =	sadd.s32 @!p0 s3, s7;
	s7 =	simm.s32 @!p0 $0x108  }
0x21: {  	s3 =	sadd.s32 s3, s9;
	s6 =	sadd.s32 @!p0 $0x88, s6;
	s7 =	simm.s32 @p2 $0x1082  }
0x22: {  	[simem:s7], [sflag:s8] =	dma.local @!p0 [hbm:s6], $0xF7A  }
0x23: {  	s9 =	sor.u32 $0xD0000000, s2;
	s6 =	simm.s32 $0x108;
	_ =	swait.ge @!p0 [sflag:s8], $0x0  }
0x24: {  	s3 =	sadd.s32 $0x88, s3;
	s6 =	simm.s32 @!p1 $0x1082;
	[sflag:s4] =	ssyncset.s32 $0xFFFFF086  }
0x25: {  	[simem:s6], [sflag:s4] =	dma.local [hbm:s3], $0xF7A  }
0x26: {  	[smem:$0x3F94] =	sst s1;
	(tag) =	ssettag s2;
	_ =	strace s9  }
0x27: {  	s1 =	sld [smem:$0x3FA4]  }
0x28: {  	s2 =	sld [smem:$0x3FA5]  }
0x29: {  	s4 =	sld [smem:$0x3FA7]  }
0x2a: {  	p0 =	seq.s32 s5, $0x0;
	s5 =	sld [smem:$0x3FA8]  }
0x2b: {  	s6 =	sld [smem:$0x3FA9]  }
0x2c: {  	s7 =	sld [smem:$0x3FAA]  }
0x2d: {  	s3 =	simm.s32 $0x108;
	s8 =	sld [smem:$0x3FAB]  }
0x2e: {  	s3 =	simm.s32 @!p0 $0x1082;
	s9 =	sld [smem:$0x3FAC]  }
0x2f: {  	lr =	sadd.s32 s0, s3;
	s0 =	sld [smem:$0x3FA3]  }
0x30: {  	s3 =	sld [smem:$0x3FA6]  }
0x31: {  	[smem:$0x3FAF] =	sst s10  }
0x32: {  	s10 =	sld [smem:$0x3FAD];
	_ =	sdelay $0x3  }
0x33: {  	p0 =	seq.s32 s10, $0x1;
	s10 =	sld [smem:$0x3FAF];
	_ =	sdelay $0x3  }
0x34: {  	[smem:$0x3FAF] =	sst s10  }
0x35: {  	s10 =	sld [smem:$0x3FAE];
	_ =	sdelay $0x3  }
0x36: {  	p1 =	seq.s32 s10, $0x1;
	s10 =	sld [smem:$0x3FAF];
	_ =	sdelay $0x3  }
0x37: {  	[smem:$0x3FAF] =	sst s10  }
0x38: {  	s10 =	sld [smem:$0x3FB0]  }
0x39: {  	_ = 	snop;
	(pc) =	sbr.ind lr, $3  }
0x3a: {  	_ = 	snop  }
0x3b: {  	_ = 	snop  }
0x3c: {  	p2 =	seq.s32 s10, $0x1;
	s10 =	sld [smem:$0x3FAF]  }
0x3d: {  	_ =	shalt  }
0x3e: {  	_ =	shalt  }
0x3f: {  	_ =	shalt  }
0x40: {  	_ =	shalt  }
0x41: {  	_ =	shalt  }
0x42: {  	_ =	shalt  }
0x43: {  	_ =	shalt  }
0x44: {  	_ =	shalt  }
0x45: {  	_ =	shalt  }
0x46: {  	_ =	shalt  }
0x47: {  	_ =	shalt  }
0x48: {  	_ =	shalt  }
0x49: {  	_ =	shalt  }
0x4a: {  	_ =	shalt  }
0x4b: {  	_ =	shalt  }
0x4c: {  	_ =	shalt  }
0x4d: {  	_ =	shalt  }
0x4e: {  	_ =	shalt  }
0x4f: {  	_ =	shalt  }
0x50: {  	_ =	shalt  }
0x51: {  	_ =	shalt  }
0x52: {  	_ =	shalt  }
0x53: {  	_ =	shalt  }
0x54: {  	_ =	shalt  }
0x55: {  	_ =	shalt  }
0x56: {  	_ =	shalt  }
0x57: {  	_ =	shalt  }
0x58: {  	_ =	shalt  }
0x59: {  	_ =	shalt  }
0x5a: {  	_ =	shalt  }
0x5b: {  	_ =	shalt  }
0x5c: {  	_ =	shalt  }
0x5d: {  	_ =	shalt  }
0x5e: {  	_ =	shalt  }
0x5f: {  	_ =	shalt  }
0x60: {  	_ =	shalt  }
0x61: {  	_ =	shalt  }
0x62: {  	_ =	shalt  }
0x63: {  	_ =	shalt  }
0x64: {  	_ =	shalt  }
0x65: {  	_ =	shalt  }
0x66: {  	_ =	shalt  }
0x67: {  	_ =	shalt  }
0x68: {  	_ =	shalt  }
0x69: {  	_ =	shalt  }
0x6a: {  	_ =	shalt  }
0x6b: {  	_ =	shalt  }
0x6c: {  	_ =	shalt  }
0x6d: {  	_ =	shalt  }
0x6e: {  	_ =	shalt  }
0x6f: {  	_ =	shalt  }
0x70: {  	_ =	shalt  }
0x71: {  	_ =	shalt  }
0x72: {  	_ =	shalt  }
0x73: {  	_ =	shalt  }
0x74: {  	_ =	shalt  }
0x75: {  	_ =	shalt  }
0x76: {  	_ =	shalt  }
0x77: {  	_ =	shalt  }
0x78: {  	_ =	shalt  }
0x79: {  	_ =	shalt  }
0x7a: {  	_ =	shalt  }
0x7b: {  	_ =	shalt  }
0x7c: {  	_ =	shalt  }
0x7d: {  	_ =	shalt  }
0x7e: {  	_ =	shalt  }
0x7f: {  	_ =	shalt  }
0x80: {  	_ =	shalt  }
0x81: {  	_ =	shalt  }
0x82: {  	_ =	shalt  }
0x83: {  	_ =	shalt  }
0x84: {  	_ =	shalt  }
0x85: {  	_ =	shalt  }
0x86: {  	_ =	shalt  }
0x87: {  	_ =	shalt  }
.Lfunc_end0:
.L_simem_size_0:
called_computation.7_lowered:
.L_overlay_start_0:
0x88: {  	s2 =	sld [smem:$0x3FD9]  }
0x89: {  	s3 =	sld [smem:$0x3FFE];
	_ =	sdelay $0x1  }
0x8a: {  	s1 =	srdreg.scid  }
0x8b: {  	s0 =	sand.u32 $0x1, s1  }
0x8c: {  	s16 =	sshll.u32 s0, $0xA;
	s2 =	sadd.s32 s3, s2  }
0x8d: {  	s2 =	sadd.s32 s2, s16  }
0x8e: {  	[smem:$0x3FBB] =	sst s2  }
0x8f: {  	_ = 	snop  }
0x90: {  	(tm) =	ssettm $0x1  }
0x91: {  	s17 =	sld [smem:$0x3FFB];
	_ =	sdelay $0x3  }
0x92: {  	_ =	strace s17  }
0x93: {  	s2 =	sld [smem:$0x3FFC];
	_ =	sdelay $0x3  }
0x94: {  	_ =	strace s2  }
0x95: {  	s2 =	sld [smem:$0x3FFD];
	_ =	sdelay $0x3  }
0x96: {  	_ =	strace s2  }
0x97: {  	_ =	strace $0x8FFFFFFF  }
0x98: {  	s18 =	sld [smem:$0x3FDB];
	_ =	sdelay $0x1  }
0x99: {  	s19 =	simm.s32 $_scs_section_size  }
0x9a: {  	s4 =	simm.s32 $_size__tile_overlayer_lowered;
	s5 =	simm.s32 $_tile_overlayer_lowered  }
0x9b: {  	s22 =	simm.s32 $0x1BFF;
	s21 =	sshll.u32 s5, $0x1;
	s2 =	sadd.s32 s19, s18  }
0x9c: {  	s6 =	simm.s32 $0x0;
	s20 =	sshll.u32 s4, $0x1;
	s4 =	sadd.s32 s21, s2  }
0x9d: {  	[timem:s6], [sflag:s22] =	dma.local [hbm:s4], s20  }
0x9e: {  	_ =	swait.ge [sflag:s22], s20  }
0x9f: {  	s3 =	ssub.s32 $0x0, s20;
	[sflag:s22] =	ssyncset.done $0x0  }
0xa0: {  	[sflag:s22] =	ssyncadd.s32 s3;
	_ =	sdelay $0x1  }
0xa1: {  	s23 =	simm.s32 $0x1B8B  }
0xa2: {  	_ =	swait.ge [sflag:s23], $0x1  }
0xa3: {  	[sflag:s23] =	ssyncset.done $0x0  }
0xa4: {  	s25 =	simm.s32 $0x1B8E;
	s24 =	sld [smem:$0x3FFE];
	[sflag:s23] =	ssyncadd.s32 $0xFFFFFFFF  }
0xa5: {  	s26 =	simm.s32 $execute0_lowered;
	[smem:$0x3FD2] =	sst s25  }
0xa6: {  	s4 =	sshll.u32 s26, $0x1;
	_ =	strace $0x80000046;
	[dreg:$0x1] =	wrdreg $0xFFFFFFFF  }
0xa7: {  	s28 =	simm.s32 $_size_execute0_lowered;
	s2 =	sadd.s32 s2, s4;
	[dreg:$0x0] =	wrdreg $0x0  }
0xa8: {  	s4 =	sshll.u32 s28, $0x1;
	[dreg:$0x2] =	wrdreg s2  }
0xa9: {  	[dreg:$0x3] =	wrdreg s4  }
0xaa: {  	[dreg:$0x4] =	wrdreg $0xC0  }
0xab: {  	_ =	task [dreg:s6], $0x5FFFF  }
0xac: {  	[dreg:$0x1] =	wrdreg $0xFFFFFFFF  }
0xad: {  	[dreg:$0x0] =	wrdreg $0x60  }
0xae: {  	[dreg:$0x2] =	wrdreg s24  }
0xaf: {  	[dreg:$0x3] =	wrdreg $0x157C00  }
0xb0: {  	[dreg:$0x4] =	wrdreg $0xC  }
0xb1: {  	_ =	task.clear_ibuf [dreg:s6], $0x5FFFF;
	_ =	strace $0x90000046  }
0xb2: {  	s29 =	simm.s32 $0xC;
	_ =	strace $0x80000048  }
0xb3: {  	_ =	swait.ge [sflag:s29], $0x1  }
0xb4: {  	[sflag:s29] =	ssyncadd.s32 $0xFFFFFFFF  }
0xb5: {  	_ =	strace $0x90000048  }
0xb6: {  	_ =	sfence  }
0xb7: {  	s30 =	sld [smem:$0x0];
	_ =	sdelay $0x2  }
0xb8: {  	s31 =	sshll.u32 s1, $0xD;
	s1 =	sshrl.u32 s1, $0x2  }
0xb9: {  	s3 =	sand.u32 $0x4000, s31;
	s1 =	sadd.s32 s1, s30  }
0xba: {  	s0 =	sor.u32 s3, s0;
	s1 =	sshll.u32 s1, $0x11  }
0xbb: {  	s0 =	sor.u32 s1, s0  }
0xbc: {  	s0 =	sadd.s32 $0x8F2B, s0  }
0xbd: {  	[sflag:s0] =	ssyncadd.remote.s32 $0x1  }
0xbe: {  	_ =	sfence.sel $0xFFFF  }
0xbf: {  	[dreg:$0x0] =	wrdreg $0xFFFFFFFF;
	(pc) =	sbr.abs _section_cstart, $3  }
0xc0: {  	[dreg:$0x1] =	wrdreg $0xFFFFFFFF  }
0xc1: {  	_ =	task.clear_ibuf [dreg:s6], $0x2FFFF;
	_ =	strace $0x9FFFFFFF  }
0xc2: {  	(tm) =	ssettm $0x7FFFFFFF  }
0xc3: {  	_ =	shalt  }
tec
execute0_lowered:
.L_overlay_start_1:
0x0: {  	(tag) =	ssettag $0x1  }
0x1: {  	s7 =	rddreg [dreg:$0x0]  }
0x2: {  	s1 =	rddreg [dreg:$0x1]  }
0x3: {  	s0 =	rddreg [dreg:$0x2]  }
0x4: {  	s3 =	simm.s32 $0x0;
	s2 =	srdreg.scid;
	s12 =	simm.s32 $0x190  }
0x5: {  	s13 =	simm.s32 $0xC350;
	s14 =	simm.s32 $0x3;
	s15 =	simm.s32 $0x2BC0  }
0x6: {  	s16 =	simm.s32 $0x8FC0;
	s17 =	simm.s32 $0xF3C0;
	s18 =	simm.s32 $0x1  }
0x7: {  	s19 =	simm.s32 $0x2A30;
	s20 =	simm.s32 $0x4;
	s21 =	simm.s32 $0x2  }
0x8: {  	s22 =	simm.s32 $0x0;
	[smem:$0x7FF] =	sst s3;
	s4 =	sand.u32 $0x1, s2  }
.Ltmp0:
0x9: {  	s2 =	stileid.u32;
	s5 =	sadd.s32 $0xE87600, s7;
	(pc) =	sbr.rel .LBB2_1-.Ltmp0, $4  }
0xa: {  	s6 =	sadd.s32 $0x96600, s7;
	s8 =	ssub.s32 $0x2, s4;
	s9 =	smul.u32 $0x19000, s2  }
0xb: {  	s7 =	sadd.s32 $0x36BA00, s7;
	_ =	strace $0x80000047;
	s10 =	sshrl.u32 s8, $0x1  }
0xc: {  	s11 =	ssub.s32 s8, s10;
	s31 =	sshrl.u32 s9, $0x2;
	s8 =	sshll.u32 s2, $0x1  }
0xd: {  	v0 =	vlaneseq.u32;
	v1 =	vimm.f32 $0.0e+00;
	s9 =	smul.u32 $0x190, s2;
	s10 =	sadd.s32 s31, s1;
	s11 =	smax.u32 s11, $0x1  }
.LBB2_11:
0xe: {  	s22 =	sadd.s32 $0x1, s22  }
0xf: {  	p0 =	sne.s32 s22, s11  }
.Ltmp1:
0x10: {  	_ = 	snop;
	(pc) =	sbr.rel @!p0 .LBB2_12-.Ltmp1, $1  }
0x11: {  	_ =	sdelay $0x3  }
.LBB2_1:
0x12: {  	_ = 	snop  }
0x13: {  	s24 =	simm.s32 $0x40;
	s26 =	simm.s32 $0x0;
	v2 =	vor.u32 s9, v0;
	s25 =	smov.u32 s9  }
.LBB2_2:
0x14: {  	p0 =	sne.s32 s24, $0x600  }
0x15: {  	[tilespmem:s26+$0x2A30] =	vst v2;
	s25 =	sadd.s32 $0x10, s25;
	s23 =	smov.u32 s24;
	s24 =	sadd.s32 $0x40, s24  }
.Ltmp2:
0x16: {  	(pc) =	sbr.rel @p0 .LBB2_2-.Ltmp2, $2  }
0x17: {  	_ =	sdelay $0x2  }
0x18: {  	v2 =	vor.u32 s25, v0;
	s26 =	sshra.s32 s23, $0x2;
	s23 =	simm.s32 $0x0  }
0x19: {  	[tilespmem:s26+$0x2A30] =	vst v2;
	s25 =	simm.s32 $0x100;
	s24 =	simm.s32 $0x0  }
.LBB2_4:
0x1a: {  	p0 =	sne.s32 s25, $0x18F00;
	[tilespmem:s24+$0x2BF0] =	vst v1;
	s26 =	smov.u32 s25;
	s25 =	sadd.s32 $0x100, s25  }
.Ltmp3:
0x1b: {  	[tilespmem:s24+$0x2BE0] =	vst v1;
	(pc) =	sbr.rel @p0 .LBB2_4-.Ltmp3, $3  }
0x1c: {  	[tilespmem:s24+$0x2BC0] =	vst v1  }
0x1d: {  	[tilespmem:s24+$0x2BD0] =	vst v1;
	_ =	sdelay $0x1  }
0x1e: {  	s24 =	sshra.s32 s26, $0x2  }
.Ltmp4:
0x1f: {  	(pc) =	sbr.rel .LBB2_6-.Ltmp4, $4  }
0x20: {  	[tilespmem:s24+$0x2BF0] =	vst v1  }
0x21: {  	[tilespmem:s24+$0x2BE0] =	vst v1  }
0x22: {  	[tilespmem:s24+$0x2BC0] =	vst v1  }
0x23: {  	[tilespmem:s24+$0x2BD0] =	vst v1  }
.LBB2_10:
0x24: {  	s23 =	sadd.s32 $0x1, s23  }
0x25: {  	p0 =	sne.s32 s23, $0x4  }
.Ltmp5:
0x26: {  	_ = 	snop;
	(pc) =	sbr.rel @!p0 .LBB2_11-.Ltmp5, $1  }
0x27: {  	_ =	sdelay $0x3  }
.LBB2_6:
0x28: {  	s24 =	sshll.u32 s23, $0x5  }
0x29: {  	s24 =	sor.u32 s24, s8  }
0x2a: {  	s24 =	sor.u32 s4, s24  }
0x2b: {  	p0 =	sgt.u32 s24, $0x7C  }
.Ltmp6:
0x2c: {  	_ = 	snop;
	(pc) =	sbr.rel @p0 .LBB2_10-.Ltmp6, $1  }
0x2d: {  	_ =	sdelay $0x3  }
0x2e: {  	s25 =	smul.u32 $0x32, s24;
	_ =	sdelay $0x1  }
0x2f: {  	s25 =	sadd.s32 s6, s25  }
0x30: {  	[tilespmem:s3], [sflag:$0x3] =	stream.strided.gather [hbm4b:s25+s12], $0x2A30, s13, s12, $0x38;
	[tilespmem:$0x1BBC0] =	vst v63  }
0x31: {  	_ =	swait.ge [sflag:s14], $0x2A30  }
0x32: {  	[sflag:s14] =	ssyncset.done $0x0  }
0x33: {  	[sflag:s14] =	ssyncadd.s32 $0xFFFFD5D0  }
0x34: {  	[spmem:s10] =	stream.linear.scatter [tilespmem:s15], [sflag:$0x3], $0x6400, $0x38;
	[tilespmem:$0x1BBC0] =	vst v63  }
0x35: {  	_ =	swait.ge [sflag:s14], $0x6400  }
0x36: {  	[sflag:s14] =	ssyncset.done $0x0  }
0x37: {  	[sflag:s14] =	ssyncadd.s32 $0xFFFF9C00  }
0x38: {  	[tilespmem:s16], [sflag:$0x1] =	stream.indirect.gather [hbm4b:s5+s12], $0x40, s3, s12, $0xb8;
	[tilespmem:$0x1BBC0] =	vst v63  }
0x39: {  	s30 =	simm.s32 $0x190  }
0x3a: {  	[tilespmem:s17], [sflag:$0x2] =	stream.indirect.gather [hbm4b:s5+s12], $0x40, s30, s12, $0xb8;
	[tilespmem:$0x1BBC0] =	vst v63  }
0x3b: {  	_ =	swait.ge [sflag:s18], $0x6400  }
0x3c: {  	[sflag:s18] =	ssyncset.done $0x0  }
0x3d: {  	[sflag:s18] =	ssyncadd.s32 $0xFFFF9C00  }
0x3e: {  	[spmem:s1] =	stream.indirect.scatter.add.f32 [tilespmem:s16], [sflag:$0x4], $0x40, s19, s12, $0xb8;
	[tilespmem:$0x1BBC0] =	vst v63  }
0x3f: {  	_ =	swait.ge [sflag:s20], $0x6400  }
0x40: {  	[sflag:s20] =	ssyncset.done $0x0  }
0x41: {  	s31 =	simm.s32 $0x320;
	[sflag:s20] =	ssyncadd.s32 $0xFFFF9C00  }
0x42: {  	[tilespmem:s16], [sflag:$0x1] =	stream.indirect.gather [hbm4b:s5+s12], $0x40, s31, s12, $0xb8;
	[tilespmem:$0x1BBC0] =	vst v63  }
0x43: {  	_ =	swait.ge [sflag:s21], $0x6400  }
0x44: {  	[sflag:s21] =	ssyncset.done $0x0  }
0x45: {  	[sflag:s21] =	ssyncadd.s32 $0xFFFF9C00  }
0x46: {  	[spmem:s1] =	stream.indirect.scatter.add.f32 [tilespmem:s17], [sflag:$0x4], $0x40, s19, s12, $0xb8;
	[tilespmem:$0x1BBC0] =	vst v63  }
0x47: {  	_ =	swait.ge [sflag:s20], $0x6400  }
0x48: {  	s26 =	simm.s32 $0xFFFF7680;
	s25 =	simm.s32 $0xFFFFDA80;
	[sflag:s20] =	ssyncset.done $0x0  }
.LBB2_8:
0x49: {  	s28 =	sadd.s32 $0x2A30, s25  }
0x4a: {  	[sflag:s20] =	ssyncadd.s32 $0xFFFF9C00;
	s29 =	smov.u32 s26;
	s30 =	sadd.s32 $0xC80, s26  }
0x4b: {  	[tilespmem:s17], [sflag:$0x2] =	stream.indirect.gather [hbm4b:s5+s12], $0x40, s28, s12, $0xb8;
	[tilespmem:$0x1BBC0] =	vst v63  }
0x4c: {  	p0 =	sne.s32 s26, $0xFFFFF380;
	_ =	swait.ge [sflag:s18], $0x6400  }
0x4d: {  	[sflag:s18] =	ssyncset.done $0x0  }
0x4e: {  	[sflag:s18] =	ssyncadd.s32 $0xFFFF9C00  }
0x4f: {  	[spmem:s1] =	stream.indirect.scatter.add.f32 [tilespmem:s16], [sflag:$0x4], $0x40, s19, s12, $0xb8;
	[tilespmem:$0x1BBC0] =	vst v63  }
0x50: {  	_ =	swait.ge [sflag:s20], $0x6400  }
0x51: {  	[sflag:s20] =	ssyncset.done $0x0  }
0x52: {  	s25 =	sadd.s32 $0x2BC0, s25;
	[sflag:s20] =	ssyncadd.s32 $0xFFFF9C00  }
0x53: {  	[tilespmem:s16], [sflag:$0x1] =	stream.indirect.gather [hbm4b:s5+s12], $0x40, s25, s12, $0xb8;
	[tilespmem:$0x1BBC0] =	vst v63  }
0x54: {  	_ =	swait.ge [sflag:s21], $0x6400  }
.Ltmp7:
0x55: {  	[sflag:s21] =	ssyncset.done $0x0;
	(pc) =	sbr.rel @p0 .LBB2_8-.Ltmp7, $4  }
0x56: {  	[sflag:s21] =	ssyncadd.s32 $0xFFFF9C00  }
0x57: {  	[spmem:s1] =	stream.indirect.scatter.add.f32 [tilespmem:s17], [sflag:$0x4], $0x40, s19, s12, $0xb8;
	[tilespmem:$0x1BBC0] =	vst v63  }
0x58: {  	_ =	swait.ge [sflag:s20], $0x6400  }
0x59: {  	s26 =	smov.u32 s30;
	s25 =	sshra.s32 s29, $0x2;
	[sflag:s20] =	ssyncset.done $0x0  }
0x5a: {  	s26 =	sadd.s32 $0x2A30, s25;
	[sflag:s20] =	ssyncadd.s32 $0xFFFF9C00  }
0x5b: {  	[tilespmem:s17], [sflag:$0x2] =	stream.indirect.gather [hbm4b:s5+s12], $0x40, s26, s12, $0xb8;
	[tilespmem:$0x1BBC0] =	vst v63  }
0x5c: {  	_ =	swait.ge [sflag:s18], $0x6400  }
0x5d: {  	[sflag:s18] =	ssyncset.done $0x0  }
0x5e: {  	[sflag:s18] =	ssyncadd.s32 $0xFFFF9C00  }
0x5f: {  	[spmem:s1] =	stream.indirect.scatter.add.f32 [tilespmem:s16], [sflag:$0x4], $0x40, s19, s12, $0xb8;
	[tilespmem:$0x1BBC0] =	vst v63  }
0x60: {  	_ =	swait.ge [sflag:s20], $0x6400  }
0x61: {  	[sflag:s20] =	ssyncset.done $0x0  }
0x62: {  	s29 =	sadd.s32 $0x2BC0, s25;
	[sflag:s20] =	ssyncadd.s32 $0xFFFF9C00  }
0x63: {  	[tilespmem:s16], [sflag:$0x1] =	stream.indirect.gather [hbm4b:s5+s12], $0x40, s29, s12, $0xb8;
	[tilespmem:$0x1BBC0] =	vst v63  }
0x64: {  	_ =	swait.ge [sflag:s21], $0x6400  }
0x65: {  	[sflag:s21] =	ssyncset.done $0x0  }
0x66: {  	[sflag:s21] =	ssyncadd.s32 $0xFFFF9C00  }
0x67: {  	[spmem:s1] =	stream.indirect.scatter.add.f32 [tilespmem:s17], [sflag:$0x4], $0x40, s19, s12, $0xb8;
	[tilespmem:$0x1BBC0] =	vst v63  }
0x68: {  	_ =	swait.ge [sflag:s20], $0x6400  }
0x69: {  	[sflag:s20] =	ssyncset.done $0x0  }
0x6a: {  	[sflag:s20] =	ssyncadd.s32 $0xFFFF9C00  }
0x6b: {  	_ =	swait.ge [sflag:s18], $0x6400  }
0x6c: {  	[sflag:s18] =	ssyncset.done $0x0  }
0x6d: {  	[sflag:s18] =	ssyncadd.s32 $0xFFFF9C00  }
0x6e: {  	[spmem:s1] =	stream.indirect.scatter.add.f32 [tilespmem:s16], [sflag:$0x4], $0x40, s19, s12, $0xb8;
	[tilespmem:$0x1BBC0] =	vst v63  }
0x6f: {  	s24 =	smul.u32 $0xC80, s24;
	s30 =	sshll.u32 s2, $0x6;
	_ =	swait.ge [sflag:s20], $0x6400  }
0x70: {  	s31 =	sshrl.u32 s10, $0x3;
	s25 =	sor.u32 $0x1C03, s30;
	[sflag:s20] =	ssyncset.done $0x0  }
.Ltmp8:
0x71: {  	s24 =	sadd.s32 s7, s24;
	[sflag:s20] =	ssyncadd.s32 $0xFFFF9C00;
	(pc) =	sbr.rel .LBB2_10-.Ltmp8, $4  }
0x72: {  	[hbm:s24], [sflag:s25] =	dma.local [spmem:s31], $0xC80  }
0x73: {  	_ =	swait.ge [sflag:s14], $0xC80  }
0x74: {  	[sflag:s14] =	ssyncset.done $0x0  }
0x75: {  	[sflag:s14] =	ssyncadd.s32 $0xFFFFF380  }
.LBB2_12:
0x76: {  	_ =	sfence.sel $0x180000  }
0x77: {  	[bflag:$0x0] =	sbarrier.arrive $0xFFFF  }
0x78: {  	p0 =	sne.s32 s2, $0x0;
	_ =	strace $0x90000047  }
0x79: {  	s0 =	sadd.s32 @!p0 $0x100000, s0;
	[bflag:$0x2] =	sbarrier.arrive $0xFFFF  }
0x7a: {  	[sflag:s0] =	ssyncadd.tile.s32 @!p0 $0x1;
	_ =	shalt  }
.Lfunc_end2:
_tile_overlayer_lowered:
.L_overlay_start_2:
0x7b: {  	(tag) =	ssettag $0x2  }
0x7c: {  	s0 =	rddreg [dreg:$0x0];
	s2 =	stileid.u32  }
0x7d: {  	s1 =	rddreg [dreg:$0x1];
	p0 =	sne.s32 s2, $0x0  }
0x7e: {  	s3 =	rddreg [dreg:$0x2];
	[bflag:$0x3] =	sbarrier.arrive $0xFFFF;
	s2 =	simm.s32 @!p0 $0x1C04  }
0x7f: {  	[timem:s3], [sflag:s2] =	dma.local @!p0 [hbm:s0], s1  }
0x80: {  	s0 =	simm.s32 @!p0 $0x4  }
0x81: {  	_ =	swait.ge @!p0 [sflag:s0], s1  }
0x82: {  	s1 =	ssub.s32 @!p0 $0x0, s1;
	[sflag:s0] =	ssyncset.done @!p0 $0x0  }
0x83: {  	[sflag:s0] =	ssyncadd.s32 @!p0 s1  }
0x84: {  	[bflag:$0x3] =	sbarrier.arrive $0xFFFF  }
0x85: {  	_ =	shalt  }

// kernel: kernel.48.cloned.1.call-start
scs
__scs_entry_jumppad:
0x0: {  	(pc) =	sbr.rel $0x88, $3  }
0x1: {  	(tag) =	ssettag $0x0;
	lr =	simm.s32 $0x1  }
0x2: {  	[smem:$0x3F94] =	sst lr;
	_ =	strace $0xD0000000  }
0x3: {  	_ = 	snop  }
0x4: {  	_ = 	snop  }
0x5: {  	_ = 	snop  }
0x6: {  	_ = 	snop  }
0x7: {  	_ = 	snop  }
__scs_overlays_trampoline_lowered:
0x8: {  	[smem:$0x3FA3] =	sst s0  }
0x9: {  	[smem:$0x3FA4] =	sst s1  }
0xa: {  	[smem:$0x3FA5] =	sst s2  }
0xb: {  	[smem:$0x3FA6] =	sst s3  }
0xc: {  	[smem:$0x3FA7] =	sst s4  }
0xd: {  	[smem:$0x3FA8] =	sst s5  }
0xe: {  	[smem:$0x3FA9] =	sst s6  }
0xf: {  	[smem:$0x3FAA] =	sst s7  }
0x10: {  	[smem:$0x3FAB] =	sst s8  }
0x11: {  	[smem:$0x3FAC] =	sst s9;
	s0 =	simm.s32 @!p0 $0x0  }
0x12: {  	s1 =	sld [smem:$0x3F92];
	s0 =	simm.s32 @p0 $0x1  }
0x13: {  	[smem:$0x3FAD] =	sst s0;
	s0 =	simm.s32 @!p1 $0x0  }
0x14: {  	s2 =	sld [smem:$0x3F91];
	s0 =	simm.s32 @p1 $0x1  }
0x15: {  	[smem:$0x3FAE] =	sst s0;
	s0 =	simm.s32 @!p2 $0x0  }
0x16: {  	s3 =	sld [smem:$0x3FDB];
	s0 =	simm.s32 @p2 $0x1  }
0x17: {  	s4 =	simm.s32 $0x1BF5;
	[smem:$0x3FB0] =	sst s0  }
0x18: {  	s0 =	sld [smem:$0x3F93];
	_ =	swait.ge [sflag:s4], $0x0  }
0x19: {  	s7 =	sld [smem:$0x3F94]  }
0x1a: {  	s8 =	sadd.s32 $0xFFFFE003, lr  }
0x1b: {  	s9 =	sadd.s32 $0xFFFFFEF7, lr;
	s5 =	simm.s32 $0xFFFFFFFF;
	p2 =	slt.u32 s8, $0xFFFFF086  }
0x1c: {  	p1 =	slt.u32 s9, $0xF7A;
	s5 =	simm.s32 @!p2 $0x0  }
0x1d: {  	s5 =	simm.s32 @p1 $0x1;
	p0 =	seq.s32 s7, s2  }
0x1e: {  	s7 =	smul.u32 @!p0 $0xF7A, s2;
	p2 =	seq.s32 @!p0 s5, $0x0  }
0x1f: {  	s9 =	smul.u32 $0xF7A, s1;
	s8 =	simm.s32 @!p0 $0x1BF5;
	p2 =	por !p2, p0  }
0x20: {  	[sflag:s8] =	ssyncset.s32 @!p0 $0xFFFFF086;
	s6 =	sadd.s32 @!p0 s3, s7;
	s7 =	simm.s32 @!p0 $0x108  }
0x21: {  	s3 =	sadd.s32 s3, s9;
	s6 =	sadd.s32 @!p0 $0x88, s6;
	s7 =	simm.s32 @p2 $0x1082  }
0x22: {  	[simem:s7], [sflag:s8] =	dma.local @!p0 [hbm:s6], $0xF7A  }
0x23: {  	s9 =	sor.u32 $0xD0000000, s2;
	s6 =	simm.s32 $0x108;
	_ =	swait.ge @!p0 [sflag:s8], $0x0  }
0x24: {  	s3 =	sadd.s32 $0x88, s3;
	s6 =	simm.s32 @!p1 $0x1082;
	[sflag:s4] =	ssyncset.s32 $0xFFFFF086  }
0x25: {  	[simem:s6], [sflag:s4] =	dma.local [hbm:s3], $0xF7A  }
0x26: {  	[smem:$0x3F94] =	sst s1;
	(tag) =	ssettag s2;
	_ =	strace s9  }
0x27: {  	s1 =	sld [smem:$0x3FA4]  }
0x28: {  	s2 =	sld [smem:$0x3FA5]  }
0x29: {  	s4 =	sld [smem:$0x3FA7]  }
0x2a: {  	p0 =	seq.s32 s5, $0x0;
	s5 =	sld [smem:$0x3FA8]  }
0x2b: {  	s6 =	sld [smem:$0x3FA9]  }
0x2c: {  	s7 =	sld [smem:$0x3FAA]  }
0x2d: {  	s3 =	simm.s32 $0x108;
	s8 =	sld [smem:$0x3FAB]  }
0x2e: {  	s3 =	simm.s32 @!p0 $0x1082;
	s9 =	sld [smem:$0x3FAC]  }
0x2f: {  	lr =	sadd.s32 s0, s3;
	s0 =	sld [smem:$0x3FA3]  }
0x30: {  	s3 =	sld [smem:$0x3FA6]  }
0x31: {  	[smem:$0x3FAF] =	sst s10  }
0x32: {  	s10 =	sld [smem:$0x3FAD];
	_ =	sdelay $0x3  }
0x33: {  	p0 =	seq.s32 s10, $0x1;
	s10 =	sld [smem:$0x3FAF];
	_ =	sdelay $0x3  }
0x34: {  	[smem:$0x3FAF] =	sst s10  }
0x35: {  	s10 =	sld [smem:$0x3FAE];
	_ =	sdelay $0x3  }
0x36: {  	p1 =	seq.s32 s10, $0x1;
	s10 =	sld [smem:$0x3FAF];
	_ =	sdelay $0x3  }
0x37: {  	[smem:$0x3FAF] =	sst s10  }
0x38: {  	s10 =	sld [smem:$0x3FB0]  }
0x39: {  	_ = 	snop;
	(pc) =	sbr.ind lr, $3  }
0x3a: {  	_ = 	snop  }
0x3b: {  	_ = 	snop  }
0x3c: {  	p2 =	seq.s32 s10, $0x1;
	s10 =	sld [smem:$0x3FAF]  }
0x3d: {  	_ =	shalt  }
0x3e: {  	_ =	shalt  }
0x3f: {  	_ =	shalt  }
0x40: {  	_ =	shalt  }
0x41: {  	_ =	shalt  }
0x42: {  	_ =	shalt  }
0x43: {  	_ =	shalt  }
0x44: {  	_ =	shalt  }
0x45: {  	_ =	shalt  }
0x46: {  	_ =	shalt  }
0x47: {  	_ =	shalt  }
0x48: {  	_ =	shalt  }
0x49: {  	_ =	shalt  }
0x4a: {  	_ =	shalt  }
0x4b: {  	_ =	shalt  }
0x4c: {  	_ =	shalt  }
0x4d: {  	_ =	shalt  }
0x4e: {  	_ =	shalt  }
0x4f: {  	_ =	shalt  }
0x50: {  	_ =	shalt  }
0x51: {  	_ =	shalt  }
0x52: {  	_ =	shalt  }
0x53: {  	_ =	shalt  }
0x54: {  	_ =	shalt  }
0x55: {  	_ =	shalt  }
0x56: {  	_ =	shalt  }
0x57: {  	_ =	shalt  }
0x58: {  	_ =	shalt  }
0x59: {  	_ =	shalt  }
0x5a: {  	_ =	shalt  }
0x5b: {  	_ =	shalt  }
0x5c: {  	_ =	shalt  }
0x5d: {  	_ =	shalt  }
0x5e: {  	_ =	shalt  }
0x5f: {  	_ =	shalt  }
0x60: {  	_ =	shalt  }
0x61: {  	_ =	shalt  }
0x62: {  	_ =	shalt  }
0x63: {  	_ =	shalt  }
0x64: {  	_ =	shalt  }
0x65: {  	_ =	shalt  }
0x66: {  	_ =	shalt  }
0x67: {  	_ =	shalt  }
0x68: {  	_ =	shalt  }
0x69: {  	_ =	shalt  }
0x6a: {  	_ =	shalt  }
0x6b: {  	_ =	shalt  }
0x6c: {  	_ =	shalt  }
0x6d: {  	_ =	shalt  }
0x6e: {  	_ =	shalt  }
0x6f: {  	_ =	shalt  }
0x70: {  	_ =	shalt  }
0x71: {  	_ =	shalt  }
0x72: {  	_ =	shalt  }
0x73: {  	_ =	shalt  }
0x74: {  	_ =	shalt  }
0x75: {  	_ =	shalt  }
0x76: {  	_ =	shalt  }
0x77: {  	_ =	shalt  }
0x78: {  	_ =	shalt  }
0x79: {  	_ =	shalt  }
0x7a: {  	_ =	shalt  }
0x7b: {  	_ =	shalt  }
0x7c: {  	_ =	shalt  }
0x7d: {  	_ =	shalt  }
0x7e: {  	_ =	shalt  }
0x7f: {  	_ =	shalt  }
0x80: {  	_ =	shalt  }
0x81: {  	_ =	shalt  }
0x82: {  	_ =	shalt  }
0x83: {  	_ =	shalt  }
0x84: {  	_ =	shalt  }
0x85: {  	_ =	shalt  }
0x86: {  	_ =	shalt  }
0x87: {  	_ =	shalt  }
.Lfunc_end0:
.L_simem_size_0:
called_computation.8_lowered:
.L_overlay_start_0:
0x88: {  	s2 =	sld [smem:$0x3FD9]  }
0x89: {  	s3 =	sld [smem:$0x3FFE];
	_ =	sdelay $0x1  }
0x8a: {  	s1 =	srdreg.scid  }
0x8b: {  	s0 =	sand.u32 $0x1, s1  }
0x8c: {  	s17 =	sshll.u32 s0, $0xA;
	s2 =	sadd.s32 s3, s2  }
0x8d: {  	s2 =	sadd.s32 s2, s17  }
0x8e: {  	[smem:$0x3FBB] =	sst s2  }
0x8f: {  	_ = 	snop  }
0x90: {  	(tm) =	ssettm $0x1  }
0x91: {  	s18 =	sld [smem:$0x3FFB];
	_ =	sdelay $0x3  }
0x92: {  	_ =	strace s18  }
0x93: {  	s2 =	sld [smem:$0x3FFC];
	_ =	sdelay $0x3  }
0x94: {  	_ =	strace s2  }
0x95: {  	s2 =	sld [smem:$0x3FFD];
	_ =	sdelay $0x3  }
0x96: {  	_ =	strace s2  }
0x97: {  	_ =	strace $0x8FFFFFFF  }
0x98: {  	s19 =	sld [smem:$0x3FDB];
	_ =	sdelay $0x1  }
0x99: {  	s20 =	simm.s32 $_scs_section_size  }
0x9a: {  	s4 =	simm.s32 $_size__tile_overlayer_lowered;
	s5 =	simm.s32 $_tile_overlayer_lowered  }
0x9b: {  	s6 =	simm.s32 $0x1BFF;
	s21 =	sshll.u32 s5, $0x1;
	s3 =	sadd.s32 s20, s19  }
0x9c: {  	s22 =	simm.s32 $0x0;
	s4 =	sshll.u32 s4, $0x1;
	s5 =	sadd.s32 s21, s3  }
0x9d: {  	[timem:s22], [sflag:s6] =	dma.local [hbm:s5], s4  }
0x9e: {  	_ =	swait.ge [sflag:s6], s4  }
0x9f: {  	s4 =	ssub.s32 $0x0, s4;
	[sflag:s6] =	ssyncset.done $0x0  }
0xa0: {  	[sflag:s6] =	ssyncadd.s32 s4;
	_ =	sdelay $0x1  }
0xa1: {  	s23 =	simm.s32 $0x1B8B  }
0xa2: {  	_ =	swait.ge [sflag:s23], $0x1  }
0xa3: {  	[sflag:s23] =	ssyncset.done $0x0  }
0xa4: {  	[sflag:s23] =	ssyncadd.s32 $0xFFFFFFFF  }
0xa5: {  	s4 =	sld [smem:$0x0]  }
0xa6: {  	s5 =	sand.u32 $0xFFFFFFFE, s1  }
0xa7: {  	p0 =	sne.s32 s1, s5  }
0xa8: {  	s5 =	sshll.u32 @p0 s5, $0xE  }
0xa9: {  	s5 =	sadd.s32 @p0 $0x11B8D, s5;
	s6 =	sshll.u32 @p0 s4, $0x11  }
0xaa: {  	s5 =	sor.u32 @p0 s6, s5  }
0xab: {  	[sflag:s5] =	ssyncadd.remote.s32 @p0 $0x1;
	_ =	sdelay $0x1  }
0xac: {  	s5 =	simm.s32 @p0 $0x1B8D  }
0xad: {  	_ =	swait.eq @p0 [sflag:s5], $0x1  }
0xae: {  	[sflag:s5] =	ssyncadd.s32 @p0 $0xFFFFFFFF  }
0xaf: {  	s6 =	sshll.u32 @!p0 s1, $0xE  }
0xb0: {  	s6 =	sor.u32 @!p0 $0x4000, s6;
	s5 =	simm.s32 @!p0 $0x1B8D  }
0xb1: {  	s4 =	sshll.u32 @!p0 s4, $0x11;
	s6 =	sadd.s32 @!p0 $0x11B8D, s6;
	_ =	swait.eq @!p0 [sflag:s5], $0x1  }
0xb2: {  	s4 =	sor.u32 @!p0 s4, s6;
	[sflag:s5] =	ssyncadd.s32 @!p0 $0xFFFFFFFF  }
0xb3: {  	s25 =	simm.s32 $0x1B8E;
	s24 =	sld [smem:$0x3FFE];
	[sflag:s4] =	ssyncadd.remote.s32 @!p0 $0x1  }
0xb4: {  	s26 =	simm.s32 $execute0_lowered;
	[smem:$0x3FD2] =	sst s25  }
0xb5: {  	s5 =	sshll.u32 s26, $0x1;
	_ =	strace $0x80000058;
	[dreg:$0x1] =	wrdreg $0xFFFFFFFF  }
0xb6: {  	s28 =	simm.s32 $_size_execute0_lowered;
	s3 =	sadd.s32 s3, s5;
	[dreg:$0x0] =	wrdreg $0x0  }
0xb7: {  	s5 =	sshll.u32 s28, $0x1;
	[dreg:$0x2] =	wrdreg s3  }
0xb8: {  	[dreg:$0x3] =	wrdreg s5  }
0xb9: {  	[dreg:$0x4] =	wrdreg $0xC0  }
0xba: {  	_ =	task [dreg:s22], $0x5FFFF  }
0xbb: {  	[dreg:$0x1] =	wrdreg $0xFFFFFFFF  }
0xbc: {  	[dreg:$0x0] =	wrdreg $0x60  }
0xbd: {  	[dreg:$0x2] =	wrdreg s24  }
0xbe: {  	[dreg:$0x3] =	wrdreg $0x157C00  }
0xbf: {  	[dreg:$0x4] =	wrdreg $0xC  }
0xc0: {  	_ =	task.clear_ibuf [dreg:s22], $0x5FFFF;
	_ =	strace $0x90000058  }
0xc1: {  	s29 =	simm.s32 $0xC;
	_ =	strace $0x8000005A  }
0xc2: {  	_ =	swait.ge [sflag:s29], $0x1  }
0xc3: {  	[sflag:s29] =	ssyncadd.s32 $0xFFFFFFFF  }
0xc4: {  	_ =	strace $0x9000005A  }
0xc5: {  	_ =	sfence  }
0xc6: {  	s30 =	sld [smem:$0x0];
	_ =	sdelay $0x2  }
0xc7: {  	s31 =	sshll.u32 s1, $0xD;
	s1 =	sshrl.u32 s1, $0x2  }
0xc8: {  	s4 =	sand.u32 $0x4000, s31;
	s1 =	sadd.s32 s1, s30  }
0xc9: {  	s0 =	sor.u32 s4, s0;
	s1 =	sshll.u32 s1, $0x11  }
0xca: {  	s0 =	sor.u32 s1, s0  }
0xcb: {  	s0 =	sadd.s32 $0x8F2B, s0  }
0xcc: {  	[sflag:s0] =	ssyncadd.remote.s32 $0x1  }
0xcd: {  	_ =	sfence.sel $0xFFFF  }
0xce: {  	[dreg:$0x0] =	wrdreg $0xFFFFFFFF;
	(pc) =	sbr.abs _section_cstart, $3  }
0xcf: {  	[dreg:$0x1] =	wrdreg $0xFFFFFFFF  }
0xd0: {  	_ =	task.clear_ibuf [dreg:s22], $0x2FFFF;
	_ =	strace $0x9FFFFFFF  }
0xd1: {  	(tm) =	ssettm $0x7FFFFFFF  }
tec
execute0_lowered:
.L_overlay_start_1:
0x0: {  	(tag) =	ssettag $0x1  }
0x1: {  	s8 =	rddreg [dreg:$0x0]  }
0x2: {  	s1 =	rddreg [dreg:$0x1];
	s2 =	simm.s32 $0x0;
	s3 =	srdreg.scid  }
0x3: {  	s13 =	simm.s32 $0x190;
	s14 =	simm.s32 $0xC350;
	s15 =	simm.s32 $0x3  }
0x4: {  	s17 =	simm.s32 $0x8FC0;
	s18 =	simm.s32 $0xF3C0;
	s19 =	simm.s32 $0x1  }
0x5: {  	s20 =	simm.s32 $0x2A30;
	s21 =	simm.s32 $0x4;
	s22 =	simm.s32 $0x2  }
0x6: {  	s23 =	simm.s32 $0x0;
	[smem:$0x7FF] =	sst s2;
	s4 =	sadd.s32 $0x3AEB200, s8  }
0x7: {  	s5 =	sand.u32 $0x1, s3;
	s3 =	stileid.u32;
	s6 =	sadd.s32 $0x96600, s8  }
.Ltmp0:
0x8: {  	s7 =	sadd.s32 $0x25E0000, s8;
	s8 =	sadd.s32 $0x246A00, s8;
	(pc) =	sbr.rel .LBB2_1-.Ltmp0, $4  }
0x9: {  	s9 =	ssub.s32 $0x2, s5;
	s10 =	smul.u32 $0x19000, s3;
	s16 =	sshll.u32 s3, $0x6  }
0xa: {  	_ =	strace $0x80000059;
	s11 =	sshrl.u32 s9, $0x1;
	s16 =	sor.u32 $0x1C03, s16  }
0xb: {  	s12 =	ssub.s32 s9, s11;
	s9 =	sshll.u32 s3, $0x1;
	s31 =	sshrl.u32 s10, $0x2  }
0xc: {  	v0 =	vlaneseq.u32;
	v1 =	vimm.f32 $0.0e+00;
	s10 =	smul.u32 $0x190, s3;
	s11 =	sadd.s32 s31, s1;
	s12 =	smax.u32 s12, $0x1  }
.LBB2_11:
0xd: {  	s23 =	sadd.s32 $0x1, s23  }
0xe: {  	p0 =	sne.s32 s23, s12  }
.Ltmp1:
0xf: {  	_ = 	snop;
	(pc) =	sbr.rel @!p0 .LBB2_12-.Ltmp1, $1  }
0x10: {  	_ =	sdelay $0x3  }
.LBB2_1:
0x11: {  	_ = 	snop  }
0x12: {  	s25 =	simm.s32 $0x40;
	s28 =	simm.s32 $0x0;
	v2 =	vor.u32 s10, v0;
	s26 =	smov.u32 s10  }
.LBB2_2:
0x13: {  	p0 =	sne.s32 s25, $0x600  }
0x14: {  	[tilespmem:s28+$0x2A30] =	vst v2;
	s26 =	sadd.s32 $0x10, s26;
	s24 =	smov.u32 s25;
	s25 =	sadd.s32 $0x40, s25  }
.Ltmp2:
0x15: {  	(pc) =	sbr.rel @p0 .LBB2_2-.Ltmp2, $2  }
0x16: {  	_ =	sdelay $0x2  }
0x17: {  	v2 =	vor.u32 s26, v0;
	s28 =	sshra.s32 s24, $0x2;
	s24 =	simm.s32 $0x0  }
0x18: {  	[tilespmem:s28+$0x2A30] =	vst v2;
	s26 =	simm.s32 $0x100;
	s25 =	simm.s32 $0x0  }
.LBB2_4:
0x19: {  	p0 =	sne.s32 s26, $0x18F00;
	[tilespmem:s25+$0x2BF0] =	vst v1;
	s28 =	smov.u32 s26;
	s26 =	sadd.s32 $0x100, s26  }
.Ltmp3:
0x1a: {  	[tilespmem:s25+$0x2BE0] =	vst v1;
	(pc) =	sbr.rel @p0 .LBB2_4-.Ltmp3, $3  }
0x1b: {  	[tilespmem:s25+$0x2BC0] =	vst v1  }
0x1c: {  	[tilespmem:s25+$0x2BD0] =	vst v1;
	_ =	sdelay $0x1  }
0x1d: {  	s25 =	sshra.s32 s28, $0x2  }
.Ltmp4:
0x1e: {  	(pc) =	sbr.rel .LBB2_6-.Ltmp4, $4  }
0x1f: {  	[tilespmem:s25+$0x2BF0] =	vst v1  }
0x20: {  	[tilespmem:s25+$0x2BE0] =	vst v1  }
0x21: {  	[tilespmem:s25+$0x2BC0] =	vst v1  }
0x22: {  	[tilespmem:s25+$0x2BD0] =	vst v1  }
.LBB2_10:
0x23: {  	s24 =	sadd.s32 $0x1, s24  }
0x24: {  	p0 =	sne.s32 s24, $0x4  }
.Ltmp5:
0x25: {  	_ = 	snop;
	(pc) =	sbr.rel @!p0 .LBB2_11-.Ltmp5, $1  }
0x26: {  	_ =	sdelay $0x3  }
.LBB2_6:
0x27: {  	s25 =	sshll.u32 s24, $0x5  }
0x28: {  	s25 =	sor.u32 s25, s9  }
0x29: {  	s25 =	sor.u32 s5, s25  }
0x2a: {  	p0 =	sgt.u32 s25, $0x7C  }
.Ltmp6:
0x2b: {  	_ = 	snop;
	(pc) =	sbr.rel @p0 .LBB2_10-.Ltmp6, $1  }
0x2c: {  	_ =	sdelay $0x3  }
0x2d: {  	s26 =	smul.u32 $0x32, s25;
	_ =	sdelay $0x1  }
0x2e: {  	s26 =	sadd.s32 s6, s26  }
0x2f: {  	[tilespmem:s2], [sflag:$0x3] =	stream.strided.gather [hbm4b:s26+s13], $0x2A30, s14, s13, $0x38;
	[tilespmem:$0x1BBC0] =	vst v63  }
0x30: {  	s25 =	smul.u32 $0xC80, s25;
	_ =	swait.ge [sflag:s15], $0x2A30  }
0x31: {  	[sflag:s15] =	ssyncset.done $0x0  }
0x32: {  	s28 =	sadd.s32 s7, s25;
	s26 =	sshrl.u32 s11, $0x3;
	[sflag:s15] =	ssyncadd.s32 $0xFFFFD5D0  }
0x33: {  	[spmem:s26], [sflag:s16] =	dma.local [hbm:s28], $0xC80  }
0x34: {  	_ =	swait.ge [sflag:s15], $0xC80  }
0x35: {  	[sflag:s15] =	ssyncset.done $0x0  }
0x36: {  	[sflag:s15] =	ssyncadd.s32 $0xFFFFF380  }
0x37: {  	[tilespmem:s17], [sflag:$0x1] =	stream.indirect.gather [hbm4b:s4+s13], $0x40, s2, s13, $0xb8;
	[tilespmem:$0x1BBC0] =	vst v63  }
0x38: {  	s28 =	simm.s32 $0x190  }
0x39: {  	[tilespmem:s18], [sflag:$0x2] =	stream.indirect.gather [hbm4b:s4+s13], $0x40, s28, s13, $0xb8;
	[tilespmem:$0x1BBC0] =	vst v63  }
0x3a: {  	_ =	swait.ge [sflag:s19], $0x6400  }
0x3b: {  	[sflag:s19] =	ssyncset.done $0x0  }
0x3c: {  	[sflag:s19] =	ssyncadd.s32 $0xFFFF9C00  }
0x3d: {  	[spmem:s1] =	stream.indirect.scatter.add.f32 [tilespmem:s17], [sflag:$0x4], $0x40, s20, s13, $0xb8;
	[tilespmem:$0x1BBC0] =	vst v63  }
0x3e: {  	_ =	swait.ge [sflag:s21], $0x6400  }
0x3f: {  	[sflag:s21] =	ssyncset.done $0x0  }
0x40: {  	s28 =	simm.s32 $0x320;
	[sflag:s21] =	ssyncadd.s32 $0xFFFF9C00  }
0x41: {  	[tilespmem:s17], [sflag:$0x1] =	stream.indirect.gather [hbm4b:s4+s13], $0x40, s28, s13, $0xb8;
	[tilespmem:$0x1BBC0] =	vst v63  }
0x42: {  	_ =	swait.ge [sflag:s22], $0x6400  }
0x43: {  	[sflag:s22] =	ssyncset.done $0x0  }
0x44: {  	[sflag:s22] =	ssyncadd.s32 $0xFFFF9C00  }
0x45: {  	[spmem:s1] =	stream.indirect.scatter.add.f32 [tilespmem:s18], [sflag:$0x4], $0x40, s20, s13, $0xb8;
	[tilespmem:$0x1BBC0] =	vst v63  }
0x46: {  	_ =	swait.ge [sflag:s21], $0x6400  }
0x47: {  	s29 =	simm.s32 $0xFFFF7680;
	s28 =	simm.s32 $0xFFFFDA80;
	[sflag:s21] =	ssyncset.done $0x0  }
.LBB2_8:
0x48: {  	s30 =	sadd.s32 $0x2A30, s28  }
0x49: {  	[sflag:s21] =	ssyncadd.s32 $0xFFFF9C00;
	s31 =	smov.u32 s29;
	s0 =	sadd.s32 $0xC80, s29  }
0x4a: {  	[tilespmem:s18], [sflag:$0x2] =	stream.indirect.gather [hbm4b:s4+s13], $0x40, s30, s13, $0xb8;
	[tilespmem:$0x1BBC0] =	vst v63  }
0x4b: {  	p0 =	sne.s32 s29, $0xFFFFF380;
	_ =	swait.ge [sflag:s19], $0x6400  }
0x4c: {  	[sflag:s19] =	ssyncset.done $0x0  }
0x4d: {  	[sflag:s19] =	ssyncadd.s32 $0xFFFF9C00  }
0x4e: {  	[spmem:s1] =	stream.indirect.scatter.add.f32 [tilespmem:s17], [sflag:$0x4], $0x40, s20, s13, $0xb8;
	[tilespmem:$0x1BBC0] =	vst v63  }
0x4f: {  	_ =	swait.ge [sflag:s21], $0x6400  }
0x50: {  	[sflag:s21] =	ssyncset.done $0x0  }
0x51: {  	s28 =	sadd.s32 $0x2BC0, s28;
	[sflag:s21] =	ssyncadd.s32 $0xFFFF9C00  }
0x52: {  	[tilespmem:s17], [sflag:$0x1] =	stream.indirect.gather [hbm4b:s4+s13], $0x40, s28, s13, $0xb8;
	[tilespmem:$0x1BBC0] =	vst v63  }
0x53: {  	_ =	swait.ge [sflag:s22], $0x6400  }
.Ltmp7:
0x54: {  	[sflag:s22] =	ssyncset.done $0x0;
	(pc) =	sbr.rel @p0 .LBB2_8-.Ltmp7, $4  }
0x55: {  	[sflag:s22] =	ssyncadd.s32 $0xFFFF9C00  }
0x56: {  	[spmem:s1] =	stream.indirect.scatter.add.f32 [tilespmem:s18], [sflag:$0x4], $0x40, s20, s13, $0xb8;
	[tilespmem:$0x1BBC0] =	vst v63  }
0x57: {  	_ =	swait.ge [sflag:s21], $0x6400  }
0x58: {  	s29 =	smov.u32 s0;
	s28 =	sshra.s32 s31, $0x2;
	[sflag:s21] =	ssyncset.done $0x0  }
0x59: {  	s0 =	sadd.s32 $0x2A30, s28;
	[sflag:s21] =	ssyncadd.s32 $0xFFFF9C00  }
0x5a: {  	[tilespmem:s18], [sflag:$0x2] =	stream.indirect.gather [hbm4b:s4+s13], $0x40, s0, s13, $0xb8;
	[tilespmem:$0x1BBC0] =	vst v63  }
0x5b: {  	_ =	swait.ge [sflag:s19], $0x6400  }
0x5c: {  	[sflag:s19] =	ssyncset.done $0x0  }
0x5d: {  	[sflag:s19] =	ssyncadd.s32 $0xFFFF9C00  }
0x5e: {  	[spmem:s1] =	stream.indirect.scatter.add.f32 [tilespmem:s17], [sflag:$0x4], $0x40, s20, s13, $0xb8;
	[tilespmem:$0x1BBC0] =	vst v63  }
0x5f: {  	_ =	swait.ge [sflag:s21], $0x6400  }
0x60: {  	[sflag:s21] =	ssyncset.done $0x0  }
0x61: {  	s30 =	sadd.s32 $0x2BC0, s28;
	[sflag:s21] =	ssyncadd.s32 $0xFFFF9C00  }
0x62: {  	[tilespmem:s17], [sflag:$0x1] =	stream.indirect.gather [hbm4b:s4+s13], $0x40, s30, s13, $0xb8;
	[tilespmem:$0x1BBC0] =	vst v63  }
0x63: {  	_ =	swait.ge [sflag:s22], $0x6400  }
0x64: {  	[sflag:s22] =	ssyncset.done $0x0  }
0x65: {  	[sflag:s22] =	ssyncadd.s32 $0xFFFF9C00  }
0x66: {  	[spmem:s1] =	stream.indirect.scatter.add.f32 [tilespmem:s18], [sflag:$0x4], $0x40, s20, s13, $0xb8;
	[tilespmem:$0x1BBC0] =	vst v63  }
0x67: {  	_ =	swait.ge [sflag:s21], $0x6400  }
0x68: {  	[sflag:s21] =	ssyncset.done $0x0  }
0x69: {  	[sflag:s21] =	ssyncadd.s32 $0xFFFF9C00  }
0x6a: {  	_ =	swait.ge [sflag:s19], $0x6400  }
0x6b: {  	[sflag:s19] =	ssyncset.done $0x0  }
0x6c: {  	[sflag:s19] =	ssyncadd.s32 $0xFFFF9C00  }
0x6d: {  	[spmem:s1] =	stream.indirect.scatter.add.f32 [tilespmem:s17], [sflag:$0x4], $0x40, s20, s13, $0xb8;
	[tilespmem:$0x1BBC0] =	vst v63  }
0x6e: {  	_ =	swait.ge [sflag:s21], $0x6400  }
0x6f: {  	[sflag:s21] =	ssyncset.done $0x0  }
.Ltmp8:
0x70: {  	s31 =	sadd.s32 s8, s25;
	[sflag:s21] =	ssyncadd.s32 $0xFFFF9C00;
	(pc) =	sbr.rel .LBB2_10-.Ltmp8, $4  }
0x71: {  	[hbm:s31], [sflag:s16] =	dma.local [spmem:s26], $0xC80  }
0x72: {  	_ =	swait.ge [sflag:s15], $0xC80  }
0x73: {  	[sflag:s15] =	ssyncset.done $0x0  }
0x74: {  	[sflag:s15] =	ssyncadd.s32 $0xFFFFF380  }
.LBB2_12:
0x75: {  	_ =	sfence.sel $0x180000  }
0x76: {  	[bflag:$0x0] =	sbarrier.arrive $0xFFFF  }
0x77: {  	_ =	strace $0x90000059  }
0x78: {  	[bflag:$0x2] =	sbarrier.arrive $0xFFFF  }
0x79: {  	p0 =	sne.s32 s3, $0x0;
	s0 =	rddreg [dreg:$0x2]  }
0x7a: {  	s0 =	sadd.s32 @!p0 $0x100000, s0  }
0x7b: {  	[sflag:s0] =	ssyncadd.tile.s32 @!p0 $0x1;
	_ =	shalt  }
.Lfunc_end2:
_tile_overlayer_lowered:
.L_overlay_start_2:
0x7c: {  	(tag) =	ssettag $0x2  }
0x7d: {  	s0 =	rddreg [dreg:$0x0];
	s2 =	stileid.u32  }
0x7e: {  	s1 =	rddreg [dreg:$0x1];
	p0 =	sne.s32 s2, $0x0  }
0x7f: {  	s3 =	rddreg [dreg:$0x2];
	[bflag:$0x3] =	sbarrier.arrive $0xFFFF;
	s2 =	simm.s32 @!p0 $0x1C04  }
0x80: {  	[timem:s3], [sflag:s2] =	dma.local @!p0 [hbm:s0], s1  }
0x81: {  	s0 =	simm.s32 @!p0 $0x4  }
0x82: {  	_ =	swait.ge @!p0 [sflag:s0], s1  }
0x83: {  	s1 =	ssub.s32 @!p0 $0x0, s1;
	[sflag:s0] =	ssyncset.done @!p0 $0x0  }
0x84: {  	[sflag:s0] =	ssyncadd.s32 @!p0 s1  }
0x85: {  	[bflag:$0x3] =	sbarrier.arrive $0xFFFF  }
0x86: {  	_ =	shalt  }

// kernel: sparse-core-data-format-call.cloned.1.call-start
scs
called_computation_lowered:
.L_overlay_start_0:
0x0: {  	s2 =	sld [smem:$0x3FD9]  }
0x1: {  	s3 =	sld [smem:$0x3FFE];
	_ =	sdelay $0x1  }
0x2: {  	s1 =	srdreg.scid  }
0x3: {  	s0 =	sand.u32 $0x1, s1  }
0x4: {  	s18 =	sshll.u32 s0, $0xA;
	s2 =	sadd.s32 s3, s2  }
0x5: {  	s2 =	sadd.s32 s2, s18  }
0x6: {  	[smem:$0x3FBB] =	sst s2  }
0x7: {  	_ = 	snop  }
0x8: {  	s2 =	sld [smem:$0x3FD0];
	(tm) =	ssettm $0x1  }
0x9: {  	s19 =	sld [smem:$0x3FFB];
	_ =	sdelay $0x3  }
0xa: {  	_ =	strace s19  }
0xb: {  	s3 =	sld [smem:$0x3FFC];
	_ =	sdelay $0x3  }
0xc: {  	_ =	strace s3  }
0xd: {  	s3 =	sld [smem:$0x3FFD];
	_ =	sdelay $0x3  }
0xe: {  	_ =	strace s3  }
0xf: {  	_ =	strace $0x8FFFFFFF  }
0x10: {  	s20 =	sld [smem:$0x3FDB];
	_ =	sdelay $0x1  }
0x11: {  	s4 =	simm.s32 $_scs_section_size  }
0x12: {  	s5 =	simm.s32 $_size__tile_overlayer_lowered;
	s6 =	simm.s32 $_tile_overlayer_lowered  }
0x13: {  	s23 =	simm.s32 $0x1BFF;
	s22 =	sshll.u32 s6, $0x1;
	s3 =	sadd.s32 s4, s20  }
0x14: {  	s7 =	simm.s32 $0x0;
	s21 =	sshll.u32 s5, $0x1;
	s5 =	sadd.s32 s22, s3  }
0x15: {  	[timem:s7], [sflag:s23] =	dma.local [hbm:s5], s21  }
0x16: {  	_ =	swait.ge [sflag:s23], s21  }
0x17: {  	s4 =	ssub.s32 $0x0, s21;
	[sflag:s23] =	ssyncset.done $0x0  }
0x18: {  	[sflag:s23] =	ssyncadd.s32 s4;
	_ =	sdelay $0x1  }
0x19: {  	s24 =	simm.s32 $0x1B8B  }
0x1a: {  	_ =	swait.ge [sflag:s24], $0x1  }
0x1b: {  	[sflag:s24] =	ssyncset.done $0x0  }
0x1c: {  	s26 =	simm.s32 $0x1B8E;
	s25 =	sld [smem:$0x3FFE];
	[sflag:s24] =	ssyncadd.s32 $0xFFFFFFFF  }
0x1d: {  	s27 =	simm.s32 $execute0_lowered;
	[smem:$0x3FD2] =	sst s26  }
0x1e: {  	s5 =	sshll.u32 s27, $0x1;
	_ =	strace $0x8000005E;
	[dreg:$0x1] =	wrdreg $0xFFFFFFFF  }
0x1f: {  	s28 =	simm.s32 $_size_execute0_lowered;
	s3 =	sadd.s32 s3, s5;
	[dreg:$0x0] =	wrdreg $0x0  }
0x20: {  	s5 =	sshll.u32 s28, $0x1;
	[dreg:$0x2] =	wrdreg s3  }
0x21: {  	[dreg:$0x3] =	wrdreg s5  }
0x22: {  	[dreg:$0x4] =	wrdreg $0xC0  }
0x23: {  	_ =	task [dreg:s7], $0x5FFFF  }
0x24: {  	[dreg:$0x1] =	wrdreg $0xFFFFFFFF  }
0x25: {  	[dreg:$0x0] =	wrdreg $0x60  }
0x26: {  	[dreg:$0x2] =	wrdreg s25  }
0x27: {  	[dreg:$0x3] =	wrdreg s2  }
0x28: {  	[dreg:$0x4] =	wrdreg $0x9  }
0x29: {  	_ =	task.clear_ibuf [dreg:s7], $0x5FFFF;
	_ =	strace $0x9000005E  }
0x2a: {  	s29 =	simm.s32 $0x9;
	_ =	strace $0x80000060  }
0x2b: {  	_ =	swait.ge [sflag:s29], $0x1  }
0x2c: {  	[sflag:s29] =	ssyncadd.s32 $0xFFFFFFFF  }
0x2d: {  	_ =	strace $0x90000060  }
0x2e: {  	_ =	sfence  }
0x2f: {  	s30 =	sld [smem:$0x0];
	_ =	sdelay $0x2  }
0x30: {  	s31 =	sshll.u32 s1, $0xD;
	s1 =	sshrl.u32 s1, $0x2  }
0x31: {  	s3 =	sand.u32 $0x4000, s31;
	s1 =	sadd.s32 s1, s30  }
0x32: {  	s0 =	sor.u32 s3, s0;
	s1 =	sshll.u32 s1, $0x11  }
0x33: {  	s0 =	sor.u32 s1, s0  }
0x34: {  	s0 =	sadd.s32 $0x8F2B, s0  }
0x35: {  	[sflag:s0] =	ssyncadd.remote.s32 $0x1  }
0x36: {  	_ =	sfence.sel $0xFFFF  }
0x37: {  	[dreg:$0x0] =	wrdreg $0xFFFFFFFF;
	(pc) =	sbr.abs _section_cstart, $3  }
0x38: {  	[dreg:$0x1] =	wrdreg $0xFFFFFFFF  }
0x39: {  	_ =	task.clear_ibuf [dreg:s7], $0x2FFFF;
	_ =	strace $0x9FFFFFFF  }
0x3a: {  	(tm) =	ssettm $0x7FFFFFFF  }
0x3b: {  	_ =	shalt  }
tec
execute0_lowered:
.L_overlay_start_1:
0x0: {  	(tag) =	ssettag $0x1  }
0x1: {  	s4 =	rddreg [dreg:$0x0]  }
0x2: {  	s0 =	srdreg.scid;
	s2 =	rddreg [dreg:$0x1]  }
0x3: {  	s1 =	stileid.u32;
	s5 =	simm.s32 $0x1;
	s0 =	sshll.u32 s0, $0x4  }
0x4: {  	s7 =	simm.s32 $0x2;
	s11 =	simm.s32 $0x0;
	s3 =	sand.u32 $0x10, s0  }
.Ltmp0:
0x5: {  	p0 =	por $0x0, $0x0;
	s3 =	sor.u32 s1, s3;
	(pc) =	sbr.rel .LBB1_1-.Ltmp0, $4  }
0x6: {  	s8 =	simm.s32 $0x186C00;
	s10 =	simm.s32 $0x0;
	s3 =	sshll.u32 s3, $0x7  }
0x7: {  	s0 =	rddreg [dreg:$0x2];
	_ =	strace $0x8000005F;
	s6 =	ssub.s32 $0x30D00, s3  }
0x8: {  	s4 =	sadd.s32 $0xC3A00, s4;
	[sflag:s5] =	ssyncpa.u1 $0x0;
	s6 =	sshrl.u32 s6, $0xC  }
0x9: {  	[sflag:s7] =	ssyncpa.u1 $0x0;
	s9 =	smov.u32 s3;
	s7 =	sadd.s32 $0x2, s6  }
.LBB1_5:
0xa: {  	s13 =	sadd.s32 $0x1000, s9  }
0xb: {  	p2 =	sgt.s32 s13, $0x30D3F  }
0xc: {  	s13 =	smov.u32 @p2 s3;
	p2 =	sne.s32 s10, s7  }
.Ltmp1:
0xd: {  	p1 =	slt.u32 s10, $0x2;
	(pc) =	sbr.rel @!p2 .LBB1_6-.Ltmp1, $4  }
0xe: {  	s12 =	simm.s32 @!p1 $0x2  }
0xf: {  	s14 =	sadd.s32 $0x1, s10;
	_ =	swait.ge @!p1 [sflag:s12], $0x2000  }
0x10: {  	s11 =	smov.u32 s9;
	p0 =	por !p0, !p0;
	[sflag:s12] =	ssyncset.done @!p1 $0x0  }
0x11: {  	s10 =	smov.u32 s14;
	s9 =	smov.u32 s13;
	[sflag:s12] =	ssyncadd.s32 @!p1 $0xFFFFE000  }
.LBB1_1:
0x12: {  	p1 =	sgt.u32 s10, s6  }
0x13: {  	s13 =	smov.u32 s9;
	p2 =	sgt.s32 @!p1 s9, $0x30CC0  }
0x14: {  	s12 =	sand.u32 @!p1 $0x1FFFFFF, s9;
	s14 =	sshra.s32 @!p1 s9, $0x1F;
	p2 =	por !p2, p1  }
0x15: {  	s15 =	smulhi.u32 @!p1 $0x14F8B59, s12;
	s14 =	sand.u32 @!p1 s14, s9;
	s13 =	simm.s32 @p2 $0x30CC0  }
0x16: {  	s13 =	ssub.s32 @!p1 s13, s14  }
0x17: {  	s14 =	sshrl.u32 @!p1 s15, $0xA;
	s13 =	sadd.s32 @!p1 $0xFFFCF340, s13  }
0x18: {  	s15 =	sxor.u32 @!p1 $0xFFFFFFFF, s10;
	s14 =	smul.u32 @!p1 $0x30D40, s14;
	s16 =	sshll.u32 @!p1 s13, $0x8  }
0x19: {  	s15 =	sshll.u32 @!p1 s15, $0xD;
	p2 =	sgt.s32 @!p1 s13, $0x7F;
	s13 =	ssub.s32 @!p1 $0x8000, s16  }
0x1a: {  	s12 =	ssub.s32 @!p1 s12, s14;
	p2 =	por !p2, p1;
	s14 =	sand.u32 @!p1 $0x2000, s15  }
0x1b: {  	s15 =	simm.s32 @!p1 $0x40;
	s13 =	sshrl.u32 @!p1 s13, $0x2;
	s12 =	sshll.u32 @!p1 s12, $0x4  }
0x1c: {  	s16 =	simm.s32 @!p1 $0x80;
	s13 =	simm.s32 @!p2 $0x0;
	s12 =	sadd.s32 @!p1 s4, s12  }
0x1d: {  	[tilespmem:s14], [sflag:$0x1] =	stream.strided.gather @!p1 [hbm4b:s12+s15], s13, s16, s15, $0x38;
	[tilespmem:$0x8080] =	vst v63  }
0x1e: {  	p1 =	seq.s32 s10, $0x0  }
0x1f: {  	p2 =	sge.u32 @!p1 s10, s7  }
0x20: {  	p1 =	por p1, p2  }
.Ltmp2:
0x21: {  	_ = 	snop;
	(pc) =	sbr.rel @p1 .LBB1_5-.Ltmp2, $1  }
0x22: {  	_ =	sdelay $0x3  }
0x23: {  	p1 =	sgt.s32 s11, $0x30CC0;
	s12 =	smov.u32 s11;
	s13 =	sshra.s32 s11, $0x1F  }
0x24: {  	s12 =	simm.s32 @!p1 $0x30CC0;
	s13 =	sand.u32 s13, s11  }
0x25: {  	s12 =	ssub.s32 s12, s13  }
0x26: {  	s12 =	sadd.s32 $0xFFFCF340, s12  }
0x27: {  	s28 =	sshll.u32 s12, $0x8  }
0x28: {  	s13 =	ssub.s32 $0x8000, s28  }
0x29: {  	p1 =	sgt.s32 s12, $0x7F;
	s12 =	sshrl.u32 s13, $0x2  }
0x2a: {  	s13 =	simm.s32 $0x1;
	s12 =	simm.s32 @p1 $0x0  }
0x2b: {  	s13 =	simm.s32 @!p0 $0x0;
	_ =	swait.ge [sflag:s5], s12  }
0x2c: {  	s14 =	sshll.u32 s13, $0xD;
	s12 =	ssub.s32 $0x0, s12;
	[sflag:s5] =	ssyncset.done $0x0  }
0x2d: {  	s16 =	sor.u32 $0x20, s14;
	[sflag:s5] =	ssyncadd.s32 s12  }
0x2e: {  	s29 =	smul.u32 $0x8100, s13;
	v3 =	vld [tilespmem:s16+$0x10]  }
0x2f: {  	s30 =	sand.u32 $0x1, s10;
	v2 =	vld [tilespmem:s16+$0xFFFFFFF0]  }
0x30: {  	s13 =	smul.u32 $0x8100, s30;
	s12 =	sshrl.u32 s29, $0x2;
	v0 =	vld [tilespmem:s16+$0x0]  }
0x31: {  	s14 =	sor.u32 $0x4000, s12;
	v1 =	vld [tilespmem:s16+$0xFFFFFFE0]  }
0x32: {  	s31 =	sshrl.u32 s13, $0x2;
	s13 =	sadd.s32 $0x0, s14  }
0x33: {  	s15 =	simm.s32 $0x4;
	s12 =	sor.u32 $0x4000, s31;
	s16 =	sadd.s32 $0x40, s16;
	[tilespmem:s13+$0x1830 ss:$0x81] =	vst.msk $0xffff, v3  }
.LBB1_3:
0x34: {  	v3 =	vld [tilespmem:s16+$0x10];
	p1 =	sne.s32 s15, $0x1FC;
	[tilespmem:s13+$0x810 ss:$0x81] =	vst.msk $0xffff, v2;
	s17 =	smov.u32 s15;
	s15 =	sadd.s32 $0x4, s15  }
.Ltmp3:
0x35: {  	v2 =	vld [tilespmem:s16+$0xFFFFFFF0];
	[tilespmem:s13+$0x1020 ss:$0x81] =	vst.msk $0xffff, v0;
	(pc) =	sbr.rel @p1 .LBB1_3-.Ltmp3, $4  }
0x36: {  	v0 =	vld [tilespmem:s16+$0x0];
	[tilespmem:s13+$0x0 ss:$0x81] =	vst.msk $0xffff, v1  }
0x37: {  	s13 =	sshra.s32 s17, $0x2;
	v1 =	vld [tilespmem:s16+$0xFFFFFFE0]  }
0x38: {  	s13 =	sadd.s32 s13, s14  }
0x39: {  	s16 =	sadd.s32 $0x40, s16;
	[tilespmem:s13+$0x1830 ss:$0x81] =	vst.msk $0xffff, v3  }
0x3a: {  	s14 =	sshll.u32 s11, $0x3  }
0x3b: {  	s14 =	sand.u32 $0xFFFFFC00, s14  }
0x3c: {  	s15 =	sshrl.u32 s14, $0x7  }
0x3d: {  	s15 =	smulhi.u32 $0xA7B7EF, s15;
	_ =	sdelay $0x1  }
0x3e: {  	s15 =	sshrl.u32 s15, $0x2  }
0x3f: {  	s28 =	sand.u32 $0x7F, s11;
	s16 =	smul.u32 $0x30D80, s15  }
0x40: {  	s11 =	sor.u32 s28, s14  }
.Ltmp4:
0x41: {  	s29 =	sand.u32 $0x3F, s15;
	s11 =	ssub.s32 s11, s16;
	(pc) =	sbr.rel .LBB1_5-.Ltmp4, $4  }
0x42: {  	[tilespmem:s13+$0x810 ss:$0x81] =	vst.msk $0xffff, v2;
	s14 =	smul.u32 $0x61B0, s29;
	s30 =	sshrl.u32 s11, $0x3;
	s11 =	sand.u32 $0x7, s11  }
0x43: {  	[tilespmem:s13+$0x1020 ss:$0x81] =	vst.msk $0xffff, v0;
	s15 =	sadd.s32 s2, s30;
	s11 =	sshll.u32 s11, $0x12  }
0x44: {  	[tilespmem:s13+$0x0 ss:$0x81] =	vst.msk $0xffff, v1;
	s31 =	sadd.s32 s14, s15;
	s11 =	sor.u32 $0x400, s11  }
0x45: {  	[hbm4b:s31+s11] =	stream.strided.scatter [tilespmem:s12], [sflag:$0x2], $0x2000, s8, s11, $0x20;
	[tilespmem:$0x8080] =	vst v63  }
.LBB1_6:
0x46: {  	_ =	sfence.sel $0x180000  }
0x47: {  	s2 =	simm.s32 $0x1;
	[bflag:$0x0] =	sbarrier.arrive $0xFFFF  }
0x48: {  	s31 =	simm.s32 $0x2;
	[sflag:s2] =	ssyncpa.u1 $0x1  }
0x49: {  	[sflag:s31] =	ssyncpa.u1 $0x1  }
0x4a: {  	p0 =	sne.s32 s1, $0x0;
	_ =	strace $0x9000005F  }
0x4b: {  	s0 =	sadd.s32 @!p0 $0x100000, s0;
	[bflag:$0x2] =	sbarrier.arrive $0xFFFF  }
0x4c: {  	[sflag:s0] =	ssyncadd.tile.s32 @!p0 $0x1;
	_ =	shalt  }
.Lfunc_end1:
_tile_overlayer_lowered:
.L_overlay_start_2:
0x4d: {  	(tag) =	ssettag $0x2  }
0x4e: {  	s0 =	rddreg [dreg:$0x0];
	s2 =	stileid.u32  }
0x4f: {  	s1 =	rddreg [dreg:$0x1];
	p0 =	sne.s32 s2, $0x0  }
0x50: {  	s3 =	rddreg [dreg:$0x2];
	[bflag:$0x3] =	sbarrier.arrive $0xFFFF;
	s2 =	simm.s32 @!p0 $0x1C01  }
0x51: {  	[timem:s3], [sflag:s2] =	dma.local @!p0 [hbm:s0], s1  }
0x52: {  	s0 =	simm.s32 @!p0 $0x1  }
0x53: {  	_ =	swait.ge @!p0 [sflag:s0], s1  }
0x54: {  	s1 =	ssub.s32 @!p0 $0x0, s1;
	[sflag:s0] =	ssyncset.done @!p0 $0x0  }
0x55: {  	[sflag:s0] =	ssyncadd.s32 @!p0 s1  }
0x56: {  	[bflag:$0x3] =	sbarrier.arrive $0xFFFF  }
0x57: {  	_ =	shalt  }

</sc_bundles>
